<compile_context>
chip_gen: v7x
topology: tpu7x:2x2x1
jax: 0.10.2.dev20260603
libtpu: 0.0.44.dev20260713+nightly
codegen_flags: <defaults>
</compile_context>

<pallas_src>
import functools

import jax
import jax.numpy as jnp
from jax import lax
from jax.experimental import pallas as pl
from jax.experimental.pallas import tpu as pltpu
from jax.experimental.pallas import tpu_sc as plsc

_K = 64
_R = 64
_C = 8192
_NVEC = _C // 16


def _stage_a_body(s_ref, u_ref, sn_ref, key_ref):
    S = s_ref[...]
    u = u_ref[...]
    m = jnp.max(S, axis=1, keepdims=True)
    e = jnp.exp(S - m)
    denom = jnp.sum(e, axis=1, keepdims=True)
    Sn = e / denom
    g = -jnp.log(-jnp.log(u + 1e-10) + 1e-10)
    P = Sn + g
    P = jnp.where(P == 0.0, 0.0, P)
    b = lax.bitcast_convert_type(P, jnp.uint32)
    neg = b >= jnp.uint32(0x80000000)
    key = jnp.where(neg, ~b, b | jnp.uint32(0x80000000))
    sn_ref[...] = Sn
    key_ref[...] = key


def _stage_a(S, u):
    return pl.pallas_call(
        _stage_a_body,
        out_shape=(
            jax.ShapeDtypeStruct((_R, _C), jnp.float32),
            jax.ShapeDtypeStruct((_R, _C), jnp.uint32),
        ),
    )(S, u)


def _digit_cut(totals_ref, kk):
    def gloop(g2, carry):
        cnt_cond, carry_after = carry
        g = 15 - g2
        t = totals_ref[pl.ds(g * 16, 16)]
        ssum = lax.rev(plsc.cumsum(lax.rev(t, (0,))), (0,)) + carry_after
        cnt_cond = cnt_cond + jnp.sum((ssum >= kk).astype(jnp.int32))
        carry_after = carry_after + jnp.sum(t)
        return cnt_cond, carry_after

    cnt_cond, _ = lax.fori_loop(0, 16, gloop, (jnp.int32(0), jnp.int32(0)))
    D = cnt_cond - 1

    def cloop(g, acc):
        t = totals_ref[pl.ds(g * 16, 16)]
        dig = lax.iota(jnp.int32, 16) + g * 16
        return acc + jnp.sum(jnp.where(dig > D, t, 0))

    c_gt = lax.fori_loop(0, 16, cloop, jnp.int32(0))
    return D, c_gt


def _reduce_hist(hist_ref, totals_ref):
    zero16 = jnp.zeros((16,), jnp.int32)

    @plsc.parallel_loop(0, 16)
    def gloop(g):
        acc = zero16
        for l in range(16):
            acc = acc + hist_ref[pl.ds(l * 256 + g * 16, 16)]
            hist_ref[pl.ds(l * 256 + g * 16, 16)] = zero16
        totals_ref[pl.ds(g * 16, 16)] = acc


def _sc_select_body(key_hbm, sn_hbm, out_hbm, key_v, sn_v, cand_k, cand_i,
                    hist, totals, sn_sem, out_sem):
    nc = 2
    wid = lax.axis_index("s") * nc + lax.axis_index("c")
    lane = lax.iota(jnp.int32, 16)
    lane_base = lane * 256
    ones = jnp.ones((16,), jnp.int32)

    @plsc.parallel_loop(0, 256, unroll=8)
    def zloop(i):
        hist[pl.ds(i * 16, 16)] = jnp.zeros((16,), jnp.int32)

    out_cp = None
    for r in range(2):
        row = wid * 2 + r
        pltpu.sync_copy(key_hbm.at[row], key_v)
        if out_cp is not None:
            out_cp.wait()
        sn_cp = pltpu.async_copy(sn_hbm.at[row], sn_v, sn_sem)

        @plsc.parallel_loop(0, _NVEC, unroll=16)
        def h1(i):
            k = key_v[pl.ds(i * 16, 16)]
            d = lax.shift_right_logical(k, jnp.uint32(24)).astype(jnp.int32)
            plsc.addupdate_scatter(hist, [lane_base + d], ones)
        _reduce_hist(hist, totals)
        D1, c_gt1 = _digit_cut(totals, jnp.int32(_K))

        @plsc.parallel_loop(0, _NVEC, unroll=16)
        def h2(i):
            k = key_v[pl.ds(i * 16, 16)]
            d1 = lax.shift_right_logical(k, jnp.uint32(24)).astype(jnp.int32)
            m = d1 == D1
            d2 = (lax.shift_right_logical(k, jnp.uint32(16)).astype(jnp.int32)
                  & 255)
            plsc.addupdate_scatter(hist, [lane_base + d2], ones, mask=m)
        _reduce_hist(hist, totals)
        D2, dgt2 = _digit_cut(totals, _K - c_gt1)
        c_gt2 = c_gt1 + dgt2
        P2 = D1 * 256 + D2

        @plsc.parallel_loop(0, _NVEC, unroll=8, carry=jnp.int32(0))
        def comp(i, off):
            k = key_v[pl.ds(i * 16, 16)]
            top16 = lax.shift_right_logical(k, jnp.uint32(16)).astype(jnp.int32)
            m = top16 == P2
            mi = m.astype(jnp.int32)
            rank = plsc.cumsum(mi)
            pos = off + rank - 1
            plsc.store_scatter(cand_k, [pos], plsc.bitcast(k, jnp.int32),
                               mask=m)
            plsc.store_scatter(cand_i, [pos], lane + i * 16, mask=m)
            return off + jnp.sum(mi)

        ncand = comp
        trip = (ncand + 15) // 16
        kk3 = _K - c_gt2

        def bitstep(b, t16):
            cand = t16 | (jnp.int32(1) << (jnp.int32(15) - b))

            def cnt_loop(j, c):
                ck = cand_k[pl.ds(j * 16, 16)]
                low = ck & jnp.int32(0xFFFF)
                valid = (lane + j * 16) < ncand
                return c + jnp.sum((valid & (low >= cand)).astype(jnp.int32))

            c = lax.fori_loop(0, trip, cnt_loop, jnp.int32(0))
            return jnp.where(c >= kk3, cand, t16)

        T16 = lax.fori_loop(0, 16, bitstep, jnp.int32(0))

        def gtloop(j, c):
            ck = cand_k[pl.ds(j * 16, 16)]
            low = ck & jnp.int32(0xFFFF)
            valid = (lane + j * 16) < ncand
            return c + jnp.sum((valid & (low > T16)).astype(jnp.int32))

        c_gt = c_gt2 + lax.fori_loop(0, trip, gtloop, jnp.int32(0))
        need = _K - c_gt

        def tie(j, carry):
            cnt_eq, jacc = carry
            ck = cand_k[pl.ds(j * 16, 16)]
            low = ck & jnp.int32(0xFFFF)
            valid = (lane + j * 16) < ncand
            m = valid & (low == T16)
            mi = m.astype(jnp.int32)
            grank = cnt_eq + plsc.cumsum(mi)
            hit = m & (grank == need)
            ci = cand_i[pl.ds(j * 16, 16)]
            jacc = jacc + jnp.sum(jnp.where(hit, ci, 0))
            return cnt_eq + jnp.sum(mi), jacc

        _, J = lax.fori_loop(0, trip, tie, (jnp.int32(0), jnp.int32(0)))

        T = (lax.shift_left(P2.astype(jnp.uint32), jnp.uint32(16))
             | T16.astype(jnp.uint32))
        sn_cp.wait()

        @plsc.parallel_loop(0, _NVEC, unroll=8)
        def apply(i):
            k = key_v[pl.ds(i * 16, 16)]
            sv = sn_v[pl.ds(i * 16, 16)]
            idx = lane + i * 16
            m = (k > T) | ((k == T) & (idx <= J))
            sn_v[pl.ds(i * 16, 16)] = jnp.where(m, sv, 0.0)

        out_cp = pltpu.async_copy(sn_v, out_hbm.at[row], out_sem)

    out_cp.wait()


def _sc_select(key, Sn):
    mesh = plsc.VectorSubcoreMesh(core_axis_name="c", subcore_axis_name="s")
    f = functools.partial(
        pl.kernel,
        out_type=jax.ShapeDtypeStruct((_R, _C), jnp.float32),
        mesh=mesh,
        compiler_params=pltpu.CompilerParams(needs_layout_passes=False),
        scratch_types=[
            pltpu.VMEM((_C,), jnp.uint32),
            pltpu.VMEM((_C,), jnp.float32),
            pltpu.VMEM((_C,), jnp.int32),
            pltpu.VMEM((_C,), jnp.int32),
            pltpu.VMEM((4096,), jnp.int32),
            pltpu.VMEM((256,), jnp.int32),
            pltpu.SemaphoreType.DMA,
            pltpu.SemaphoreType.DMA,
        ],
    )(_sc_select_body)
    return f(key, Sn)


def kernel(S, u):
    Sn, key = _stage_a(S, u)
    return _sc_select(key, Sn)

# --- scband reference (transcript-rebuilt; emitter-appended) ---
"""Pipeline reference for scband-soft-top-kretain-33681133535587 (READ-ONLY COPY).

The authoritative reference and input builder live on the scoring server;
editing this copy changes nothing except your own understanding.
"""

import jax, jax.numpy as jnp
import numpy as np

K = 64
TEMPERATURE = 0.1


def setup_inputs(seed: int = 0) -> dict:
    key = jax.random.key(seed)
    k1, k2 = jax.random.split(key)
    S = jax.random.normal(k1, (64, 8192), dtype=jnp.float32)
    # uniform noise standing in for torch.rand_like (Gumbel perturbation source)
    u = jax.random.uniform(k2, (64, 8192), dtype=jnp.float32)
    return {"S": S, "u": u}


def reference(S, u):
    S_normalized = jax.nn.softmax(S, axis=-1)
    gumbel_noise = -jnp.log(-jnp.log(u + 1e-10) + 1e-10)
    S_perturbed = S_normalized + gumbel_noise
    topk_values, topk_indices = jax.lax.top_k(S_perturbed, K)
    rows = jnp.arange(S.shape[0])[:, None]
    mask = jnp.zeros_like(S_normalized).at[rows, topk_indices].set(1.0)
    softmax_weights = jax.nn.softmax(topk_values / TEMPERATURE, axis=-1)
    expanded_weights = jnp.zeros_like(S_normalized).at[rows, topk_indices].set(softmax_weights)
    S_hard = S_normalized * mask
    S_soft = S_normalized * expanded_weights
    S_topk = S_soft + jax.lax.stop_gradient(S_hard - S_soft)
    return S_topk

if __name__ == "__main__":
    import jax
    _d = setup_inputs()
    print(jax.jit(kernel)(*tuple(_d.values())))

</pallas_src>

<mosaic_0001>
#map = affine_map<(d0, d1) -> (0, 0)>
module attributes {stable_mosaic.version = 14 : i64} {
  func.func @_sc_select_body(%arg0: i32, %arg1: i32, %arg2: memref<64x8192xi32, #tpu.memory_space<hbm>>, %arg3: memref<64x8192xf32, #tpu.memory_space<hbm>>, %arg4: memref<64x8192xf32, #tpu.memory_space<hbm>>, %arg5: memref<8192xi32, #tpu.memory_space<vmem>>, %arg6: memref<8192xf32, #tpu.memory_space<vmem>>, %arg7: memref<8192xi32, #tpu.memory_space<vmem>>, %arg8: memref<8192xi32, #tpu.memory_space<vmem>>, %arg9: memref<4096xi32, #tpu.memory_space<vmem>>, %arg10: memref<256xi32, #tpu.memory_space<vmem>>, %arg11: memref<!tpu.dma_semaphore, #tpu.memory_space<semaphore_mem>>, %arg12: memref<!tpu.dma_semaphore, #tpu.memory_space<semaphore_mem>>) attributes {dimension_semantics = [#tpu.dimension_semantics<core_parallel>, #tpu.dimension_semantics<subcore_parallel>], iteration_bounds = array<i64: 2, 16>, scalar_prefetch = 0 : i64, scratch_operands = 8 : i64, tpu.core_type = #tpu.core_type<sc_vector_subcore>, window_params = [{transform_indices = #map}, {transform_indices = #map}, {transform_indices = #map}]} {
    %mul3A = arith.constant 2 : i32
    %mul3A_0 = arith.muli %arg1, %mul3A : i32
    %add3A = arith.addi %mul3A_0, %arg0 : i32
    %iota3A = tpu.iota {dimensions = array<i32: 0>} : vector<16xi32>
    %mul3A_1 = arith.constant 256 : i32
    %mul3A_2 = vector.broadcast %mul3A_1 : i32 to vector<16xi32>
    %mul3A_3 = arith.muli %iota3A, %mul3A_2 : vector<16xi32>
    %broadcast_in_dim3A = arith.constant 1 : i32
    %broadcast_in_dim3A_4 = vector.broadcast %broadcast_in_dim3A : i32 to vector<16xi32>
    %parallel_loop3A = arith.constant 0 : i32
    %parallel_loop3A_5 = arith.constant 256 : i32
    %parallel_loop3A_6 = arith.constant 1 : i32
    scf.for %parallel_loop3A_311 = %parallel_loop3A to %parallel_loop3A_5 step %parallel_loop3A_6  : i32 {
      %parallel_loop3A_312 = arith.constant 0 : i32
      %parallel_loop3A_313 = vector.broadcast %parallel_loop3A_312 : i32 to vector<16xi32>
      %parallel_loop3A_314 = arith.constant 16 : i32
      %parallel_loop3A_315 = arith.muli %parallel_loop3A_311, %parallel_loop3A_314 : i32
      %parallel_loop3A_316 = arith.index_cast %parallel_loop3A_315 : i32 to index
      %parallel_loop3A_317 = tpu.vector_load %arg9[%parallel_loop3A_316] {strides = array<i32>} : memref<4096xi32, #tpu.memory_space<vmem>>, vector<16xi32>,
      tpu.vector_store %arg9[%parallel_loop3A_316], %parallel_loop3A_313 {strides = array<i32>} : memref<4096xi32, #tpu.memory_space<vmem>>, vector<16xi32>,
    } {sc.loop_unroll_factor = 8 : i64, sc.parallel_access}
    %mul3A_7 = arith.constant 2 : i32
    %mul3A_8 = arith.muli %add3A, %mul3A_7 : i32
    %add3A_9 = arith.constant 0 : i32
    %add3A_10 = arith.addi %mul3A_8, %add3A_9 : i32
    "tpu.region"() ({
      %run_scoped3A = tpu.sem_alloc : memref<!tpu.dma_semaphore, #tpu.memory_space<semaphore_mem>>
      %dma_start3A_311 = arith.constant 0 : i32
      %dma_start3A_312 = tpu.memref_slice %arg2[%add3A_10, %dma_start3A_311] : memref<64x8192xi32, #tpu.memory_space<hbm>> -> memref<1x8192xi32, #tpu.memory_space<hbm>>
      %dma_start3A_313 = tpu.memref_squeeze %dma_start3A_312 : memref<1x8192xi32, #tpu.memory_space<hbm>> -> memref<8192xi32, #tpu.memory_space<hbm>>
      %dma_start3A_314 = arith.constant 0 : i32
      %dma_start3A_315 = tpu.memref_slice %arg2[%add3A_10, %dma_start3A_314] : memref<64x8192xi32, #tpu.memory_space<hbm>> -> memref<1x8192xi32, #tpu.memory_space<hbm>>
      %dma_start3A_316 = tpu.memref_squeeze %dma_start3A_315 : memref<1x8192xi32, #tpu.memory_space<hbm>> -> memref<8192xi32, #tpu.memory_space<hbm>>
      tpu.enqueue_dma source(%dma_start3A_316 : memref<8192xi32, #tpu.memory_space<hbm>>) target(%arg5 : memref<8192xi32, #tpu.memory_space<vmem>>) target_semaphore(%run_scoped3A : memref<!tpu.dma_semaphore, #tpu.memory_space<semaphore_mem>>)
      %dma_wait3A_317 = arith.constant 0 : i32
      %dma_wait3A_318 = tpu.memref_slice %arg2[%add3A_10, %dma_wait3A_317] : memref<64x8192xi32, #tpu.memory_space<hbm>> -> memref<1x8192xi32, #tpu.memory_space<hbm>>
      %dma_wait3A_319 = tpu.memref_squeeze %dma_wait3A_318 : memref<1x8192xi32, #tpu.memory_space<hbm>> -> memref<8192xi32, #tpu.memory_space<hbm>>
      %dma_wait3A_320 = arith.constant 0 : i32
      %dma_wait3A_321 = tpu.memref_slice %arg2[%add3A_10, %dma_wait3A_320] : memref<64x8192xi32, #tpu.memory_space<hbm>> -> memref<1x8192xi32, #tpu.memory_space<hbm>>
      %dma_wait3A_322 = tpu.memref_squeeze %dma_wait3A_321 : memref<1x8192xi32, #tpu.memory_space<hbm>> -> memref<8192xi32, #tpu.memory_space<hbm>>
      tpu.wait_dma2 semaphore(%run_scoped3A : memref<!tpu.dma_semaphore, #tpu.memory_space<semaphore_mem>>) src(%dma_wait3A_322 : memref<8192xi32, #tpu.memory_space<hbm>>) dst(%arg5 : memref<8192xi32, #tpu.memory_space<vmem>>)
      tpu.yield
    }) : () -> ()
    %dma_start3A = arith.constant 0 : i32
    %dma_start3A_11 = tpu.memref_slice %arg3[%add3A_10, %dma_start3A] : memref<64x8192xf32, #tpu.memory_space<hbm>> -> memref<1x8192xf32, #tpu.memory_space<hbm>>
    %dma_start3A_12 = tpu.memref_squeeze %dma_start3A_11 : memref<1x8192xf32, #tpu.memory_space<hbm>> -> memref<8192xf32, #tpu.memory_space<hbm>>
    %dma_start3A_13 = arith.constant 0 : i32
    %dma_start3A_14 = tpu.memref_slice %arg3[%add3A_10, %dma_start3A_13] : memref<64x8192xf32, #tpu.memory_space<hbm>> -> memref<1x8192xf32, #tpu.memory_space<hbm>>
    %dma_start3A_15 = tpu.memref_squeeze %dma_start3A_14 : memref<1x8192xf32, #tpu.memory_space<hbm>> -> memref<8192xf32, #tpu.memory_space<hbm>>
    tpu.enqueue_dma source(%dma_start3A_15 : memref<8192xf32, #tpu.memory_space<hbm>>) target(%arg6 : memref<8192xf32, #tpu.memory_space<vmem>>) target_semaphore(%arg11 : memref<!tpu.dma_semaphore, #tpu.memory_space<semaphore_mem>>)
    %parallel_loop3A_16 = arith.constant 0 : i32
    %parallel_loop3A_17 = arith.constant 512 : i32
    %parallel_loop3A_18 = arith.constant 1 : i32
    scf.for %parallel_loop3A_311 = %parallel_loop3A_16 to %parallel_loop3A_17 step %parallel_loop3A_18  : i32 {
      %parallel_loop3A_312 = arith.constant 16 : i32
      %parallel_loop3A_313 = arith.muli %parallel_loop3A_311, %parallel_loop3A_312 : i32
      %parallel_loop3A_314 = arith.index_cast %parallel_loop3A_313 : i32 to index
      %parallel_loop3A_315 = tpu.vector_load %arg5[%parallel_loop3A_314] {strides = array<i32>} : memref<8192xi32, #tpu.memory_space<vmem>>, vector<16xi32>,
      %parallel_loop3A_316 = arith.constant 24 : i32
      %parallel_loop3A_317 = vector.broadcast %parallel_loop3A_316 : i32 to vector<16xi32>
      %parallel_loop3A_318 = arith.shrui %parallel_loop3A_315, %parallel_loop3A_317 : vector<16xi32>
      %parallel_loop3A_319 = arith.addi %mul3A_3, %parallel_loop3A_318 : vector<16xi32>
      tpu.vector_store_idx %arg9[%parallel_loop3A_319], %broadcast_in_dim3A_4 {add = true} : memref<4096xi32, #tpu.memory_space<vmem>>[vector<16xi32>], vector<16xi32>,
    } {sc.loop_unroll_factor = 16 : i64, sc.parallel_access}
    %broadcast_in_dim3A_19 = arith.constant 0 : i32
    %broadcast_in_dim3A_20 = vector.broadcast %broadcast_in_dim3A_19 : i32 to vector<16xi32>
    %parallel_loop3A_21 = arith.constant 0 : i32
    %parallel_loop3A_22 = arith.constant 16 : i32
    %parallel_loop3A_23 = arith.constant 1 : i32
    scf.for %parallel_loop3A_311 = %parallel_loop3A_21 to %parallel_loop3A_22 step %parallel_loop3A_23  : i32 {
      %parallel_loop3A_312 = arith.constant 16 : i32
      %parallel_loop3A_313 = arith.muli %parallel_loop3A_311, %parallel_loop3A_312 : i32
      %parallel_loop3A_314 = arith.constant 0 : i32
      %parallel_loop3A_315 = arith.addi %parallel_loop3A_314, %parallel_loop3A_313 : i32
      %parallel_loop3A_316 = arith.index_cast %parallel_loop3A_315 : i32 to index
      %parallel_loop3A_317 = tpu.vector_load %arg9[%parallel_loop3A_316] {strides = array<i32>} : memref<4096xi32, #tpu.memory_space<vmem>>, vector<16xi32>,
      %parallel_loop3A_318 = arith.addi %broadcast_in_dim3A_20, %parallel_loop3A_317 : vector<16xi32>
      %parallel_loop3A_319 = arith.constant 16 : i32
      %parallel_loop3A_320 = arith.muli %parallel_loop3A_311, %parallel_loop3A_319 : i32
      %parallel_loop3A_321 = arith.constant 0 : i32
      %parallel_loop3A_322 = arith.addi %parallel_loop3A_321, %parallel_loop3A_320 : i32
      %parallel_loop3A_323 = arith.index_cast %parallel_loop3A_322 : i32 to index
      %parallel_loop3A_324 = tpu.vector_load %arg9[%parallel_loop3A_323] {strides = array<i32>} : memref<4096xi32, #tpu.memory_space<vmem>>, vector<16xi32>,
      tpu.vector_store %arg9[%parallel_loop3A_323], %broadcast_in_dim3A_20 {strides = array<i32>} : memref<4096xi32, #tpu.memory_space<vmem>>, vector<16xi32>,
      %parallel_loop3A_325 = arith.constant 16 : i32
      %parallel_loop3A_326 = arith.muli %parallel_loop3A_311, %parallel_loop3A_325 : i32
      %parallel_loop3A_327 = arith.constant 256 : i32
      %parallel_loop3A_328 = arith.addi %parallel_loop3A_327, %parallel_loop3A_326 : i32
      %parallel_loop3A_329 = arith.index_cast %parallel_loop3A_328 : i32 to index
      %parallel_loop3A_330 = tpu.vector_load %arg9[%parallel_loop3A_329] {strides = array<i32>} : memref<4096xi32, #tpu.memory_space<vmem>>, vector<16xi32>,
      %parallel_loop3A_331 = arith.addi %parallel_loop3A_318, %parallel_loop3A_330 : vector<16xi32>
      %parallel_loop3A_332 = arith.constant 16 : i32
      %parallel_loop3A_333 = arith.muli %parallel_loop3A_311, %parallel_loop3A_332 : i32
      %parallel_loop3A_334 = arith.constant 256 : i32
      %parallel_loop3A_335 = arith.addi %parallel_loop3A_334, %parallel_loop3A_333 : i32
      %parallel_loop3A_336 = arith.index_cast %parallel_loop3A_335 : i32 to index
      %parallel_loop3A_337 = tpu.vector_load %arg9[%parallel_loop3A_336] {strides = array<i32>} : memref<4096xi32, #tpu.memory_space<vmem>>, vector<16xi32>,
      tpu.vector_store %arg9[%parallel_loop3A_336], %broadcast_in_dim3A_20 {strides = array<i32>} : memref<4096xi32, #tpu.memory_space<vmem>>, vector<16xi32>,
      %parallel_loop3A_338 = arith.constant 16 : i32
      %parallel_loop3A_339 = arith.muli %parallel_loop3A_311, %parallel_loop3A_338 : i32
      %parallel_loop3A_340 = arith.constant 512 : i32
      %parallel_loop3A_341 = arith.addi %parallel_loop3A_340, %parallel_loop3A_339 : i32
      %parallel_loop3A_342 = arith.index_cast %parallel_loop3A_341 : i32 to index
      %parallel_loop3A_343 = tpu.vector_load %arg9[%parallel_loop3A_342] {strides = array<i32>} : memref<4096xi32, #tpu.memory_space<vmem>>, vector<16xi32>,
      %parallel_loop3A_344 = arith.addi %parallel_loop3A_331, %parallel_loop3A_343 : vector<16xi32>
      %parallel_loop3A_345 = arith.constant 16 : i32
      %parallel_loop3A_346 = arith.muli %parallel_loop3A_311, %parallel_loop3A_345 : i32
      %parallel_loop3A_347 = arith.constant 512 : i32
      %parallel_loop3A_348 = arith.addi %parallel_loop3A_347, %parallel_loop3A_346 : i32
      %parallel_loop3A_349 = arith.index_cast %parallel_loop3A_348 : i32 to index
      %parallel_loop3A_350 = tpu.vector_load %arg9[%parallel_loop3A_349] {strides = array<i32>} : memref<4096xi32, #tpu.memory_space<vmem>>, vector<16xi32>,
      tpu.vector_store %arg9[%parallel_loop3A_349], %broadcast_in_dim3A_20 {strides = array<i32>} : memref<4096xi32, #tpu.memory_space<vmem>>, vector<16xi32>,
      %parallel_loop3A_351 = arith.constant 16 : i32
      %parallel_loop3A_352 = arith.muli %parallel_loop3A_311, %parallel_loop3A_351 : i32
      %parallel_loop3A_353 = arith.constant 768 : i32
      %parallel_loop3A_354 = arith.addi %parallel_loop3A_353, %parallel_loop3A_352 : i32
      %parallel_loop3A_355 = arith.index_cast %parallel_loop3A_354 : i32 to index
      %parallel_loop3A_356 = tpu.vector_load %arg9[%parallel_loop3A_355] {strides = array<i32>} : memref<4096xi32, #tpu.memory_space<vmem>>, vector<16xi32>,
      %parallel_loop3A_357 = arith.addi %parallel_loop3A_344, %parallel_loop3A_356 : vector<16xi32>
      %parallel_loop3A_358 = arith.constant 16 : i32
      %parallel_loop3A_359 = arith.muli %parallel_loop3A_311, %parallel_loop3A_358 : i32
      %parallel_loop3A_360 = arith.constant 768 : i32
      %parallel_loop3A_361 = arith.addi %parallel_loop3A_360, %parallel_loop3A_359 : i32
      %parallel_loop3A_362 = arith.index_cast %parallel_loop3A_361 : i32 to index
      %parallel_loop3A_363 = tpu.vector_load %arg9[%parallel_loop3A_362] {strides = array<i32>} : memref<4096xi32, #tpu.memory_space<vmem>>, vector<16xi32>,
      tpu.vector_store %arg9[%parallel_loop3A_362], %broadcast_in_dim3A_20 {strides = array<i32>} : memref<4096xi32, #tpu.memory_space<vmem>>, vector<16xi32>,
      %parallel_loop3A_364 = arith.constant 16 : i32
      %parallel_loop3A_365 = arith.muli %parallel_loop3A_311, %parallel_loop3A_364 : i32
      %parallel_loop3A_366 = arith.constant 1024 : i32
      %parallel_loop3A_367 = arith.addi %parallel_loop3A_366, %parallel_loop3A_365 : i32
      %parallel_loop3A_368 = arith.index_cast %parallel_loop3A_367 : i32 to index
      %parallel_loop3A_369 = tpu.vector_load %arg9[%parallel_loop3A_368] {strides = array<i32>} : memref<4096xi32, #tpu.memory_space<vmem>>, vector<16xi32>,
      %parallel_loop3A_370 = arith.addi %parallel_loop3A_357, %parallel_loop3A_369 : vector<16xi32>
      %parallel_loop3A_371 = arith.constant 16 : i32
      %parallel_loop3A_372 = arith.muli %parallel_loop3A_311, %parallel_loop3A_371 : i32
      %parallel_loop3A_373 = arith.constant 1024 : i32
      %parallel_loop3A_374 = arith.addi %parallel_loop3A_373, %parallel_loop3A_372 : i32
      %parallel_loop3A_375 = arith.index_cast %parallel_loop3A_374 : i32 to index
      %parallel_loop3A_376 = tpu.vector_load %arg9[%parallel_loop3A_375] {strides = array<i32>} : memref<4096xi32, #tpu.memory_space<vmem>>, vector<16xi32>,
      tpu.vector_store %arg9[%parallel_loop3A_375], %broadcast_in_dim3A_20 {strides = array<i32>} : memref<4096xi32, #tpu.memory_space<vmem>>, vector<16xi32>,
      %parallel_loop3A_377 = arith.constant 16 : i32
      %parallel_loop3A_378 = arith.muli %parallel_loop3A_311, %parallel_loop3A_377 : i32
      %parallel_loop3A_379 = arith.constant 1280 : i32
      %parallel_loop3A_380 = arith.addi %parallel_loop3A_379, %parallel_loop3A_378 : i32
      %parallel_loop3A_381 = arith.index_cast %parallel_loop3A_380 : i32 to index
      %parallel_loop3A_382 = tpu.vector_load %arg9[%parallel_loop3A_381] {strides = array<i32>} : memref<4096xi32, #tpu.memory_space<vmem>>, vector<16xi32>,
      %parallel_loop3A_383 = arith.addi %parallel_loop3A_370, %parallel_loop3A_382 : vector<16xi32>
      %parallel_loop3A_384 = arith.constant 16 : i32
      %parallel_loop3A_385 = arith.muli %parallel_loop3A_311, %parallel_loop3A_384 : i32
      %parallel_loop3A_386 = arith.constant 1280 : i32
      %parallel_loop3A_387 = arith.addi %parallel_loop3A_386, %parallel_loop3A_385 : i32
      %parallel_loop3A_388 = arith.index_cast %parallel_loop3A_387 : i32 to index
      %parallel_loop3A_389 = tpu.vector_load %arg9[%parallel_loop3A_388] {strides = array<i32>} : memref<4096xi32, #tpu.memory_space<vmem>>, vector<16xi32>,
      tpu.vector_store %arg9[%parallel_loop3A_388], %broadcast_in_dim3A_20 {strides = array<i32>} : memref<4096xi32, #tpu.memory_space<vmem>>, vector<16xi32>,
      %parallel_loop3A_390 = arith.constant 16 : i32
      %parallel_loop3A_391 = arith.muli %parallel_loop3A_311, %parallel_loop3A_390 : i32
      %parallel_loop3A_392 = arith.constant 1536 : i32
      %parallel_loop3A_393 = arith.addi %parallel_loop3A_392, %parallel_loop3A_391 : i32
      %parallel_loop3A_394 = arith.index_cast %parallel_loop3A_393 : i32 to index
      %parallel_loop3A_395 = tpu.vector_load %arg9[%parallel_loop3A_394] {strides = array<i32>} : memref<4096xi32, #tpu.memory_space<vmem>>, vector<16xi32>,
      %parallel_loop3A_396 = arith.addi %parallel_loop3A_383, %parallel_loop3A_395 : vector<16xi32>
      %parallel_loop3A_397 = arith.constant 16 : i32
      %parallel_loop3A_398 = arith.muli %parallel_loop3A_311, %parallel_loop3A_397 : i32
      %parallel_loop3A_399 = arith.constant 1536 : i32
      %parallel_loop3A_400 = arith.addi %parallel_loop3A_399, %parallel_loop3A_398 : i32
      %parallel_loop3A_401 = arith.index_cast %parallel_loop3A_400 : i32 to index
      %parallel_loop3A_402 = tpu.vector_load %arg9[%parallel_loop3A_401] {strides = array<i32>} : memref<4096xi32, #tpu.memory_space<vmem>>, vector<16xi32>,
      tpu.vector_store %arg9[%parallel_loop3A_401], %broadcast_in_dim3A_20 {strides = array<i32>} : memref<4096xi32, #tpu.memory_space<vmem>>, vector<16xi32>,
      %parallel_loop3A_403 = arith.constant 16 : i32
      %parallel_loop3A_404 = arith.muli %parallel_loop3A_311, %parallel_loop3A_403 : i32
      %parallel_loop3A_405 = arith.constant 1792 : i32
      %parallel_loop3A_406 = arith.addi %parallel_loop3A_405, %parallel_loop3A_404 : i32
      %parallel_loop3A_407 = arith.index_cast %parallel_loop3A_406 : i32 to index
      %parallel_loop3A_408 = tpu.vector_load %arg9[%parallel_loop3A_407] {strides = array<i32>} : memref<4096xi32, #tpu.memory_space<vmem>>, vector<16xi32>,
      %parallel_loop3A_409 = arith.addi %parallel_loop3A_396, %parallel_loop3A_408 : vector<16xi32>
      %parallel_loop3A_410 = arith.constant 16 : i32
      %parallel_loop3A_411 = arith.muli %parallel_loop3A_311, %parallel_loop3A_410 : i32
      %parallel_loop3A_412 = arith.constant 1792 : i32
      %parallel_loop3A_413 = arith.addi %parallel_loop3A_412, %parallel_loop3A_411 : i32
      %parallel_loop3A_414 = arith.index_cast %parallel_loop3A_413 : i32 to index
      %parallel_loop3A_415 = tpu.vector_load %arg9[%parallel_loop3A_414] {strides = array<i32>} : memref<4096xi32, #tpu.memory_space<vmem>>, vector<16xi32>,
      tpu.vector_store %arg9[%parallel_loop3A_414], %broadcast_in_dim3A_20 {strides = array<i32>} : memref<4096xi32, #tpu.memory_space<vmem>>, vector<16xi32>,
      %parallel_loop3A_416 = arith.constant 16 : i32
      %parallel_loop3A_417 = arith.muli %parallel_loop3A_311, %parallel_loop3A_416 : i32
      %parallel_loop3A_418 = arith.constant 2048 : i32
      %parallel_loop3A_419 = arith.addi %parallel_loop3A_418, %parallel_loop3A_417 : i32
      %parallel_loop3A_420 = arith.index_cast %parallel_loop3A_419 : i32 to index
      %parallel_loop3A_421 = tpu.vector_load %arg9[%parallel_loop3A_420] {strides = array<i32>} : memref<4096xi32, #tpu.memory_space<vmem>>, vector<16xi32>,
      %parallel_loop3A_422 = arith.addi %parallel_loop3A_409, %parallel_loop3A_421 : vector<16xi32>
      %parallel_loop3A_423 = arith.constant 16 : i32
      %parallel_loop3A_424 = arith.muli %parallel_loop3A_311, %parallel_loop3A_423 : i32
      %parallel_loop3A_425 = arith.constant 2048 : i32
      %parallel_loop3A_426 = arith.addi %parallel_loop3A_425, %parallel_loop3A_424 : i32
      %parallel_loop3A_427 = arith.index_cast %parallel_loop3A_426 : i32 to index
      %parallel_loop3A_428 = tpu.vector_load %arg9[%parallel_loop3A_427] {strides = array<i32>} : memref<4096xi32, #tpu.memory_space<vmem>>, vector<16xi32>,
      tpu.vector_store %arg9[%parallel_loop3A_427], %broadcast_in_dim3A_20 {strides = array<i32>} : memref<4096xi32, #tpu.memory_space<vmem>>, vector<16xi32>,
      %parallel_loop3A_429 = arith.constant 16 : i32
      %parallel_loop3A_430 = arith.muli %parallel_loop3A_311, %parallel_loop3A_429 : i32
      %parallel_loop3A_431 = arith.constant 2304 : i32
      %parallel_loop3A_432 = arith.addi %parallel_loop3A_431, %parallel_loop3A_430 : i32
      %parallel_loop3A_433 = arith.index_cast %parallel_loop3A_432 : i32 to index
      %parallel_loop3A_434 = tpu.vector_load %arg9[%parallel_loop3A_433] {strides = array<i32>} : memref<4096xi32, #tpu.memory_space<vmem>>, vector<16xi32>,
      %parallel_loop3A_435 = arith.addi %parallel_loop3A_422, %parallel_loop3A_434 : vector<16xi32>
      %parallel_loop3A_436 = arith.constant 16 : i32
      %parallel_loop3A_437 = arith.muli %parallel_loop3A_311, %parallel_loop3A_436 : i32
      %parallel_loop3A_438 = arith.constant 2304 : i32
      %parallel_loop3A_439 = arith.addi %parallel_loop3A_438, %parallel_loop3A_437 : i32
      %parallel_loop3A_440 = arith.index_cast %parallel_loop3A_439 : i32 to index
      %parallel_loop3A_441 = tpu.vector_load %arg9[%parallel_loop3A_440] {strides = array<i32>} : memref<4096xi32, #tpu.memory_space<vmem>>, vector<16xi32>,
      tpu.vector_store %arg9[%parallel_loop3A_440], %broadcast_in_dim3A_20 {strides = array<i32>} : memref<4096xi32, #tpu.memory_space<vmem>>, vector<16xi32>,
      %parallel_loop3A_442 = arith.constant 16 : i32
      %parallel_loop3A_443 = arith.muli %parallel_loop3A_311, %parallel_loop3A_442 : i32
      %parallel_loop3A_444 = arith.constant 2560 : i32
      %parallel_loop3A_445 = arith.addi %parallel_loop3A_444, %parallel_loop3A_443 : i32
      %parallel_loop3A_446 = arith.index_cast %parallel_loop3A_445 : i32 to index
      %parallel_loop3A_447 = tpu.vector_load %arg9[%parallel_loop3A_446] {strides = array<i32>} : memref<4096xi32, #tpu.memory_space<vmem>>, vector<16xi32>,
      %parallel_loop3A_448 = arith.addi %parallel_loop3A_435, %parallel_loop3A_447 : vector<16xi32>
      %parallel_loop3A_449 = arith.constant 16 : i32
      %parallel_loop3A_450 = arith.muli %parallel_loop3A_311, %parallel_loop3A_449 : i32
      %parallel_loop3A_451 = arith.constant 2560 : i32
      %parallel_loop3A_452 = arith.addi %parallel_loop3A_451, %parallel_loop3A_450 : i32
      %parallel_loop3A_453 = arith.index_cast %parallel_loop3A_452 : i32 to index
      %parallel_loop3A_454 = tpu.vector_load %arg9[%parallel_loop3A_453] {strides = array<i32>} : memref<4096xi32, #tpu.memory_space<vmem>>, vector<16xi32>,
      tpu.vector_store %arg9[%parallel_loop3A_453], %broadcast_in_dim3A_20 {strides = array<i32>} : memref<4096xi32, #tpu.memory_space<vmem>>, vector<16xi32>,
      %parallel_loop3A_455 = arith.constant 16 : i32
      %parallel_loop3A_456 = arith.muli %parallel_loop3A_311, %parallel_loop3A_455 : i32
      %parallel_loop3A_457 = arith.constant 2816 : i32
      %parallel_loop3A_458 = arith.addi %parallel_loop3A_457, %parallel_loop3A_456 : i32
      %parallel_loop3A_459 = arith.index_cast %parallel_loop3A_458 : i32 to index
      %parallel_loop3A_460 = tpu.vector_load %arg9[%parallel_loop3A_459] {strides = array<i32>} : memref<4096xi32, #tpu.memory_space<vmem>>, vector<16xi32>,
      %parallel_loop3A_461 = arith.addi %parallel_loop3A_448, %parallel_loop3A_460 : vector<16xi32>
      %parallel_loop3A_462 = arith.constant 16 : i32
      %parallel_loop3A_463 = arith.muli %parallel_loop3A_311, %parallel_loop3A_462 : i32
      %parallel_loop3A_464 = arith.constant 2816 : i32
      %parallel_loop3A_465 = arith.addi %parallel_loop3A_464, %parallel_loop3A_463 : i32
      %parallel_loop3A_466 = arith.index_cast %parallel_loop3A_465 : i32 to index
      %parallel_loop3A_467 = tpu.vector_load %arg9[%parallel_loop3A_466] {strides = array<i32>} : memref<4096xi32, #tpu.memory_space<vmem>>, vector<16xi32>,
      tpu.vector_store %arg9[%parallel_loop3A_466], %broadcast_in_dim3A_20 {strides = array<i32>} : memref<4096xi32, #tpu.memory_space<vmem>>, vector<16xi32>,
      %parallel_loop3A_468 = arith.constant 16 : i32
      %parallel_loop3A_469 = arith.muli %parallel_loop3A_311, %parallel_loop3A_468 : i32
      %parallel_loop3A_470 = arith.constant 3072 : i32
      %parallel_loop3A_471 = arith.addi %parallel_loop3A_470, %parallel_loop3A_469 : i32
      %parallel_loop3A_472 = arith.index_cast %parallel_loop3A_471 : i32 to index
      %parallel_loop3A_473 = tpu.vector_load %arg9[%parallel_loop3A_472] {strides = array<i32>} : memref<4096xi32, #tpu.memory_space<vmem>>, vector<16xi32>,
      %parallel_loop3A_474 = arith.addi %parallel_loop3A_461, %parallel_loop3A_473 : vector<16xi32>
      %parallel_loop3A_475 = arith.constant 16 : i32
      %parallel_loop3A_476 = arith.muli %parallel_loop3A_311, %parallel_loop3A_475 : i32
      %parallel_loop3A_477 = arith.constant 3072 : i32
      %parallel_loop3A_478 = arith.addi %parallel_loop3A_477, %parallel_loop3A_476 : i32
      %parallel_loop3A_479 = arith.index_cast %parallel_loop3A_478 : i32 to index
      %parallel_loop3A_480 = tpu.vector_load %arg9[%parallel_loop3A_479] {strides = array<i32>} : memref<4096xi32, #tpu.memory_space<vmem>>, vector<16xi32>,
      tpu.vector_store %arg9[%parallel_loop3A_479], %broadcast_in_dim3A_20 {strides = array<i32>} : memref<4096xi32, #tpu.memory_space<vmem>>, vector<16xi32>,
      %parallel_loop3A_481 = arith.constant 16 : i32
      %parallel_loop3A_482 = arith.muli %parallel_loop3A_311, %parallel_loop3A_481 : i32
      %parallel_loop3A_483 = arith.constant 3328 : i32
      %parallel_loop3A_484 = arith.addi %parallel_loop3A_483, %parallel_loop3A_482 : i32
      %parallel_loop3A_485 = arith.index_cast %parallel_loop3A_484 : i32 to index
      %parallel_loop3A_486 = tpu.vector_load %arg9[%parallel_loop3A_485] {strides = array<i32>} : memref<4096xi32, #tpu.memory_space<vmem>>, vector<16xi32>,
      %parallel_loop3A_487 = arith.addi %parallel_loop3A_474, %parallel_loop3A_486 : vector<16xi32>
      %parallel_loop3A_488 = arith.constant 16 : i32
      %parallel_loop3A_489 = arith.muli %parallel_loop3A_311, %parallel_loop3A_488 : i32
      %parallel_loop3A_490 = arith.constant 3328 : i32
      %parallel_loop3A_491 = arith.addi %parallel_loop3A_490, %parallel_loop3A_489 : i32
      %parallel_loop3A_492 = arith.index_cast %parallel_loop3A_491 : i32 to index
      %parallel_loop3A_493 = tpu.vector_load %arg9[%parallel_loop3A_492] {strides = array<i32>} : memref<4096xi32, #tpu.memory_space<vmem>>, vector<16xi32>,
      tpu.vector_store %arg9[%parallel_loop3A_492], %broadcast_in_dim3A_20 {strides = array<i32>} : memref<4096xi32, #tpu.memory_space<vmem>>, vector<16xi32>,
      %parallel_loop3A_494 = arith.constant 16 : i32
      %parallel_loop3A_495 = arith.muli %parallel_loop3A_311, %parallel_loop3A_494 : i32
      %parallel_loop3A_496 = arith.constant 3584 : i32
      %parallel_loop3A_497 = arith.addi %parallel_loop3A_496, %parallel_loop3A_495 : i32
      %parallel_loop3A_498 = arith.index_cast %parallel_loop3A_497 : i32 to index
      %parallel_loop3A_499 = tpu.vector_load %arg9[%parallel_loop3A_498] {strides = array<i32>} : memref<4096xi32, #tpu.memory_space<vmem>>, vector<16xi32>,
      %parallel_loop3A_500 = arith.addi %parallel_loop3A_487, %parallel_loop3A_499 : vector<16xi32>
      %parallel_loop3A_501 = arith.constant 16 : i32
      %parallel_loop3A_502 = arith.muli %parallel_loop3A_311, %parallel_loop3A_501 : i32
      %parallel_loop3A_503 = arith.constant 3584 : i32
      %parallel_loop3A_504 = arith.addi %parallel_loop3A_503, %parallel_loop3A_502 : i32
      %parallel_loop3A_505 = arith.index_cast %parallel_loop3A_504 : i32 to index
      %parallel_loop3A_506 = tpu.vector_load %arg9[%parallel_loop3A_505] {strides = array<i32>} : memref<4096xi32, #tpu.memory_space<vmem>>, vector<16xi32>,
      tpu.vector_store %arg9[%parallel_loop3A_505], %broadcast_in_dim3A_20 {strides = array<i32>} : memref<4096xi32, #tpu.memory_space<vmem>>, vector<16xi32>,
      %parallel_loop3A_507 = arith.constant 16 : i32
      %parallel_loop3A_508 = arith.muli %parallel_loop3A_311, %parallel_loop3A_507 : i32
      %parallel_loop3A_509 = arith.constant 3840 : i32
      %parallel_loop3A_510 = arith.addi %parallel_loop3A_509, %parallel_loop3A_508 : i32
      %parallel_loop3A_511 = arith.index_cast %parallel_loop3A_510 : i32 to index
      %parallel_loop3A_512 = tpu.vector_load %arg9[%parallel_loop3A_511] {strides = array<i32>} : memref<4096xi32, #tpu.memory_space<vmem>>, vector<16xi32>,
      %parallel_loop3A_513 = arith.addi %parallel_loop3A_500, %parallel_loop3A_512 : vector<16xi32>
      %parallel_loop3A_514 = arith.constant 16 : i32
      %parallel_loop3A_515 = arith.muli %parallel_loop3A_311, %parallel_loop3A_514 : i32
      %parallel_loop3A_516 = arith.constant 3840 : i32
      %parallel_loop3A_517 = arith.addi %parallel_loop3A_516, %parallel_loop3A_515 : i32
      %parallel_loop3A_518 = arith.index_cast %parallel_loop3A_517 : i32 to index
      %parallel_loop3A_519 = tpu.vector_load %arg9[%parallel_loop3A_518] {strides = array<i32>} : memref<4096xi32, #tpu.memory_space<vmem>>, vector<16xi32>,
      tpu.vector_store %arg9[%parallel_loop3A_518], %broadcast_in_dim3A_20 {strides = array<i32>} : memref<4096xi32, #tpu.memory_space<vmem>>, vector<16xi32>,
      %parallel_loop3A_520 = arith.constant 16 : i32
      %parallel_loop3A_521 = arith.muli %parallel_loop3A_311, %parallel_loop3A_520 : i32
      %parallel_loop3A_522 = arith.index_cast %parallel_loop3A_521 : i32 to index
      %parallel_loop3A_523 = tpu.vector_load %arg10[%parallel_loop3A_522] {strides = array<i32>} : memref<256xi32, #tpu.memory_space<vmem>>, vector<16xi32>,
      tpu.vector_store %arg10[%parallel_loop3A_522], %parallel_loop3A_513 {strides = array<i32>} : memref<256xi32, #tpu.memory_space<vmem>>, vector<16xi32>,
    } {sc.loop_unroll_factor = 1 : i64, sc.parallel_access}
    %scan3A = arith.constant 64 : i32
    %scan3A_24 = arith.constant 0 : i32
    %scan3A_25 = arith.constant 0 : i32
    %scan3A_26 = arith.constant 0 : i32
    %scan3A_27 = arith.constant 16 : i32
    %scan3A_28 = arith.addi %scan3A_26, %scan3A_27 : i32
    %scan3A_29 = arith.constant 1 : i32
    %scan3A_30:2 = scf.for %scan3A_311 = %scan3A_26 to %scan3A_28 step %scan3A_29 iter_args(%scan3A_312 = %scan3A_24, %scan3A_313 = %scan3A_25) -> (i32, i32)  : i32 {
      %sub3A_314 = arith.constant 15 : i32
      %sub3A_315 = arith.subi %sub3A_314, %scan3A_311 : i32
      %mul3A_316 = arith.constant 16 : i32
      %mul3A_317 = arith.muli %sub3A_315, %mul3A_316 : i32
      %get3A = arith.index_cast %mul3A_317 : i32 to index
      %get3A_318 = tpu.vector_load %arg10[%get3A] {strides = array<i32>} : memref<256xi32, #tpu.memory_space<vmem>>, vector<16xi32>,
      %rev3A = arith.constant 15 : i32
      %rev3A_319 = vector.broadcast %rev3A : i32 to vector<16xi32>
      %rev3A_320 = tpu.iota {dimensions = array<i32: 0>} : vector<16xi32>
      %rev3A_321 = arith.subi %rev3A_319, %rev3A_320 : vector<16xi32>
      %rev3A_322 = tpu.dynamic_gather %get3A_318[%rev3A_321] in [0] : vector<16xi32>, vector<16xi32> -> vector<16xi32>
      %broadcast_in_dim3A_323 = arith.constant true
      %broadcast_in_dim3A_324 = vector.broadcast %broadcast_in_dim3A_323 : i1 to vector<16xi1>
      %masked_cumsum3A = tpu.scan <sum>, %rev3A_322 masked %broadcast_in_dim3A_324 : vector<16xi32>, vector<16xi1> -> vector<16xi32>
      %rev3A_325 = arith.constant 15 : i32
      %rev3A_326 = vector.broadcast %rev3A_325 : i32 to vector<16xi32>
      %rev3A_327 = tpu.iota {dimensions = array<i32: 0>} : vector<16xi32>
      %rev3A_328 = arith.subi %rev3A_326, %rev3A_327 : vector<16xi32>
      %rev3A_329 = tpu.dynamic_gather %masked_cumsum3A[%rev3A_328] in [0] : vector<16xi32>, vector<16xi32> -> vector<16xi32>
      %add3A_330 = vector.broadcast %scan3A_313 : i32 to vector<16xi32>
      %add3A_331 = arith.addi %rev3A_329, %add3A_330 : vector<16xi32>
      %ge3A = vector.broadcast %scan3A : i32 to vector<16xi32>
      %ge3A_332 = arith.cmpi sge, %add3A_331, %ge3A : vector<16xi32>
      %convert_element_type3A = arith.extui %ge3A_332 : vector<16xi1> to vector<16xi32>
      %reduce_sum3A = arith.constant true
      %reduce_sum3A_333 = vector.broadcast %reduce_sum3A : i1 to vector<16xi1>
      %reduce_sum3A_334 = tpu.scan <sum>, %convert_element_type3A masked %reduce_sum3A_333 : vector<16xi32>, vector<16xi1> -> vector<16xi32>
      %reduce_sum3A_335 = vector.extract %reduce_sum3A_334[15] : i32 from vector<16xi32>
      %add3A_336 = arith.addi %scan3A_312, %reduce_sum3A_335 : i32
      %reduce_sum3A_337 = arith.constant true
      %reduce_sum3A_338 = vector.broadcast %reduce_sum3A_337 : i1 to vector<16xi1>
      %reduce_sum3A_339 = tpu.scan <sum>, %get3A_318 masked %reduce_sum3A_338 : vector<16xi32>, vector<16xi1> -> vector<16xi32>
      %reduce_sum3A_340 = vector.extract %reduce_sum3A_339[15] : i32 from vector<16xi32>
      %add3A_341 = arith.addi %scan3A_313, %reduce_sum3A_340 : i32
      scf.yield %add3A_336, %add3A_341 : i32, i32
    }
    %scan3A_31 = arith.constant 16 : i32
    %sub3A = arith.constant 1 : i32
    %sub3A_32 = arith.subi %scan3A_30#0, %sub3A : i32
    %scan3A_33 = arith.constant 0 : i32
    %scan3A_34 = arith.constant 0 : i32
    %scan3A_35 = arith.constant 16 : i32
    %scan3A_36 = arith.addi %scan3A_34, %scan3A_35 : i32
    %scan3A_37 = arith.constant 1 : i32
    %scan3A_38 = scf.for %scan3A_311 = %scan3A_34 to %scan3A_36 step %scan3A_37 iter_args(%scan3A_312 = %scan3A_33) -> (i32)  : i32 {
      %mul3A_313 = arith.constant 16 : i32
      %mul3A_314 = arith.muli %scan3A_311, %mul3A_313 : i32
      %get3A = arith.index_cast %mul3A_314 : i32 to index
      %get3A_315 = tpu.vector_load %arg10[%get3A] {strides = array<i32>} : memref<256xi32, #tpu.memory_space<vmem>>, vector<16xi32>,
      %iota3A_316 = tpu.iota {dimensions = array<i32: 0>} : vector<16xi32>
      %mul3A_317 = arith.constant 16 : i32
      %mul3A_318 = arith.muli %scan3A_311, %mul3A_317 : i32
      %add3A_319 = vector.broadcast %mul3A_318 : i32 to vector<16xi32>
      %add3A_320 = arith.addi %iota3A_316, %add3A_319 : vector<16xi32>
      %gt3A = vector.broadcast %sub3A_32 : i32 to vector<16xi32>
      %gt3A_321 = arith.cmpi sgt, %add3A_320, %gt3A : vector<16xi32>
      %jit3A_322 = arith.constant 0 : i32
      %broadcast_in_dim3A_323 = vector.broadcast %jit3A_322 : i32 to vector<16xi32>
      %select_n3A_324 = arith.select %gt3A_321, %get3A_315, %broadcast_in_dim3A_323 : vector<16xi1>, vector<16xi32>
      %reduce_sum3A = arith.constant true
      %reduce_sum3A_325 = vector.broadcast %reduce_sum3A : i1 to vector<16xi1>
      %reduce_sum3A_326 = tpu.scan <sum>, %select_n3A_324 masked %reduce_sum3A_325 : vector<16xi32>, vector<16xi1> -> vector<16xi32>
      %reduce_sum3A_327 = vector.extract %reduce_sum3A_326[15] : i32 from vector<16xi32>
      %add3A_328 = arith.addi %scan3A_312, %reduce_sum3A_327 : i32
      scf.yield %add3A_328 : i32
    }
    %scan3A_39 = arith.constant 16 : i32
    %parallel_loop3A_40 = arith.constant 0 : i32
    %parallel_loop3A_41 = arith.constant 512 : i32
    %parallel_loop3A_42 = arith.constant 1 : i32
    scf.for %parallel_loop3A_311 = %parallel_loop3A_40 to %parallel_loop3A_41 step %parallel_loop3A_42  : i32 {
      %parallel_loop3A_312 = arith.constant 16 : i32
      %parallel_loop3A_313 = arith.muli %parallel_loop3A_311, %parallel_loop3A_312 : i32
      %parallel_loop3A_314 = arith.index_cast %parallel_loop3A_313 : i32 to index
      %parallel_loop3A_315 = tpu.vector_load %arg5[%parallel_loop3A_314] {strides = array<i32>} : memref<8192xi32, #tpu.memory_space<vmem>>, vector<16xi32>,
      %parallel_loop3A_316 = arith.constant 24 : i32
      %parallel_loop3A_317 = vector.broadcast %parallel_loop3A_316 : i32 to vector<16xi32>
      %parallel_loop3A_318 = arith.shrui %parallel_loop3A_315, %parallel_loop3A_317 : vector<16xi32>
      %parallel_loop3A_319 = vector.broadcast %sub3A_32 : i32 to vector<16xi32>
      %parallel_loop3A_320 = arith.cmpi eq, %parallel_loop3A_318, %parallel_loop3A_319 : vector<16xi32>
      %parallel_loop3A_321 = arith.constant 16 : i32
      %parallel_loop3A_322 = vector.broadcast %parallel_loop3A_321 : i32 to vector<16xi32>
      %parallel_loop3A_323 = arith.shrui %parallel_loop3A_315, %parallel_loop3A_322 : vector<16xi32>
      %parallel_loop3A_324 = arith.constant 255 : i32
      %parallel_loop3A_325 = vector.broadcast %parallel_loop3A_324 : i32 to vector<16xi32>
      %parallel_loop3A_326 = arith.andi %parallel_loop3A_323, %parallel_loop3A_325 : vector<16xi32>
      %parallel_loop3A_327 = arith.addi %mul3A_3, %parallel_loop3A_326 : vector<16xi32>
      tpu.vector_store_idx %arg9[%parallel_loop3A_327], %broadcast_in_dim3A_4 masked %parallel_loop3A_320 {add = true} : memref<4096xi32, #tpu.memory_space<vmem>>[vector<16xi32>], vector<16xi32>, vector<16xi1>
    } {sc.loop_unroll_factor = 16 : i64, sc.parallel_access}
    %broadcast_in_dim3A_43 = arith.constant 0 : i32
    %broadcast_in_dim3A_44 = vector.broadcast %broadcast_in_dim3A_43 : i32 to vector<16xi32>
    %parallel_loop3A_45 = arith.constant 0 : i32
    %parallel_loop3A_46 = arith.constant 16 : i32
    %parallel_loop3A_47 = arith.constant 1 : i32
    scf.for %parallel_loop3A_311 = %parallel_loop3A_45 to %parallel_loop3A_46 step %parallel_loop3A_47  : i32 {
      %parallel_loop3A_312 = arith.constant 16 : i32
      %parallel_loop3A_313 = arith.muli %parallel_loop3A_311, %parallel_loop3A_312 : i32
      %parallel_loop3A_314 = arith.constant 0 : i32
      %parallel_loop3A_315 = arith.addi %parallel_loop3A_314, %parallel_loop3A_313 : i32
      %parallel_loop3A_316 = arith.index_cast %parallel_loop3A_315 : i32 to index
      %parallel_loop3A_317 = tpu.vector_load %arg9[%parallel_loop3A_316] {strides = array<i32>} : memref<4096xi32, #tpu.memory_space<vmem>>, vector<16xi32>,
      %parallel_loop3A_318 = arith.addi %broadcast_in_dim3A_44, %parallel_loop3A_317 : vector<16xi32>
      %parallel_loop3A_319 = arith.constant 16 : i32
      %parallel_loop3A_320 = arith.muli %parallel_loop3A_311, %parallel_loop3A_319 : i32
      %parallel_loop3A_321 = arith.constant 0 : i32
      %parallel_loop3A_322 = arith.addi %parallel_loop3A_321, %parallel_loop3A_320 : i32
      %parallel_loop3A_323 = arith.index_cast %parallel_loop3A_322 : i32 to index
      %parallel_loop3A_324 = tpu.vector_load %arg9[%parallel_loop3A_323] {strides = array<i32>} : memref<4096xi32, #tpu.memory_space<vmem>>, vector<16xi32>,
      tpu.vector_store %arg9[%parallel_loop3A_323], %broadcast_in_dim3A_44 {strides = array<i32>} : memref<4096xi32, #tpu.memory_space<vmem>>, vector<16xi32>,
      %parallel_loop3A_325 = arith.constant 16 : i32
      %parallel_loop3A_326 = arith.muli %parallel_loop3A_311, %parallel_loop3A_325 : i32
      %parallel_loop3A_327 = arith.constant 256 : i32
      %parallel_loop3A_328 = arith.addi %parallel_loop3A_327, %parallel_loop3A_326 : i32
      %parallel_loop3A_329 = arith.index_cast %parallel_loop3A_328 : i32 to index
      %parallel_loop3A_330 = tpu.vector_load %arg9[%parallel_loop3A_329] {strides = array<i32>} : memref<4096xi32, #tpu.memory_space<vmem>>, vector<16xi32>,
      %parallel_loop3A_331 = arith.addi %parallel_loop3A_318, %parallel_loop3A_330 : vector<16xi32>
      %parallel_loop3A_332 = arith.constant 16 : i32
      %parallel_loop3A_333 = arith.muli %parallel_loop3A_311, %parallel_loop3A_332 : i32
      %parallel_loop3A_334 = arith.constant 256 : i32
      %parallel_loop3A_335 = arith.addi %parallel_loop3A_334, %parallel_loop3A_333 : i32
      %parallel_loop3A_336 = arith.index_cast %parallel_loop3A_335 : i32 to index
      %parallel_loop3A_337 = tpu.vector_load %arg9[%parallel_loop3A_336] {strides = array<i32>} : memref<4096xi32, #tpu.memory_space<vmem>>, vector<16xi32>,
      tpu.vector_store %arg9[%parallel_loop3A_336], %broadcast_in_dim3A_44 {strides = array<i32>} : memref<4096xi32, #tpu.memory_space<vmem>>, vector<16xi32>,
      %parallel_loop3A_338 = arith.constant 16 : i32
      %parallel_loop3A_339 = arith.muli %parallel_loop3A_311, %parallel_loop3A_338 : i32
      %parallel_loop3A_340 = arith.constant 512 : i32
      %parallel_loop3A_341 = arith.addi %parallel_loop3A_340, %parallel_loop3A_339 : i32
      %parallel_loop3A_342 = arith.index_cast %parallel_loop3A_341 : i32 to index
      %parallel_loop3A_343 = tpu.vector_load %arg9[%parallel_loop3A_342] {strides = array<i32>} : memref<4096xi32, #tpu.memory_space<vmem>>, vector<16xi32>,
      %parallel_loop3A_344 = arith.addi %parallel_loop3A_331, %parallel_loop3A_343 : vector<16xi32>
      %parallel_loop3A_345 = arith.constant 16 : i32
      %parallel_loop3A_346 = arith.muli %parallel_loop3A_311, %parallel_loop3A_345 : i32
      %parallel_loop3A_347 = arith.constant 512 : i32
      %parallel_loop3A_348 = arith.addi %parallel_loop3A_347, %parallel_loop3A_346 : i32
      %parallel_loop3A_349 = arith.index_cast %parallel_loop3A_348 : i32 to index
      %parallel_loop3A_350 = tpu.vector_load %arg9[%parallel_loop3A_349] {strides = array<i32>} : memref<4096xi32, #tpu.memory_space<vmem>>, vector<16xi32>,
      tpu.vector_store %arg9[%parallel_loop3A_349], %broadcast_in_dim3A_44 {strides = array<i32>} : memref<4096xi32, #tpu.memory_space<vmem>>, vector<16xi32>,
      %parallel_loop3A_351 = arith.constant 16 : i32
      %parallel_loop3A_352 = arith.muli %parallel_loop3A_311, %parallel_loop3A_351 : i32
      %parallel_loop3A_353 = arith.constant 768 : i32
      %parallel_loop3A_354 = arith.addi %parallel_loop3A_353, %parallel_loop3A_352 : i32
      %parallel_loop3A_355 = arith.index_cast %parallel_loop3A_354 : i32 to index
      %parallel_loop3A_356 = tpu.vector_load %arg9[%parallel_loop3A_355] {strides = array<i32>} : memref<4096xi32, #tpu.memory_space<vmem>>, vector<16xi32>,
      %parallel_loop3A_357 = arith.addi %parallel_loop3A_344, %parallel_loop3A_356 : vector<16xi32>
      %parallel_loop3A_358 = arith.constant 16 : i32
      %parallel_loop3A_359 = arith.muli %parallel_loop3A_311, %parallel_loop3A_358 : i32
      %parallel_loop3A_360 = arith.constant 768 : i32
      %parallel_loop3A_361 = arith.addi %parallel_loop3A_360, %parallel_loop3A_359 : i32
      %parallel_loop3A_362 = arith.index_cast %parallel_loop3A_361 : i32 to index
      %parallel_loop3A_363 = tpu.vector_load %arg9[%parallel_loop3A_362] {strides = array<i32>} : memref<4096xi32, #tpu.memory_space<vmem>>, vector<16xi32>,
      tpu.vector_store %arg9[%parallel_loop3A_362], %broadcast_in_dim3A_44 {strides = array<i32>} : memref<4096xi32, #tpu.memory_space<vmem>>, vector<16xi32>,
      %parallel_loop3A_364 = arith.constant 16 : i32
      %parallel_loop3A_365 = arith.muli %parallel_loop3A_311, %parallel_loop3A_364 : i32
      %parallel_loop3A_366 = arith.constant 1024 : i32
      %parallel_loop3A_367 = arith.addi %parallel_loop3A_366, %parallel_loop3A_365 : i32
      %parallel_loop3A_368 = arith.index_cast %parallel_loop3A_367 : i32 to index
      %parallel_loop3A_369 = tpu.vector_load %arg9[%parallel_loop3A_368] {strides = array<i32>} : memref<4096xi32, #tpu.memory_space<vmem>>, vector<16xi32>,
      %parallel_loop3A_370 = arith.addi %parallel_loop3A_357, %parallel_loop3A_369 : vector<16xi32>
      %parallel_loop3A_371 = arith.constant 16 : i32
      %parallel_loop3A_372 = arith.muli %parallel_loop3A_311, %parallel_loop3A_371 : i32
      %parallel_loop3A_373 = arith.constant 1024 : i32
      %parallel_loop3A_374 = arith.addi %parallel_loop3A_373, %parallel_loop3A_372 : i32
      %parallel_loop3A_375 = arith.index_cast %parallel_loop3A_374 : i32 to index
      %parallel_loop3A_376 = tpu.vector_load %arg9[%parallel_loop3A_375] {strides = array<i32>} : memref<4096xi32, #tpu.memory_space<vmem>>, vector<16xi32>,
      tpu.vector_store %arg9[%parallel_loop3A_375], %broadcast_in_dim3A_44 {strides = array<i32>} : memref<4096xi32, #tpu.memory_space<vmem>>, vector<16xi32>,
      %parallel_loop3A_377 = arith.constant 16 : i32
      %parallel_loop3A_378 = arith.muli %parallel_loop3A_311, %parallel_loop3A_377 : i32
      %parallel_loop3A_379 = arith.constant 1280 : i32
      %parallel_loop3A_380 = arith.addi %parallel_loop3A_379, %parallel_loop3A_378 : i32
      %parallel_loop3A_381 = arith.index_cast %parallel_loop3A_380 : i32 to index
      %parallel_loop3A_382 = tpu.vector_load %arg9[%parallel_loop3A_381] {strides = array<i32>} : memref<4096xi32, #tpu.memory_space<vmem>>, vector<16xi32>,
      %parallel_loop3A_383 = arith.addi %parallel_loop3A_370, %parallel_loop3A_382 : vector<16xi32>
      %parallel_loop3A_384 = arith.constant 16 : i32
      %parallel_loop3A_385 = arith.muli %parallel_loop3A_311, %parallel_loop3A_384 : i32
      %parallel_loop3A_386 = arith.constant 1280 : i32
      %parallel_loop3A_387 = arith.addi %parallel_loop3A_386, %parallel_loop3A_385 : i32
      %parallel_loop3A_388 = arith.index_cast %parallel_loop3A_387 : i32 to index
      %parallel_loop3A_389 = tpu.vector_load %arg9[%parallel_loop3A_388] {strides = array<i32>} : memref<4096xi32, #tpu.memory_space<vmem>>, vector<16xi32>,
      tpu.vector_store %arg9[%parallel_loop3A_388], %broadcast_in_dim3A_44 {strides = array<i32>} : memref<4096xi32, #tpu.memory_space<vmem>>, vector<16xi32>,
      %parallel_loop3A_390 = arith.constant 16 : i32
      %parallel_loop3A_391 = arith.muli %parallel_loop3A_311, %parallel_loop3A_390 : i32
      %parallel_loop3A_392 = arith.constant 1536 : i32
      %parallel_loop3A_393 = arith.addi %parallel_loop3A_392, %parallel_loop3A_391 : i32
      %parallel_loop3A_394 = arith.index_cast %parallel_loop3A_393 : i32 to index
      %parallel_loop3A_395 = tpu.vector_load %arg9[%parallel_loop3A_394] {strides = array<i32>} : memref<4096xi32, #tpu.memory_space<vmem>>, vector<16xi32>,
      %parallel_loop3A_396 = arith.addi %parallel_loop3A_383, %parallel_loop3A_395 : vector<16xi32>
      %parallel_loop3A_397 = arith.constant 16 : i32
      %parallel_loop3A_398 = arith.muli %parallel_loop3A_311, %parallel_loop3A_397 : i32
      %parallel_loop3A_399 = arith.constant 1536 : i32
      %parallel_loop3A_400 = arith.addi %parallel_loop3A_399, %parallel_loop3A_398 : i32
      %parallel_loop3A_401 = arith.index_cast %parallel_loop3A_400 : i32 to index
      %parallel_loop3A_402 = tpu.vector_load %arg9[%parallel_loop3A_401] {strides = array<i32>} : memref<4096xi32, #tpu.memory_space<vmem>>, vector<16xi32>,
      tpu.vector_store %arg9[%parallel_loop3A_401], %broadcast_in_dim3A_44 {strides = array<i32>} : memref<4096xi32, #tpu.memory_space<vmem>>, vector<16xi32>,
      %parallel_loop3A_403 = arith.constant 16 : i32
      %parallel_loop3A_404 = arith.muli %parallel_loop3A_311, %parallel_loop3A_403 : i32
      %parallel_loop3A_405 = arith.constant 1792 : i32
      %parallel_loop3A_406 = arith.addi %parallel_loop3A_405, %parallel_loop3A_404 : i32
      %parallel_loop3A_407 = arith.index_cast %parallel_loop3A_406 : i32 to index
      %parallel_loop3A_408 = tpu.vector_load %arg9[%parallel_loop3A_407] {strides = array<i32>} : memref<4096xi32, #tpu.memory_space<vmem>>, vector<16xi32>,
      %parallel_loop3A_409 = arith.addi %parallel_loop3A_396, %parallel_loop3A_408 : vector<16xi32>
      %parallel_loop3A_410 = arith.constant 16 : i32
      %parallel_loop3A_411 = arith.muli %parallel_loop3A_311, %parallel_loop3A_410 : i32
      %parallel_loop3A_412 = arith.constant 1792 : i32
      %parallel_loop3A_413 = arith.addi %parallel_loop3A_412, %parallel_loop3A_411 : i32
      %parallel_loop3A_414 = arith.index_cast %parallel_loop3A_413 : i32 to index
      %parallel_loop3A_415 = tpu.vector_load %arg9[%parallel_loop3A_414] {strides = array<i32>} : memref<4096xi32, #tpu.memory_space<vmem>>, vector<16xi32>,
      tpu.vector_store %arg9[%parallel_loop3A_414], %broadcast_in_dim3A_44 {strides = array<i32>} : memref<4096xi32, #tpu.memory_space<vmem>>, vector<16xi32>,
      %parallel_loop3A_416 = arith.constant 16 : i32
      %parallel_loop3A_417 = arith.muli %parallel_loop3A_311, %parallel_loop3A_416 : i32
      %parallel_loop3A_418 = arith.constant 2048 : i32
      %parallel_loop3A_419 = arith.addi %parallel_loop3A_418, %parallel_loop3A_417 : i32
      %parallel_loop3A_420 = arith.index_cast %parallel_loop3A_419 : i32 to index
      %parallel_loop3A_421 = tpu.vector_load %arg9[%parallel_loop3A_420] {strides = array<i32>} : memref<4096xi32, #tpu.memory_space<vmem>>, vector<16xi32>,
      %parallel_loop3A_422 = arith.addi %parallel_loop3A_409, %parallel_loop3A_421 : vector<16xi32>
      %parallel_loop3A_423 = arith.constant 16 : i32
      %parallel_loop3A_424 = arith.muli %parallel_loop3A_311, %parallel_loop3A_423 : i32
      %parallel_loop3A_425 = arith.constant 2048 : i32
      %parallel_loop3A_426 = arith.addi %parallel_loop3A_425, %parallel_loop3A_424 : i32
      %parallel_loop3A_427 = arith.index_cast %parallel_loop3A_426 : i32 to index
      %parallel_loop3A_428 = tpu.vector_load %arg9[%parallel_loop3A_427] {strides = array<i32>} : memref<4096xi32, #tpu.memory_space<vmem>>, vector<16xi32>,
      tpu.vector_store %arg9[%parallel_loop3A_427], %broadcast_in_dim3A_44 {strides = array<i32>} : memref<4096xi32, #tpu.memory_space<vmem>>, vector<16xi32>,
      %parallel_loop3A_429 = arith.constant 16 : i32
      %parallel_loop3A_430 = arith.muli %parallel_loop3A_311, %parallel_loop3A_429 : i32
      %parallel_loop3A_431 = arith.constant 2304 : i32
      %parallel_loop3A_432 = arith.addi %parallel_loop3A_431, %parallel_loop3A_430 : i32
      %parallel_loop3A_433 = arith.index_cast %parallel_loop3A_432 : i32 to index
      %parallel_loop3A_434 = tpu.vector_load %arg9[%parallel_loop3A_433] {strides = array<i32>} : memref<4096xi32, #tpu.memory_space<vmem>>, vector<16xi32>,
      %parallel_loop3A_435 = arith.addi %parallel_loop3A_422, %parallel_loop3A_434 : vector<16xi32>
      %parallel_loop3A_436 = arith.constant 16 : i32
      %parallel_loop3A_437 = arith.muli %parallel_loop3A_311, %parallel_loop3A_436 : i32
      %parallel_loop3A_438 = arith.constant 2304 : i32
      %parallel_loop3A_439 = arith.addi %parallel_loop3A_438, %parallel_loop3A_437 : i32
      %parallel_loop3A_440 = arith.index_cast %parallel_loop3A_439 : i32 to index
      %parallel_loop3A_441 = tpu.vector_load %arg9[%parallel_loop3A_440] {strides = array<i32>} : memref<4096xi32, #tpu.memory_space<vmem>>, vector<16xi32>,
      tpu.vector_store %arg9[%parallel_loop3A_440], %broadcast_in_dim3A_44 {strides = array<i32>} : memref<4096xi32, #tpu.memory_space<vmem>>, vector<16xi32>,
      %parallel_loop3A_442 = arith.constant 16 : i32
      %parallel_loop3A_443 = arith.muli %parallel_loop3A_311, %parallel_loop3A_442 : i32
      %parallel_loop3A_444 = arith.constant 2560 : i32
      %parallel_loop3A_445 = arith.addi %parallel_loop3A_444, %parallel_loop3A_443 : i32
      %parallel_loop3A_446 = arith.index_cast %parallel_loop3A_445 : i32 to index
      %parallel_loop3A_447 = tpu.vector_load %arg9[%parallel_loop3A_446] {strides = array<i32>} : memref<4096xi32, #tpu.memory_space<vmem>>, vector<16xi32>,
      %parallel_loop3A_448 = arith.addi %parallel_loop3A_435, %parallel_loop3A_447 : vector<16xi32>
      %parallel_loop3A_449 = arith.constant 16 : i32
      %parallel_loop3A_450 = arith.muli %parallel_loop3A_311, %parallel_loop3A_449 : i32
      %parallel_loop3A_451 = arith.constant 2560 : i32
      %parallel_loop3A_452 = arith.addi %parallel_loop3A_451, %parallel_loop3A_450 : i32
      %parallel_loop3A_453 = arith.index_cast %parallel_loop3A_452 : i32 to index
      %parallel_loop3A_454 = tpu.vector_load %arg9[%parallel_loop3A_453] {strides = array<i32>} : memref<4096xi32, #tpu.memory_space<vmem>>, vector<16xi32>,
      tpu.vector_store %arg9[%parallel_loop3A_453], %broadcast_in_dim3A_44 {strides = array<i32>} : memref<4096xi32, #tpu.memory_space<vmem>>, vector<16xi32>,
      %parallel_loop3A_455 = arith.constant 16 : i32
      %parallel_loop3A_456 = arith.muli %parallel_loop3A_311, %parallel_loop3A_455 : i32
      %parallel_loop3A_457 = arith.constant 2816 : i32
      %parallel_loop3A_458 = arith.addi %parallel_loop3A_457, %parallel_loop3A_456 : i32
      %parallel_loop3A_459 = arith.index_cast %parallel_loop3A_458 : i32 to index
      %parallel_loop3A_460 = tpu.vector_load %arg9[%parallel_loop3A_459] {strides = array<i32>} : memref<4096xi32, #tpu.memory_space<vmem>>, vector<16xi32>,
      %parallel_loop3A_461 = arith.addi %parallel_loop3A_448, %parallel_loop3A_460 : vector<16xi32>
      %parallel_loop3A_462 = arith.constant 16 : i32
      %parallel_loop3A_463 = arith.muli %parallel_loop3A_311, %parallel_loop3A_462 : i32
      %parallel_loop3A_464 = arith.constant 2816 : i32
      %parallel_loop3A_465 = arith.addi %parallel_loop3A_464, %parallel_loop3A_463 : i32
      %parallel_loop3A_466 = arith.index_cast %parallel_loop3A_465 : i32 to index
      %parallel_loop3A_467 = tpu.vector_load %arg9[%parallel_loop3A_466] {strides = array<i32>} : memref<4096xi32, #tpu.memory_space<vmem>>, vector<16xi32>,
      tpu.vector_store %arg9[%parallel_loop3A_466], %broadcast_in_dim3A_44 {strides = array<i32>} : memref<4096xi32, #tpu.memory_space<vmem>>, vector<16xi32>,
      %parallel_loop3A_468 = arith.constant 16 : i32
      %parallel_loop3A_469 = arith.muli %parallel_loop3A_311, %parallel_loop3A_468 : i32
      %parallel_loop3A_470 = arith.constant 3072 : i32
      %parallel_loop3A_471 = arith.addi %parallel_loop3A_470, %parallel_loop3A_469 : i32
      %parallel_loop3A_472 = arith.index_cast %parallel_loop3A_471 : i32 to index
      %parallel_loop3A_473 = tpu.vector_load %arg9[%parallel_loop3A_472] {strides = array<i32>} : memref<4096xi32, #tpu.memory_space<vmem>>, vector<16xi32>,
      %parallel_loop3A_474 = arith.addi %parallel_loop3A_461, %parallel_loop3A_473 : vector<16xi32>
      %parallel_loop3A_475 = arith.constant 16 : i32
      %parallel_loop3A_476 = arith.muli %parallel_loop3A_311, %parallel_loop3A_475 : i32
      %parallel_loop3A_477 = arith.constant 3072 : i32
      %parallel_loop3A_478 = arith.addi %parallel_loop3A_477, %parallel_loop3A_476 : i32
      %parallel_loop3A_479 = arith.index_cast %parallel_loop3A_478 : i32 to index
      %parallel_loop3A_480 = tpu.vector_load %arg9[%parallel_loop3A_479] {strides = array<i32>} : memref<4096xi32, #tpu.memory_space<vmem>>, vector<16xi32>,
      tpu.vector_store %arg9[%parallel_loop3A_479], %broadcast_in_dim3A_44 {strides = array<i32>} : memref<4096xi32, #tpu.memory_space<vmem>>, vector<16xi32>,
      %parallel_loop3A_481 = arith.constant 16 : i32
      %parallel_loop3A_482 = arith.muli %parallel_loop3A_311, %parallel_loop3A_481 : i32
      %parallel_loop3A_483 = arith.constant 3328 : i32
      %parallel_loop3A_484 = arith.addi %parallel_loop3A_483, %parallel_loop3A_482 : i32
      %parallel_loop3A_485 = arith.index_cast %parallel_loop3A_484 : i32 to index
      %parallel_loop3A_486 = tpu.vector_load %arg9[%parallel_loop3A_485] {strides = array<i32>} : memref<4096xi32, #tpu.memory_space<vmem>>, vector<16xi32>,
      %parallel_loop3A_487 = arith.addi %parallel_loop3A_474, %parallel_loop3A_486 : vector<16xi32>
      %parallel_loop3A_488 = arith.constant 16 : i32
      %parallel_loop3A_489 = arith.muli %parallel_loop3A_311, %parallel_loop3A_488 : i32
      %parallel_loop3A_490 = arith.constant 3328 : i32
      %parallel_loop3A_491 = arith.addi %parallel_loop3A_490, %parallel_loop3A_489 : i32
      %parallel_loop3A_492 = arith.index_cast %parallel_loop3A_491 : i32 to index
      %parallel_loop3A_493 = tpu.vector_load %arg9[%parallel_loop3A_492] {strides = array<i32>} : memref<4096xi32, #tpu.memory_space<vmem>>, vector<16xi32>,
      tpu.vector_store %arg9[%parallel_loop3A_492], %broadcast_in_dim3A_44 {strides = array<i32>} : memref<4096xi32, #tpu.memory_space<vmem>>, vector<16xi32>,
      %parallel_loop3A_494 = arith.constant 16 : i32
      %parallel_loop3A_495 = arith.muli %parallel_loop3A_311, %parallel_loop3A_494 : i32
      %parallel_loop3A_496 = arith.constant 3584 : i32
      %parallel_loop3A_497 = arith.addi %parallel_loop3A_496, %parallel_loop3A_495 : i32
      %parallel_loop3A_498 = arith.index_cast %parallel_loop3A_497 : i32 to index
      %parallel_loop3A_499 = tpu.vector_load %arg9[%parallel_loop3A_498] {strides = array<i32>} : memref<4096xi32, #tpu.memory_space<vmem>>, vector<16xi32>,
      %parallel_loop3A_500 = arith.addi %parallel_loop3A_487, %parallel_loop3A_499 : vector<16xi32>
      %parallel_loop3A_501 = arith.constant 16 : i32
      %parallel_loop3A_502 = arith.muli %parallel_loop3A_311, %parallel_loop3A_501 : i32
      %parallel_loop3A_503 = arith.constant 3584 : i32
      %parallel_loop3A_504 = arith.addi %parallel_loop3A_503, %parallel_loop3A_502 : i32
      %parallel_loop3A_505 = arith.index_cast %parallel_loop3A_504 : i32 to index
      %parallel_loop3A_506 = tpu.vector_load %arg9[%parallel_loop3A_505] {strides = array<i32>} : memref<4096xi32, #tpu.memory_space<vmem>>, vector<16xi32>,
      tpu.vector_store %arg9[%parallel_loop3A_505], %broadcast_in_dim3A_44 {strides = array<i32>} : memref<4096xi32, #tpu.memory_space<vmem>>, vector<16xi32>,
      %parallel_loop3A_507 = arith.constant 16 : i32
      %parallel_loop3A_508 = arith.muli %parallel_loop3A_311, %parallel_loop3A_507 : i32
      %parallel_loop3A_509 = arith.constant 3840 : i32
      %parallel_loop3A_510 = arith.addi %parallel_loop3A_509, %parallel_loop3A_508 : i32
      %parallel_loop3A_511 = arith.index_cast %parallel_loop3A_510 : i32 to index
      %parallel_loop3A_512 = tpu.vector_load %arg9[%parallel_loop3A_511] {strides = array<i32>} : memref<4096xi32, #tpu.memory_space<vmem>>, vector<16xi32>,
      %parallel_loop3A_513 = arith.addi %parallel_loop3A_500, %parallel_loop3A_512 : vector<16xi32>
      %parallel_loop3A_514 = arith.constant 16 : i32
      %parallel_loop3A_515 = arith.muli %parallel_loop3A_311, %parallel_loop3A_514 : i32
      %parallel_loop3A_516 = arith.constant 3840 : i32
      %parallel_loop3A_517 = arith.addi %parallel_loop3A_516, %parallel_loop3A_515 : i32
      %parallel_loop3A_518 = arith.index_cast %parallel_loop3A_517 : i32 to index
      %parallel_loop3A_519 = tpu.vector_load %arg9[%parallel_loop3A_518] {strides = array<i32>} : memref<4096xi32, #tpu.memory_space<vmem>>, vector<16xi32>,
      tpu.vector_store %arg9[%parallel_loop3A_518], %broadcast_in_dim3A_44 {strides = array<i32>} : memref<4096xi32, #tpu.memory_space<vmem>>, vector<16xi32>,
      %parallel_loop3A_520 = arith.constant 16 : i32
      %parallel_loop3A_521 = arith.muli %parallel_loop3A_311, %parallel_loop3A_520 : i32
      %parallel_loop3A_522 = arith.index_cast %parallel_loop3A_521 : i32 to index
      %parallel_loop3A_523 = tpu.vector_load %arg10[%parallel_loop3A_522] {strides = array<i32>} : memref<256xi32, #tpu.memory_space<vmem>>, vector<16xi32>,
      tpu.vector_store %arg10[%parallel_loop3A_522], %parallel_loop3A_513 {strides = array<i32>} : memref<256xi32, #tpu.memory_space<vmem>>, vector<16xi32>,
    } {sc.loop_unroll_factor = 1 : i64, sc.parallel_access}
    %sub3A_48 = arith.constant 64 : i32
    %sub3A_49 = arith.subi %sub3A_48, %scan3A_38 : i32
    %scan3A_50 = arith.constant 0 : i32
    %scan3A_51 = arith.constant 0 : i32
    %scan3A_52 = arith.constant 0 : i32
    %scan3A_53 = arith.constant 16 : i32
    %scan3A_54 = arith.addi %scan3A_52, %scan3A_53 : i32
    %scan3A_55 = arith.constant 1 : i32
    %scan3A_56:2 = scf.for %scan3A_311 = %scan3A_52 to %scan3A_54 step %scan3A_55 iter_args(%scan3A_312 = %scan3A_50, %scan3A_313 = %scan3A_51) -> (i32, i32)  : i32 {
      %sub3A_314 = arith.constant 15 : i32
      %sub3A_315 = arith.subi %sub3A_314, %scan3A_311 : i32
      %mul3A_316 = arith.constant 16 : i32
      %mul3A_317 = arith.muli %sub3A_315, %mul3A_316 : i32
      %get3A = arith.index_cast %mul3A_317 : i32 to index
      %get3A_318 = tpu.vector_load %arg10[%get3A] {strides = array<i32>} : memref<256xi32, #tpu.memory_space<vmem>>, vector<16xi32>,
      %rev3A = arith.constant 15 : i32
      %rev3A_319 = vector.broadcast %rev3A : i32 to vector<16xi32>
      %rev3A_320 = tpu.iota {dimensions = array<i32: 0>} : vector<16xi32>
      %rev3A_321 = arith.subi %rev3A_319, %rev3A_320 : vector<16xi32>
      %rev3A_322 = tpu.dynamic_gather %get3A_318[%rev3A_321] in [0] : vector<16xi32>, vector<16xi32> -> vector<16xi32>
      %broadcast_in_dim3A_323 = arith.constant true
      %broadcast_in_dim3A_324 = vector.broadcast %broadcast_in_dim3A_323 : i1 to vector<16xi1>
      %masked_cumsum3A = tpu.scan <sum>, %rev3A_322 masked %broadcast_in_dim3A_324 : vector<16xi32>, vector<16xi1> -> vector<16xi32>
      %rev3A_325 = arith.constant 15 : i32
      %rev3A_326 = vector.broadcast %rev3A_325 : i32 to vector<16xi32>
      %rev3A_327 = tpu.iota {dimensions = array<i32: 0>} : vector<16xi32>
      %rev3A_328 = arith.subi %rev3A_326, %rev3A_327 : vector<16xi32>
      %rev3A_329 = tpu.dynamic_gather %masked_cumsum3A[%rev3A_328] in [0] : vector<16xi32>, vector<16xi32> -> vector<16xi32>
      %add3A_330 = vector.broadcast %scan3A_313 : i32 to vector<16xi32>
      %add3A_331 = arith.addi %rev3A_329, %add3A_330 : vector<16xi32>
      %ge3A = vector.broadcast %sub3A_49 : i32 to vector<16xi32>
      %ge3A_332 = arith.cmpi sge, %add3A_331, %ge3A : vector<16xi32>
      %convert_element_type3A = arith.extui %ge3A_332 : vector<16xi1> to vector<16xi32>
      %reduce_sum3A = arith.constant true
      %reduce_sum3A_333 = vector.broadcast %reduce_sum3A : i1 to vector<16xi1>
      %reduce_sum3A_334 = tpu.scan <sum>, %convert_element_type3A masked %reduce_sum3A_333 : vector<16xi32>, vector<16xi1> -> vector<16xi32>
      %reduce_sum3A_335 = vector.extract %reduce_sum3A_334[15] : i32 from vector<16xi32>
      %add3A_336 = arith.addi %scan3A_312, %reduce_sum3A_335 : i32
      %reduce_sum3A_337 = arith.constant true
      %reduce_sum3A_338 = vector.broadcast %reduce_sum3A_337 : i1 to vector<16xi1>
      %reduce_sum3A_339 = tpu.scan <sum>, %get3A_318 masked %reduce_sum3A_338 : vector<16xi32>, vector<16xi1> -> vector<16xi32>
      %reduce_sum3A_340 = vector.extract %reduce_sum3A_339[15] : i32 from vector<16xi32>
      %add3A_341 = arith.addi %scan3A_313, %reduce_sum3A_340 : i32
      scf.yield %add3A_336, %add3A_341 : i32, i32
    }
    %scan3A_57 = arith.constant 16 : i32
    %sub3A_58 = arith.constant 1 : i32
    %sub3A_59 = arith.subi %scan3A_56#0, %sub3A_58 : i32
    %scan3A_60 = arith.constant 0 : i32
    %scan3A_61 = arith.constant 0 : i32
    %scan3A_62 = arith.constant 16 : i32
    %scan3A_63 = arith.addi %scan3A_61, %scan3A_62 : i32
    %scan3A_64 = arith.constant 1 : i32
    %scan3A_65 = scf.for %scan3A_311 = %scan3A_61 to %scan3A_63 step %scan3A_64 iter_args(%scan3A_312 = %scan3A_60) -> (i32)  : i32 {
      %mul3A_313 = arith.constant 16 : i32
      %mul3A_314 = arith.muli %scan3A_311, %mul3A_313 : i32
      %get3A = arith.index_cast %mul3A_314 : i32 to index
      %get3A_315 = tpu.vector_load %arg10[%get3A] {strides = array<i32>} : memref<256xi32, #tpu.memory_space<vmem>>, vector<16xi32>,
      %iota3A_316 = tpu.iota {dimensions = array<i32: 0>} : vector<16xi32>
      %mul3A_317 = arith.constant 16 : i32
      %mul3A_318 = arith.muli %scan3A_311, %mul3A_317 : i32
      %add3A_319 = vector.broadcast %mul3A_318 : i32 to vector<16xi32>
      %add3A_320 = arith.addi %iota3A_316, %add3A_319 : vector<16xi32>
      %gt3A = vector.broadcast %sub3A_59 : i32 to vector<16xi32>
      %gt3A_321 = arith.cmpi sgt, %add3A_320, %gt3A : vector<16xi32>
      %jit3A_322 = arith.constant 0 : i32
      %broadcast_in_dim3A_323 = vector.broadcast %jit3A_322 : i32 to vector<16xi32>
      %select_n3A_324 = arith.select %gt3A_321, %get3A_315, %broadcast_in_dim3A_323 : vector<16xi1>, vector<16xi32>
      %reduce_sum3A = arith.constant true
      %reduce_sum3A_325 = vector.broadcast %reduce_sum3A : i1 to vector<16xi1>
      %reduce_sum3A_326 = tpu.scan <sum>, %select_n3A_324 masked %reduce_sum3A_325 : vector<16xi32>, vector<16xi1> -> vector<16xi32>
      %reduce_sum3A_327 = vector.extract %reduce_sum3A_326[15] : i32 from vector<16xi32>
      %add3A_328 = arith.addi %scan3A_312, %reduce_sum3A_327 : i32
      scf.yield %add3A_328 : i32
    }
    %scan3A_66 = arith.constant 16 : i32
    %add3A_67 = arith.addi %scan3A_38, %scan3A_65 : i32
    %mul3A_68 = arith.constant 256 : i32
    %mul3A_69 = arith.muli %sub3A_32, %mul3A_68 : i32
    %add3A_70 = arith.addi %mul3A_69, %sub3A_59 : i32
    %parallel_loop3A_71 = arith.constant 0 : i32
    %parallel_loop3A_72 = arith.constant 512 : i32
    %parallel_loop3A_73 = arith.constant 1 : i32
    %parallel_loop3A_74 = arith.constant 0 : i32
    %parallel_loop3A_75 = scf.for %parallel_loop3A_311 = %parallel_loop3A_71 to %parallel_loop3A_72 step %parallel_loop3A_73 iter_args(%parallel_loop3A_312 = %parallel_loop3A_74) -> (i32)  : i32 {
      %parallel_loop3A_313 = arith.constant 16 : i32
      %parallel_loop3A_314 = arith.muli %parallel_loop3A_311, %parallel_loop3A_313 : i32
      %parallel_loop3A_315 = arith.index_cast %parallel_loop3A_314 : i32 to index
      %parallel_loop3A_316 = tpu.vector_load %arg5[%parallel_loop3A_315] {strides = array<i32>} : memref<8192xi32, #tpu.memory_space<vmem>>, vector<16xi32>,
      %parallel_loop3A_317 = arith.constant 16 : i32
      %parallel_loop3A_318 = vector.broadcast %parallel_loop3A_317 : i32 to vector<16xi32>
      %parallel_loop3A_319 = arith.shrui %parallel_loop3A_316, %parallel_loop3A_318 : vector<16xi32>
      %parallel_loop3A_320 = vector.broadcast %add3A_70 : i32 to vector<16xi32>
      %parallel_loop3A_321 = arith.cmpi eq, %parallel_loop3A_319, %parallel_loop3A_320 : vector<16xi32>
      %parallel_loop3A_322 = arith.extui %parallel_loop3A_321 : vector<16xi1> to vector<16xi32>
      %parallel_loop3A_323 = arith.constant true
      %parallel_loop3A_324 = vector.broadcast %parallel_loop3A_323 : i1 to vector<16xi1>
      %parallel_loop3A_325 = tpu.scan <sum>, %parallel_loop3A_322 masked %parallel_loop3A_324 : vector<16xi32>, vector<16xi1> -> vector<16xi32>
      %parallel_loop3A_326 = vector.broadcast %parallel_loop3A_312 : i32 to vector<16xi32>
      %parallel_loop3A_327 = arith.addi %parallel_loop3A_326, %parallel_loop3A_325 : vector<16xi32>
      %parallel_loop3A_328 = arith.constant 1 : i32
      %parallel_loop3A_329 = vector.broadcast %parallel_loop3A_328 : i32 to vector<16xi32>
      %parallel_loop3A_330 = arith.subi %parallel_loop3A_327, %parallel_loop3A_329 : vector<16xi32>
      %parallel_loop3A_331 = vector.bitcast %parallel_loop3A_316 : vector<16xi32> to vector<16xi32>
      tpu.vector_store_idx %arg7[%parallel_loop3A_330], %parallel_loop3A_331 masked %parallel_loop3A_321 : memref<8192xi32, #tpu.memory_space<vmem>>[vector<16xi32>], vector<16xi32>, vector<16xi1>
      %parallel_loop3A_332 = arith.constant 16 : i32
      %parallel_loop3A_333 = arith.muli %parallel_loop3A_311, %parallel_loop3A_332 : i32
      %parallel_loop3A_334 = vector.broadcast %parallel_loop3A_333 : i32 to vector<16xi32>
      %parallel_loop3A_335 = arith.addi %iota3A, %parallel_loop3A_334 : vector<16xi32>
      tpu.vector_store_idx %arg8[%parallel_loop3A_330], %parallel_loop3A_335 masked %parallel_loop3A_321 : memref<8192xi32, #tpu.memory_space<vmem>>[vector<16xi32>], vector<16xi32>, vector<16xi1>
      %parallel_loop3A_336 = arith.constant true
      %parallel_loop3A_337 = vector.broadcast %parallel_loop3A_336 : i1 to vector<16xi1>
      %parallel_loop3A_338 = tpu.scan <sum>, %parallel_loop3A_322 masked %parallel_loop3A_337 : vector<16xi32>, vector<16xi1> -> vector<16xi32>
      %parallel_loop3A_339 = vector.extract %parallel_loop3A_338[15] : i32 from vector<16xi32>
      %parallel_loop3A_340 = arith.addi %parallel_loop3A_312, %parallel_loop3A_339 : i32
      scf.yield %parallel_loop3A_340 : i32
    } {sc.loop_unroll_factor = 8 : i64, sc.parallel_access}
    %add3A_76 = arith.constant 15 : i32
    %add3A_77 = arith.addi %parallel_loop3A_75, %add3A_76 : i32
    %jit3A = arith.constant 16 : i32
    %div3A = arith.divsi %add3A_77, %jit3A : i32
    %sign3A = arith.constant 0 : i32
    %sign3A_78 = arith.cmpi sgt, %add3A_77, %sign3A : i32
    %sign3A_79 = arith.extui %sign3A_78 : i1 to i32
    %sign3A_80 = arith.constant 0 : i32
    %sign3A_81 = arith.cmpi slt, %add3A_77, %sign3A_80 : i32
    %sign3A_82 = arith.extui %sign3A_81 : i1 to i32
    %sign3A_83 = arith.subi %sign3A_79, %sign3A_82 : i32
    %sign3A_84 = arith.constant 0 : i32
    %sign3A_85 = arith.cmpi sgt, %jit3A, %sign3A_84 : i32
    %sign3A_86 = arith.extui %sign3A_85 : i1 to i32
    %sign3A_87 = arith.constant 0 : i32
    %sign3A_88 = arith.cmpi slt, %jit3A, %sign3A_87 : i32
    %sign3A_89 = arith.extui %sign3A_88 : i1 to i32
    %sign3A_90 = arith.subi %sign3A_86, %sign3A_89 : i32
    %ne3A = arith.cmpi ne, %sign3A_83, %sign3A_90 : i32
    %rem3A = arith.remsi %add3A_77, %jit3A : i32
    %ne3A_91 = arith.constant 0 : i32
    %ne3A_92 = arith.cmpi ne, %rem3A, %ne3A_91 : i32
    %and3A = arith.andi %ne3A, %ne3A_92 : i1
    %sub3A_93 = arith.constant 1 : i32
    %sub3A_94 = arith.subi %div3A, %sub3A_93 : i32
    %select_n3A = arith.select %and3A, %sub3A_94, %div3A : i32
    %sub3A_95 = arith.constant 64 : i32
    %sub3A_96 = arith.subi %sub3A_95, %add3A_67 : i32
    %scan3A_97 = arith.constant 0 : i32
    %scan3A_98 = arith.constant 0 : i32
    %scan3A_99 = arith.constant 16 : i32
    %scan3A_100 = arith.addi %scan3A_98, %scan3A_99 : i32
    %scan3A_101 = arith.constant 1 : i32
    %scan3A_102 = scf.for %scan3A_311 = %scan3A_98 to %scan3A_100 step %scan3A_101 iter_args(%scan3A_312 = %scan3A_97) -> (i32)  : i32 {
      %sub3A_313 = arith.constant 15 : i32
      %sub3A_314 = arith.subi %sub3A_313, %scan3A_311 : i32
      %shift_left3A_315 = arith.constant 1 : i32
      %shift_left3A_316 = arith.shli %shift_left3A_315, %sub3A_314 : i32
      %or3A_317 = arith.ori %scan3A_312, %shift_left3A_316 : i32
      %while3A_318 = arith.constant 0 : i32
      %while3A_319 = arith.constant 0 : i32
      %while3A_320 = arith.subi %select_n3A, %while3A_318 : i32
      %while3A_321 = arith.addi %while3A_318, %while3A_320 : i32
      %while3A_322 = arith.constant 1 : i32
      %while3A_323 = arith.divsi %while3A_320, %while3A_322 : i32
      %while3A_324 = arith.muli %while3A_323, %while3A_322 : i32
      %while3A_325 = arith.addi %while3A_318, %while3A_324 : i32
      %while3A_326 = arith.constant 1 : i32
      %while3A_327 = scf.for %while3A_331 = %while3A_318 to %while3A_325 step %while3A_326 iter_args(%while3A_332 = %while3A_319) -> (i32)  : i32 {
        %mul3A_333 = arith.constant 16 : i32
        %mul3A_334 = arith.muli %while3A_331, %mul3A_333 : i32
        %get3A = arith.index_cast %mul3A_334 : i32 to index
        %get3A_335 = tpu.vector_load %arg7[%get3A] {strides = array<i32>} : memref<8192xi32, #tpu.memory_space<vmem>>, vector<16xi32>,
        %and3A_336 = arith.constant 65535 : i32
        %and3A_337 = vector.broadcast %and3A_336 : i32 to vector<16xi32>
        %and3A_338 = arith.andi %get3A_335, %and3A_337 : vector<16xi32>
        %mul3A_339 = arith.constant 16 : i32
        %mul3A_340 = arith.muli %while3A_331, %mul3A_339 : i32
        %add3A_341 = vector.broadcast %mul3A_340 : i32 to vector<16xi32>
        %add3A_342 = arith.addi %iota3A, %add3A_341 : vector<16xi32>
        %lt3A = vector.broadcast %parallel_loop3A_75 : i32 to vector<16xi32>
        %lt3A_343 = arith.cmpi slt, %add3A_342, %lt3A : vector<16xi32>
        %ge3A_344 = vector.broadcast %or3A_317 : i32 to vector<16xi32>
        %ge3A_345 = arith.cmpi sge, %and3A_338, %ge3A_344 : vector<16xi32>
        %and3A_346 = arith.andi %lt3A_343, %ge3A_345 : vector<16xi1>
        %convert_element_type3A = arith.extui %and3A_346 : vector<16xi1> to vector<16xi32>
        %reduce_sum3A = arith.constant true
        %reduce_sum3A_347 = vector.broadcast %reduce_sum3A : i1 to vector<16xi1>
        %reduce_sum3A_348 = tpu.scan <sum>, %convert_element_type3A masked %reduce_sum3A_347 : vector<16xi32>, vector<16xi1> -> vector<16xi32>
        %reduce_sum3A_349 = vector.extract %reduce_sum3A_348[15] : i32 from vector<16xi32>
        %add3A_350 = arith.addi %while3A_332, %reduce_sum3A_349 : i32
        scf.yield %add3A_350 : i32
      }
      %while3A_328 = arith.constant 1 : i32
      %while3A_329 = scf.for %while3A_331 = %while3A_325 to %while3A_321 step %while3A_328 iter_args(%while3A_332 = %while3A_327) -> (i32)  : i32 {
        %mul3A_333 = arith.constant 16 : i32
        %mul3A_334 = arith.muli %while3A_331, %mul3A_333 : i32
        %get3A = arith.index_cast %mul3A_334 : i32 to index
        %get3A_335 = tpu.vector_load %arg7[%get3A] {strides = array<i32>} : memref<8192xi32, #tpu.memory_space<vmem>>, vector<16xi32>,
        %and3A_336 = arith.constant 65535 : i32
        %and3A_337 = vector.broadcast %and3A_336 : i32 to vector<16xi32>
        %and3A_338 = arith.andi %get3A_335, %and3A_337 : vector<16xi32>
        %mul3A_339 = arith.constant 16 : i32
        %mul3A_340 = arith.muli %while3A_331, %mul3A_339 : i32
        %add3A_341 = vector.broadcast %mul3A_340 : i32 to vector<16xi32>
        %add3A_342 = arith.addi %iota3A, %add3A_341 : vector<16xi32>
        %lt3A = vector.broadcast %parallel_loop3A_75 : i32 to vector<16xi32>
        %lt3A_343 = arith.cmpi slt, %add3A_342, %lt3A : vector<16xi32>
        %ge3A_344 = vector.broadcast %or3A_317 : i32 to vector<16xi32>
        %ge3A_345 = arith.cmpi sge, %and3A_338, %ge3A_344 : vector<16xi32>
        %and3A_346 = arith.andi %lt3A_343, %ge3A_345 : vector<16xi1>
        %convert_element_type3A = arith.extui %and3A_346 : vector<16xi1> to vector<16xi32>
        %reduce_sum3A = arith.constant true
        %reduce_sum3A_347 = vector.broadcast %reduce_sum3A : i1 to vector<16xi1>
        %reduce_sum3A_348 = tpu.scan <sum>, %convert_element_type3A masked %reduce_sum3A_347 : vector<16xi32>, vector<16xi1> -> vector<16xi32>
        %reduce_sum3A_349 = vector.extract %reduce_sum3A_348[15] : i32 from vector<16xi32>
        %add3A_350 = arith.addi %while3A_332, %reduce_sum3A_349 : i32
        scf.yield %add3A_350 : i32
      }
      %ge3A = arith.cmpi sge, %while3A_329, %sub3A_96 : i32
      %select_n3A_330 = arith.select %ge3A, %or3A_317, %scan3A_312 : i32
      scf.yield %select_n3A_330 : i32
    }
    %scan3A_103 = arith.constant 16 : i32
    %while3A = arith.constant 0 : i32
    %while3A_104 = arith.constant 0 : i32
    %while3A_105 = arith.subi %select_n3A, %while3A : i32
    %while3A_106 = arith.addi %while3A, %while3A_105 : i32
    %while3A_107 = arith.constant 1 : i32
    %while3A_108 = arith.divsi %while3A_105, %while3A_107 : i32
    %while3A_109 = arith.muli %while3A_108, %while3A_107 : i32
    %while3A_110 = arith.addi %while3A, %while3A_109 : i32
    %while3A_111 = arith.constant 1 : i32
    %while3A_112 = scf.for %while3A_311 = %while3A to %while3A_110 step %while3A_111 iter_args(%while3A_312 = %while3A_104) -> (i32)  : i32 {
      %mul3A_313 = arith.constant 16 : i32
      %mul3A_314 = arith.muli %while3A_311, %mul3A_313 : i32
      %get3A = arith.index_cast %mul3A_314 : i32 to index
      %get3A_315 = tpu.vector_load %arg7[%get3A] {strides = array<i32>} : memref<8192xi32, #tpu.memory_space<vmem>>, vector<16xi32>,
      %and3A_316 = arith.constant 65535 : i32
      %and3A_317 = vector.broadcast %and3A_316 : i32 to vector<16xi32>
      %and3A_318 = arith.andi %get3A_315, %and3A_317 : vector<16xi32>
      %mul3A_319 = arith.constant 16 : i32
      %mul3A_320 = arith.muli %while3A_311, %mul3A_319 : i32
      %add3A_321 = vector.broadcast %mul3A_320 : i32 to vector<16xi32>
      %add3A_322 = arith.addi %iota3A, %add3A_321 : vector<16xi32>
      %lt3A = vector.broadcast %parallel_loop3A_75 : i32 to vector<16xi32>
      %lt3A_323 = arith.cmpi slt, %add3A_322, %lt3A : vector<16xi32>
      %gt3A = vector.broadcast %scan3A_102 : i32 to vector<16xi32>
      %gt3A_324 = arith.cmpi sgt, %and3A_318, %gt3A : vector<16xi32>
      %and3A_325 = arith.andi %lt3A_323, %gt3A_324 : vector<16xi1>
      %convert_element_type3A = arith.extui %and3A_325 : vector<16xi1> to vector<16xi32>
      %reduce_sum3A = arith.constant true
      %reduce_sum3A_326 = vector.broadcast %reduce_sum3A : i1 to vector<16xi1>
      %reduce_sum3A_327 = tpu.scan <sum>, %convert_element_type3A masked %reduce_sum3A_326 : vector<16xi32>, vector<16xi1> -> vector<16xi32>
      %reduce_sum3A_328 = vector.extract %reduce_sum3A_327[15] : i32 from vector<16xi32>
      %add3A_329 = arith.addi %while3A_312, %reduce_sum3A_328 : i32
      scf.yield %add3A_329 : i32
    }
    %while3A_113 = arith.constant 1 : i32
    %while3A_114 = scf.for %while3A_311 = %while3A_110 to %while3A_106 step %while3A_113 iter_args(%while3A_312 = %while3A_112) -> (i32)  : i32 {
      %mul3A_313 = arith.constant 16 : i32
      %mul3A_314 = arith.muli %while3A_311, %mul3A_313 : i32
      %get3A = arith.index_cast %mul3A_314 : i32 to index
      %get3A_315 = tpu.vector_load %arg7[%get3A] {strides = array<i32>} : memref<8192xi32, #tpu.memory_space<vmem>>, vector<16xi32>,
      %and3A_316 = arith.constant 65535 : i32
      %and3A_317 = vector.broadcast %and3A_316 : i32 to vector<16xi32>
      %and3A_318 = arith.andi %get3A_315, %and3A_317 : vector<16xi32>
      %mul3A_319 = arith.constant 16 : i32
      %mul3A_320 = arith.muli %while3A_311, %mul3A_319 : i32
      %add3A_321 = vector.broadcast %mul3A_320 : i32 to vector<16xi32>
      %add3A_322 = arith.addi %iota3A, %add3A_321 : vector<16xi32>
      %lt3A = vector.broadcast %parallel_loop3A_75 : i32 to vector<16xi32>
      %lt3A_323 = arith.cmpi slt, %add3A_322, %lt3A : vector<16xi32>
      %gt3A = vector.broadcast %scan3A_102 : i32 to vector<16xi32>
      %gt3A_324 = arith.cmpi sgt, %and3A_318, %gt3A : vector<16xi32>
      %and3A_325 = arith.andi %lt3A_323, %gt3A_324 : vector<16xi1>
      %convert_element_type3A = arith.extui %and3A_325 : vector<16xi1> to vector<16xi32>
      %reduce_sum3A = arith.constant true
      %reduce_sum3A_326 = vector.broadcast %reduce_sum3A : i1 to vector<16xi1>
      %reduce_sum3A_327 = tpu.scan <sum>, %convert_element_type3A masked %reduce_sum3A_326 : vector<16xi32>, vector<16xi1> -> vector<16xi32>
      %reduce_sum3A_328 = vector.extract %reduce_sum3A_327[15] : i32 from vector<16xi32>
      %add3A_329 = arith.addi %while3A_312, %reduce_sum3A_328 : i32
      scf.yield %add3A_329 : i32
    }
    %add3A_115 = arith.addi %add3A_67, %while3A_114 : i32
    %sub3A_116 = arith.constant 64 : i32
    %sub3A_117 = arith.subi %sub3A_116, %add3A_115 : i32
    %while3A_118 = arith.constant 0 : i32
    %while3A_119 = arith.constant 0 : i32
    %while3A_120 = arith.constant 0 : i32
    %while3A_121 = arith.subi %select_n3A, %while3A_118 : i32
    %while3A_122 = arith.addi %while3A_118, %while3A_121 : i32
    %while3A_123 = arith.constant 1 : i32
    %while3A_124 = arith.divsi %while3A_121, %while3A_123 : i32
    %while3A_125 = arith.muli %while3A_124, %while3A_123 : i32
    %while3A_126 = arith.addi %while3A_118, %while3A_125 : i32
    %while3A_127 = arith.constant 1 : i32
    %while3A_128:2 = scf.for %while3A_311 = %while3A_118 to %while3A_126 step %while3A_127 iter_args(%while3A_312 = %while3A_119, %while3A_313 = %while3A_120) -> (i32, i32)  : i32 {
      %mul3A_314 = arith.constant 16 : i32
      %mul3A_315 = arith.muli %while3A_311, %mul3A_314 : i32
      %get3A = arith.index_cast %mul3A_315 : i32 to index
      %get3A_316 = tpu.vector_load %arg7[%get3A] {strides = array<i32>} : memref<8192xi32, #tpu.memory_space<vmem>>, vector<16xi32>,
      %and3A_317 = arith.constant 65535 : i32
      %and3A_318 = vector.broadcast %and3A_317 : i32 to vector<16xi32>
      %and3A_319 = arith.andi %get3A_316, %and3A_318 : vector<16xi32>
      %mul3A_320 = arith.constant 16 : i32
      %mul3A_321 = arith.muli %while3A_311, %mul3A_320 : i32
      %add3A_322 = vector.broadcast %mul3A_321 : i32 to vector<16xi32>
      %add3A_323 = arith.addi %iota3A, %add3A_322 : vector<16xi32>
      %lt3A = vector.broadcast %parallel_loop3A_75 : i32 to vector<16xi32>
      %lt3A_324 = arith.cmpi slt, %add3A_323, %lt3A : vector<16xi32>
      %eq3A = vector.broadcast %scan3A_102 : i32 to vector<16xi32>
      %eq3A_325 = arith.cmpi eq, %and3A_319, %eq3A : vector<16xi32>
      %and3A_326 = arith.andi %lt3A_324, %eq3A_325 : vector<16xi1>
      %convert_element_type3A = arith.extui %and3A_326 : vector<16xi1> to vector<16xi32>
      %broadcast_in_dim3A_327 = arith.constant true
      %broadcast_in_dim3A_328 = vector.broadcast %broadcast_in_dim3A_327 : i1 to vector<16xi1>
      %masked_cumsum3A = tpu.scan <sum>, %convert_element_type3A masked %broadcast_in_dim3A_328 : vector<16xi32>, vector<16xi1> -> vector<16xi32>
      %add3A_329 = vector.broadcast %while3A_312 : i32 to vector<16xi32>
      %add3A_330 = arith.addi %add3A_329, %masked_cumsum3A : vector<16xi32>
      %eq3A_331 = vector.broadcast %sub3A_117 : i32 to vector<16xi32>
      %eq3A_332 = arith.cmpi eq, %add3A_330, %eq3A_331 : vector<16xi32>
      %and3A_333 = arith.andi %and3A_326, %eq3A_332 : vector<16xi1>
      %mul3A_334 = arith.constant 16 : i32
      %mul3A_335 = arith.muli %while3A_311, %mul3A_334 : i32
      %get3A_336 = arith.index_cast %mul3A_335 : i32 to index
      %get3A_337 = tpu.vector_load %arg8[%get3A_336] {strides = array<i32>} : memref<8192xi32, #tpu.memory_space<vmem>>, vector<16xi32>,
      %jit3A_338 = arith.constant 0 : i32
      %broadcast_in_dim3A_339 = vector.broadcast %jit3A_338 : i32 to vector<16xi32>
      %select_n3A_340 = arith.select %and3A_333, %get3A_337, %broadcast_in_dim3A_339 : vector<16xi1>, vector<16xi32>
      %reduce_sum3A = arith.constant true
      %reduce_sum3A_341 = vector.broadcast %reduce_sum3A : i1 to vector<16xi1>
      %reduce_sum3A_342 = tpu.scan <sum>, %select_n3A_340 masked %reduce_sum3A_341 : vector<16xi32>, vector<16xi1> -> vector<16xi32>
      %reduce_sum3A_343 = vector.extract %reduce_sum3A_342[15] : i32 from vector<16xi32>
      %add3A_344 = arith.addi %while3A_313, %reduce_sum3A_343 : i32
      %reduce_sum3A_345 = arith.constant true
      %reduce_sum3A_346 = vector.broadcast %reduce_sum3A_345 : i1 to vector<16xi1>
      %reduce_sum3A_347 = tpu.scan <sum>, %convert_element_type3A masked %reduce_sum3A_346 : vector<16xi32>, vector<16xi1> -> vector<16xi32>
      %reduce_sum3A_348 = vector.extract %reduce_sum3A_347[15] : i32 from vector<16xi32>
      %add3A_349 = arith.addi %while3A_312, %reduce_sum3A_348 : i32
      scf.yield %add3A_349, %add3A_344 : i32, i32
    }
    %while3A_129 = arith.constant 1 : i32
    %while3A_130:2 = scf.for %while3A_311 = %while3A_126 to %while3A_122 step %while3A_129 iter_args(%while3A_312 = %while3A_128#0, %while3A_313 = %while3A_128#1) -> (i32, i32)  : i32 {
      %mul3A_314 = arith.constant 16 : i32
      %mul3A_315 = arith.muli %while3A_311, %mul3A_314 : i32
      %get3A = arith.index_cast %mul3A_315 : i32 to index
      %get3A_316 = tpu.vector_load %arg7[%get3A] {strides = array<i32>} : memref<8192xi32, #tpu.memory_space<vmem>>, vector<16xi32>,
      %and3A_317 = arith.constant 65535 : i32
      %and3A_318 = vector.broadcast %and3A_317 : i32 to vector<16xi32>
      %and3A_319 = arith.andi %get3A_316, %and3A_318 : vector<16xi32>
      %mul3A_320 = arith.constant 16 : i32
      %mul3A_321 = arith.muli %while3A_311, %mul3A_320 : i32
      %add3A_322 = vector.broadcast %mul3A_321 : i32 to vector<16xi32>
      %add3A_323 = arith.addi %iota3A, %add3A_322 : vector<16xi32>
      %lt3A = vector.broadcast %parallel_loop3A_75 : i32 to vector<16xi32>
      %lt3A_324 = arith.cmpi slt, %add3A_323, %lt3A : vector<16xi32>
      %eq3A = vector.broadcast %scan3A_102 : i32 to vector<16xi32>
      %eq3A_325 = arith.cmpi eq, %and3A_319, %eq3A : vector<16xi32>
      %and3A_326 = arith.andi %lt3A_324, %eq3A_325 : vector<16xi1>
      %convert_element_type3A = arith.extui %and3A_326 : vector<16xi1> to vector<16xi32>
      %broadcast_in_dim3A_327 = arith.constant true
      %broadcast_in_dim3A_328 = vector.broadcast %broadcast_in_dim3A_327 : i1 to vector<16xi1>
      %masked_cumsum3A = tpu.scan <sum>, %convert_element_type3A masked %broadcast_in_dim3A_328 : vector<16xi32>, vector<16xi1> -> vector<16xi32>
      %add3A_329 = vector.broadcast %while3A_312 : i32 to vector<16xi32>
      %add3A_330 = arith.addi %add3A_329, %masked_cumsum3A : vector<16xi32>
      %eq3A_331 = vector.broadcast %sub3A_117 : i32 to vector<16xi32>
      %eq3A_332 = arith.cmpi eq, %add3A_330, %eq3A_331 : vector<16xi32>
      %and3A_333 = arith.andi %and3A_326, %eq3A_332 : vector<16xi1>
      %mul3A_334 = arith.constant 16 : i32
      %mul3A_335 = arith.muli %while3A_311, %mul3A_334 : i32
      %get3A_336 = arith.index_cast %mul3A_335 : i32 to index
      %get3A_337 = tpu.vector_load %arg8[%get3A_336] {strides = array<i32>} : memref<8192xi32, #tpu.memory_space<vmem>>, vector<16xi32>,
      %jit3A_338 = arith.constant 0 : i32
      %broadcast_in_dim3A_339 = vector.broadcast %jit3A_338 : i32 to vector<16xi32>
      %select_n3A_340 = arith.select %and3A_333, %get3A_337, %broadcast_in_dim3A_339 : vector<16xi1>, vector<16xi32>
      %reduce_sum3A = arith.constant true
      %reduce_sum3A_341 = vector.broadcast %reduce_sum3A : i1 to vector<16xi1>
      %reduce_sum3A_342 = tpu.scan <sum>, %select_n3A_340 masked %reduce_sum3A_341 : vector<16xi32>, vector<16xi1> -> vector<16xi32>
      %reduce_sum3A_343 = vector.extract %reduce_sum3A_342[15] : i32 from vector<16xi32>
      %add3A_344 = arith.addi %while3A_313, %reduce_sum3A_343 : i32
      %reduce_sum3A_345 = arith.constant true
      %reduce_sum3A_346 = vector.broadcast %reduce_sum3A_345 : i1 to vector<16xi1>
      %reduce_sum3A_347 = tpu.scan <sum>, %convert_element_type3A masked %reduce_sum3A_346 : vector<16xi32>, vector<16xi1> -> vector<16xi32>
      %reduce_sum3A_348 = vector.extract %reduce_sum3A_347[15] : i32 from vector<16xi32>
      %add3A_349 = arith.addi %while3A_312, %reduce_sum3A_348 : i32
      scf.yield %add3A_349, %add3A_344 : i32, i32
    }
    %shift_left3A = arith.constant 16 : i32
    %shift_left3A_131 = arith.shli %add3A_70, %shift_left3A : i32
    %or3A = arith.ori %shift_left3A_131, %scan3A_102 : i32
    %dma_wait3A = arith.constant 0 : i32
    %dma_wait3A_132 = tpu.memref_slice %arg3[%add3A_10, %dma_wait3A] : memref<64x8192xf32, #tpu.memory_space<hbm>> -> memref<1x8192xf32, #tpu.memory_space<hbm>>
    %dma_wait3A_133 = tpu.memref_squeeze %dma_wait3A_132 : memref<1x8192xf32, #tpu.memory_space<hbm>> -> memref<8192xf32, #tpu.memory_space<hbm>>
    %dma_wait3A_134 = arith.constant 0 : i32
    %dma_wait3A_135 = tpu.memref_slice %arg3[%add3A_10, %dma_wait3A_134] : memref<64x8192xf32, #tpu.memory_space<hbm>> -> memref<1x8192xf32, #tpu.memory_space<hbm>>
    %dma_wait3A_136 = tpu.memref_squeeze %dma_wait3A_135 : memref<1x8192xf32, #tpu.memory_space<hbm>> -> memref<8192xf32, #tpu.memory_space<hbm>>
    tpu.wait_dma2 semaphore(%arg11 : memref<!tpu.dma_semaphore, #tpu.memory_space<semaphore_mem>>) src(%dma_wait3A_136 : memref<8192xf32, #tpu.memory_space<hbm>>) dst(%arg6 : memref<8192xf32, #tpu.memory_space<vmem>>)
    %parallel_loop3A_137 = arith.constant 0 : i32
    %parallel_loop3A_138 = arith.constant 512 : i32
    %parallel_loop3A_139 = arith.constant 1 : i32
    scf.for %parallel_loop3A_311 = %parallel_loop3A_137 to %parallel_loop3A_138 step %parallel_loop3A_139  : i32 {
      %parallel_loop3A_312 = arith.constant 16 : i32
      %parallel_loop3A_313 = arith.muli %parallel_loop3A_311, %parallel_loop3A_312 : i32
      %parallel_loop3A_314 = arith.index_cast %parallel_loop3A_313 : i32 to index
      %parallel_loop3A_315 = tpu.vector_load %arg5[%parallel_loop3A_314] {strides = array<i32>} : memref<8192xi32, #tpu.memory_space<vmem>>, vector<16xi32>,
      %parallel_loop3A_316 = arith.constant 16 : i32
      %parallel_loop3A_317 = arith.muli %parallel_loop3A_311, %parallel_loop3A_316 : i32
      %parallel_loop3A_318 = arith.index_cast %parallel_loop3A_317 : i32 to index
      %parallel_loop3A_319 = tpu.vector_load %arg6[%parallel_loop3A_318] {strides = array<i32>} : memref<8192xf32, #tpu.memory_space<vmem>>, vector<16xf32>,
      %parallel_loop3A_320 = arith.constant 16 : i32
      %parallel_loop3A_321 = arith.muli %parallel_loop3A_311, %parallel_loop3A_320 : i32
      %parallel_loop3A_322 = vector.broadcast %parallel_loop3A_321 : i32 to vector<16xi32>
      %parallel_loop3A_323 = arith.addi %iota3A, %parallel_loop3A_322 : vector<16xi32>
      %parallel_loop3A_324 = vector.broadcast %or3A : i32 to vector<16xi32>
      %parallel_loop3A_325 = arith.cmpi ugt, %parallel_loop3A_315, %parallel_loop3A_324 : vector<16xi32>
      %parallel_loop3A_326 = vector.broadcast %or3A : i32 to vector<16xi32>
      %parallel_loop3A_327 = arith.cmpi eq, %parallel_loop3A_315, %parallel_loop3A_326 : vector<16xi32>
      %parallel_loop3A_328 = vector.broadcast %while3A_130#1 : i32 to vector<16xi32>
      %parallel_loop3A_329 = arith.cmpi sle, %parallel_loop3A_323, %parallel_loop3A_328 : vector<16xi32>
      %parallel_loop3A_330 = arith.andi %parallel_loop3A_327, %parallel_loop3A_329 : vector<16xi1>
      %parallel_loop3A_331 = arith.ori %parallel_loop3A_325, %parallel_loop3A_330 : vector<16xi1>
      %parallel_loop3A_332 = arith.constant 0.000000e+00 : f32
      %parallel_loop3A_333 = vector.broadcast %parallel_loop3A_332 : f32 to vector<16xf32>
      %parallel_loop3A_334 = arith.select %parallel_loop3A_331, %parallel_loop3A_319, %parallel_loop3A_333 : vector<16xi1>, vector<16xf32>
      %parallel_loop3A_335 = arith.constant 16 : i32
      %parallel_loop3A_336 = arith.muli %parallel_loop3A_311, %parallel_loop3A_335 : i32
      %parallel_loop3A_337 = arith.index_cast %parallel_loop3A_336 : i32 to index
      %parallel_loop3A_338 = tpu.vector_load %arg6[%parallel_loop3A_337] {strides = array<i32>} : memref<8192xf32, #tpu.memory_space<vmem>>, vector<16xf32>,
      tpu.vector_store %arg6[%parallel_loop3A_337], %parallel_loop3A_334 {strides = array<i32>} : memref<8192xf32, #tpu.memory_space<vmem>>, vector<16xf32>,
    } {sc.loop_unroll_factor = 8 : i64, sc.parallel_access}
    %dma_start3A_140 = arith.constant 0 : i32
    %dma_start3A_141 = tpu.memref_slice %arg4[%add3A_10, %dma_start3A_140] : memref<64x8192xf32, #tpu.memory_space<hbm>> -> memref<1x8192xf32, #tpu.memory_space<hbm>>
    %dma_start3A_142 = tpu.memref_squeeze %dma_start3A_141 : memref<1x8192xf32, #tpu.memory_space<hbm>> -> memref<8192xf32, #tpu.memory_space<hbm>>
    %dma_start3A_143 = arith.constant 0 : i32
    %dma_start3A_144 = tpu.memref_slice %arg4[%add3A_10, %dma_start3A_143] : memref<64x8192xf32, #tpu.memory_space<hbm>> -> memref<1x8192xf32, #tpu.memory_space<hbm>>
    %dma_start3A_145 = tpu.memref_squeeze %dma_start3A_144 : memref<1x8192xf32, #tpu.memory_space<hbm>> -> memref<8192xf32, #tpu.memory_space<hbm>>
    tpu.enqueue_dma source(%arg6 : memref<8192xf32, #tpu.memory_space<vmem>>) target(%dma_start3A_145 : memref<8192xf32, #tpu.memory_space<hbm>>) target_semaphore(%arg12 : memref<!tpu.dma_semaphore, #tpu.memory_space<semaphore_mem>>)
    %mul3A_146 = arith.constant 2 : i32
    %mul3A_147 = arith.muli %add3A, %mul3A_146 : i32
    %add3A_148 = arith.constant 1 : i32
    %add3A_149 = arith.addi %mul3A_147, %add3A_148 : i32
    "tpu.region"() ({
      %run_scoped3A = tpu.sem_alloc : memref<!tpu.dma_semaphore, #tpu.memory_space<semaphore_mem>>
      %dma_start3A_311 = arith.constant 0 : i32
      %dma_start3A_312 = tpu.memref_slice %arg2[%add3A_149, %dma_start3A_311] : memref<64x8192xi32, #tpu.memory_space<hbm>> -> memref<1x8192xi32, #tpu.memory_space<hbm>>
      %dma_start3A_313 = tpu.memref_squeeze %dma_start3A_312 : memref<1x8192xi32, #tpu.memory_space<hbm>> -> memref<8192xi32, #tpu.memory_space<hbm>>
      %dma_start3A_314 = arith.constant 0 : i32
      %dma_start3A_315 = tpu.memref_slice %arg2[%add3A_149, %dma_start3A_314] : memref<64x8192xi32, #tpu.memory_space<hbm>> -> memref<1x8192xi32, #tpu.memory_space<hbm>>
      %dma_start3A_316 = tpu.memref_squeeze %dma_start3A_315 : memref<1x8192xi32, #tpu.memory_space<hbm>> -> memref<8192xi32, #tpu.memory_space<hbm>>
      tpu.enqueue_dma source(%dma_start3A_316 : memref<8192xi32, #tpu.memory_space<hbm>>) target(%arg5 : memref<8192xi32, #tpu.memory_space<vmem>>) target_semaphore(%run_scoped3A : memref<!tpu.dma_semaphore, #tpu.memory_space<semaphore_mem>>)
      %dma_wait3A_317 = arith.constant 0 : i32
      %dma_wait3A_318 = tpu.memref_slice %arg2[%add3A_149, %dma_wait3A_317] : memref<64x8192xi32, #tpu.memory_space<hbm>> -> memref<1x8192xi32, #tpu.memory_space<hbm>>
      %dma_wait3A_319 = tpu.memref_squeeze %dma_wait3A_318 : memref<1x8192xi32, #tpu.memory_space<hbm>> -> memref<8192xi32, #tpu.memory_space<hbm>>
      %dma_wait3A_320 = arith.constant 0 : i32
      %dma_wait3A_321 = tpu.memref_slice %arg2[%add3A_149, %dma_wait3A_320] : memref<64x8192xi32, #tpu.memory_space<hbm>> -> memref<1x8192xi32, #tpu.memory_space<hbm>>
      %dma_wait3A_322 = tpu.memref_squeeze %dma_wait3A_321 : memref<1x8192xi32, #tpu.memory_space<hbm>> -> memref<8192xi32, #tpu.memory_space<hbm>>
      tpu.wait_dma2 semaphore(%run_scoped3A : memref<!tpu.dma_semaphore, #tpu.memory_space<semaphore_mem>>) src(%dma_wait3A_322 : memref<8192xi32, #tpu.memory_space<hbm>>) dst(%arg5 : memref<8192xi32, #tpu.memory_space<vmem>>)
      tpu.yield
    }) : () -> ()
    %dma_wait3A_150 = arith.constant 0 : i32
    %dma_wait3A_151 = tpu.memref_slice %arg4[%add3A_10, %dma_wait3A_150] : memref<64x8192xf32, #tpu.memory_space<hbm>> -> memref<1x8192xf32, #tpu.memory_space<hbm>>
    %dma_wait3A_152 = tpu.memref_squeeze %dma_wait3A_151 : memref<1x8192xf32, #tpu.memory_space<hbm>> -> memref<8192xf32, #tpu.memory_space<hbm>>
    %dma_wait3A_153 = arith.constant 0 : i32
    %dma_wait3A_154 = tpu.memref_slice %arg4[%add3A_10, %dma_wait3A_153] : memref<64x8192xf32, #tpu.memory_space<hbm>> -> memref<1x8192xf32, #tpu.memory_space<hbm>>
    %dma_wait3A_155 = tpu.memref_squeeze %dma_wait3A_154 : memref<1x8192xf32, #tpu.memory_space<hbm>> -> memref<8192xf32, #tpu.memory_space<hbm>>
    tpu.wait_dma2 semaphore(%arg12 : memref<!tpu.dma_semaphore, #tpu.memory_space<semaphore_mem>>) src(%arg6 : memref<8192xf32, #tpu.memory_space<vmem>>) dst(%dma_wait3A_155 : memref<8192xf32, #tpu.memory_space<hbm>>)
    %dma_start3A_156 = arith.constant 0 : i32
    %dma_start3A_157 = tpu.memref_slice %arg3[%add3A_149, %dma_start3A_156] : memref<64x8192xf32, #tpu.memory_space<hbm>> -> memref<1x8192xf32, #tpu.memory_space<hbm>>
    %dma_start3A_158 = tpu.memref_squeeze %dma_start3A_157 : memref<1x8192xf32, #tpu.memory_space<hbm>> -> memref<8192xf32, #tpu.memory_space<hbm>>
    %dma_start3A_159 = arith.constant 0 : i32
    %dma_start3A_160 = tpu.memref_slice %arg3[%add3A_149, %dma_start3A_159] : memref<64x8192xf32, #tpu.memory_space<hbm>> -> memref<1x8192xf32, #tpu.memory_space<hbm>>
    %dma_start3A_161 = tpu.memref_squeeze %dma_start3A_160 : memref<1x8192xf32, #tpu.memory_space<hbm>> -> memref<8192xf32, #tpu.memory_space<hbm>>
    tpu.enqueue_dma source(%dma_start3A_161 : memref<8192xf32, #tpu.memory_space<hbm>>) target(%arg6 : memref<8192xf32, #tpu.memory_space<vmem>>) target_semaphore(%arg11 : memref<!tpu.dma_semaphore, #tpu.memory_space<semaphore_mem>>)
    %parallel_loop3A_162 = arith.constant 0 : i32
    %parallel_loop3A_163 = arith.constant 512 : i32
    %parallel_loop3A_164 = arith.constant 1 : i32
    scf.for %parallel_loop3A_311 = %parallel_loop3A_162 to %parallel_loop3A_163 step %parallel_loop3A_164  : i32 {
      %parallel_loop3A_312 = arith.constant 16 : i32
      %parallel_loop3A_313 = arith.muli %parallel_loop3A_311, %parallel_loop3A_312 : i32
      %parallel_loop3A_314 = arith.index_cast %parallel_loop3A_313 : i32 to index
      %parallel_loop3A_315 = tpu.vector_load %arg5[%parallel_loop3A_314] {strides = array<i32>} : memref<8192xi32, #tpu.memory_space<vmem>>, vector<16xi32>,
      %parallel_loop3A_316 = arith.constant 24 : i32
      %parallel_loop3A_317 = vector.broadcast %parallel_loop3A_316 : i32 to vector<16xi32>
      %parallel_loop3A_318 = arith.shrui %parallel_loop3A_315, %parallel_loop3A_317 : vector<16xi32>
      %parallel_loop3A_319 = arith.addi %mul3A_3, %parallel_loop3A_318 : vector<16xi32>
      tpu.vector_store_idx %arg9[%parallel_loop3A_319], %broadcast_in_dim3A_4 {add = true} : memref<4096xi32, #tpu.memory_space<vmem>>[vector<16xi32>], vector<16xi32>,
    } {sc.loop_unroll_factor = 16 : i64, sc.parallel_access}
    %broadcast_in_dim3A_165 = arith.constant 0 : i32
    %broadcast_in_dim3A_166 = vector.broadcast %broadcast_in_dim3A_165 : i32 to vector<16xi32>
    %parallel_loop3A_167 = arith.constant 0 : i32
    %parallel_loop3A_168 = arith.constant 16 : i32
    %parallel_loop3A_169 = arith.constant 1 : i32
    scf.for %parallel_loop3A_311 = %parallel_loop3A_167 to %parallel_loop3A_168 step %parallel_loop3A_169  : i32 {
      %parallel_loop3A_312 = arith.constant 16 : i32
      %parallel_loop3A_313 = arith.muli %parallel_loop3A_311, %parallel_loop3A_312 : i32
      %parallel_loop3A_314 = arith.constant 0 : i32
      %parallel_loop3A_315 = arith.addi %parallel_loop3A_314, %parallel_loop3A_313 : i32
      %parallel_loop3A_316 = arith.index_cast %parallel_loop3A_315 : i32 to index
      %parallel_loop3A_317 = tpu.vector_load %arg9[%parallel_loop3A_316] {strides = array<i32>} : memref<4096xi32, #tpu.memory_space<vmem>>, vector<16xi32>,
      %parallel_loop3A_318 = arith.addi %broadcast_in_dim3A_166, %parallel_loop3A_317 : vector<16xi32>
      %parallel_loop3A_319 = arith.constant 16 : i32
      %parallel_loop3A_320 = arith.muli %parallel_loop3A_311, %parallel_loop3A_319 : i32
      %parallel_loop3A_321 = arith.constant 0 : i32
      %parallel_loop3A_322 = arith.addi %parallel_loop3A_321, %parallel_loop3A_320 : i32
      %parallel_loop3A_323 = arith.index_cast %parallel_loop3A_322 : i32 to index
      %parallel_loop3A_324 = tpu.vector_load %arg9[%parallel_loop3A_323] {strides = array<i32>} : memref<4096xi32, #tpu.memory_space<vmem>>, vector<16xi32>,
      tpu.vector_store %arg9[%parallel_loop3A_323], %broadcast_in_dim3A_166 {strides = array<i32>} : memref<4096xi32, #tpu.memory_space<vmem>>, vector<16xi32>,
      %parallel_loop3A_325 = arith.constant 16 : i32
      %parallel_loop3A_326 = arith.muli %parallel_loop3A_311, %parallel_loop3A_325 : i32
      %parallel_loop3A_327 = arith.constant 256 : i32
      %parallel_loop3A_328 = arith.addi %parallel_loop3A_327, %parallel_loop3A_326 : i32
      %parallel_loop3A_329 = arith.index_cast %parallel_loop3A_328 : i32 to index
      %parallel_loop3A_330 = tpu.vector_load %arg9[%parallel_loop3A_329] {strides = array<i32>} : memref<4096xi32, #tpu.memory_space<vmem>>, vector<16xi32>,
      %parallel_loop3A_331 = arith.addi %parallel_loop3A_318, %parallel_loop3A_330 : vector<16xi32>
      %parallel_loop3A_332 = arith.constant 16 : i32
      %parallel_loop3A_333 = arith.muli %parallel_loop3A_311, %parallel_loop3A_332 : i32
      %parallel_loop3A_334 = arith.constant 256 : i32
      %parallel_loop3A_335 = arith.addi %parallel_loop3A_334, %parallel_loop3A_333 : i32
      %parallel_loop3A_336 = arith.index_cast %parallel_loop3A_335 : i32 to index
      %parallel_loop3A_337 = tpu.vector_load %arg9[%parallel_loop3A_336] {strides = array<i32>} : memref<4096xi32, #tpu.memory_space<vmem>>, vector<16xi32>,
      tpu.vector_store %arg9[%parallel_loop3A_336], %broadcast_in_dim3A_166 {strides = array<i32>} : memref<4096xi32, #tpu.memory_space<vmem>>, vector<16xi32>,
      %parallel_loop3A_338 = arith.constant 16 : i32
      %parallel_loop3A_339 = arith.muli %parallel_loop3A_311, %parallel_loop3A_338 : i32
      %parallel_loop3A_340 = arith.constant 512 : i32
      %parallel_loop3A_341 = arith.addi %parallel_loop3A_340, %parallel_loop3A_339 : i32
      %parallel_loop3A_342 = arith.index_cast %parallel_loop3A_341 : i32 to index
      %parallel_loop3A_343 = tpu.vector_load %arg9[%parallel_loop3A_342] {strides = array<i32>} : memref<4096xi32, #tpu.memory_space<vmem>>, vector<16xi32>,
      %parallel_loop3A_344 = arith.addi %parallel_loop3A_331, %parallel_loop3A_343 : vector<16xi32>
      %parallel_loop3A_345 = arith.constant 16 : i32
      %parallel_loop3A_346 = arith.muli %parallel_loop3A_311, %parallel_loop3A_345 : i32
      %parallel_loop3A_347 = arith.constant 512 : i32
      %parallel_loop3A_348 = arith.addi %parallel_loop3A_347, %parallel_loop3A_346 : i32
      %parallel_loop3A_349 = arith.index_cast %parallel_loop3A_348 : i32 to index
      %parallel_loop3A_350 = tpu.vector_load %arg9[%parallel_loop3A_349] {strides = array<i32>} : memref<4096xi32, #tpu.memory_space<vmem>>, vector<16xi32>,
      tpu.vector_store %arg9[%parallel_loop3A_349], %broadcast_in_dim3A_166 {strides = array<i32>} : memref<4096xi32, #tpu.memory_space<vmem>>, vector<16xi32>,
      %parallel_loop3A_351 = arith.constant 16 : i32
      %parallel_loop3A_352 = arith.muli %parallel_loop3A_311, %parallel_loop3A_351 : i32
      %parallel_loop3A_353 = arith.constant 768 : i32
      %parallel_loop3A_354 = arith.addi %parallel_loop3A_353, %parallel_loop3A_352 : i32
      %parallel_loop3A_355 = arith.index_cast %parallel_loop3A_354 : i32 to index
      %parallel_loop3A_356 = tpu.vector_load %arg9[%parallel_loop3A_355] {strides = array<i32>} : memref<4096xi32, #tpu.memory_space<vmem>>, vector<16xi32>,
      %parallel_loop3A_357 = arith.addi %parallel_loop3A_344, %parallel_loop3A_356 : vector<16xi32>
      %parallel_loop3A_358 = arith.constant 16 : i32
      %parallel_loop3A_359 = arith.muli %parallel_loop3A_311, %parallel_loop3A_358 : i32
      %parallel_loop3A_360 = arith.constant 768 : i32
      %parallel_loop3A_361 = arith.addi %parallel_loop3A_360, %parallel_loop3A_359 : i32
      %parallel_loop3A_362 = arith.index_cast %parallel_loop3A_361 : i32 to index
      %parallel_loop3A_363 = tpu.vector_load %arg9[%parallel_loop3A_362] {strides = array<i32>} : memref<4096xi32, #tpu.memory_space<vmem>>, vector<16xi32>,
      tpu.vector_store %arg9[%parallel_loop3A_362], %broadcast_in_dim3A_166 {strides = array<i32>} : memref<4096xi32, #tpu.memory_space<vmem>>, vector<16xi32>,
      %parallel_loop3A_364 = arith.constant 16 : i32
      %parallel_loop3A_365 = arith.muli %parallel_loop3A_311, %parallel_loop3A_364 : i32
      %parallel_loop3A_366 = arith.constant 1024 : i32
      %parallel_loop3A_367 = arith.addi %parallel_loop3A_366, %parallel_loop3A_365 : i32
      %parallel_loop3A_368 = arith.index_cast %parallel_loop3A_367 : i32 to index
      %parallel_loop3A_369 = tpu.vector_load %arg9[%parallel_loop3A_368] {strides = array<i32>} : memref<4096xi32, #tpu.memory_space<vmem>>, vector<16xi32>,
      %parallel_loop3A_370 = arith.addi %parallel_loop3A_357, %parallel_loop3A_369 : vector<16xi32>
      %parallel_loop3A_371 = arith.constant 16 : i32
      %parallel_loop3A_372 = arith.muli %parallel_loop3A_311, %parallel_loop3A_371 : i32
      %parallel_loop3A_373 = arith.constant 1024 : i32
      %parallel_loop3A_374 = arith.addi %parallel_loop3A_373, %parallel_loop3A_372 : i32
      %parallel_loop3A_375 = arith.index_cast %parallel_loop3A_374 : i32 to index
      %parallel_loop3A_376 = tpu.vector_load %arg9[%parallel_loop3A_375] {strides = array<i32>} : memref<4096xi32, #tpu.memory_space<vmem>>, vector<16xi32>,
      tpu.vector_store %arg9[%parallel_loop3A_375], %broadcast_in_dim3A_166 {strides = array<i32>} : memref<4096xi32, #tpu.memory_space<vmem>>, vector<16xi32>,
      %parallel_loop3A_377 = arith.constant 16 : i32
      %parallel_loop3A_378 = arith.muli %parallel_loop3A_311, %parallel_loop3A_377 : i32
      %parallel_loop3A_379 = arith.constant 1280 : i32
      %parallel_loop3A_380 = arith.addi %parallel_loop3A_379, %parallel_loop3A_378 : i32
      %parallel_loop3A_381 = arith.index_cast %parallel_loop3A_380 : i32 to index
      %parallel_loop3A_382 = tpu.vector_load %arg9[%parallel_loop3A_381] {strides = array<i32>} : memref<4096xi32, #tpu.memory_space<vmem>>, vector<16xi32>,
      %parallel_loop3A_383 = arith.addi %parallel_loop3A_370, %parallel_loop3A_382 : vector<16xi32>
      %parallel_loop3A_384 = arith.constant 16 : i32
      %parallel_loop3A_385 = arith.muli %parallel_loop3A_311, %parallel_loop3A_384 : i32
      %parallel_loop3A_386 = arith.constant 1280 : i32
      %parallel_loop3A_387 = arith.addi %parallel_loop3A_386, %parallel_loop3A_385 : i32
      %parallel_loop3A_388 = arith.index_cast %parallel_loop3A_387 : i32 to index
      %parallel_loop3A_389 = tpu.vector_load %arg9[%parallel_loop3A_388] {strides = array<i32>} : memref<4096xi32, #tpu.memory_space<vmem>>, vector<16xi32>,
      tpu.vector_store %arg9[%parallel_loop3A_388], %broadcast_in_dim3A_166 {strides = array<i32>} : memref<4096xi32, #tpu.memory_space<vmem>>, vector<16xi32>,
      %parallel_loop3A_390 = arith.constant 16 : i32
      %parallel_loop3A_391 = arith.muli %parallel_loop3A_311, %parallel_loop3A_390 : i32
      %parallel_loop3A_392 = arith.constant 1536 : i32
      %parallel_loop3A_393 = arith.addi %parallel_loop3A_392, %parallel_loop3A_391 : i32
      %parallel_loop3A_394 = arith.index_cast %parallel_loop3A_393 : i32 to index
      %parallel_loop3A_395 = tpu.vector_load %arg9[%parallel_loop3A_394] {strides = array<i32>} : memref<4096xi32, #tpu.memory_space<vmem>>, vector<16xi32>,
      %parallel_loop3A_396 = arith.addi %parallel_loop3A_383, %parallel_loop3A_395 : vector<16xi32>
      %parallel_loop3A_397 = arith.constant 16 : i32
      %parallel_loop3A_398 = arith.muli %parallel_loop3A_311, %parallel_loop3A_397 : i32
      %parallel_loop3A_399 = arith.constant 1536 : i32
      %parallel_loop3A_400 = arith.addi %parallel_loop3A_399, %parallel_loop3A_398 : i32
      %parallel_loop3A_401 = arith.index_cast %parallel_loop3A_400 : i32 to index
      %parallel_loop3A_402 = tpu.vector_load %arg9[%parallel_loop3A_401] {strides = array<i32>} : memref<4096xi32, #tpu.memory_space<vmem>>, vector<16xi32>,
      tpu.vector_store %arg9[%parallel_loop3A_401], %broadcast_in_dim3A_166 {strides = array<i32>} : memref<4096xi32, #tpu.memory_space<vmem>>, vector<16xi32>,
      %parallel_loop3A_403 = arith.constant 16 : i32
      %parallel_loop3A_404 = arith.muli %parallel_loop3A_311, %parallel_loop3A_403 : i32
      %parallel_loop3A_405 = arith.constant 1792 : i32
      %parallel_loop3A_406 = arith.addi %parallel_loop3A_405, %parallel_loop3A_404 : i32
      %parallel_loop3A_407 = arith.index_cast %parallel_loop3A_406 : i32 to index
      %parallel_loop3A_408 = tpu.vector_load %arg9[%parallel_loop3A_407] {strides = array<i32>} : memref<4096xi32, #tpu.memory_space<vmem>>, vector<16xi32>,
      %parallel_loop3A_409 = arith.addi %parallel_loop3A_396, %parallel_loop3A_408 : vector<16xi32>
      %parallel_loop3A_410 = arith.constant 16 : i32
      %parallel_loop3A_411 = arith.muli %parallel_loop3A_311, %parallel_loop3A_410 : i32
      %parallel_loop3A_412 = arith.constant 1792 : i32
      %parallel_loop3A_413 = arith.addi %parallel_loop3A_412, %parallel_loop3A_411 : i32
      %parallel_loop3A_414 = arith.index_cast %parallel_loop3A_413 : i32 to index
      %parallel_loop3A_415 = tpu.vector_load %arg9[%parallel_loop3A_414] {strides = array<i32>} : memref<4096xi32, #tpu.memory_space<vmem>>, vector<16xi32>,
      tpu.vector_store %arg9[%parallel_loop3A_414], %broadcast_in_dim3A_166 {strides = array<i32>} : memref<4096xi32, #tpu.memory_space<vmem>>, vector<16xi32>,
      %parallel_loop3A_416 = arith.constant 16 : i32
      %parallel_loop3A_417 = arith.muli %parallel_loop3A_311, %parallel_loop3A_416 : i32
      %parallel_loop3A_418 = arith.constant 2048 : i32
      %parallel_loop3A_419 = arith.addi %parallel_loop3A_418, %parallel_loop3A_417 : i32
      %parallel_loop3A_420 = arith.index_cast %parallel_loop3A_419 : i32 to index
      %parallel_loop3A_421 = tpu.vector_load %arg9[%parallel_loop3A_420] {strides = array<i32>} : memref<4096xi32, #tpu.memory_space<vmem>>, vector<16xi32>,
      %parallel_loop3A_422 = arith.addi %parallel_loop3A_409, %parallel_loop3A_421 : vector<16xi32>
      %parallel_loop3A_423 = arith.constant 16 : i32
      %parallel_loop3A_424 = arith.muli %parallel_loop3A_311, %parallel_loop3A_423 : i32
      %parallel_loop3A_425 = arith.constant 2048 : i32
      %parallel_loop3A_426 = arith.addi %parallel_loop3A_425, %parallel_loop3A_424 : i32
      %parallel_loop3A_427 = arith.index_cast %parallel_loop3A_426 : i32 to index
      %parallel_loop3A_428 = tpu.vector_load %arg9[%parallel_loop3A_427] {strides = array<i32>} : memref<4096xi32, #tpu.memory_space<vmem>>, vector<16xi32>,
      tpu.vector_store %arg9[%parallel_loop3A_427], %broadcast_in_dim3A_166 {strides = array<i32>} : memref<4096xi32, #tpu.memory_space<vmem>>, vector<16xi32>,
      %parallel_loop3A_429 = arith.constant 16 : i32
      %parallel_loop3A_430 = arith.muli %parallel_loop3A_311, %parallel_loop3A_429 : i32
      %parallel_loop3A_431 = arith.constant 2304 : i32
      %parallel_loop3A_432 = arith.addi %parallel_loop3A_431, %parallel_loop3A_430 : i32
      %parallel_loop3A_433 = arith.index_cast %parallel_loop3A_432 : i32 to index
      %parallel_loop3A_434 = tpu.vector_load %arg9[%parallel_loop3A_433] {strides = array<i32>} : memref<4096xi32, #tpu.memory_space<vmem>>, vector<16xi32>,
      %parallel_loop3A_435 = arith.addi %parallel_loop3A_422, %parallel_loop3A_434 : vector<16xi32>
      %parallel_loop3A_436 = arith.constant 16 : i32
      %parallel_loop3A_437 = arith.muli %parallel_loop3A_311, %parallel_loop3A_436 : i32
      %parallel_loop3A_438 = arith.constant 2304 : i32
      %parallel_loop3A_439 = arith.addi %parallel_loop3A_438, %parallel_loop3A_437 : i32
      %parallel_loop3A_440 = arith.index_cast %parallel_loop3A_439 : i32 to index
      %parallel_loop3A_441 = tpu.vector_load %arg9[%parallel_loop3A_440] {strides = array<i32>} : memref<4096xi32, #tpu.memory_space<vmem>>, vector<16xi32>,
      tpu.vector_store %arg9[%parallel_loop3A_440], %broadcast_in_dim3A_166 {strides = array<i32>} : memref<4096xi32, #tpu.memory_space<vmem>>, vector<16xi32>,
      %parallel_loop3A_442 = arith.constant 16 : i32
      %parallel_loop3A_443 = arith.muli %parallel_loop3A_311, %parallel_loop3A_442 : i32
      %parallel_loop3A_444 = arith.constant 2560 : i32
      %parallel_loop3A_445 = arith.addi %parallel_loop3A_444, %parallel_loop3A_443 : i32
      %parallel_loop3A_446 = arith.index_cast %parallel_loop3A_445 : i32 to index
      %parallel_loop3A_447 = tpu.vector_load %arg9[%parallel_loop3A_446] {strides = array<i32>} : memref<4096xi32, #tpu.memory_space<vmem>>, vector<16xi32>,
      %parallel_loop3A_448 = arith.addi %parallel_loop3A_435, %parallel_loop3A_447 : vector<16xi32>
      %parallel_loop3A_449 = arith.constant 16 : i32
      %parallel_loop3A_450 = arith.muli %parallel_loop3A_311, %parallel_loop3A_449 : i32
      %parallel_loop3A_451 = arith.constant 2560 : i32
      %parallel_loop3A_452 = arith.addi %parallel_loop3A_451, %parallel_loop3A_450 : i32
      %parallel_loop3A_453 = arith.index_cast %parallel_loop3A_452 : i32 to index
      %parallel_loop3A_454 = tpu.vector_load %arg9[%parallel_loop3A_453] {strides = array<i32>} : memref<4096xi32, #tpu.memory_space<vmem>>, vector<16xi32>,
      tpu.vector_store %arg9[%parallel_loop3A_453], %broadcast_in_dim3A_166 {strides = array<i32>} : memref<4096xi32, #tpu.memory_space<vmem>>, vector<16xi32>,
      %parallel_loop3A_455 = arith.constant 16 : i32
      %parallel_loop3A_456 = arith.muli %parallel_loop3A_311, %parallel_loop3A_455 : i32
      %parallel_loop3A_457 = arith.constant 2816 : i32
      %parallel_loop3A_458 = arith.addi %parallel_loop3A_457, %parallel_loop3A_456 : i32
      %parallel_loop3A_459 = arith.index_cast %parallel_loop3A_458 : i32 to index
      %parallel_loop3A_460 = tpu.vector_load %arg9[%parallel_loop3A_459] {strides = array<i32>} : memref<4096xi32, #tpu.memory_space<vmem>>, vector<16xi32>,
      %parallel_loop3A_461 = arith.addi %parallel_loop3A_448, %parallel_loop3A_460 : vector<16xi32>
      %parallel_loop3A_462 = arith.constant 16 : i32
      %parallel_loop3A_463 = arith.muli %parallel_loop3A_311, %parallel_loop3A_462 : i32
      %parallel_loop3A_464 = arith.constant 2816 : i32
      %parallel_loop3A_465 = arith.addi %parallel_loop3A_464, %parallel_loop3A_463 : i32
      %parallel_loop3A_466 = arith.index_cast %parallel_loop3A_465 : i32 to index
      %parallel_loop3A_467 = tpu.vector_load %arg9[%parallel_loop3A_466] {strides = array<i32>} : memref<4096xi32, #tpu.memory_space<vmem>>, vector<16xi32>,
      tpu.vector_store %arg9[%parallel_loop3A_466], %broadcast_in_dim3A_166 {strides = array<i32>} : memref<4096xi32, #tpu.memory_space<vmem>>, vector<16xi32>,
      %parallel_loop3A_468 = arith.constant 16 : i32
      %parallel_loop3A_469 = arith.muli %parallel_loop3A_311, %parallel_loop3A_468 : i32
      %parallel_loop3A_470 = arith.constant 3072 : i32
      %parallel_loop3A_471 = arith.addi %parallel_loop3A_470, %parallel_loop3A_469 : i32
      %parallel_loop3A_472 = arith.index_cast %parallel_loop3A_471 : i32 to index
      %parallel_loop3A_473 = tpu.vector_load %arg9[%parallel_loop3A_472] {strides = array<i32>} : memref<4096xi32, #tpu.memory_space<vmem>>, vector<16xi32>,
      %parallel_loop3A_474 = arith.addi %parallel_loop3A_461, %parallel_loop3A_473 : vector<16xi32>
      %parallel_loop3A_475 = arith.constant 16 : i32
      %parallel_loop3A_476 = arith.muli %parallel_loop3A_311, %parallel_loop3A_475 : i32
      %parallel_loop3A_477 = arith.constant 3072 : i32
      %parallel_loop3A_478 = arith.addi %parallel_loop3A_477, %parallel_loop3A_476 : i32
      %parallel_loop3A_479 = arith.index_cast %parallel_loop3A_478 : i32 to index
      %parallel_loop3A_480 = tpu.vector_load %arg9[%parallel_loop3A_479] {strides = array<i32>} : memref<4096xi32, #tpu.memory_space<vmem>>, vector<16xi32>,
      tpu.vector_store %arg9[%parallel_loop3A_479], %broadcast_in_dim3A_166 {strides = array<i32>} : memref<4096xi32, #tpu.memory_space<vmem>>, vector<16xi32>,
      %parallel_loop3A_481 = arith.constant 16 : i32
      %parallel_loop3A_482 = arith.muli %parallel_loop3A_311, %parallel_loop3A_481 : i32
      %parallel_loop3A_483 = arith.constant 3328 : i32
      %parallel_loop3A_484 = arith.addi %parallel_loop3A_483, %parallel_loop3A_482 : i32
      %parallel_loop3A_485 = arith.index_cast %parallel_loop3A_484 : i32 to index
      %parallel_loop3A_486 = tpu.vector_load %arg9[%parallel_loop3A_485] {strides = array<i32>} : memref<4096xi32, #tpu.memory_space<vmem>>, vector<16xi32>,
      %parallel_loop3A_487 = arith.addi %parallel_loop3A_474, %parallel_loop3A_486 : vector<16xi32>
      %parallel_loop3A_488 = arith.constant 16 : i32
      %parallel_loop3A_489 = arith.muli %parallel_loop3A_311, %parallel_loop3A_488 : i32
      %parallel_loop3A_490 = arith.constant 3328 : i32
      %parallel_loop3A_491 = arith.addi %parallel_loop3A_490, %parallel_loop3A_489 : i32
      %parallel_loop3A_492 = arith.index_cast %parallel_loop3A_491 : i32 to index
      %parallel_loop3A_493 = tpu.vector_load %arg9[%parallel_loop3A_492] {strides = array<i32>} : memref<4096xi32, #tpu.memory_space<vmem>>, vector<16xi32>,
      tpu.vector_store %arg9[%parallel_loop3A_492], %broadcast_in_dim3A_166 {strides = array<i32>} : memref<4096xi32, #tpu.memory_space<vmem>>, vector<16xi32>,
      %parallel_loop3A_494 = arith.constant 16 : i32
      %parallel_loop3A_495 = arith.muli %parallel_loop3A_311, %parallel_loop3A_494 : i32
      %parallel_loop3A_496 = arith.constant 3584 : i32
      %parallel_loop3A_497 = arith.addi %parallel_loop3A_496, %parallel_loop3A_495 : i32
      %parallel_loop3A_498 = arith.index_cast %parallel_loop3A_497 : i32 to index
      %parallel_loop3A_499 = tpu.vector_load %arg9[%parallel_loop3A_498] {strides = array<i32>} : memref<4096xi32, #tpu.memory_space<vmem>>, vector<16xi32>,
      %parallel_loop3A_500 = arith.addi %parallel_loop3A_487, %parallel_loop3A_499 : vector<16xi32>
      %parallel_loop3A_501 = arith.constant 16 : i32
      %parallel_loop3A_502 = arith.muli %parallel_loop3A_311, %parallel_loop3A_501 : i32
      %parallel_loop3A_503 = arith.constant 3584 : i32
      %parallel_loop3A_504 = arith.addi %parallel_loop3A_503, %parallel_loop3A_502 : i32
      %parallel_loop3A_505 = arith.index_cast %parallel_loop3A_504 : i32 to index
      %parallel_loop3A_506 = tpu.vector_load %arg9[%parallel_loop3A_505] {strides = array<i32>} : memref<4096xi32, #tpu.memory_space<vmem>>, vector<16xi32>,
      tpu.vector_store %arg9[%parallel_loop3A_505], %broadcast_in_dim3A_166 {strides = array<i32>} : memref<4096xi32, #tpu.memory_space<vmem>>, vector<16xi32>,
      %parallel_loop3A_507 = arith.constant 16 : i32
      %parallel_loop3A_508 = arith.muli %parallel_loop3A_311, %parallel_loop3A_507 : i32
      %parallel_loop3A_509 = arith.constant 3840 : i32
      %parallel_loop3A_510 = arith.addi %parallel_loop3A_509, %parallel_loop3A_508 : i32
      %parallel_loop3A_511 = arith.index_cast %parallel_loop3A_510 : i32 to index
      %parallel_loop3A_512 = tpu.vector_load %arg9[%parallel_loop3A_511] {strides = array<i32>} : memref<4096xi32, #tpu.memory_space<vmem>>, vector<16xi32>,
      %parallel_loop3A_513 = arith.addi %parallel_loop3A_500, %parallel_loop3A_512 : vector<16xi32>
      %parallel_loop3A_514 = arith.constant 16 : i32
      %parallel_loop3A_515 = arith.muli %parallel_loop3A_311, %parallel_loop3A_514 : i32
      %parallel_loop3A_516 = arith.constant 3840 : i32
      %parallel_loop3A_517 = arith.addi %parallel_loop3A_516, %parallel_loop3A_515 : i32
      %parallel_loop3A_518 = arith.index_cast %parallel_loop3A_517 : i32 to index
      %parallel_loop3A_519 = tpu.vector_load %arg9[%parallel_loop3A_518] {strides = array<i32>} : memref<4096xi32, #tpu.memory_space<vmem>>, vector<16xi32>,
      tpu.vector_store %arg9[%parallel_loop3A_518], %broadcast_in_dim3A_166 {strides = array<i32>} : memref<4096xi32, #tpu.memory_space<vmem>>, vector<16xi32>,
      %parallel_loop3A_520 = arith.constant 16 : i32
      %parallel_loop3A_521 = arith.muli %parallel_loop3A_311, %parallel_loop3A_520 : i32
      %parallel_loop3A_522 = arith.index_cast %parallel_loop3A_521 : i32 to index
      %parallel_loop3A_523 = tpu.vector_load %arg10[%parallel_loop3A_522] {strides = array<i32>} : memref<256xi32, #tpu.memory_space<vmem>>, vector<16xi32>,
      tpu.vector_store %arg10[%parallel_loop3A_522], %parallel_loop3A_513 {strides = array<i32>} : memref<256xi32, #tpu.memory_space<vmem>>, vector<16xi32>,
    } {sc.loop_unroll_factor = 1 : i64, sc.parallel_access}
    %scan3A_170 = arith.constant 64 : i32
    %scan3A_171 = arith.constant 0 : i32
    %scan3A_172 = arith.constant 0 : i32
    %scan3A_173 = arith.constant 0 : i32
    %scan3A_174 = arith.constant 16 : i32
    %scan3A_175 = arith.addi %scan3A_173, %scan3A_174 : i32
    %scan3A_176 = arith.constant 1 : i32
    %scan3A_177:2 = scf.for %scan3A_311 = %scan3A_173 to %scan3A_175 step %scan3A_176 iter_args(%scan3A_312 = %scan3A_171, %scan3A_313 = %scan3A_172) -> (i32, i32)  : i32 {
      %sub3A_314 = arith.constant 15 : i32
      %sub3A_315 = arith.subi %sub3A_314, %scan3A_311 : i32
      %mul3A_316 = arith.constant 16 : i32
      %mul3A_317 = arith.muli %sub3A_315, %mul3A_316 : i32
      %get3A = arith.index_cast %mul3A_317 : i32 to index
      %get3A_318 = tpu.vector_load %arg10[%get3A] {strides = array<i32>} : memref<256xi32, #tpu.memory_space<vmem>>, vector<16xi32>,
      %rev3A = arith.constant 15 : i32
      %rev3A_319 = vector.broadcast %rev3A : i32 to vector<16xi32>
      %rev3A_320 = tpu.iota {dimensions = array<i32: 0>} : vector<16xi32>
      %rev3A_321 = arith.subi %rev3A_319, %rev3A_320 : vector<16xi32>
      %rev3A_322 = tpu.dynamic_gather %get3A_318[%rev3A_321] in [0] : vector<16xi32>, vector<16xi32> -> vector<16xi32>
      %broadcast_in_dim3A_323 = arith.constant true
      %broadcast_in_dim3A_324 = vector.broadcast %broadcast_in_dim3A_323 : i1 to vector<16xi1>
      %masked_cumsum3A = tpu.scan <sum>, %rev3A_322 masked %broadcast_in_dim3A_324 : vector<16xi32>, vector<16xi1> -> vector<16xi32>
      %rev3A_325 = arith.constant 15 : i32
      %rev3A_326 = vector.broadcast %rev3A_325 : i32 to vector<16xi32>
      %rev3A_327 = tpu.iota {dimensions = array<i32: 0>} : vector<16xi32>
      %rev3A_328 = arith.subi %rev3A_326, %rev3A_327 : vector<16xi32>
      %rev3A_329 = tpu.dynamic_gather %masked_cumsum3A[%rev3A_328] in [0] : vector<16xi32>, vector<16xi32> -> vector<16xi32>
      %add3A_330 = vector.broadcast %scan3A_313 : i32 to vector<16xi32>
      %add3A_331 = arith.addi %rev3A_329, %add3A_330 : vector<16xi32>
      %ge3A = vector.broadcast %scan3A_170 : i32 to vector<16xi32>
      %ge3A_332 = arith.cmpi sge, %add3A_331, %ge3A : vector<16xi32>
      %convert_element_type3A = arith.extui %ge3A_332 : vector<16xi1> to vector<16xi32>
      %reduce_sum3A = arith.constant true
      %reduce_sum3A_333 = vector.broadcast %reduce_sum3A : i1 to vector<16xi1>
      %reduce_sum3A_334 = tpu.scan <sum>, %convert_element_type3A masked %reduce_sum3A_333 : vector<16xi32>, vector<16xi1> -> vector<16xi32>
      %reduce_sum3A_335 = vector.extract %reduce_sum3A_334[15] : i32 from vector<16xi32>
      %add3A_336 = arith.addi %scan3A_312, %reduce_sum3A_335 : i32
      %reduce_sum3A_337 = arith.constant true
      %reduce_sum3A_338 = vector.broadcast %reduce_sum3A_337 : i1 to vector<16xi1>
      %reduce_sum3A_339 = tpu.scan <sum>, %get3A_318 masked %reduce_sum3A_338 : vector<16xi32>, vector<16xi1> -> vector<16xi32>
      %reduce_sum3A_340 = vector.extract %reduce_sum3A_339[15] : i32 from vector<16xi32>
      %add3A_341 = arith.addi %scan3A_313, %reduce_sum3A_340 : i32
      scf.yield %add3A_336, %add3A_341 : i32, i32
    }
    %scan3A_178 = arith.constant 16 : i32
    %sub3A_179 = arith.constant 1 : i32
    %sub3A_180 = arith.subi %scan3A_177#0, %sub3A_179 : i32
    %scan3A_181 = arith.constant 0 : i32
    %scan3A_182 = arith.constant 0 : i32
    %scan3A_183 = arith.constant 16 : i32
    %scan3A_184 = arith.addi %scan3A_182, %scan3A_183 : i32
    %scan3A_185 = arith.constant 1 : i32
    %scan3A_186 = scf.for %scan3A_311 = %scan3A_182 to %scan3A_184 step %scan3A_185 iter_args(%scan3A_312 = %scan3A_181) -> (i32)  : i32 {
      %mul3A_313 = arith.constant 16 : i32
      %mul3A_314 = arith.muli %scan3A_311, %mul3A_313 : i32
      %get3A = arith.index_cast %mul3A_314 : i32 to index
      %get3A_315 = tpu.vector_load %arg10[%get3A] {strides = array<i32>} : memref<256xi32, #tpu.memory_space<vmem>>, vector<16xi32>,
      %iota3A_316 = tpu.iota {dimensions = array<i32: 0>} : vector<16xi32>
      %mul3A_317 = arith.constant 16 : i32
      %mul3A_318 = arith.muli %scan3A_311, %mul3A_317 : i32
      %add3A_319 = vector.broadcast %mul3A_318 : i32 to vector<16xi32>
      %add3A_320 = arith.addi %iota3A_316, %add3A_319 : vector<16xi32>
      %gt3A = vector.broadcast %sub3A_180 : i32 to vector<16xi32>
      %gt3A_321 = arith.cmpi sgt, %add3A_320, %gt3A : vector<16xi32>
      %jit3A_322 = arith.constant 0 : i32
      %broadcast_in_dim3A_323 = vector.broadcast %jit3A_322 : i32 to vector<16xi32>
      %select_n3A_324 = arith.select %gt3A_321, %get3A_315, %broadcast_in_dim3A_323 : vector<16xi1>, vector<16xi32>
      %reduce_sum3A = arith.constant true
      %reduce_sum3A_325 = vector.broadcast %reduce_sum3A : i1 to vector<16xi1>
      %reduce_sum3A_326 = tpu.scan <sum>, %select_n3A_324 masked %reduce_sum3A_325 : vector<16xi32>, vector<16xi1> -> vector<16xi32>
      %reduce_sum3A_327 = vector.extract %reduce_sum3A_326[15] : i32 from vector<16xi32>
      %add3A_328 = arith.addi %scan3A_312, %reduce_sum3A_327 : i32
      scf.yield %add3A_328 : i32
    }
    %scan3A_187 = arith.constant 16 : i32
    %parallel_loop3A_188 = arith.constant 0 : i32
    %parallel_loop3A_189 = arith.constant 512 : i32
    %parallel_loop3A_190 = arith.constant 1 : i32
    scf.for %parallel_loop3A_311 = %parallel_loop3A_188 to %parallel_loop3A_189 step %parallel_loop3A_190  : i32 {
      %parallel_loop3A_312 = arith.constant 16 : i32
      %parallel_loop3A_313 = arith.muli %parallel_loop3A_311, %parallel_loop3A_312 : i32
      %parallel_loop3A_314 = arith.index_cast %parallel_loop3A_313 : i32 to index
      %parallel_loop3A_315 = tpu.vector_load %arg5[%parallel_loop3A_314] {strides = array<i32>} : memref<8192xi32, #tpu.memory_space<vmem>>, vector<16xi32>,
      %parallel_loop3A_316 = arith.constant 24 : i32
      %parallel_loop3A_317 = vector.broadcast %parallel_loop3A_316 : i32 to vector<16xi32>
      %parallel_loop3A_318 = arith.shrui %parallel_loop3A_315, %parallel_loop3A_317 : vector<16xi32>
      %parallel_loop3A_319 = vector.broadcast %sub3A_180 : i32 to vector<16xi32>
      %parallel_loop3A_320 = arith.cmpi eq, %parallel_loop3A_318, %parallel_loop3A_319 : vector<16xi32>
      %parallel_loop3A_321 = arith.constant 16 : i32
      %parallel_loop3A_322 = vector.broadcast %parallel_loop3A_321 : i32 to vector<16xi32>
      %parallel_loop3A_323 = arith.shrui %parallel_loop3A_315, %parallel_loop3A_322 : vector<16xi32>
      %parallel_loop3A_324 = arith.constant 255 : i32
      %parallel_loop3A_325 = vector.broadcast %parallel_loop3A_324 : i32 to vector<16xi32>
      %parallel_loop3A_326 = arith.andi %parallel_loop3A_323, %parallel_loop3A_325 : vector<16xi32>
      %parallel_loop3A_327 = arith.addi %mul3A_3, %parallel_loop3A_326 : vector<16xi32>
      tpu.vector_store_idx %arg9[%parallel_loop3A_327], %broadcast_in_dim3A_4 masked %parallel_loop3A_320 {add = true} : memref<4096xi32, #tpu.memory_space<vmem>>[vector<16xi32>], vector<16xi32>, vector<16xi1>
    } {sc.loop_unroll_factor = 16 : i64, sc.parallel_access}
    %broadcast_in_dim3A_191 = arith.constant 0 : i32
    %broadcast_in_dim3A_192 = vector.broadcast %broadcast_in_dim3A_191 : i32 to vector<16xi32>
    %parallel_loop3A_193 = arith.constant 0 : i32
    %parallel_loop3A_194 = arith.constant 16 : i32
    %parallel_loop3A_195 = arith.constant 1 : i32
    scf.for %parallel_loop3A_311 = %parallel_loop3A_193 to %parallel_loop3A_194 step %parallel_loop3A_195  : i32 {
      %parallel_loop3A_312 = arith.constant 16 : i32
      %parallel_loop3A_313 = arith.muli %parallel_loop3A_311, %parallel_loop3A_312 : i32
      %parallel_loop3A_314 = arith.constant 0 : i32
      %parallel_loop3A_315 = arith.addi %parallel_loop3A_314, %parallel_loop3A_313 : i32
      %parallel_loop3A_316 = arith.index_cast %parallel_loop3A_315 : i32 to index
      %parallel_loop3A_317 = tpu.vector_load %arg9[%parallel_loop3A_316] {strides = array<i32>} : memref<4096xi32, #tpu.memory_space<vmem>>, vector<16xi32>,
      %parallel_loop3A_318 = arith.addi %broadcast_in_dim3A_192, %parallel_loop3A_317 : vector<16xi32>
      %parallel_loop3A_319 = arith.constant 16 : i32
      %parallel_loop3A_320 = arith.muli %parallel_loop3A_311, %parallel_loop3A_319 : i32
      %parallel_loop3A_321 = arith.constant 0 : i32
      %parallel_loop3A_322 = arith.addi %parallel_loop3A_321, %parallel_loop3A_320 : i32
      %parallel_loop3A_323 = arith.index_cast %parallel_loop3A_322 : i32 to index
      %parallel_loop3A_324 = tpu.vector_load %arg9[%parallel_loop3A_323] {strides = array<i32>} : memref<4096xi32, #tpu.memory_space<vmem>>, vector<16xi32>,
      tpu.vector_store %arg9[%parallel_loop3A_323], %broadcast_in_dim3A_192 {strides = array<i32>} : memref<4096xi32, #tpu.memory_space<vmem>>, vector<16xi32>,
      %parallel_loop3A_325 = arith.constant 16 : i32
      %parallel_loop3A_326 = arith.muli %parallel_loop3A_311, %parallel_loop3A_325 : i32
      %parallel_loop3A_327 = arith.constant 256 : i32
      %parallel_loop3A_328 = arith.addi %parallel_loop3A_327, %parallel_loop3A_326 : i32
      %parallel_loop3A_329 = arith.index_cast %parallel_loop3A_328 : i32 to index
      %parallel_loop3A_330 = tpu.vector_load %arg9[%parallel_loop3A_329] {strides = array<i32>} : memref<4096xi32, #tpu.memory_space<vmem>>, vector<16xi32>,
      %parallel_loop3A_331 = arith.addi %parallel_loop3A_318, %parallel_loop3A_330 : vector<16xi32>
      %parallel_loop3A_332 = arith.constant 16 : i32
      %parallel_loop3A_333 = arith.muli %parallel_loop3A_311, %parallel_loop3A_332 : i32
      %parallel_loop3A_334 = arith.constant 256 : i32
      %parallel_loop3A_335 = arith.addi %parallel_loop3A_334, %parallel_loop3A_333 : i32
      %parallel_loop3A_336 = arith.index_cast %parallel_loop3A_335 : i32 to index
      %parallel_loop3A_337 = tpu.vector_load %arg9[%parallel_loop3A_336] {strides = array<i32>} : memref<4096xi32, #tpu.memory_space<vmem>>, vector<16xi32>,
      tpu.vector_store %arg9[%parallel_loop3A_336], %broadcast_in_dim3A_192 {strides = array<i32>} : memref<4096xi32, #tpu.memory_space<vmem>>, vector<16xi32>,
      %parallel_loop3A_338 = arith.constant 16 : i32
      %parallel_loop3A_339 = arith.muli %parallel_loop3A_311, %parallel_loop3A_338 : i32
      %parallel_loop3A_340 = arith.constant 512 : i32
      %parallel_loop3A_341 = arith.addi %parallel_loop3A_340, %parallel_loop3A_339 : i32
      %parallel_loop3A_342 = arith.index_cast %parallel_loop3A_341 : i32 to index
      %parallel_loop3A_343 = tpu.vector_load %arg9[%parallel_loop3A_342] {strides = array<i32>} : memref<4096xi32, #tpu.memory_space<vmem>>, vector<16xi32>,
      %parallel_loop3A_344 = arith.addi %parallel_loop3A_331, %parallel_loop3A_343 : vector<16xi32>
      %parallel_loop3A_345 = arith.constant 16 : i32
      %parallel_loop3A_346 = arith.muli %parallel_loop3A_311, %parallel_loop3A_345 : i32
      %parallel_loop3A_347 = arith.constant 512 : i32
      %parallel_loop3A_348 = arith.addi %parallel_loop3A_347, %parallel_loop3A_346 : i32
      %parallel_loop3A_349 = arith.index_cast %parallel_loop3A_348 : i32 to index
      %parallel_loop3A_350 = tpu.vector_load %arg9[%parallel_loop3A_349] {strides = array<i32>} : memref<4096xi32, #tpu.memory_space<vmem>>, vector<16xi32>,
      tpu.vector_store %arg9[%parallel_loop3A_349], %broadcast_in_dim3A_192 {strides = array<i32>} : memref<4096xi32, #tpu.memory_space<vmem>>, vector<16xi32>,
      %parallel_loop3A_351 = arith.constant 16 : i32
      %parallel_loop3A_352 = arith.muli %parallel_loop3A_311, %parallel_loop3A_351 : i32
      %parallel_loop3A_353 = arith.constant 768 : i32
      %parallel_loop3A_354 = arith.addi %parallel_loop3A_353, %parallel_loop3A_352 : i32
      %parallel_loop3A_355 = arith.index_cast %parallel_loop3A_354 : i32 to index
      %parallel_loop3A_356 = tpu.vector_load %arg9[%parallel_loop3A_355] {strides = array<i32>} : memref<4096xi32, #tpu.memory_space<vmem>>, vector<16xi32>,
      %parallel_loop3A_357 = arith.addi %parallel_loop3A_344, %parallel_loop3A_356 : vector<16xi32>
      %parallel_loop3A_358 = arith.constant 16 : i32
      %parallel_loop3A_359 = arith.muli %parallel_loop3A_311, %parallel_loop3A_358 : i32
      %parallel_loop3A_360 = arith.constant 768 : i32
      %parallel_loop3A_361 = arith.addi %parallel_loop3A_360, %parallel_loop3A_359 : i32
      %parallel_loop3A_362 = arith.index_cast %parallel_loop3A_361 : i32 to index
      %parallel_loop3A_363 = tpu.vector_load %arg9[%parallel_loop3A_362] {strides = array<i32>} : memref<4096xi32, #tpu.memory_space<vmem>>, vector<16xi32>,
      tpu.vector_store %arg9[%parallel_loop3A_362], %broadcast_in_dim3A_192 {strides = array<i32>} : memref<4096xi32, #tpu.memory_space<vmem>>, vector<16xi32>,
      %parallel_loop3A_364 = arith.constant 16 : i32
      %parallel_loop3A_365 = arith.muli %parallel_loop3A_311, %parallel_loop3A_364 : i32
      %parallel_loop3A_366 = arith.constant 1024 : i32
      %parallel_loop3A_367 = arith.addi %parallel_loop3A_366, %parallel_loop3A_365 : i32
      %parallel_loop3A_368 = arith.index_cast %parallel_loop3A_367 : i32 to index
      %parallel_loop3A_369 = tpu.vector_load %arg9[%parallel_loop3A_368] {strides = array<i32>} : memref<4096xi32, #tpu.memory_space<vmem>>, vector<16xi32>,
      %parallel_loop3A_370 = arith.addi %parallel_loop3A_357, %parallel_loop3A_369 : vector<16xi32>
      %parallel_loop3A_371 = arith.constant 16 : i32
      %parallel_loop3A_372 = arith.muli %parallel_loop3A_311, %parallel_loop3A_371 : i32
      %parallel_loop3A_373 = arith.constant 1024 : i32
      %parallel_loop3A_374 = arith.addi %parallel_loop3A_373, %parallel_loop3A_372 : i32
      %parallel_loop3A_375 = arith.index_cast %parallel_loop3A_374 : i32 to index
      %parallel_loop3A_376 = tpu.vector_load %arg9[%parallel_loop3A_375] {strides = array<i32>} : memref<4096xi32, #tpu.memory_space<vmem>>, vector<16xi32>,
      tpu.vector_store %arg9[%parallel_loop3A_375], %broadcast_in_dim3A_192 {strides = array<i32>} : memref<4096xi32, #tpu.memory_space<vmem>>, vector<16xi32>,
      %parallel_loop3A_377 = arith.constant 16 : i32
      %parallel_loop3A_378 = arith.muli %parallel_loop3A_311, %parallel_loop3A_377 : i32
      %parallel_loop3A_379 = arith.constant 1280 : i32
      %parallel_loop3A_380 = arith.addi %parallel_loop3A_379, %parallel_loop3A_378 : i32
      %parallel_loop3A_381 = arith.index_cast %parallel_loop3A_380 : i32 to index
      %parallel_loop3A_382 = tpu.vector_load %arg9[%parallel_loop3A_381] {strides = array<i32>} : memref<4096xi32, #tpu.memory_space<vmem>>, vector<16xi32>,
      %parallel_loop3A_383 = arith.addi %parallel_loop3A_370, %parallel_loop3A_382 : vector<16xi32>
      %parallel_loop3A_384 = arith.constant 16 : i32
      %parallel_loop3A_385 = arith.muli %parallel_loop3A_311, %parallel_loop3A_384 : i32
      %parallel_loop3A_386 = arith.constant 1280 : i32
      %parallel_loop3A_387 = arith.addi %parallel_loop3A_386, %parallel_loop3A_385 : i32
      %parallel_loop3A_388 = arith.index_cast %parallel_loop3A_387 : i32 to index
      %parallel_loop3A_389 = tpu.vector_load %arg9[%parallel_loop3A_388] {strides = array<i32>} : memref<4096xi32, #tpu.memory_space<vmem>>, vector<16xi32>,
      tpu.vector_store %arg9[%parallel_loop3A_388], %broadcast_in_dim3A_192 {strides = array<i32>} : memref<4096xi32, #tpu.memory_space<vmem>>, vector<16xi32>,
      %parallel_loop3A_390 = arith.constant 16 : i32
      %parallel_loop3A_391 = arith.muli %parallel_loop3A_311, %parallel_loop3A_390 : i32
      %parallel_loop3A_392 = arith.constant 1536 : i32
      %parallel_loop3A_393 = arith.addi %parallel_loop3A_392, %parallel_loop3A_391 : i32
      %parallel_loop3A_394 = arith.index_cast %parallel_loop3A_393 : i32 to index
      %parallel_loop3A_395 = tpu.vector_load %arg9[%parallel_loop3A_394] {strides = array<i32>} : memref<4096xi32, #tpu.memory_space<vmem>>, vector<16xi32>,
      %parallel_loop3A_396 = arith.addi %parallel_loop3A_383, %parallel_loop3A_395 : vector<16xi32>
      %parallel_loop3A_397 = arith.constant 16 : i32
      %parallel_loop3A_398 = arith.muli %parallel_loop3A_311, %parallel_loop3A_397 : i32
      %parallel_loop3A_399 = arith.constant 1536 : i32
      %parallel_loop3A_400 = arith.addi %parallel_loop3A_399, %parallel_loop3A_398 : i32
      %parallel_loop3A_401 = arith.index_cast %parallel_loop3A_400 : i32 to index
      %parallel_loop3A_402 = tpu.vector_load %arg9[%parallel_loop3A_401] {strides = array<i32>} : memref<4096xi32, #tpu.memory_space<vmem>>, vector<16xi32>,
      tpu.vector_store %arg9[%parallel_loop3A_401], %broadcast_in_dim3A_192 {strides = array<i32>} : memref<4096xi32, #tpu.memory_space<vmem>>, vector<16xi32>,
      %parallel_loop3A_403 = arith.constant 16 : i32
      %parallel_loop3A_404 = arith.muli %parallel_loop3A_311, %parallel_loop3A_403 : i32
      %parallel_loop3A_405 = arith.constant 1792 : i32
      %parallel_loop3A_406 = arith.addi %parallel_loop3A_405, %parallel_loop3A_404 : i32
      %parallel_loop3A_407 = arith.index_cast %parallel_loop3A_406 : i32 to index
      %parallel_loop3A_408 = tpu.vector_load %arg9[%parallel_loop3A_407] {strides = array<i32>} : memref<4096xi32, #tpu.memory_space<vmem>>, vector<16xi32>,
      %parallel_loop3A_409 = arith.addi %parallel_loop3A_396, %parallel_loop3A_408 : vector<16xi32>
      %parallel_loop3A_410 = arith.constant 16 : i32
      %parallel_loop3A_411 = arith.muli %parallel_loop3A_311, %parallel_loop3A_410 : i32
      %parallel_loop3A_412 = arith.constant 1792 : i32
      %parallel_loop3A_413 = arith.addi %parallel_loop3A_412, %parallel_loop3A_411 : i32
      %parallel_loop3A_414 = arith.index_cast %parallel_loop3A_413 : i32 to index
      %parallel_loop3A_415 = tpu.vector_load %arg9[%parallel_loop3A_414] {strides = array<i32>} : memref<4096xi32, #tpu.memory_space<vmem>>, vector<16xi32>,
      tpu.vector_store %arg9[%parallel_loop3A_414], %broadcast_in_dim3A_192 {strides = array<i32>} : memref<4096xi32, #tpu.memory_space<vmem>>, vector<16xi32>,
      %parallel_loop3A_416 = arith.constant 16 : i32
      %parallel_loop3A_417 = arith.muli %parallel_loop3A_311, %parallel_loop3A_416 : i32
      %parallel_loop3A_418 = arith.constant 2048 : i32
      %parallel_loop3A_419 = arith.addi %parallel_loop3A_418, %parallel_loop3A_417 : i32
      %parallel_loop3A_420 = arith.index_cast %parallel_loop3A_419 : i32 to index
      %parallel_loop3A_421 = tpu.vector_load %arg9[%parallel_loop3A_420] {strides = array<i32>} : memref<4096xi32, #tpu.memory_space<vmem>>, vector<16xi32>,
      %parallel_loop3A_422 = arith.addi %parallel_loop3A_409, %parallel_loop3A_421 : vector<16xi32>
      %parallel_loop3A_423 = arith.constant 16 : i32
      %parallel_loop3A_424 = arith.muli %parallel_loop3A_311, %parallel_loop3A_423 : i32
      %parallel_loop3A_425 = arith.constant 2048 : i32
      %parallel_loop3A_426 = arith.addi %parallel_loop3A_425, %parallel_loop3A_424 : i32
      %parallel_loop3A_427 = arith.index_cast %parallel_loop3A_426 : i32 to index
      %parallel_loop3A_428 = tpu.vector_load %arg9[%parallel_loop3A_427] {strides = array<i32>} : memref<4096xi32, #tpu.memory_space<vmem>>, vector<16xi32>,
      tpu.vector_store %arg9[%parallel_loop3A_427], %broadcast_in_dim3A_192 {strides = array<i32>} : memref<4096xi32, #tpu.memory_space<vmem>>, vector<16xi32>,
      %parallel_loop3A_429 = arith.constant 16 : i32
      %parallel_loop3A_430 = arith.muli %parallel_loop3A_311, %parallel_loop3A_429 : i32
      %parallel_loop3A_431 = arith.constant 2304 : i32
      %parallel_loop3A_432 = arith.addi %parallel_loop3A_431, %parallel_loop3A_430 : i32
      %parallel_loop3A_433 = arith.index_cast %parallel_loop3A_432 : i32 to index
      %parallel_loop3A_434 = tpu.vector_load %arg9[%parallel_loop3A_433] {strides = array<i32>} : memref<4096xi32, #tpu.memory_space<vmem>>, vector<16xi32>,
      %parallel_loop3A_435 = arith.addi %parallel_loop3A_422, %parallel_loop3A_434 : vector<16xi32>
      %parallel_loop3A_436 = arith.constant 16 : i32
      %parallel_loop3A_437 = arith.muli %parallel_loop3A_311, %parallel_loop3A_436 : i32
      %parallel_loop3A_438 = arith.constant 2304 : i32
      %parallel_loop3A_439 = arith.addi %parallel_loop3A_438, %parallel_loop3A_437 : i32
      %parallel_loop3A_440 = arith.index_cast %parallel_loop3A_439 : i32 to index
      %parallel_loop3A_441 = tpu.vector_load %arg9[%parallel_loop3A_440] {strides = array<i32>} : memref<4096xi32, #tpu.memory_space<vmem>>, vector<16xi32>,
      tpu.vector_store %arg9[%parallel_loop3A_440], %broadcast_in_dim3A_192 {strides = array<i32>} : memref<4096xi32, #tpu.memory_space<vmem>>, vector<16xi32>,
      %parallel_loop3A_442 = arith.constant 16 : i32
      %parallel_loop3A_443 = arith.muli %parallel_loop3A_311, %parallel_loop3A_442 : i32
      %parallel_loop3A_444 = arith.constant 2560 : i32
      %parallel_loop3A_445 = arith.addi %parallel_loop3A_444, %parallel_loop3A_443 : i32
      %parallel_loop3A_446 = arith.index_cast %parallel_loop3A_445 : i32 to index
      %parallel_loop3A_447 = tpu.vector_load %arg9[%parallel_loop3A_446] {strides = array<i32>} : memref<4096xi32, #tpu.memory_space<vmem>>, vector<16xi32>,
      %parallel_loop3A_448 = arith.addi %parallel_loop3A_435, %parallel_loop3A_447 : vector<16xi32>
      %parallel_loop3A_449 = arith.constant 16 : i32
      %parallel_loop3A_450 = arith.muli %parallel_loop3A_311, %parallel_loop3A_449 : i32
      %parallel_loop3A_451 = arith.constant 2560 : i32
      %parallel_loop3A_452 = arith.addi %parallel_loop3A_451, %parallel_loop3A_450 : i32
      %parallel_loop3A_453 = arith.index_cast %parallel_loop3A_452 : i32 to index
      %parallel_loop3A_454 = tpu.vector_load %arg9[%parallel_loop3A_453] {strides = array<i32>} : memref<4096xi32, #tpu.memory_space<vmem>>, vector<16xi32>,
      tpu.vector_store %arg9[%parallel_loop3A_453], %broadcast_in_dim3A_192 {strides = array<i32>} : memref<4096xi32, #tpu.memory_space<vmem>>, vector<16xi32>,
      %parallel_loop3A_455 = arith.constant 16 : i32
      %parallel_loop3A_456 = arith.muli %parallel_loop3A_311, %parallel_loop3A_455 : i32
      %parallel_loop3A_457 = arith.constant 2816 : i32
      %parallel_loop3A_458 = arith.addi %parallel_loop3A_457, %parallel_loop3A_456 : i32
      %parallel_loop3A_459 = arith.index_cast %parallel_loop3A_458 : i32 to index
      %parallel_loop3A_460 = tpu.vector_load %arg9[%parallel_loop3A_459] {strides = array<i32>} : memref<4096xi32, #tpu.memory_space<vmem>>, vector<16xi32>,
      %parallel_loop3A_461 = arith.addi %parallel_loop3A_448, %parallel_loop3A_460 : vector<16xi32>
      %parallel_loop3A_462 = arith.constant 16 : i32
      %parallel_loop3A_463 = arith.muli %parallel_loop3A_311, %parallel_loop3A_462 : i32
      %parallel_loop3A_464 = arith.constant 2816 : i32
      %parallel_loop3A_465 = arith.addi %parallel_loop3A_464, %parallel_loop3A_463 : i32
      %parallel_loop3A_466 = arith.index_cast %parallel_loop3A_465 : i32 to index
      %parallel_loop3A_467 = tpu.vector_load %arg9[%parallel_loop3A_466] {strides = array<i32>} : memref<4096xi32, #tpu.memory_space<vmem>>, vector<16xi32>,
      tpu.vector_store %arg9[%parallel_loop3A_466], %broadcast_in_dim3A_192 {strides = array<i32>} : memref<4096xi32, #tpu.memory_space<vmem>>, vector<16xi32>,
      %parallel_loop3A_468 = arith.constant 16 : i32
      %parallel_loop3A_469 = arith.muli %parallel_loop3A_311, %parallel_loop3A_468 : i32
      %parallel_loop3A_470 = arith.constant 3072 : i32
      %parallel_loop3A_471 = arith.addi %parallel_loop3A_470, %parallel_loop3A_469 : i32
      %parallel_loop3A_472 = arith.index_cast %parallel_loop3A_471 : i32 to index
      %parallel_loop3A_473 = tpu.vector_load %arg9[%parallel_loop3A_472] {strides = array<i32>} : memref<4096xi32, #tpu.memory_space<vmem>>, vector<16xi32>,
      %parallel_loop3A_474 = arith.addi %parallel_loop3A_461, %parallel_loop3A_473 : vector<16xi32>
      %parallel_loop3A_475 = arith.constant 16 : i32
      %parallel_loop3A_476 = arith.muli %parallel_loop3A_311, %parallel_loop3A_475 : i32
      %parallel_loop3A_477 = arith.constant 3072 : i32
      %parallel_loop3A_478 = arith.addi %parallel_loop3A_477, %parallel_loop3A_476 : i32
      %parallel_loop3A_479 = arith.index_cast %parallel_loop3A_478 : i32 to index
      %parallel_loop3A_480 = tpu.vector_load %arg9[%parallel_loop3A_479] {strides = array<i32>} : memref<4096xi32, #tpu.memory_space<vmem>>, vector<16xi32>,
      tpu.vector_store %arg9[%parallel_loop3A_479], %broadcast_in_dim3A_192 {strides = array<i32>} : memref<4096xi32, #tpu.memory_space<vmem>>, vector<16xi32>,
      %parallel_loop3A_481 = arith.constant 16 : i32
      %parallel_loop3A_482 = arith.muli %parallel_loop3A_311, %parallel_loop3A_481 : i32
      %parallel_loop3A_483 = arith.constant 3328 : i32
      %parallel_loop3A_484 = arith.addi %parallel_loop3A_483, %parallel_loop3A_482 : i32
      %parallel_loop3A_485 = arith.index_cast %parallel_loop3A_484 : i32 to index
      %parallel_loop3A_486 = tpu.vector_load %arg9[%parallel_loop3A_485] {strides = array<i32>} : memref<4096xi32, #tpu.memory_space<vmem>>, vector<16xi32>,
      %parallel_loop3A_487 = arith.addi %parallel_loop3A_474, %parallel_loop3A_486 : vector<16xi32>
      %parallel_loop3A_488 = arith.constant 16 : i32
      %parallel_loop3A_489 = arith.muli %parallel_loop3A_311, %parallel_loop3A_488 : i32
      %parallel_loop3A_490 = arith.constant 3328 : i32
      %parallel_loop3A_491 = arith.addi %parallel_loop3A_490, %parallel_loop3A_489 : i32
      %parallel_loop3A_492 = arith.index_cast %parallel_loop3A_491 : i32 to index
      %parallel_loop3A_493 = tpu.vector_load %arg9[%parallel_loop3A_492] {strides = array<i32>} : memref<4096xi32, #tpu.memory_space<vmem>>, vector<16xi32>,
      tpu.vector_store %arg9[%parallel_loop3A_492], %broadcast_in_dim3A_192 {strides = array<i32>} : memref<4096xi32, #tpu.memory_space<vmem>>, vector<16xi32>,
      %parallel_loop3A_494 = arith.constant 16 : i32
      %parallel_loop3A_495 = arith.muli %parallel_loop3A_311, %parallel_loop3A_494 : i32
      %parallel_loop3A_496 = arith.constant 3584 : i32
      %parallel_loop3A_497 = arith.addi %parallel_loop3A_496, %parallel_loop3A_495 : i32
      %parallel_loop3A_498 = arith.index_cast %parallel_loop3A_497 : i32 to index
      %parallel_loop3A_499 = tpu.vector_load %arg9[%parallel_loop3A_498] {strides = array<i32>} : memref<4096xi32, #tpu.memory_space<vmem>>, vector<16xi32>,
      %parallel_loop3A_500 = arith.addi %parallel_loop3A_487, %parallel_loop3A_499 : vector<16xi32>
      %parallel_loop3A_501 = arith.constant 16 : i32
      %parallel_loop3A_502 = arith.muli %parallel_loop3A_311, %parallel_loop3A_501 : i32
      %parallel_loop3A_503 = arith.constant 3584 : i32
      %parallel_loop3A_504 = arith.addi %parallel_loop3A_503, %parallel_loop3A_502 : i32
      %parallel_loop3A_505 = arith.index_cast %parallel_loop3A_504 : i32 to index
      %parallel_loop3A_506 = tpu.vector_load %arg9[%parallel_loop3A_505] {strides = array<i32>} : memref<4096xi32, #tpu.memory_space<vmem>>, vector<16xi32>,
      tpu.vector_store %arg9[%parallel_loop3A_505], %broadcast_in_dim3A_192 {strides = array<i32>} : memref<4096xi32, #tpu.memory_space<vmem>>, vector<16xi32>,
      %parallel_loop3A_507 = arith.constant 16 : i32
      %parallel_loop3A_508 = arith.muli %parallel_loop3A_311, %parallel_loop3A_507 : i32
      %parallel_loop3A_509 = arith.constant 3840 : i32
      %parallel_loop3A_510 = arith.addi %parallel_loop3A_509, %parallel_loop3A_508 : i32
      %parallel_loop3A_511 = arith.index_cast %parallel_loop3A_510 : i32 to index
      %parallel_loop3A_512 = tpu.vector_load %arg9[%parallel_loop3A_511] {strides = array<i32>} : memref<4096xi32, #tpu.memory_space<vmem>>, vector<16xi32>,
      %parallel_loop3A_513 = arith.addi %parallel_loop3A_500, %parallel_loop3A_512 : vector<16xi32>
      %parallel_loop3A_514 = arith.constant 16 : i32
      %parallel_loop3A_515 = arith.muli %parallel_loop3A_311, %parallel_loop3A_514 : i32
      %parallel_loop3A_516 = arith.constant 3840 : i32
      %parallel_loop3A_517 = arith.addi %parallel_loop3A_516, %parallel_loop3A_515 : i32
      %parallel_loop3A_518 = arith.index_cast %parallel_loop3A_517 : i32 to index
      %parallel_loop3A_519 = tpu.vector_load %arg9[%parallel_loop3A_518] {strides = array<i32>} : memref<4096xi32, #tpu.memory_space<vmem>>, vector<16xi32>,
      tpu.vector_store %arg9[%parallel_loop3A_518], %broadcast_in_dim3A_192 {strides = array<i32>} : memref<4096xi32, #tpu.memory_space<vmem>>, vector<16xi32>,
      %parallel_loop3A_520 = arith.constant 16 : i32
      %parallel_loop3A_521 = arith.muli %parallel_loop3A_311, %parallel_loop3A_520 : i32
      %parallel_loop3A_522 = arith.index_cast %parallel_loop3A_521 : i32 to index
      %parallel_loop3A_523 = tpu.vector_load %arg10[%parallel_loop3A_522] {strides = array<i32>} : memref<256xi32, #tpu.memory_space<vmem>>, vector<16xi32>,
      tpu.vector_store %arg10[%parallel_loop3A_522], %parallel_loop3A_513 {strides = array<i32>} : memref<256xi32, #tpu.memory_space<vmem>>, vector<16xi32>,
    } {sc.loop_unroll_factor = 1 : i64, sc.parallel_access}
    %sub3A_196 = arith.constant 64 : i32
    %sub3A_197 = arith.subi %sub3A_196, %scan3A_186 : i32
    %scan3A_198 = arith.constant 0 : i32
    %scan3A_199 = arith.constant 0 : i32
    %scan3A_200 = arith.constant 0 : i32
    %scan3A_201 = arith.constant 16 : i32
    %scan3A_202 = arith.addi %scan3A_200, %scan3A_201 : i32
    %scan3A_203 = arith.constant 1 : i32
    %scan3A_204:2 = scf.for %scan3A_311 = %scan3A_200 to %scan3A_202 step %scan3A_203 iter_args(%scan3A_312 = %scan3A_198, %scan3A_313 = %scan3A_199) -> (i32, i32)  : i32 {
      %sub3A_314 = arith.constant 15 : i32
      %sub3A_315 = arith.subi %sub3A_314, %scan3A_311 : i32
      %mul3A_316 = arith.constant 16 : i32
      %mul3A_317 = arith.muli %sub3A_315, %mul3A_316 : i32
      %get3A = arith.index_cast %mul3A_317 : i32 to index
      %get3A_318 = tpu.vector_load %arg10[%get3A] {strides = array<i32>} : memref<256xi32, #tpu.memory_space<vmem>>, vector<16xi32>,
      %rev3A = arith.constant 15 : i32
      %rev3A_319 = vector.broadcast %rev3A : i32 to vector<16xi32>
      %rev3A_320 = tpu.iota {dimensions = array<i32: 0>} : vector<16xi32>
      %rev3A_321 = arith.subi %rev3A_319, %rev3A_320 : vector<16xi32>
      %rev3A_322 = tpu.dynamic_gather %get3A_318[%rev3A_321] in [0] : vector<16xi32>, vector<16xi32> -> vector<16xi32>
      %broadcast_in_dim3A_323 = arith.constant true
      %broadcast_in_dim3A_324 = vector.broadcast %broadcast_in_dim3A_323 : i1 to vector<16xi1>
      %masked_cumsum3A = tpu.scan <sum>, %rev3A_322 masked %broadcast_in_dim3A_324 : vector<16xi32>, vector<16xi1> -> vector<16xi32>
      %rev3A_325 = arith.constant 15 : i32
      %rev3A_326 = vector.broadcast %rev3A_325 : i32 to vector<16xi32>
      %rev3A_327 = tpu.iota {dimensions = array<i32: 0>} : vector<16xi32>
      %rev3A_328 = arith.subi %rev3A_326, %rev3A_327 : vector<16xi32>
      %rev3A_329 = tpu.dynamic_gather %masked_cumsum3A[%rev3A_328] in [0] : vector<16xi32>, vector<16xi32> -> vector<16xi32>
      %add3A_330 = vector.broadcast %scan3A_313 : i32 to vector<16xi32>
      %add3A_331 = arith.addi %rev3A_329, %add3A_330 : vector<16xi32>
      %ge3A = vector.broadcast %sub3A_197 : i32 to vector<16xi32>
      %ge3A_332 = arith.cmpi sge, %add3A_331, %ge3A : vector<16xi32>
      %convert_element_type3A = arith.extui %ge3A_332 : vector<16xi1> to vector<16xi32>
      %reduce_sum3A = arith.constant true
      %reduce_sum3A_333 = vector.broadcast %reduce_sum3A : i1 to vector<16xi1>
      %reduce_sum3A_334 = tpu.scan <sum>, %convert_element_type3A masked %reduce_sum3A_333 : vector<16xi32>, vector<16xi1> -> vector<16xi32>
      %reduce_sum3A_335 = vector.extract %reduce_sum3A_334[15] : i32 from vector<16xi32>
      %add3A_336 = arith.addi %scan3A_312, %reduce_sum3A_335 : i32
      %reduce_sum3A_337 = arith.constant true
      %reduce_sum3A_338 = vector.broadcast %reduce_sum3A_337 : i1 to vector<16xi1>
      %reduce_sum3A_339 = tpu.scan <sum>, %get3A_318 masked %reduce_sum3A_338 : vector<16xi32>, vector<16xi1> -> vector<16xi32>
      %reduce_sum3A_340 = vector.extract %reduce_sum3A_339[15] : i32 from vector<16xi32>
      %add3A_341 = arith.addi %scan3A_313, %reduce_sum3A_340 : i32
      scf.yield %add3A_336, %add3A_341 : i32, i32
    }
    %scan3A_205 = arith.constant 16 : i32
    %sub3A_206 = arith.constant 1 : i32
    %sub3A_207 = arith.subi %scan3A_204#0, %sub3A_206 : i32
    %scan3A_208 = arith.constant 0 : i32
    %scan3A_209 = arith.constant 0 : i32
    %scan3A_210 = arith.constant 16 : i32
    %scan3A_211 = arith.addi %scan3A_209, %scan3A_210 : i32
    %scan3A_212 = arith.constant 1 : i32
    %scan3A_213 = scf.for %scan3A_311 = %scan3A_209 to %scan3A_211 step %scan3A_212 iter_args(%scan3A_312 = %scan3A_208) -> (i32)  : i32 {
      %mul3A_313 = arith.constant 16 : i32
      %mul3A_314 = arith.muli %scan3A_311, %mul3A_313 : i32
      %get3A = arith.index_cast %mul3A_314 : i32 to index
      %get3A_315 = tpu.vector_load %arg10[%get3A] {strides = array<i32>} : memref<256xi32, #tpu.memory_space<vmem>>, vector<16xi32>,
      %iota3A_316 = tpu.iota {dimensions = array<i32: 0>} : vector<16xi32>
      %mul3A_317 = arith.constant 16 : i32
      %mul3A_318 = arith.muli %scan3A_311, %mul3A_317 : i32
      %add3A_319 = vector.broadcast %mul3A_318 : i32 to vector<16xi32>
      %add3A_320 = arith.addi %iota3A_316, %add3A_319 : vector<16xi32>
      %gt3A = vector.broadcast %sub3A_207 : i32 to vector<16xi32>
      %gt3A_321 = arith.cmpi sgt, %add3A_320, %gt3A : vector<16xi32>
      %jit3A_322 = arith.constant 0 : i32
      %broadcast_in_dim3A_323 = vector.broadcast %jit3A_322 : i32 to vector<16xi32>
      %select_n3A_324 = arith.select %gt3A_321, %get3A_315, %broadcast_in_dim3A_323 : vector<16xi1>, vector<16xi32>
      %reduce_sum3A = arith.constant true
      %reduce_sum3A_325 = vector.broadcast %reduce_sum3A : i1 to vector<16xi1>
      %reduce_sum3A_326 = tpu.scan <sum>, %select_n3A_324 masked %reduce_sum3A_325 : vector<16xi32>, vector<16xi1> -> vector<16xi32>
      %reduce_sum3A_327 = vector.extract %reduce_sum3A_326[15] : i32 from vector<16xi32>
      %add3A_328 = arith.addi %scan3A_312, %reduce_sum3A_327 : i32
      scf.yield %add3A_328 : i32
    }
    %scan3A_214 = arith.constant 16 : i32
    %add3A_215 = arith.addi %scan3A_186, %scan3A_213 : i32
    %mul3A_216 = arith.constant 256 : i32
    %mul3A_217 = arith.muli %sub3A_180, %mul3A_216 : i32
    %add3A_218 = arith.addi %mul3A_217, %sub3A_207 : i32
    %parallel_loop3A_219 = arith.constant 0 : i32
    %parallel_loop3A_220 = arith.constant 512 : i32
    %parallel_loop3A_221 = arith.constant 1 : i32
    %parallel_loop3A_222 = arith.constant 0 : i32
    %parallel_loop3A_223 = scf.for %parallel_loop3A_311 = %parallel_loop3A_219 to %parallel_loop3A_220 step %parallel_loop3A_221 iter_args(%parallel_loop3A_312 = %parallel_loop3A_222) -> (i32)  : i32 {
      %parallel_loop3A_313 = arith.constant 16 : i32
      %parallel_loop3A_314 = arith.muli %parallel_loop3A_311, %parallel_loop3A_313 : i32
      %parallel_loop3A_315 = arith.index_cast %parallel_loop3A_314 : i32 to index
      %parallel_loop3A_316 = tpu.vector_load %arg5[%parallel_loop3A_315] {strides = array<i32>} : memref<8192xi32, #tpu.memory_space<vmem>>, vector<16xi32>,
      %parallel_loop3A_317 = arith.constant 16 : i32
      %parallel_loop3A_318 = vector.broadcast %parallel_loop3A_317 : i32 to vector<16xi32>
      %parallel_loop3A_319 = arith.shrui %parallel_loop3A_316, %parallel_loop3A_318 : vector<16xi32>
      %parallel_loop3A_320 = vector.broadcast %add3A_218 : i32 to vector<16xi32>
      %parallel_loop3A_321 = arith.cmpi eq, %parallel_loop3A_319, %parallel_loop3A_320 : vector<16xi32>
      %parallel_loop3A_322 = arith.extui %parallel_loop3A_321 : vector<16xi1> to vector<16xi32>
      %parallel_loop3A_323 = arith.constant true
      %parallel_loop3A_324 = vector.broadcast %parallel_loop3A_323 : i1 to vector<16xi1>
      %parallel_loop3A_325 = tpu.scan <sum>, %parallel_loop3A_322 masked %parallel_loop3A_324 : vector<16xi32>, vector<16xi1> -> vector<16xi32>
      %parallel_loop3A_326 = vector.broadcast %parallel_loop3A_312 : i32 to vector<16xi32>
      %parallel_loop3A_327 = arith.addi %parallel_loop3A_326, %parallel_loop3A_325 : vector<16xi32>
      %parallel_loop3A_328 = arith.constant 1 : i32
      %parallel_loop3A_329 = vector.broadcast %parallel_loop3A_328 : i32 to vector<16xi32>
      %parallel_loop3A_330 = arith.subi %parallel_loop3A_327, %parallel_loop3A_329 : vector<16xi32>
      %parallel_loop3A_331 = vector.bitcast %parallel_loop3A_316 : vector<16xi32> to vector<16xi32>
      tpu.vector_store_idx %arg7[%parallel_loop3A_330], %parallel_loop3A_331 masked %parallel_loop3A_321 : memref<8192xi32, #tpu.memory_space<vmem>>[vector<16xi32>], vector<16xi32>, vector<16xi1>
      %parallel_loop3A_332 = arith.constant 16 : i32
      %parallel_loop3A_333 = arith.muli %parallel_loop3A_311, %parallel_loop3A_332 : i32
      %parallel_loop3A_334 = vector.broadcast %parallel_loop3A_333 : i32 to vector<16xi32>
      %parallel_loop3A_335 = arith.addi %iota3A, %parallel_loop3A_334 : vector<16xi32>
      tpu.vector_store_idx %arg8[%parallel_loop3A_330], %parallel_loop3A_335 masked %parallel_loop3A_321 : memref<8192xi32, #tpu.memory_space<vmem>>[vector<16xi32>], vector<16xi32>, vector<16xi1>
      %parallel_loop3A_336 = arith.constant true
      %parallel_loop3A_337 = vector.broadcast %parallel_loop3A_336 : i1 to vector<16xi1>
      %parallel_loop3A_338 = tpu.scan <sum>, %parallel_loop3A_322 masked %parallel_loop3A_337 : vector<16xi32>, vector<16xi1> -> vector<16xi32>
      %parallel_loop3A_339 = vector.extract %parallel_loop3A_338[15] : i32 from vector<16xi32>
      %parallel_loop3A_340 = arith.addi %parallel_loop3A_312, %parallel_loop3A_339 : i32
      scf.yield %parallel_loop3A_340 : i32
    } {sc.loop_unroll_factor = 8 : i64, sc.parallel_access}
    %add3A_224 = arith.constant 15 : i32
    %add3A_225 = arith.addi %parallel_loop3A_223, %add3A_224 : i32
    %jit3A_226 = arith.constant 16 : i32
    %div3A_227 = arith.divsi %add3A_225, %jit3A_226 : i32
    %sign3A_228 = arith.constant 0 : i32
    %sign3A_229 = arith.cmpi sgt, %add3A_225, %sign3A_228 : i32
    %sign3A_230 = arith.extui %sign3A_229 : i1 to i32
    %sign3A_231 = arith.constant 0 : i32
    %sign3A_232 = arith.cmpi slt, %add3A_225, %sign3A_231 : i32
    %sign3A_233 = arith.extui %sign3A_232 : i1 to i32
    %sign3A_234 = arith.subi %sign3A_230, %sign3A_233 : i32
    %sign3A_235 = arith.constant 0 : i32
    %sign3A_236 = arith.cmpi sgt, %jit3A_226, %sign3A_235 : i32
    %sign3A_237 = arith.extui %sign3A_236 : i1 to i32
    %sign3A_238 = arith.constant 0 : i32
    %sign3A_239 = arith.cmpi slt, %jit3A_226, %sign3A_238 : i32
    %sign3A_240 = arith.extui %sign3A_239 : i1 to i32
    %sign3A_241 = arith.subi %sign3A_237, %sign3A_240 : i32
    %ne3A_242 = arith.cmpi ne, %sign3A_234, %sign3A_241 : i32
    %rem3A_243 = arith.remsi %add3A_225, %jit3A_226 : i32
    %ne3A_244 = arith.constant 0 : i32
    %ne3A_245 = arith.cmpi ne, %rem3A_243, %ne3A_244 : i32
    %and3A_246 = arith.andi %ne3A_242, %ne3A_245 : i1
    %sub3A_247 = arith.constant 1 : i32
    %sub3A_248 = arith.subi %div3A_227, %sub3A_247 : i32
    %select_n3A_249 = arith.select %and3A_246, %sub3A_248, %div3A_227 : i32
    %sub3A_250 = arith.constant 64 : i32
    %sub3A_251 = arith.subi %sub3A_250, %add3A_215 : i32
    %scan3A_252 = arith.constant 0 : i32
    %scan3A_253 = arith.constant 0 : i32
    %scan3A_254 = arith.constant 16 : i32
    %scan3A_255 = arith.addi %scan3A_253, %scan3A_254 : i32
    %scan3A_256 = arith.constant 1 : i32
    %scan3A_257 = scf.for %scan3A_311 = %scan3A_253 to %scan3A_255 step %scan3A_256 iter_args(%scan3A_312 = %scan3A_252) -> (i32)  : i32 {
      %sub3A_313 = arith.constant 15 : i32
      %sub3A_314 = arith.subi %sub3A_313, %scan3A_311 : i32
      %shift_left3A_315 = arith.constant 1 : i32
      %shift_left3A_316 = arith.shli %shift_left3A_315, %sub3A_314 : i32
      %or3A_317 = arith.ori %scan3A_312, %shift_left3A_316 : i32
      %while3A_318 = arith.constant 0 : i32
      %while3A_319 = arith.constant 0 : i32
      %while3A_320 = arith.subi %select_n3A_249, %while3A_318 : i32
      %while3A_321 = arith.addi %while3A_318, %while3A_320 : i32
      %while3A_322 = arith.constant 1 : i32
      %while3A_323 = arith.divsi %while3A_320, %while3A_322 : i32
      %while3A_324 = arith.muli %while3A_323, %while3A_322 : i32
      %while3A_325 = arith.addi %while3A_318, %while3A_324 : i32
      %while3A_326 = arith.constant 1 : i32
      %while3A_327 = scf.for %while3A_331 = %while3A_318 to %while3A_325 step %while3A_326 iter_args(%while3A_332 = %while3A_319) -> (i32)  : i32 {
        %mul3A_333 = arith.constant 16 : i32
        %mul3A_334 = arith.muli %while3A_331, %mul3A_333 : i32
        %get3A = arith.index_cast %mul3A_334 : i32 to index
        %get3A_335 = tpu.vector_load %arg7[%get3A] {strides = array<i32>} : memref<8192xi32, #tpu.memory_space<vmem>>, vector<16xi32>,
        %and3A_336 = arith.constant 65535 : i32
        %and3A_337 = vector.broadcast %and3A_336 : i32 to vector<16xi32>
        %and3A_338 = arith.andi %get3A_335, %and3A_337 : vector<16xi32>
        %mul3A_339 = arith.constant 16 : i32
        %mul3A_340 = arith.muli %while3A_331, %mul3A_339 : i32
        %add3A_341 = vector.broadcast %mul3A_340 : i32 to vector<16xi32>
        %add3A_342 = arith.addi %iota3A, %add3A_341 : vector<16xi32>
        %lt3A = vector.broadcast %parallel_loop3A_223 : i32 to vector<16xi32>
        %lt3A_343 = arith.cmpi slt, %add3A_342, %lt3A : vector<16xi32>
        %ge3A_344 = vector.broadcast %or3A_317 : i32 to vector<16xi32>
        %ge3A_345 = arith.cmpi sge, %and3A_338, %ge3A_344 : vector<16xi32>
        %and3A_346 = arith.andi %lt3A_343, %ge3A_345 : vector<16xi1>
        %convert_element_type3A = arith.extui %and3A_346 : vector<16xi1> to vector<16xi32>
        %reduce_sum3A = arith.constant true
        %reduce_sum3A_347 = vector.broadcast %reduce_sum3A : i1 to vector<16xi1>
        %reduce_sum3A_348 = tpu.scan <sum>, %convert_element_type3A masked %reduce_sum3A_347 : vector<16xi32>, vector<16xi1> -> vector<16xi32>
        %reduce_sum3A_349 = vector.extract %reduce_sum3A_348[15] : i32 from vector<16xi32>
        %add3A_350 = arith.addi %while3A_332, %reduce_sum3A_349 : i32
        scf.yield %add3A_350 : i32
      }
      %while3A_328 = arith.constant 1 : i32
      %while3A_329 = scf.for %while3A_331 = %while3A_325 to %while3A_321 step %while3A_328 iter_args(%while3A_332 = %while3A_327) -> (i32)  : i32 {
        %mul3A_333 = arith.constant 16 : i32
        %mul3A_334 = arith.muli %while3A_331, %mul3A_333 : i32
        %get3A = arith.index_cast %mul3A_334 : i32 to index
        %get3A_335 = tpu.vector_load %arg7[%get3A] {strides = array<i32>} : memref<8192xi32, #tpu.memory_space<vmem>>, vector<16xi32>,
        %and3A_336 = arith.constant 65535 : i32
        %and3A_337 = vector.broadcast %and3A_336 : i32 to vector<16xi32>
        %and3A_338 = arith.andi %get3A_335, %and3A_337 : vector<16xi32>
        %mul3A_339 = arith.constant 16 : i32
        %mul3A_340 = arith.muli %while3A_331, %mul3A_339 : i32
        %add3A_341 = vector.broadcast %mul3A_340 : i32 to vector<16xi32>
        %add3A_342 = arith.addi %iota3A, %add3A_341 : vector<16xi32>
        %lt3A = vector.broadcast %parallel_loop3A_223 : i32 to vector<16xi32>
        %lt3A_343 = arith.cmpi slt, %add3A_342, %lt3A : vector<16xi32>
        %ge3A_344 = vector.broadcast %or3A_317 : i32 to vector<16xi32>
        %ge3A_345 = arith.cmpi sge, %and3A_338, %ge3A_344 : vector<16xi32>
        %and3A_346 = arith.andi %lt3A_343, %ge3A_345 : vector<16xi1>
        %convert_element_type3A = arith.extui %and3A_346 : vector<16xi1> to vector<16xi32>
        %reduce_sum3A = arith.constant true
        %reduce_sum3A_347 = vector.broadcast %reduce_sum3A : i1 to vector<16xi1>
        %reduce_sum3A_348 = tpu.scan <sum>, %convert_element_type3A masked %reduce_sum3A_347 : vector<16xi32>, vector<16xi1> -> vector<16xi32>
        %reduce_sum3A_349 = vector.extract %reduce_sum3A_348[15] : i32 from vector<16xi32>
        %add3A_350 = arith.addi %while3A_332, %reduce_sum3A_349 : i32
        scf.yield %add3A_350 : i32
      }
      %ge3A = arith.cmpi sge, %while3A_329, %sub3A_251 : i32
      %select_n3A_330 = arith.select %ge3A, %or3A_317, %scan3A_312 : i32
      scf.yield %select_n3A_330 : i32
    }
    %scan3A_258 = arith.constant 16 : i32
    %while3A_259 = arith.constant 0 : i32
    %while3A_260 = arith.constant 0 : i32
    %while3A_261 = arith.subi %select_n3A_249, %while3A_259 : i32
    %while3A_262 = arith.addi %while3A_259, %while3A_261 : i32
    %while3A_263 = arith.constant 1 : i32
    %while3A_264 = arith.divsi %while3A_261, %while3A_263 : i32
    %while3A_265 = arith.muli %while3A_264, %while3A_263 : i32
    %while3A_266 = arith.addi %while3A_259, %while3A_265 : i32
    %while3A_267 = arith.constant 1 : i32
    %while3A_268 = scf.for %while3A_311 = %while3A_259 to %while3A_266 step %while3A_267 iter_args(%while3A_312 = %while3A_260) -> (i32)  : i32 {
      %mul3A_313 = arith.constant 16 : i32
      %mul3A_314 = arith.muli %while3A_311, %mul3A_313 : i32
      %get3A = arith.index_cast %mul3A_314 : i32 to index
      %get3A_315 = tpu.vector_load %arg7[%get3A] {strides = array<i32>} : memref<8192xi32, #tpu.memory_space<vmem>>, vector<16xi32>,
      %and3A_316 = arith.constant 65535 : i32
      %and3A_317 = vector.broadcast %and3A_316 : i32 to vector<16xi32>
      %and3A_318 = arith.andi %get3A_315, %and3A_317 : vector<16xi32>
      %mul3A_319 = arith.constant 16 : i32
      %mul3A_320 = arith.muli %while3A_311, %mul3A_319 : i32
      %add3A_321 = vector.broadcast %mul3A_320 : i32 to vector<16xi32>
      %add3A_322 = arith.addi %iota3A, %add3A_321 : vector<16xi32>
      %lt3A = vector.broadcast %parallel_loop3A_223 : i32 to vector<16xi32>
      %lt3A_323 = arith.cmpi slt, %add3A_322, %lt3A : vector<16xi32>
      %gt3A = vector.broadcast %scan3A_257 : i32 to vector<16xi32>
      %gt3A_324 = arith.cmpi sgt, %and3A_318, %gt3A : vector<16xi32>
      %and3A_325 = arith.andi %lt3A_323, %gt3A_324 : vector<16xi1>
      %convert_element_type3A = arith.extui %and3A_325 : vector<16xi1> to vector<16xi32>
      %reduce_sum3A = arith.constant true
      %reduce_sum3A_326 = vector.broadcast %reduce_sum3A : i1 to vector<16xi1>
      %reduce_sum3A_327 = tpu.scan <sum>, %convert_element_type3A masked %reduce_sum3A_326 : vector<16xi32>, vector<16xi1> -> vector<16xi32>
      %reduce_sum3A_328 = vector.extract %reduce_sum3A_327[15] : i32 from vector<16xi32>
      %add3A_329 = arith.addi %while3A_312, %reduce_sum3A_328 : i32
      scf.yield %add3A_329 : i32
    }
    %while3A_269 = arith.constant 1 : i32
    %while3A_270 = scf.for %while3A_311 = %while3A_266 to %while3A_262 step %while3A_269 iter_args(%while3A_312 = %while3A_268) -> (i32)  : i32 {
      %mul3A_313 = arith.constant 16 : i32
      %mul3A_314 = arith.muli %while3A_311, %mul3A_313 : i32
      %get3A = arith.index_cast %mul3A_314 : i32 to index
      %get3A_315 = tpu.vector_load %arg7[%get3A] {strides = array<i32>} : memref<8192xi32, #tpu.memory_space<vmem>>, vector<16xi32>,
      %and3A_316 = arith.constant 65535 : i32
      %and3A_317 = vector.broadcast %and3A_316 : i32 to vector<16xi32>
      %and3A_318 = arith.andi %get3A_315, %and3A_317 : vector<16xi32>
      %mul3A_319 = arith.constant 16 : i32
      %mul3A_320 = arith.muli %while3A_311, %mul3A_319 : i32
      %add3A_321 = vector.broadcast %mul3A_320 : i32 to vector<16xi32>
      %add3A_322 = arith.addi %iota3A, %add3A_321 : vector<16xi32>
      %lt3A = vector.broadcast %parallel_loop3A_223 : i32 to vector<16xi32>
      %lt3A_323 = arith.cmpi slt, %add3A_322, %lt3A : vector<16xi32>
      %gt3A = vector.broadcast %scan3A_257 : i32 to vector<16xi32>
      %gt3A_324 = arith.cmpi sgt, %and3A_318, %gt3A : vector<16xi32>
      %and3A_325 = arith.andi %lt3A_323, %gt3A_324 : vector<16xi1>
      %convert_element_type3A = arith.extui %and3A_325 : vector<16xi1> to vector<16xi32>
      %reduce_sum3A = arith.constant true
      %reduce_sum3A_326 = vector.broadcast %reduce_sum3A : i1 to vector<16xi1>
      %reduce_sum3A_327 = tpu.scan <sum>, %convert_element_type3A masked %reduce_sum3A_326 : vector<16xi32>, vector<16xi1> -> vector<16xi32>
      %reduce_sum3A_328 = vector.extract %reduce_sum3A_327[15] : i32 from vector<16xi32>
      %add3A_329 = arith.addi %while3A_312, %reduce_sum3A_328 : i32
      scf.yield %add3A_329 : i32
    }
    %add3A_271 = arith.addi %add3A_215, %while3A_270 : i32
    %sub3A_272 = arith.constant 64 : i32
    %sub3A_273 = arith.subi %sub3A_272, %add3A_271 : i32
    %while3A_274 = arith.constant 0 : i32
    %while3A_275 = arith.constant 0 : i32
    %while3A_276 = arith.constant 0 : i32
    %while3A_277 = arith.subi %select_n3A_249, %while3A_274 : i32
    %while3A_278 = arith.addi %while3A_274, %while3A_277 : i32
    %while3A_279 = arith.constant 1 : i32
    %while3A_280 = arith.divsi %while3A_277, %while3A_279 : i32
    %while3A_281 = arith.muli %while3A_280, %while3A_279 : i32
    %while3A_282 = arith.addi %while3A_274, %while3A_281 : i32
    %while3A_283 = arith.constant 1 : i32
    %while3A_284:2 = scf.for %while3A_311 = %while3A_274 to %while3A_282 step %while3A_283 iter_args(%while3A_312 = %while3A_275, %while3A_313 = %while3A_276) -> (i32, i32)  : i32 {
      %mul3A_314 = arith.constant 16 : i32
      %mul3A_315 = arith.muli %while3A_311, %mul3A_314 : i32
      %get3A = arith.index_cast %mul3A_315 : i32 to index
      %get3A_316 = tpu.vector_load %arg7[%get3A] {strides = array<i32>} : memref<8192xi32, #tpu.memory_space<vmem>>, vector<16xi32>,
      %and3A_317 = arith.constant 65535 : i32
      %and3A_318 = vector.broadcast %and3A_317 : i32 to vector<16xi32>
      %and3A_319 = arith.andi %get3A_316, %and3A_318 : vector<16xi32>
      %mul3A_320 = arith.constant 16 : i32
      %mul3A_321 = arith.muli %while3A_311, %mul3A_320 : i32
      %add3A_322 = vector.broadcast %mul3A_321 : i32 to vector<16xi32>
      %add3A_323 = arith.addi %iota3A, %add3A_322 : vector<16xi32>
      %lt3A = vector.broadcast %parallel_loop3A_223 : i32 to vector<16xi32>
      %lt3A_324 = arith.cmpi slt, %add3A_323, %lt3A : vector<16xi32>
      %eq3A = vector.broadcast %scan3A_257 : i32 to vector<16xi32>
      %eq3A_325 = arith.cmpi eq, %and3A_319, %eq3A : vector<16xi32>
      %and3A_326 = arith.andi %lt3A_324, %eq3A_325 : vector<16xi1>
      %convert_element_type3A = arith.extui %and3A_326 : vector<16xi1> to vector<16xi32>
      %broadcast_in_dim3A_327 = arith.constant true
      %broadcast_in_dim3A_328 = vector.broadcast %broadcast_in_dim3A_327 : i1 to vector<16xi1>
      %masked_cumsum3A = tpu.scan <sum>, %convert_element_type3A masked %broadcast_in_dim3A_328 : vector<16xi32>, vector<16xi1> -> vector<16xi32>
      %add3A_329 = vector.broadcast %while3A_312 : i32 to vector<16xi32>
      %add3A_330 = arith.addi %add3A_329, %masked_cumsum3A : vector<16xi32>
      %eq3A_331 = vector.broadcast %sub3A_273 : i32 to vector<16xi32>
      %eq3A_332 = arith.cmpi eq, %add3A_330, %eq3A_331 : vector<16xi32>
      %and3A_333 = arith.andi %and3A_326, %eq3A_332 : vector<16xi1>
      %mul3A_334 = arith.constant 16 : i32
      %mul3A_335 = arith.muli %while3A_311, %mul3A_334 : i32
      %get3A_336 = arith.index_cast %mul3A_335 : i32 to index
      %get3A_337 = tpu.vector_load %arg8[%get3A_336] {strides = array<i32>} : memref<8192xi32, #tpu.memory_space<vmem>>, vector<16xi32>,
      %jit3A_338 = arith.constant 0 : i32
      %broadcast_in_dim3A_339 = vector.broadcast %jit3A_338 : i32 to vector<16xi32>
      %select_n3A_340 = arith.select %and3A_333, %get3A_337, %broadcast_in_dim3A_339 : vector<16xi1>, vector<16xi32>
      %reduce_sum3A = arith.constant true
      %reduce_sum3A_341 = vector.broadcast %reduce_sum3A : i1 to vector<16xi1>
      %reduce_sum3A_342 = tpu.scan <sum>, %select_n3A_340 masked %reduce_sum3A_341 : vector<16xi32>, vector<16xi1> -> vector<16xi32>
      %reduce_sum3A_343 = vector.extract %reduce_sum3A_342[15] : i32 from vector<16xi32>
      %add3A_344 = arith.addi %while3A_313, %reduce_sum3A_343 : i32
      %reduce_sum3A_345 = arith.constant true
      %reduce_sum3A_346 = vector.broadcast %reduce_sum3A_345 : i1 to vector<16xi1>
      %reduce_sum3A_347 = tpu.scan <sum>, %convert_element_type3A masked %reduce_sum3A_346 : vector<16xi32>, vector<16xi1> -> vector<16xi32>
      %reduce_sum3A_348 = vector.extract %reduce_sum3A_347[15] : i32 from vector<16xi32>
      %add3A_349 = arith.addi %while3A_312, %reduce_sum3A_348 : i32
      scf.yield %add3A_349, %add3A_344 : i32, i32
    }
    %while3A_285 = arith.constant 1 : i32
    %while3A_286:2 = scf.for %while3A_311 = %while3A_282 to %while3A_278 step %while3A_285 iter_args(%while3A_312 = %while3A_284#0, %while3A_313 = %while3A_284#1) -> (i32, i32)  : i32 {
      %mul3A_314 = arith.constant 16 : i32
      %mul3A_315 = arith.muli %while3A_311, %mul3A_314 : i32
      %get3A = arith.index_cast %mul3A_315 : i32 to index
      %get3A_316 = tpu.vector_load %arg7[%get3A] {strides = array<i32>} : memref<8192xi32, #tpu.memory_space<vmem>>, vector<16xi32>,
      %and3A_317 = arith.constant 65535 : i32
      %and3A_318 = vector.broadcast %and3A_317 : i32 to vector<16xi32>
      %and3A_319 = arith.andi %get3A_316, %and3A_318 : vector<16xi32>
      %mul3A_320 = arith.constant 16 : i32
      %mul3A_321 = arith.muli %while3A_311, %mul3A_320 : i32
      %add3A_322 = vector.broadcast %mul3A_321 : i32 to vector<16xi32>
      %add3A_323 = arith.addi %iota3A, %add3A_322 : vector<16xi32>
      %lt3A = vector.broadcast %parallel_loop3A_223 : i32 to vector<16xi32>
      %lt3A_324 = arith.cmpi slt, %add3A_323, %lt3A : vector<16xi32>
      %eq3A = vector.broadcast %scan3A_257 : i32 to vector<16xi32>
      %eq3A_325 = arith.cmpi eq, %and3A_319, %eq3A : vector<16xi32>
      %and3A_326 = arith.andi %lt3A_324, %eq3A_325 : vector<16xi1>
      %convert_element_type3A = arith.extui %and3A_326 : vector<16xi1> to vector<16xi32>
      %broadcast_in_dim3A_327 = arith.constant true
      %broadcast_in_dim3A_328 = vector.broadcast %broadcast_in_dim3A_327 : i1 to vector<16xi1>
      %masked_cumsum3A = tpu.scan <sum>, %convert_element_type3A masked %broadcast_in_dim3A_328 : vector<16xi32>, vector<16xi1> -> vector<16xi32>
      %add3A_329 = vector.broadcast %while3A_312 : i32 to vector<16xi32>
      %add3A_330 = arith.addi %add3A_329, %masked_cumsum3A : vector<16xi32>
      %eq3A_331 = vector.broadcast %sub3A_273 : i32 to vector<16xi32>
      %eq3A_332 = arith.cmpi eq, %add3A_330, %eq3A_331 : vector<16xi32>
      %and3A_333 = arith.andi %and3A_326, %eq3A_332 : vector<16xi1>
      %mul3A_334 = arith.constant 16 : i32
      %mul3A_335 = arith.muli %while3A_311, %mul3A_334 : i32
      %get3A_336 = arith.index_cast %mul3A_335 : i32 to index
      %get3A_337 = tpu.vector_load %arg8[%get3A_336] {strides = array<i32>} : memref<8192xi32, #tpu.memory_space<vmem>>, vector<16xi32>,
      %jit3A_338 = arith.constant 0 : i32
      %broadcast_in_dim3A_339 = vector.broadcast %jit3A_338 : i32 to vector<16xi32>
      %select_n3A_340 = arith.select %and3A_333, %get3A_337, %broadcast_in_dim3A_339 : vector<16xi1>, vector<16xi32>
      %reduce_sum3A = arith.constant true
      %reduce_sum3A_341 = vector.broadcast %reduce_sum3A : i1 to vector<16xi1>
      %reduce_sum3A_342 = tpu.scan <sum>, %select_n3A_340 masked %reduce_sum3A_341 : vector<16xi32>, vector<16xi1> -> vector<16xi32>
      %reduce_sum3A_343 = vector.extract %reduce_sum3A_342[15] : i32 from vector<16xi32>
      %add3A_344 = arith.addi %while3A_313, %reduce_sum3A_343 : i32
      %reduce_sum3A_345 = arith.constant true
      %reduce_sum3A_346 = vector.broadcast %reduce_sum3A_345 : i1 to vector<16xi1>
      %reduce_sum3A_347 = tpu.scan <sum>, %convert_element_type3A masked %reduce_sum3A_346 : vector<16xi32>, vector<16xi1> -> vector<16xi32>
      %reduce_sum3A_348 = vector.extract %reduce_sum3A_347[15] : i32 from vector<16xi32>
      %add3A_349 = arith.addi %while3A_312, %reduce_sum3A_348 : i32
      scf.yield %add3A_349, %add3A_344 : i32, i32
    }
    %shift_left3A_287 = arith.constant 16 : i32
    %shift_left3A_288 = arith.shli %add3A_218, %shift_left3A_287 : i32
    %or3A_289 = arith.ori %shift_left3A_288, %scan3A_257 : i32
    %dma_wait3A_290 = arith.constant 0 : i32
    %dma_wait3A_291 = tpu.memref_slice %arg3[%add3A_149, %dma_wait3A_290] : memref<64x8192xf32, #tpu.memory_space<hbm>> -> memref<1x8192xf32, #tpu.memory_space<hbm>>
    %dma_wait3A_292 = tpu.memref_squeeze %dma_wait3A_291 : memref<1x8192xf32, #tpu.memory_space<hbm>> -> memref<8192xf32, #tpu.memory_space<hbm>>
    %dma_wait3A_293 = arith.constant 0 : i32
    %dma_wait3A_294 = tpu.memref_slice %arg3[%add3A_149, %dma_wait3A_293] : memref<64x8192xf32, #tpu.memory_space<hbm>> -> memref<1x8192xf32, #tpu.memory_space<hbm>>
    %dma_wait3A_295 = tpu.memref_squeeze %dma_wait3A_294 : memref<1x8192xf32, #tpu.memory_space<hbm>> -> memref<8192xf32, #tpu.memory_space<hbm>>
    tpu.wait_dma2 semaphore(%arg11 : memref<!tpu.dma_semaphore, #tpu.memory_space<semaphore_mem>>) src(%dma_wait3A_295 : memref<8192xf32, #tpu.memory_space<hbm>>) dst(%arg6 : memref<8192xf32, #tpu.memory_space<vmem>>)
    %parallel_loop3A_296 = arith.constant 0 : i32
    %parallel_loop3A_297 = arith.constant 512 : i32
    %parallel_loop3A_298 = arith.constant 1 : i32
    scf.for %parallel_loop3A_311 = %parallel_loop3A_296 to %parallel_loop3A_297 step %parallel_loop3A_298  : i32 {
      %parallel_loop3A_312 = arith.constant 16 : i32
      %parallel_loop3A_313 = arith.muli %parallel_loop3A_311, %parallel_loop3A_312 : i32
      %parallel_loop3A_314 = arith.index_cast %parallel_loop3A_313 : i32 to index
      %parallel_loop3A_315 = tpu.vector_load %arg5[%parallel_loop3A_314] {strides = array<i32>} : memref<8192xi32, #tpu.memory_space<vmem>>, vector<16xi32>,
      %parallel_loop3A_316 = arith.constant 16 : i32
      %parallel_loop3A_317 = arith.muli %parallel_loop3A_311, %parallel_loop3A_316 : i32
      %parallel_loop3A_318 = arith.index_cast %parallel_loop3A_317 : i32 to index
      %parallel_loop3A_319 = tpu.vector_load %arg6[%parallel_loop3A_318] {strides = array<i32>} : memref<8192xf32, #tpu.memory_space<vmem>>, vector<16xf32>,
      %parallel_loop3A_320 = arith.constant 16 : i32
      %parallel_loop3A_321 = arith.muli %parallel_loop3A_311, %parallel_loop3A_320 : i32
      %parallel_loop3A_322 = vector.broadcast %parallel_loop3A_321 : i32 to vector<16xi32>
      %parallel_loop3A_323 = arith.addi %iota3A, %parallel_loop3A_322 : vector<16xi32>
      %parallel_loop3A_324 = vector.broadcast %or3A_289 : i32 to vector<16xi32>
      %parallel_loop3A_325 = arith.cmpi ugt, %parallel_loop3A_315, %parallel_loop3A_324 : vector<16xi32>
      %parallel_loop3A_326 = vector.broadcast %or3A_289 : i32 to vector<16xi32>
      %parallel_loop3A_327 = arith.cmpi eq, %parallel_loop3A_315, %parallel_loop3A_326 : vector<16xi32>
      %parallel_loop3A_328 = vector.broadcast %while3A_286#1 : i32 to vector<16xi32>
      %parallel_loop3A_329 = arith.cmpi sle, %parallel_loop3A_323, %parallel_loop3A_328 : vector<16xi32>
      %parallel_loop3A_330 = arith.andi %parallel_loop3A_327, %parallel_loop3A_329 : vector<16xi1>
      %parallel_loop3A_331 = arith.ori %parallel_loop3A_325, %parallel_loop3A_330 : vector<16xi1>
      %parallel_loop3A_332 = arith.constant 0.000000e+00 : f32
      %parallel_loop3A_333 = vector.broadcast %parallel_loop3A_332 : f32 to vector<16xf32>
      %parallel_loop3A_334 = arith.select %parallel_loop3A_331, %parallel_loop3A_319, %parallel_loop3A_333 : vector<16xi1>, vector<16xf32>
      %parallel_loop3A_335 = arith.constant 16 : i32
      %parallel_loop3A_336 = arith.muli %parallel_loop3A_311, %parallel_loop3A_335 : i32
      %parallel_loop3A_337 = arith.index_cast %parallel_loop3A_336 : i32 to index
      %parallel_loop3A_338 = tpu.vector_load %arg6[%parallel_loop3A_337] {strides = array<i32>} : memref<8192xf32, #tpu.memory_space<vmem>>, vector<16xf32>,
      tpu.vector_store %arg6[%parallel_loop3A_337], %parallel_loop3A_334 {strides = array<i32>} : memref<8192xf32, #tpu.memory_space<vmem>>, vector<16xf32>,
    } {sc.loop_unroll_factor = 8 : i64, sc.parallel_access}
    %dma_start3A_299 = arith.constant 0 : i32
    %dma_start3A_300 = tpu.memref_slice %arg4[%add3A_149, %dma_start3A_299] : memref<64x8192xf32, #tpu.memory_space<hbm>> -> memref<1x8192xf32, #tpu.memory_space<hbm>>
    %dma_start3A_301 = tpu.memref_squeeze %dma_start3A_300 : memref<1x8192xf32, #tpu.memory_space<hbm>> -> memref<8192xf32, #tpu.memory_space<hbm>>
    %dma_start3A_302 = arith.constant 0 : i32
    %dma_start3A_303 = tpu.memref_slice %arg4[%add3A_149, %dma_start3A_302] : memref<64x8192xf32, #tpu.memory_space<hbm>> -> memref<1x8192xf32, #tpu.memory_space<hbm>>
    %dma_start3A_304 = tpu.memref_squeeze %dma_start3A_303 : memref<1x8192xf32, #tpu.memory_space<hbm>> -> memref<8192xf32, #tpu.memory_space<hbm>>
    tpu.enqueue_dma source(%arg6 : memref<8192xf32, #tpu.memory_space<vmem>>) target(%dma_start3A_304 : memref<8192xf32, #tpu.memory_space<hbm>>) target_semaphore(%arg12 : memref<!tpu.dma_semaphore, #tpu.memory_space<semaphore_mem>>)
    %dma_wait3A_305 = arith.constant 0 : i32
    %dma_wait3A_306 = tpu.memref_slice %arg4[%add3A_149, %dma_wait3A_305] : memref<64x8192xf32, #tpu.memory_space<hbm>> -> memref<1x8192xf32, #tpu.memory_space<hbm>>
    %dma_wait3A_307 = tpu.memref_squeeze %dma_wait3A_306 : memref<1x8192xf32, #tpu.memory_space<hbm>> -> memref<8192xf32, #tpu.memory_space<hbm>>
    %dma_wait3A_308 = arith.constant 0 : i32
    %dma_wait3A_309 = tpu.memref_slice %arg4[%add3A_149, %dma_wait3A_308] : memref<64x8192xf32, #tpu.memory_space<hbm>> -> memref<1x8192xf32, #tpu.memory_space<hbm>>
    %dma_wait3A_310 = tpu.memref_squeeze %dma_wait3A_309 : memref<1x8192xf32, #tpu.memory_space<hbm>> -> memref<8192xf32, #tpu.memory_space<hbm>>
    tpu.wait_dma2 semaphore(%arg12 : memref<!tpu.dma_semaphore, #tpu.memory_space<semaphore_mem>>) src(%arg6 : memref<8192xf32, #tpu.memory_space<vmem>>) dst(%dma_wait3A_310 : memref<8192xf32, #tpu.memory_space<hbm>>)
    return
  }
}

module attributes {stable_mosaic.version = 14 : i64} {
  func.func @_stage_a_body(%arg0: memref<64x8192xf32, #tpu.memory_space<vmem>>, %arg1: memref<64x8192xf32, #tpu.memory_space<vmem>>, %arg2: memref<64x8192xf32, #tpu.memory_space<vmem>>, %arg3: memref<64x8192xi32, #tpu.memory_space<vmem>>) attributes {dimension_semantics = [], scalar_prefetch = 0 : i64, scratch_operands = 0 : i64, tpu.core_type = #tpu.core_type<tc>} {
    %get3A = arith.constant 0 : index
    %get3A_0 = arith.constant 0 : index
    %get3A_1 = vector.load %arg0[%get3A, %get3A_0] : memref<64x8192xf32, #tpu.memory_space<vmem>>, vector<64x8192xf32>
    %get3A_2 = arith.constant 0 : index
    %get3A_3 = arith.constant 0 : index
    %get3A_4 = vector.load %arg1[%get3A_2, %get3A_3] : memref<64x8192xf32, #tpu.memory_space<vmem>>, vector<64x8192xf32>
    %reduce_max3A = arith.constant dense<0xFF800000> : vector<64xf32>
    %reduce_max3A_5 = vector.multi_reduction <maximumf>, %get3A_1, %reduce_max3A [1] : vector<64x8192xf32> to vector<64xf32>
    %broadcast_in_dim3A = vector.shape_cast %reduce_max3A_5 : vector<64xf32> to vector<64x1xf32>
    %sub3A = vector.broadcast %broadcast_in_dim3A : vector<64x1xf32> to vector<64x8192xf32>
    %sub3A_6 = arith.subf %get3A_1, %sub3A : vector<64x8192xf32>
    %exp3A = math.exp %sub3A_6 : vector<64x8192xf32>
    %reduce_sum3A = arith.constant dense<0.000000e+00> : vector<64xf32>
    %reduce_sum3A_7 = vector.multi_reduction <add>, %exp3A, %reduce_sum3A [1] : vector<64x8192xf32> to vector<64xf32>
    %broadcast_in_dim3A_8 = vector.shape_cast %reduce_sum3A_7 : vector<64xf32> to vector<64x1xf32>
    %div3A = vector.broadcast %broadcast_in_dim3A_8 : vector<64x1xf32> to vector<64x8192xf32>
    %div3A_9 = arith.divf %exp3A, %div3A : vector<64x8192xf32>
    %add3A = arith.constant 1.000000e-10 : f32
    %add3A_10 = vector.broadcast %add3A : f32 to vector<64x8192xf32>
    %add3A_11 = arith.addf %get3A_4, %add3A_10 : vector<64x8192xf32>
    %log3A = math.log %add3A_11 : vector<64x8192xf32>
    %neg3A = arith.constant 0.000000e+00 : f32
    %neg3A_12 = vector.broadcast %neg3A : f32 to vector<64x8192xf32>
    %neg3A_13 = arith.subf %neg3A_12, %log3A : vector<64x8192xf32>
    %add3A_14 = arith.constant 1.000000e-10 : f32
    %add3A_15 = vector.broadcast %add3A_14 : f32 to vector<64x8192xf32>
    %add3A_16 = arith.addf %neg3A_13, %add3A_15 : vector<64x8192xf32>
    %log3A_17 = math.log %add3A_16 : vector<64x8192xf32>
    %neg3A_18 = arith.constant 0.000000e+00 : f32
    %neg3A_19 = vector.broadcast %neg3A_18 : f32 to vector<64x8192xf32>
    %neg3A_20 = arith.subf %neg3A_19, %log3A_17 : vector<64x8192xf32>
    %add3A_21 = arith.addf %div3A_9, %neg3A_20 : vector<64x8192xf32>
    %eq3A = arith.constant 0.000000e+00 : f32
    %eq3A_22 = vector.broadcast %eq3A : f32 to vector<64x8192xf32>
    %eq3A_23 = arith.cmpf oeq, %add3A_21, %eq3A_22 : vector<64x8192xf32>
    %jit3A = arith.constant 0.000000e+00 : f32
    %broadcast_in_dim3A_24 = vector.broadcast %jit3A : f32 to vector<64x8192xf32>
    %select_n3A = arith.select %eq3A_23, %broadcast_in_dim3A_24, %add3A_21 : vector<64x8192xi1>, vector<64x8192xf32>
    %bitcast_convert_type3A = tpu.bitcast %select_n3A : vector<64x8192xf32> -> vector<64x8192xi32>
    %ge3A = arith.constant -2147483648 : i32
    %ge3A_25 = vector.broadcast %ge3A : i32 to vector<64x8192xi32>
    %ge3A_26 = arith.cmpi uge, %bitcast_convert_type3A, %ge3A_25 : vector<64x8192xi32>
    %not3A = arith.constant dense<-1> : vector<64x8192xi32>
    %not3A_27 = arith.xori %bitcast_convert_type3A, %not3A : vector<64x8192xi32>
    %or3A = arith.constant -2147483648 : i32
    %or3A_28 = vector.broadcast %or3A : i32 to vector<64x8192xi32>
    %or3A_29 = arith.ori %bitcast_convert_type3A, %or3A_28 : vector<64x8192xi32>
    %select_n3A_30 = arith.select %ge3A_26, %not3A_27, %or3A_29 : vector<64x8192xi1>, vector<64x8192xi32>
    %swap3A = arith.constant 0 : index
    %swap3A_31 = arith.constant 0 : index
    %swap3A_32 = vector.load %arg2[%swap3A, %swap3A_31] : memref<64x8192xf32, #tpu.memory_space<vmem>>, vector<64x8192xf32>
    tpu.vector_store %arg2[%swap3A, %swap3A_31], %div3A_9 {strides = array<i32>} : memref<64x8192xf32, #tpu.memory_space<vmem>>, vector<64x8192xf32>,
    %swap3A_33 = arith.constant 0 : index
    %swap3A_34 = arith.constant 0 : index
    %swap3A_35 = vector.load %arg3[%swap3A_33, %swap3A_34] : memref<64x8192xi32, #tpu.memory_space<vmem>>, vector<64x8192xi32>
    tpu.vector_store %arg3[%swap3A_33, %swap3A_34], %select_n3A_30 {strides = array<i32>} : memref<64x8192xi32, #tpu.memory_space<vmem>>, vector<64x8192xi32>,
    return
  }
}

</mosaic_0001>

<sc_bundles>
// kernel: kernel.4.cloned.1.call-start
scs
__scs_entry_jumppad:
0x0: {  	(pc) =	sbr.rel $0x88, $3  }
0x1: {  	(tag) =	ssettag $0x0;
	lr =	simm.s32 $0x1  }
0x2: {  	[smem:$0x3F9F] =	sst lr;
	_ =	strace $0xD0000000  }
0x3: {  	_ = 	snop  }
0x4: {  	_ = 	snop  }
0x5: {  	_ = 	snop  }
0x6: {  	_ = 	snop  }
0x7: {  	_ = 	snop  }
__scs_overlays_trampoline_lowered:
0x8: {  	[smem:$0x3FAE] =	sst s0  }
0x9: {  	[smem:$0x3FAF] =	sst s1  }
0xa: {  	[smem:$0x3FB0] =	sst s2  }
0xb: {  	[smem:$0x3FB1] =	sst s3  }
0xc: {  	[smem:$0x3FB2] =	sst s4  }
0xd: {  	[smem:$0x3FB3] =	sst s5  }
0xe: {  	[smem:$0x3FB4] =	sst s6  }
0xf: {  	[smem:$0x3FB5] =	sst s7  }
0x10: {  	[smem:$0x3FB6] =	sst s8  }
0x11: {  	[smem:$0x3FB7] =	sst s9;
	s0 =	simm.s32 @!p0 $0x0  }
0x12: {  	s1 =	sld [smem:$0x3F9D];
	s0 =	simm.s32 @p0 $0x1  }
0x13: {  	[smem:$0x3FB8] =	sst s0;
	s0 =	simm.s32 @!p1 $0x0  }
0x14: {  	s2 =	sld [smem:$0x3F9C];
	s0 =	simm.s32 @p1 $0x1  }
0x15: {  	[smem:$0x3FB9] =	sst s0;
	s0 =	simm.s32 @!p2 $0x0  }
0x16: {  	s3 =	sld [smem:$0x3FDB];
	s0 =	simm.s32 @p2 $0x1  }
0x17: {  	s4 =	simm.s32 $0x1BF5;
	[smem:$0x3FBB] =	sst s0  }
0x18: {  	s0 =	sld [smem:$0x3F9E];
	_ =	swait.ge [sflag:s4], $0x0  }
0x19: {  	s7 =	sld [smem:$0x3F9F]  }
0x1a: {  	s8 =	sadd.s32 $0xFFFFE003, lr  }
0x1b: {  	s9 =	sadd.s32 $0xFFFFFEF7, lr;
	s5 =	simm.s32 $0xFFFFFFFF;
	p2 =	slt.u32 s8, $0xFFFFF086  }
0x1c: {  	p1 =	slt.u32 s9, $0xF7A;
	s5 =	simm.s32 @!p2 $0x0  }
0x1d: {  	s5 =	simm.s32 @p1 $0x1;
	p0 =	seq.s32 s7, s2  }
0x1e: {  	s7 =	smul.u32 @!p0 $0xF7A, s2;
	p2 =	seq.s32 @!p0 s5, $0x0  }
0x1f: {  	s9 =	smul.u32 $0xF7A, s1;
	s8 =	simm.s32 @!p0 $0x1BF5;
	p2 =	por !p2, p0  }
0x20: {  	[sflag:s8] =	ssyncset.s32 @!p0 $0xFFFFF086;
	s6 =	sadd.s32 @!p0 s3, s7;
	s7 =	simm.s32 @!p0 $0x108  }
0x21: {  	s3 =	sadd.s32 s3, s9;
	s6 =	sadd.s32 @!p0 $0x88, s6;
	s7 =	simm.s32 @p2 $0x1082  }
0x22: {  	[simem:s7], [sflag:s8] =	dma.local @!p0 [hbm:s6], $0xF7A  }
0x23: {  	s9 =	sor.u32 $0xD0000000, s2;
	s6 =	simm.s32 $0x108;
	_ =	swait.ge @!p0 [sflag:s8], $0x0  }
0x24: {  	s3 =	sadd.s32 $0x88, s3;
	s6 =	simm.s32 @!p1 $0x1082;
	[sflag:s4] =	ssyncset.s32 $0xFFFFF086  }
0x25: {  	[simem:s6], [sflag:s4] =	dma.local [hbm:s3], $0xF7A  }
0x26: {  	[smem:$0x3F9F] =	sst s1;
	(tag) =	ssettag s2;
	_ =	strace s9  }
0x27: {  	s1 =	sld [smem:$0x3FAF]  }
0x28: {  	s2 =	sld [smem:$0x3FB0]  }
0x29: {  	s4 =	sld [smem:$0x3FB2]  }
0x2a: {  	p0 =	seq.s32 s5, $0x0;
	s5 =	sld [smem:$0x3FB3]  }
0x2b: {  	s6 =	sld [smem:$0x3FB4]  }
0x2c: {  	s7 =	sld [smem:$0x3FB5]  }
0x2d: {  	s3 =	simm.s32 $0x108;
	s8 =	sld [smem:$0x3FB6]  }
0x2e: {  	s3 =	simm.s32 @!p0 $0x1082;
	s9 =	sld [smem:$0x3FB7]  }
0x2f: {  	lr =	sadd.s32 s0, s3;
	s0 =	sld [smem:$0x3FAE]  }
0x30: {  	s3 =	sld [smem:$0x3FB1]  }
0x31: {  	[smem:$0x3FBA] =	sst s10  }
0x32: {  	s10 =	sld [smem:$0x3FB8];
	_ =	sdelay $0x3  }
0x33: {  	p0 =	seq.s32 s10, $0x1;
	s10 =	sld [smem:$0x3FBA];
	_ =	sdelay $0x3  }
0x34: {  	[smem:$0x3FBA] =	sst s10  }
0x35: {  	s10 =	sld [smem:$0x3FB9];
	_ =	sdelay $0x3  }
0x36: {  	p1 =	seq.s32 s10, $0x1;
	s10 =	sld [smem:$0x3FBA];
	_ =	sdelay $0x3  }
0x37: {  	[smem:$0x3FBA] =	sst s10  }
0x38: {  	s10 =	sld [smem:$0x3FBB]  }
0x39: {  	_ = 	snop;
	(pc) =	sbr.ind lr, $3  }
0x3a: {  	_ = 	snop  }
0x3b: {  	_ = 	snop  }
0x3c: {  	p2 =	seq.s32 s10, $0x1;
	s10 =	sld [smem:$0x3FBA]  }
0x3d: {  	_ =	shalt  }
0x3e: {  	_ =	shalt  }
0x3f: {  	_ =	shalt  }
0x40: {  	_ =	shalt  }
0x41: {  	_ =	shalt  }
0x42: {  	_ =	shalt  }
0x43: {  	_ =	shalt  }
0x44: {  	_ =	shalt  }
0x45: {  	_ =	shalt  }
0x46: {  	_ =	shalt  }
0x47: {  	_ =	shalt  }
0x48: {  	_ =	shalt  }
0x49: {  	_ =	shalt  }
0x4a: {  	_ =	shalt  }
0x4b: {  	_ =	shalt  }
0x4c: {  	_ =	shalt  }
0x4d: {  	_ =	shalt  }
0x4e: {  	_ =	shalt  }
0x4f: {  	_ =	shalt  }
0x50: {  	_ =	shalt  }
0x51: {  	_ =	shalt  }
0x52: {  	_ =	shalt  }
0x53: {  	_ =	shalt  }
0x54: {  	_ =	shalt  }
0x55: {  	_ =	shalt  }
0x56: {  	_ =	shalt  }
0x57: {  	_ =	shalt  }
0x58: {  	_ =	shalt  }
0x59: {  	_ =	shalt  }
0x5a: {  	_ =	shalt  }
0x5b: {  	_ =	shalt  }
0x5c: {  	_ =	shalt  }
0x5d: {  	_ =	shalt  }
0x5e: {  	_ =	shalt  }
0x5f: {  	_ =	shalt  }
0x60: {  	_ =	shalt  }
0x61: {  	_ =	shalt  }
0x62: {  	_ =	shalt  }
0x63: {  	_ =	shalt  }
0x64: {  	_ =	shalt  }
0x65: {  	_ =	shalt  }
0x66: {  	_ =	shalt  }
0x67: {  	_ =	shalt  }
0x68: {  	_ =	shalt  }
0x69: {  	_ =	shalt  }
0x6a: {  	_ =	shalt  }
0x6b: {  	_ =	shalt  }
0x6c: {  	_ =	shalt  }
0x6d: {  	_ =	shalt  }
0x6e: {  	_ =	shalt  }
0x6f: {  	_ =	shalt  }
0x70: {  	_ =	shalt  }
0x71: {  	_ =	shalt  }
0x72: {  	_ =	shalt  }
0x73: {  	_ =	shalt  }
0x74: {  	_ =	shalt  }
0x75: {  	_ =	shalt  }
0x76: {  	_ =	shalt  }
0x77: {  	_ =	shalt  }
0x78: {  	_ =	shalt  }
0x79: {  	_ =	shalt  }
0x7a: {  	_ =	shalt  }
0x7b: {  	_ =	shalt  }
0x7c: {  	_ =	shalt  }
0x7d: {  	_ =	shalt  }
0x7e: {  	_ =	shalt  }
0x7f: {  	_ =	shalt  }
0x80: {  	_ =	shalt  }
0x81: {  	_ =	shalt  }
0x82: {  	_ =	shalt  }
0x83: {  	_ =	shalt  }
0x84: {  	_ =	shalt  }
0x85: {  	_ =	shalt  }
0x86: {  	_ =	shalt  }
0x87: {  	_ =	shalt  }
.Lfunc_end0:
.L_simem_size_0:
called_computation_lowered:
.L_overlay_start_0:
0x88: {  	s2 =	sld [smem:$0x3FD9]  }
0x89: {  	s3 =	sld [smem:$0x3FFE];
	_ =	sdelay $0x1  }
0x8a: {  	s1 =	srdreg.scid  }
0x8b: {  	s0 =	sand.u32 $0x1, s1  }
0x8c: {  	s17 =	sshll.u32 s0, $0xA;
	s2 =	sadd.s32 s3, s2  }
0x8d: {  	s2 =	sadd.s32 s2, s17  }
0x8e: {  	[smem:$0x3FC6] =	sst s2  }
0x8f: {  	_ = 	snop  }
0x90: {  	s2 =	sld [smem:$0x3FD0];
	(tm) =	ssettm $0x1  }
0x91: {  	s18 =	sld [smem:$0x3FFB];
	_ =	sdelay $0x3  }
0x92: {  	_ =	strace s18  }
0x93: {  	s3 =	sld [smem:$0x3FFC];
	_ =	sdelay $0x3  }
0x94: {  	_ =	strace s3  }
0x95: {  	s3 =	sld [smem:$0x3FFD];
	_ =	sdelay $0x3  }
0x96: {  	_ =	strace s3  }
0x97: {  	_ =	strace $0x8FFFFFFF  }
0x98: {  	s19 =	sld [smem:$0x3FDB];
	_ =	sdelay $0x1  }
0x99: {  	s4 =	simm.s32 $_scs_section_size  }
0x9a: {  	s5 =	simm.s32 $_size__tile_overlayer_lowered;
	s6 =	simm.s32 $_tile_overlayer_lowered  }
0x9b: {  	s22 =	simm.s32 $0x1BFF;
	s21 =	sshll.u32 s6, $0x1;
	s3 =	sadd.s32 s4, s19  }
0x9c: {  	s7 =	simm.s32 $0x0;
	s20 =	sshll.u32 s5, $0x1;
	s5 =	sadd.s32 s21, s3  }
0x9d: {  	[timem:s7], [sflag:s22] =	dma.local [hbm:s5], s20  }
0x9e: {  	_ =	swait.ge [sflag:s22], s20  }
0x9f: {  	s4 =	ssub.s32 $0x0, s20;
	[sflag:s22] =	ssyncset.done $0x0  }
0xa0: {  	[sflag:s22] =	ssyncadd.s32 s4;
	_ =	sdelay $0x1  }
0xa1: {  	s23 =	simm.s32 $0x1B8B  }
0xa2: {  	_ =	swait.ge [sflag:s23], $0x1  }
0xa3: {  	[sflag:s23] =	ssyncset.done $0x0  }
0xa4: {  	s25 =	simm.s32 $0x1B8E;
	s24 =	sld [smem:$0x3FFE];
	[sflag:s23] =	ssyncadd.s32 $0xFFFFFFFF  }
0xa5: {  	s26 =	simm.s32 $execute0_lowered;
	[smem:$0x3FD2] =	sst s25  }
0xa6: {  	s5 =	sshll.u32 s26, $0x1;
	_ =	strace $0x80000046;
	[dreg:$0x1] =	wrdreg $0xFFFFFFFF  }
0xa7: {  	s28 =	simm.s32 $_size_execute0_lowered;
	s3 =	sadd.s32 s3, s5;
	[dreg:$0x0] =	wrdreg $0x0  }
0xa8: {  	s5 =	sshll.u32 s28, $0x1;
	[dreg:$0x2] =	wrdreg s3  }
0xa9: {  	[dreg:$0x3] =	wrdreg s5  }
0xaa: {  	[dreg:$0x4] =	wrdreg $0xC0  }
0xab: {  	_ =	task [dreg:s7], $0x5FFFF  }
0xac: {  	[dreg:$0x1] =	wrdreg $0xFFFFFFFF  }
0xad: {  	[dreg:$0x0] =	wrdreg $0x60  }
0xae: {  	[dreg:$0x2] =	wrdreg s24  }
0xaf: {  	[dreg:$0x3] =	wrdreg s2  }
0xb0: {  	[dreg:$0x4] =	wrdreg $0x9  }
0xb1: {  	_ =	task.clear_ibuf [dreg:s7], $0x5FFFF;
	_ =	strace $0x90000046  }
0xb2: {  	s29 =	simm.s32 $0x9;
	_ =	strace $0x80000048  }
0xb3: {  	_ =	swait.ge [sflag:s29], $0x1  }
0xb4: {  	[sflag:s29] =	ssyncadd.s32 $0xFFFFFFFF  }
0xb5: {  	_ =	strace $0x90000048  }
0xb6: {  	_ =	sfence  }
0xb7: {  	s30 =	sld [smem:$0x0];
	_ =	sdelay $0x2  }
0xb8: {  	s31 =	sshll.u32 s1, $0xD;
	s1 =	sshrl.u32 s1, $0x2  }
0xb9: {  	s3 =	sand.u32 $0x4000, s31;
	s1 =	sadd.s32 s1, s30  }
0xba: {  	s0 =	sor.u32 s3, s0;
	s1 =	sshll.u32 s1, $0x11  }
0xbb: {  	s0 =	sor.u32 s1, s0  }
0xbc: {  	s0 =	sadd.s32 $0x8F2B, s0  }
0xbd: {  	[sflag:s0] =	ssyncadd.remote.s32 $0x1  }
0xbe: {  	_ =	sfence.sel $0xFFFF  }
0xbf: {  	[dreg:$0x0] =	wrdreg $0xFFFFFFFF;
	(pc) =	sbr.abs _section_cstart, $3  }
0xc0: {  	[dreg:$0x1] =	wrdreg $0xFFFFFFFF  }
0xc1: {  	_ =	task.clear_ibuf [dreg:s7], $0x2FFFF;
	_ =	strace $0x9FFFFFFF  }
0xc2: {  	(tm) =	ssettm $0x7FFFFFFF  }
0xc3: {  	_ =	shalt  }
tec
execute0_lowered:
.L_overlay_start_1:
0x0: {  	(tag) =	ssettag $0x1  }
0x1: {  	s0 =	rddreg [dreg:$0x0]  }
0x2: {  	s1 =	rddreg [dreg:$0x1]  }
0x3: {  	s2 =	simm.s32 $0x0;
	s28 =	srdreg.scid;
	s6 =	stileid.u32  }
0x4: {  	s10 =	simm.s32 $0x400;
	s11 =	simm.s32 $0x3;
	s12 =	simm.s32 $0x2000  }
0x5: {  	s13 =	simm.s32 $0x4000;
	s14 =	simm.s32 $0x6000;
	s15 =	simm.s32 $0x1  }
0x6: {  	s16 =	simm.s32 $0x8000;
	s17 =	simm.s32 $0x2;
	[smem:$0x7FF] =	sst s2  }
0x7: {  	s2 =	sand.u32 $0x1, s28;
	s5 =	sshll.u32 s6, $0x6;
	s6 =	sshll.u32 s6, $0xC  }
0x8: {  	s4 =	ssub.s32 $0x2, s2;
	s2 =	sshll.u32 s2, $0x5;
	s5 =	sand.u32 $0x40, s5  }
0x9: {  	s19 =	simm.s32 $0x0;
	s6 =	sand.u32 $0xE000, s6;
	s2 =	sor.u32 s2, s5  }
0xa: {  	s3 =	sadd.s32 $0xE00, s0;
	s0 =	sadd.s32 $0x10E00, s0;
	s2 =	sor.u32 s6, s2  }
0xb: {  	_ =	strace $0x80000047;
	s7 =	sshrl.u32 s4, $0x1;
	s29 =	sadd.s32 s3, s2  }
0xc: {  	v0 =	vlaneseq.u32;
	s9 =	ssub.s32 s4, s7;
	s30 =	sadd.s32 s0, s2;
	[dreg:$0x3] =	wrdreg s29  }
0xd: {  	v4 =	vmul.u32 $0xFFFFFFFF, v0;
	s8 =	sor.u32 $0x10, s2;
	s2 =	sadd.s32 s1, s2;
	[dreg:$0x4] =	wrdreg s30  }
0xe: {  	v2 =	vmul.u32 $0x100, v0;
	s9 =	smax.u32 s9, $0x1;
	[dreg:$0x5] =	wrdreg s2;
	s31 =	sadd.s32 s3, s8  }
0xf: {  	v1 =	vimm.s32 $0x0;
	v3 =	vimm.s32 $0x1;
	v4 =	vadd.s32 $0xF, v4;
	s7 =	sadd.s32 s0, s8;
	s8 =	sadd.s32 s1, s8;
	[dreg:$0x6] =	wrdreg s31  }
.LBB2_1:
0x10: {  	s0 =	simm.s32 $0x8040  }
0x11: {  	[tilespmem:s0+$0xFFFFFFC0] =	vst v1  }
0x12: {  	[tilespmem:s0+$0x30] =	vst v1  }
0x13: {  	[tilespmem:s0+$0x20] =	vst v1  }
0x14: {  	[tilespmem:s0+$0x10] =	vst v1  }
0x15: {  	[tilespmem:s0+$0x0] =	vst v1  }
0x16: {  	[tilespmem:s0+$0xFFFFFFF0] =	vst v1  }
0x17: {  	s1 =	simm.s32 $0x0;
	[tilespmem:s0+$0xFFFFFFE0] =	vst v1  }
.LBB2_2:
0x18: {  	s1 =	sadd.s32 $0x8, s1;
	[tilespmem:s0+$0xFFFFFFD0] =	vst v1;
	s0 =	sadd.s32 $0x80, s0  }
0x19: {  	[tilespmem:s0+$0xFFFFFFC0] =	vst v1;
	p0 =	slt.u32 s1, $0xF8  }
0x1a: {  	[tilespmem:s0+$0x30] =	vst v1  }
.Ltmp0:
0x1b: {  	[tilespmem:s0+$0x20] =	vst v1;
	(pc) =	sbr.rel @p0 .LBB2_2-.Ltmp0, $4  }
0x1c: {  	[tilespmem:s0+$0x10] =	vst v1  }
0x1d: {  	[tilespmem:s0+$0x0] =	vst v1  }
0x1e: {  	[tilespmem:s0+$0xFFFFFFF0] =	vst v1  }
0x1f: {  	[tilespmem:s0+$0xFFFFFFE0] =	vst v1  }
0x20: {  	[tilespmem:s0+$0xFFFFFFD0] =	vst v1  }
0x21: {  	s1 =	simm.s32 $0x80;
	s30 =	simm.s32 $0x0;
	s2 =	rddreg [dreg:$0x3]  }
0x22: {  	[tilespmem:s30], [sflag:$0x3] =	stream.strided.gather [hbm4b:s2+s1], $0x2000, s10, s1, $0x38;
	[tilespmem:$0x9100] =	vst v63  }
0x23: {  	_ =	swait.ge [sflag:s11], $0x2000  }
0x24: {  	[sflag:s11] =	ssyncset.done $0x0  }
0x25: {  	s31 =	rddreg [dreg:$0x4];
	[sflag:s11] =	ssyncadd.s32 $0xFFFFE000  }
0x26: {  	[tilespmem:s12], [sflag:$0x1] =	stream.strided.gather [hbm4b:s31+s1], $0x2000, s10, s1, $0x38;
	[tilespmem:$0x9100] =	vst v63  }
0x27: {  	v5 =	vld [tilespmem:s1+$0x0]  }
0x28: {  	v7 =	vld [tilespmem:s1+$0x70]  }
0x29: {  	v8 =	vld [tilespmem:s1+$0x20]  }
0x2a: {  	v10 =	vld [tilespmem:s1+$0xFFFFFFB0]  }
0x2b: {  	v9 =	vld [tilespmem:s1+$0xFFFFFFF0]  }
0x2c: {  	v11 =	vld [tilespmem:s1+$0xFFFFFFD0]  }
0x2d: {  	v15 =	vld [tilespmem:s1+$0x30]  }
0x2e: {  	v17 =	vld [tilespmem:s1+$0xFFFFFFA0]  }
0x2f: {  	v18 =	vld [tilespmem:s1+$0xFFFFFF90]  }
0x30: {  	v24 =	vld [tilespmem:s1+$0x10]  }
0x31: {  	v6 =	vld [tilespmem:s1+$0xFFFFFFE0]  }
0x32: {  	v13 =	vld [tilespmem:s1+$0xFFFFFFC0];
	v7 =	vshrl.u32 v7, $0x18;
	v5 =	vshrl.u32 v5, $0x18;
	v19 =	vshrl.u32 v9, $0x18  }
0x33: {  	v11 =	vshrl.u32 v11, $0x18;
	v8 =	vshrl.u32 v8, $0x18;
	v10 =	vshrl.u32 v10, $0x18  }
0x34: {  	v15 =	vshrl.u32 v15, $0x18;
	v20 =	vshrl.u32 v17, $0x18;
	v18 =	vshrl.u32 v18, $0x18  }
0x35: {  	v24 =	vshrl.u32 v24, $0x18;
	v16 =	vand.u32 $0x7F, v7;
	v7 =	vand.u32 $0x80, v7  }
0x36: {  	v14 =	vand.u32 $0x80, v5;
	v12 =	vand.u32 $0x7F, v5;
	v5 =	vshrl.u32 v6, $0x18  }
0x37: {  	v9 =	vand.u32 $0x7F, v19;
	v6 =	vshrl.u32 v13, $0x18;
	v13 =	vand.u32 $0x80, v11  }
0x38: {  	v11 =	vand.u32 $0x7F, v11;
	v17 =	vand.u32 $0x80, v8;
	v21 =	vand.u32 $0x80, v10  }
0x39: {  	v25 =	vand.u32 $0x7F, v8;
	v8 =	vand.u32 $0x80, v18;
	v10 =	vand.u32 $0x7F, v10  }
0x3a: {  	v22 =	vand.u32 $0x80, v20;
	v23 =	vand.u32 $0x7F, v18;
	v28 =	vand.u32 $0x80, v15  }
0x3b: {  	v29 =	vand.u32 $0x7F, v20;
	v7 =	vor.u32 v2, v7;
	v14 =	vor.u32 v2, v14  }
0x3c: {  	v13 =	vor.u32 v2, v13;
	v26 =	vor.u32 v2, v17;
	v8 =	vor.u32 v2, v8  }
0x3d: {  	v20 =	vld [tilespmem:s1+$0xFFFFFF80];
	v17 =	vand.u32 $0x7F, v15;
	v27 =	vor.u32 v2, v22;
	v18 =	vor.u32 v16, v7  }
0x3e: {  	v21 =	vor.u32 v2, v21;
	v15 =	vld [tilespmem:s1+$0x60];
	v22 =	vand.u32 $0x80, v19;
	v8 =	vor.u32 v23, v8  }
0x3f: {  	s0 =	simm.s32 $0x8000;
	s22 =	simm.s32 $0x0;
	v19 =	vld [tilespmem:s1+$0x50];
	v23 =	vor.u32 v2, v28;
	v7 =	vor.u32 v10, v21;
	v11 =	vor.u32 v11, v13  }
0x40: {  	s23 =	simm.s32 $0x180;
	s21 =	simm.s32 $0x9000;
	s20 =	simm.s32 $0x8000;
	v10 =	vor.u32 v29, v27;
	v13 =	vand.u32 $0x80, v6;
	v16 =	vor.u32 v25, v26;
	v21 =	vld [tilespmem:s1+$0x40]  }
.LBB2_4:
0x41: {  	v25 =	vld [tilespmem:s23+$0x0];
	s22 =	sadd.s32 $0x10, s22;
	v12 =	vor.u32 v12, v14;
	v14 =	vand.u32 $0x80, v24;
	v17 =	vor.u32 v17, v23  }
0x42: {  	v22 =	vor.u32 v2, v22;
	v23 =	vand.u32 $0x7F, v24;
	p0 =	slt.u32 s22, $0x1F0;
	v14 =	vor.u32 v2, v14;
	[tilespmem:v18+s20+$0x0] =	vst.idx.add.s32.msk $0xffff, v3  }
0x43: {  	v24 =	vand.u32 $0x80, v5;
	v18 =	vld [tilespmem:s23+$0xFFFFFFE0];
	v20 =	vshrl.u32 v20, $0x18;
	v14 =	vor.u32 v23, v14  }
0x44: {  	v15 =	vshrl.u32 v15, $0x18;
	v23 =	vld [tilespmem:s23+$0xFFFFFF90];
	v26 =	vand.u32 $0x80, v20;
	v20 =	vand.u32 $0x7F, v20  }
0x45: {  	v28 =	vand.u32 $0x7F, v15;
	v27 =	vld [tilespmem:s23+$0x20];
	v26 =	vor.u32 v2, v26;
	v21 =	vshrl.u32 v21, $0x18  }
0x46: {  	v15 =	vand.u32 $0x80, v15;
	v19 =	vshrl.u32 v19, $0x18;
	[tilespmem:v17+s20+$0x0] =	vst.idx.add.s32.msk $0xffff, v3;
	v17 =	vand.u32 $0x80, v21  }
0x47: {  	v20 =	vor.u32 v20, v26;
	[tilespmem:v16+s20+$0x0] =	vst.idx.add.s32.msk $0xffff, v3;
	v16 =	vor.u32 v2, v17;
	v17 =	vand.u32 $0x80, v19  }
0x48: {  	v15 =	vor.u32 v2, v15;
	v21 =	vand.u32 $0x7F, v21;
	v26 =	vld [tilespmem:s23+$0xFFFFFFA0];
	v17 =	vor.u32 v2, v17  }
0x49: {  	v15 =	vor.u32 v28, v15;
	v19 =	vand.u32 $0x7F, v19;
	v16 =	vor.u32 v21, v16;
	v29 =	vld [tilespmem:s23+$0xFFFFFFB0]  }
0x4a: {  	v5 =	vand.u32 $0x7F, v5;
	v24 =	vor.u32 v2, v24;
	v17 =	vor.u32 v19, v17;
	v21 =	vld [tilespmem:s23+$0x70]  }
0x4b: {  	v24 =	vor.u32 v5, v24;
	v5 =	vor.u32 v9, v22;
	v19 =	vld [tilespmem:s23+$0xFFFFFFC0]  }
0x4c: {  	v6 =	vand.u32 $0x7F, v6;
	v9 =	vor.u32 v2, v13;
	[tilespmem:v14+s20+$0x0] =	vst.idx.add.s32.msk $0xffff, v3  }
0x4d: {  	v22 =	vor.u32 v6, v9;
	v13 =	vld [tilespmem:s23+$0xFFFFFFD0]  }
0x4e: {  	v28 =	vld [tilespmem:s23+$0x10]  }
0x4f: {  	v6 =	vld [tilespmem:s23+$0xFFFFFFF0]  }
0x50: {  	v9 =	vshrl.u32 v21, $0x18;
	[tilespmem:v12+s20+$0x0] =	vst.idx.add.s32.msk $0xffff, v3  }
0x51: {  	v21 =	vand.u32 $0x7F, v9;
	[tilespmem:v20+s20+$0x0] =	vst.idx.add.s32.msk $0xffff, v3  }
0x52: {  	v12 =	vshrl.u32 v25, $0x18;
	v9 =	vand.u32 $0x80, v9;
	v20 =	vld [tilespmem:s23+$0x30]  }
0x53: {  	v14 =	vand.u32 $0x80, v12;
	v12 =	vand.u32 $0x7F, v12;
	[tilespmem:v5+s20+$0x0] =	vst.idx.add.s32.msk $0xffff, v3  }
0x54: {  	v5 =	vshrl.u32 v18, $0x18;
	v18 =	vor.u32 v2, v9;
	v25 =	vshrl.u32 v6, $0x18;
	[tilespmem:v15+s20+$0x0] =	vst.idx.add.s32.msk $0xffff, v3  }
0x55: {  	v13 =	vshrl.u32 v13, $0x18;
	v14 =	vor.u32 v2, v14;
	v9 =	vand.u32 $0x7F, v25;
	[tilespmem:v17+s20+$0x0] =	vst.idx.add.s32.msk $0xffff, v3  }
0x56: {  	v6 =	vshrl.u32 v19, $0x18;
	v15 =	vand.u32 $0x80, v13;
	v17 =	vshrl.u32 v27, $0x18;
	[tilespmem:v11+s20+$0x0] =	vst.idx.add.s32.msk $0xffff, v3  }
0x57: {  	v19 =	vor.u32 v2, v15;
	v11 =	vshrl.u32 v29, $0x18;
	v15 =	vshrl.u32 v20, $0x18;
	[tilespmem:v16+s20+$0x0] =	vst.idx.add.s32.msk $0xffff, v3  }
0x58: {  	v13 =	vand.u32 $0x7F, v13;
	v16 =	vshrl.u32 v26, $0x18;
	v20 =	vand.u32 $0x80, v17;
	[tilespmem:v24+s20+$0x0] =	vst.idx.add.s32.msk $0xffff, v3  }
0x59: {  	v23 =	vshrl.u32 v23, $0x18;
	v26 =	vand.u32 $0x7F, v17;
	v24 =	vand.u32 $0x80, v11;
	[tilespmem:v10+s20+$0x0] =	vst.idx.add.s32.msk $0xffff, v3  }
0x5a: {  	v11 =	vand.u32 $0x7F, v11;
	v27 =	vor.u32 v2, v20;
	v10 =	vand.u32 $0x80, v23;
	[tilespmem:v8+s20+$0x0] =	vst.idx.add.s32.msk $0xffff, v3  }
0x5b: {  	v17 =	vand.u32 $0x7F, v15;
	v8 =	vor.u32 v2, v10;
	v10 =	vand.u32 $0x80, v16;
	[tilespmem:v22+s20+$0x0] =	vst.idx.add.s32.msk $0xffff, v3  }
.Ltmp1:
0x5c: {  	v22 =	vand.u32 $0x7F, v23;
	v10 =	vor.u32 v2, v10;
	v23 =	vand.u32 $0x80, v15;
	[tilespmem:v7+s20+$0x0] =	vst.idx.add.s32.msk $0xffff, v3;
	s20 =	smov.u32 s0;
	(pc) =	sbr.rel @p0 .LBB2_4-.Ltmp1, $4  }
0x5d: {  	v18 =	vor.u32 v21, v18;
	v16 =	vand.u32 $0x7F, v16;
	v7 =	vor.u32 v2, v24;
	v15 =	vld [tilespmem:s23+$0x60]  }
0x5e: {  	v8 =	vor.u32 v22, v8;
	v22 =	vand.u32 $0x80, v25;
	v23 =	vor.u32 v2, v23;
	v20 =	vld [tilespmem:s23+$0xFFFFFF80]  }
0x5f: {  	v24 =	vshrl.u32 v28, $0x18;
	v7 =	vor.u32 v11, v7;
	v11 =	vor.u32 v13, v19;
	v19 =	vld [tilespmem:s23+$0x50]  }
0x60: {  	v10 =	vor.u32 v16, v10;
	v16 =	vor.u32 v26, v27;
	v13 =	vand.u32 $0x80, v6;
	v21 =	vld [tilespmem:s23+$0x40];
	s23 =	sadd.s32 $0x100, s23  }
0x61: {  	_ =	sdelay $0x1  }
0x62: {  	v12 =	vor.u32 v12, v14  }
0x63: {  	v37 =	vand.u32 $0x80, v24;
	v17 =	vor.u32 v17, v23;
	v38 =	vand.u32 $0x7F, v24  }
0x64: {  	v22 =	vor.u32 v2, v22;
	[tilespmem:v18+s20+$0x0] =	vst.idx.add.s32.msk $0xffff, v3;
	v47 =	vand.u32 $0x80, v5;
	v14 =	vor.u32 v2, v37  }
0x65: {  	[tilespmem:v16+s20+$0x0] =	vst.idx.add.s32.msk $0xffff, v3;
	v15 =	vshrl.u32 v15, $0x18;
	v9 =	vor.u32 v9, v22;
	v20 =	vshrl.u32 v20, $0x18  }
0x66: {  	[tilespmem:v11+s20+$0x0] =	vst.idx.add.s32.msk $0xffff, v3;
	v14 =	vor.u32 v38, v14;
	v40 =	vand.u32 $0x7F, v15;
	v15 =	vand.u32 $0x80, v15  }
0x67: {  	[tilespmem:v10+s20+$0x0] =	vst.idx.add.s32.msk $0xffff, v3;
	v39 =	vand.u32 $0x80, v20;
	v20 =	vand.u32 $0x7F, v20;
	v41 =	vshrl.u32 v19, $0x18  }
0x68: {  	[tilespmem:v8+s20+$0x0] =	vst.idx.add.s32.msk $0xffff, v3;
	v15 =	vor.u32 v2, v15;
	v23 =	vor.u32 v2, v39;
	v21 =	vshrl.u32 v21, $0x18  }
0x69: {  	[tilespmem:v7+s20+$0x0] =	vst.idx.add.s32.msk $0xffff, v3;
	v43 =	vand.u32 $0x80, v41;
	v45 =	vand.u32 $0x7F, v41;
	v15 =	vor.u32 v40, v15  }
0x6a: {  	v42 =	vor.u32 v20, v23;
	[tilespmem:v17+s20+$0x0] =	vst.idx.add.s32.msk $0xffff, v3;
	v44 =	vor.u32 v2, v43;
	v46 =	vand.u32 $0x80, v21  }
0x6b: {  	v49 =	vand.u32 $0x7F, v21;
	[tilespmem:v12+s20+$0x0] =	vst.idx.add.s32.msk $0xffff, v3;
	v16 =	vor.u32 v45, v44;
	v48 =	vor.u32 v2, v46  }
0x6c: {  	v6 =	vand.u32 $0x7F, v6;
	[tilespmem:v9+s20+$0x0] =	vst.idx.add.s32.msk $0xffff, v3;
	v9 =	vor.u32 v2, v13;
	v50 =	vor.u32 v49, v48  }
0x6d: {  	v5 =	vand.u32 $0x7F, v5;
	[tilespmem:v14+s20+$0x0] =	vst.idx.add.s32.msk $0xffff, v3;
	v14 =	vor.u32 v2, v47;
	v6 =	vor.u32 v6, v9  }
0x6e: {  	v5 =	vor.u32 v5, v14;
	[tilespmem:v15+s20+$0x0] =	vst.idx.add.s32.msk $0xffff, v3  }
0x6f: {  	[tilespmem:v42+s20+$0x0] =	vst.idx.add.s32.msk $0xffff, v3  }
0x70: {  	[tilespmem:v16+s20+$0x0] =	vst.idx.add.s32.msk $0xffff, v3  }
0x71: {  	[tilespmem:v50+s20+$0x0] =	vst.idx.add.s32.msk $0xffff, v3  }
0x72: {  	[tilespmem:v6+s20+$0x0] =	vst.idx.add.s32.msk $0xffff, v3  }
0x73: {  	[tilespmem:v5+s20+$0x0] =	vst.idx.add.s32.msk $0xffff, v3  }
0x74: {  	s30 =	simm.s32 $0x8010;
	s20 =	simm.s32 $0x0;
	v5 =	vld [tilespmem:s0+$0x0]  }
0x75: {  	[tilespmem:s0+$0x0] =	vst v1;
	s1 =	sand.u32 $0xF0, s20;
	v15 =	vld [tilespmem:s30+$0x0]  }
0x76: {  	v6 =	vld [tilespmem:s1+$0x8100]  }
0x77: {  	v7 =	vld [tilespmem:s1+$0x8200]  }
0x78: {  	v8 =	vld [tilespmem:s1+$0x8300]  }
0x79: {  	[tilespmem:s30+$0x0] =	vst v1;
	v9 =	vld [tilespmem:s1+$0x8400]  }
0x7a: {  	v10 =	vld [tilespmem:s1+$0x8500];
	[tilespmem:s1+$0x8500] =	vst v1  }
0x7b: {  	v11 =	vld [tilespmem:s1+$0x8600];
	[tilespmem:s1+$0x8600] =	vst v1  }
0x7c: {  	v12 =	vld [tilespmem:s1+$0x8700];
	[tilespmem:s1+$0x8700] =	vst v1  }
0x7d: {  	v51 =	vld [tilespmem:s1+$0x8800];
	[tilespmem:s1+$0x8800] =	vst v1  }
0x7e: {  	s2 =	simm.s32 $0x10;
	v52 =	vld [tilespmem:s1+$0x8900];
	[tilespmem:s1+$0x8900] =	vst v1  }
0x7f: {  	s0 =	sand.u32 $0xF0, s2;
	v16 =	vld [tilespmem:s1+$0x8A00];
	[tilespmem:s1+$0x8A00] =	vst v1  }
0x80: {  	v56 =	vld [tilespmem:s0+$0x8500];
	[tilespmem:s0+$0x8500] =	vst v1  }
0x81: {  	v57 =	vld [tilespmem:s1+$0x8B00];
	[tilespmem:s1+$0x8B00] =	vst v1  }
0x82: {  	v58 =	vld [tilespmem:s0+$0x8600];
	[tilespmem:s0+$0x8600] =	vst v1  }
0x83: {  	v59 =	vld [tilespmem:s1+$0x8C00];
	[tilespmem:s1+$0x8C00] =	vst v1  }
0x84: {  	v25 =	vld [tilespmem:s0+$0x8700];
	[tilespmem:s0+$0x8700] =	vst v1  }
0x85: {  	v53 =	vld [tilespmem:s0+$0x8100];
	[tilespmem:s1+$0x8400] =	vst v1  }
0x86: {  	v54 =	vld [tilespmem:s0+$0x8200];
	[tilespmem:s1+$0x8300] =	vst v1;
	v5 =	vadd.s32 v5, v6  }
0x87: {  	v19 =	vld [tilespmem:s0+$0x8300];
	[tilespmem:s1+$0x8200] =	vst v1;
	v5 =	vadd.s32 v7, v5  }
0x88: {  	v55 =	vld [tilespmem:s0+$0x8400];
	[tilespmem:s1+$0x8100] =	vst v1;
	v5 =	vadd.s32 v8, v5  }
0x89: {  	v61 =	vld [tilespmem:s0+$0x8C00];
	[tilespmem:s0+$0x8C00] =	vst v1;
	v5 =	vadd.s32 v9, v5  }
0x8a: {  	v60 =	vld [tilespmem:s1+$0x8E00];
	[tilespmem:s0+$0x8400] =	vst v1;
	v5 =	vadd.s32 v10, v5  }
0x8b: {  	v62 =	vld [tilespmem:s1+$0x8F00];
	[tilespmem:s1+$0x8E00] =	vst v1;
	v10 =	vadd.s32 v15, v53;
	v5 =	vadd.s32 v11, v5  }
0x8c: {  	[tilespmem:s0+$0x8300] =	vst v1;
	v6 =	vld [tilespmem:s0+$0x8800];
	v10 =	vadd.s32 v54, v10;
	v5 =	vadd.s32 v12, v5  }
0x8d: {  	[tilespmem:s1+$0x8F00] =	vst v1;
	v9 =	vld [tilespmem:s1+$0x8D00];
	v10 =	vadd.s32 v19, v10;
	v5 =	vadd.s32 v51, v5  }
0x8e: {  	[tilespmem:s0+$0x8200] =	vst v1;
	v7 =	vld [tilespmem:s0+$0x8900];
	v10 =	vadd.s32 v55, v10;
	v5 =	vadd.s32 v52, v5  }
0x8f: {  	[tilespmem:s0+$0x8100] =	vst v1;
	v8 =	vld [tilespmem:s0+$0x8A00];
	v10 =	vadd.s32 v56, v10;
	v5 =	vadd.s32 v16, v5  }
0x90: {  	[tilespmem:s0+$0x8800] =	vst v1;
	v11 =	vld [tilespmem:s0+$0x8B00];
	v10 =	vadd.s32 v58, v10;
	v5 =	vadd.s32 v57, v5  }
0x91: {  	[tilespmem:s0+$0x8900] =	vst v1;
	v10 =	vadd.s32 v25, v10;
	v63 =	vadd.s32 v59, v5  }
0x92: {  	[tilespmem:s0+$0x8A00] =	vst v1;
	v5 =	vld [tilespmem:s0+$0x8D00];
	v10 =	vadd.s32 v6, v10;
	v9 =	vadd.s32 v9, v63  }
0x93: {  	[tilespmem:s1+$0x8D00] =	vst v1;
	v6 =	vld [tilespmem:s0+$0x8E00];
	v7 =	vadd.s32 v7, v10;
	v9 =	vadd.s32 v60, v9  }
0x94: {  	[tilespmem:s0+$0x8B00] =	vst v1;
	v8 =	vadd.s32 v8, v7;
	v7 =	vld [tilespmem:s0+$0x8F00];
	v9 =	vadd.s32 v62, v9  }
0x95: {  	s31 =	simm.s32 $0x20;
	s1 =	simm.s32 $0x8020;
	[tilespmem:s21+$0x0] =	vst v9;
	v9 =	vadd.s32 v11, v8  }
0x96: {  	s22 =	simm.s32 $0x30;
	s18 =	sand.u32 $0xF0, s31;
	v8 =	vld [tilespmem:s1+$0x0];
	[tilespmem:s1+$0x0] =	vst v1;
	v9 =	vadd.s32 v61, v9  }
.LBB2_6:
0x97: {  	p0 =	sne.s32 s22, $0xF0;
	v10 =	vld [tilespmem:s18+$0x8100];
	v5 =	vadd.s32 v5, v9;
	[tilespmem:s0+$0x8D00] =	vst v1  }
0x98: {  	v9 =	vld [tilespmem:s18+$0x8200];
	v5 =	vadd.s32 v6, v5;
	[tilespmem:s0+$0x8E00] =	vst v1  }
0x99: {  	s21 =	sadd.s32 $0x10, s21;
	v6 =	vld [tilespmem:s18+$0x8300];
	v5 =	vadd.s32 v7, v5;
	[tilespmem:s0+$0x8F00] =	vst v1;
	s0 =	smov.u32 s18  }
0x9a: {  	v7 =	vld [tilespmem:s0+$0x8400];
	[tilespmem:s21+$0x0] =	vst v5  }
0x9b: {  	v5 =	vld [tilespmem:s0+$0x8500];
	[tilespmem:s0+$0x8500] =	vst v1  }
0x9c: {  	v8 =	vadd.s32 v8, v10;
	v10 =	vld [tilespmem:s0+$0x8600];
	[tilespmem:s0+$0x8600] =	vst v1  }
0x9d: {  	v8 =	vadd.s32 v9, v8;
	v9 =	vld [tilespmem:s0+$0x8700];
	[tilespmem:s0+$0x8700] =	vst v1  }
0x9e: {  	v6 =	vadd.s32 v6, v8;
	v8 =	vld [tilespmem:s0+$0x8800];
	[tilespmem:s0+$0x8800] =	vst v1  }
0x9f: {  	v6 =	vadd.s32 v7, v6;
	v7 =	vld [tilespmem:s0+$0x8900];
	[tilespmem:s0+$0x8900] =	vst v1  }
0xa0: {  	v5 =	vadd.s32 v5, v6;
	v11 =	vld [tilespmem:s0+$0x8A00];
	[tilespmem:s0+$0x8A00] =	vst v1  }
0xa1: {  	v5 =	vadd.s32 v10, v5;
	v10 =	vld [tilespmem:s0+$0x8B00];
	[tilespmem:s0+$0x8B00] =	vst v1  }
0xa2: {  	v5 =	vadd.s32 v9, v5;
	v9 =	vld [tilespmem:s0+$0x8C00];
	[tilespmem:s0+$0x8C00] =	vst v1  }
.Ltmp2:
0xa3: {  	[tilespmem:s0+$0x8400] =	vst v1;
	v6 =	vadd.s32 v8, v5;
	v5 =	vld [tilespmem:s0+$0x8D00];
	(pc) =	sbr.rel @p0 .LBB2_6-.Ltmp2, $4  }
0xa4: {  	[tilespmem:s0+$0x8300] =	vst v1;
	v7 =	vadd.s32 v7, v6;
	v6 =	vld [tilespmem:s0+$0x8E00]  }
0xa5: {  	[tilespmem:s0+$0x8200] =	vst v1;
	v8 =	vadd.s32 v11, v7;
	v7 =	vld [tilespmem:s0+$0x8F00]  }
0xa6: {  	s1 =	sadd.s32 $0x10, s1;
	[tilespmem:s0+$0x8100] =	vst v1;
	v10 =	vadd.s32 v10, v8  }
0xa7: {  	s18 =	sand.u32 $0xF0, s22;
	s22 =	sadd.s32 $0x10, s22;
	v8 =	vld [tilespmem:s1+$0x0];
	[tilespmem:s1+$0x0] =	vst v1;
	v9 =	vadd.s32 v9, v10  }
0xa8: {  	v10 =	vld [tilespmem:s18+$0x8100]  }
0xa9: {  	v11 =	vld [tilespmem:s18+$0x8200]  }
0xaa: {  	v12 =	vld [tilespmem:s18+$0x8300]  }
0xab: {  	v13 =	vld [tilespmem:s18+$0x8400]  }
0xac: {  	v14 =	vld [tilespmem:s18+$0x8500];
	[tilespmem:s18+$0x8500] =	vst v1  }
0xad: {  	v15 =	vld [tilespmem:s18+$0x8600];
	[tilespmem:s18+$0x8600] =	vst v1  }
0xae: {  	v16 =	vld [tilespmem:s18+$0x8700];
	[tilespmem:s18+$0x8700] =	vst v1  }
0xaf: {  	v17 =	vld [tilespmem:s18+$0x8800];
	[tilespmem:s18+$0x8800] =	vst v1  }
0xb0: {  	v18 =	vld [tilespmem:s18+$0x8900];
	[tilespmem:s18+$0x8900] =	vst v1;
	v8 =	vadd.s32 v8, v10  }
0xb1: {  	v19 =	vld [tilespmem:s18+$0x8A00];
	[tilespmem:s18+$0x8A00] =	vst v1;
	v8 =	vadd.s32 v11, v8  }
0xb2: {  	v55 =	vld [tilespmem:s18+$0x8B00];
	[tilespmem:s18+$0x8B00] =	vst v1;
	v8 =	vadd.s32 v12, v8  }
0xb3: {  	v56 =	vld [tilespmem:s18+$0x8C00];
	[tilespmem:s18+$0x8C00] =	vst v1;
	v8 =	vadd.s32 v13, v8  }
0xb4: {  	[tilespmem:s18+$0x8400] =	vst v1;
	v8 =	vadd.s32 v14, v8  }
0xb5: {  	[tilespmem:s0+$0x8D00] =	vst v1;
	v8 =	vadd.s32 v15, v8  }
0xb6: {  	[tilespmem:s18+$0x8300] =	vst v1;
	v8 =	vadd.s32 v16, v8  }
0xb7: {  	v57 =	vld [tilespmem:s18+$0x8D00];
	v5 =	vadd.s32 v5, v9;
	[tilespmem:s0+$0x8E00] =	vst v1;
	v8 =	vadd.s32 v17, v8  }
0xb8: {  	v58 =	vld [tilespmem:s18+$0x8E00];
	[tilespmem:s18+$0x8200] =	vst v1;
	v5 =	vadd.s32 v6, v5;
	v6 =	vadd.s32 v18, v8  }
0xb9: {  	[tilespmem:s0+$0x8F00] =	vst v1;
	s6 =	sadd.s32 $0x10, s21;
	v5 =	vadd.s32 v7, v5;
	v7 =	vld [tilespmem:s18+$0x8F00];
	v6 =	vadd.s32 v19, v6  }
0xba: {  	[tilespmem:s6+$0x0] =	vst v5;
	v5 =	vadd.s32 v55, v6  }
0xbb: {  	[tilespmem:s18+$0x8100] =	vst v1;
	v5 =	vadd.s32 v56, v5  }
0xbc: {  	[tilespmem:s18+$0x8D00] =	vst v1;
	v5 =	vadd.s32 v57, v5  }
0xbd: {  	[tilespmem:s18+$0x8E00] =	vst v1;
	v5 =	vadd.s32 v58, v5  }
0xbe: {  	s0 =	sadd.s32 $0x10, s6;
	[tilespmem:s18+$0x8F00] =	vst v1;
	v5 =	vadd.s32 v7, v5  }
0xbf: {  	s18 =	simm.s32 $0xF0;
	[tilespmem:s0+$0x0] =	vst v5  }
0xc0: {  	v5 =	vld [tilespmem:s18+$0x9000];
	_ =	sdelay $0x1  }
0xc1: {  	s21 =	simm.s32 $0xE0  }
0xc2: {  	v6 =	vld [tilespmem:s21+$0x9000];
	_ =	sdelay $0x1  }
0xc3: {  	(xrf0) =	vadd.scan.msk.s32 $0xffff, v5;
	_ =	sdelay $0x1  }
0xc4: {  	v5 =	vperm.xlane v5, v4  }
0xc5: {  	(xrf0) =	vadd.scan.msk.s32 $0xffff, v6;
	_ =	sdelay $0x2  }
0xc6: {  	s22 =	simm.s32 $0xD0;
	(xrf0) =	vadd.scan.msk.s32 $0xffff, v5;
	v5, _, _ =	vpop (xrf0)  }
0xc7: {  	v7 =	vld [tilespmem:s22+$0x9000];
	(v2sf) =	vpush v5, $0xF;
	_ =	sdelay $0x1  }
0xc8: {  	s23 =	simm.s32 $0xC0;
	v8, _, _ =	vpop (xrf0)  }
0xc9: {  	v5 =	vld [tilespmem:s23+$0x9000];
	(v2sf) =	vpush v8, $0xF;
	_ =	sdelay $0x1  }
0xca: {  	v6 =	vperm.xlane v6, v4;
	(xrf0) =	vadd.scan.msk.s32 $0xffff, v7;
	v8, _, _ =	vpop (xrf0)  }
0xcb: {  	v8 =	vperm.xlane v8, v4  }
0xcc: {  	(xrf0) =	vadd.scan.msk.s32 $0xffff, v6  }
0xcd: {  	v6 =	vperm.xlane v7, v4;
	v7 =	vadd.s32 s20, v8;
	(xrf0) =	vadd.scan.msk.s32 $0xffff, v5  }
0xce: {  	vm0 =	vgt.s32 v7, $0x3F  }
0xcf: {  	(xrf0) =	vadd.scan.msk.s32 $0xffff, v6;
	v6 =	vsel vm0, $0x1, v1  }
0xd0: {  	s24 =	simm.s32 $0xB0;
	v7, _, _ =	vpop (xrf0)  }
0xd1: {  	(v2sf) =	vpush v7, $0xF;
	v7 =	vld [tilespmem:s24+$0x9000]  }
0xd2: {  	(xrf0) =	vadd.scan.msk.s32 $0xffff, v6;
	v6, _, _ =	vpop (xrf0)  }
0xd3: {  	v8, _, _ =	vpop (xrf0)  }
0xd4: {  	s1 =	simm.s32 $0xA0;
	v6 =	vperm.xlane v6, v4;
	(v2sf) =	vpush v8, $0xF;
	s25 =	spop (v2sf)  }
0xd5: {  	v59 =	vld [tilespmem:s1+$0x9000];
	s0 =	sadd.s32 $0x0, s25  }
0xd6: {  	v5 =	vperm.xlane v5, v4;
	v8, _, _ =	vpop (xrf0);
	(xrf0) =	vadd.scan.msk.s32 $0xffff, v7;
	v6 =	vadd.s32 s0, v6  }
0xd7: {  	s26 =	spop (v2sf);
	vm0 =	vgt.s32 v6, $0x3F;
	v6 =	vperm.xlane v8, v4  }
0xd8: {  	v7 =	vperm.xlane v7, v4;
	(xrf0) =	vadd.scan.msk.s32 $0xffff, v5;
	s0 =	sadd.s32 s0, s26;
	v5 =	vsel vm0, $0x1, v1  }
0xd9: {  	s2 =	simm.s32 $0x90;
	(xrf0) =	vadd.scan.msk.s32 $0xffff, v5;
	v6 =	vadd.s32 s0, v6  }
0xda: {  	v5 =	vld [tilespmem:s2+$0x9000];
	(xrf0) =	vadd.scan.msk.s32 $0xffff, v59;
	vm0 =	vgt.s32 v6, $0x3F  }
0xdb: {  	v60, _, _ =	vpop (xrf0);
	(xrf0) =	vadd.scan.msk.s32 $0xffff, v7;
	v6 =	vsel vm0, $0x1, v1  }
0xdc: {  	v7, _, _ =	vpop (xrf0);
	(xrf0) =	vadd.scan.msk.s32 $0xffff, v6;
	_ =	sdelay $0x1  }
0xdd: {  	v6, _, _ =	vpop (xrf0)  }
0xde: {  	(v2sf) =	vpush v60, $0xF;
	(xrf0) =	vadd.scan.msk.s32 $0xffff, v5;
	v8, _, _ =	vpop (xrf0)  }
0xdf: {  	s28 =	spop (v2sf);
	(v2sf) =	vpush v7, $0xF;
	v61, _, _ =	vpop (xrf0)  }
0xe0: {  	(v2sf) =	vpush v8, $0xF;
	v7, _, _ =	vpop (xrf0)  }
0xe1: {  	(v2sf) =	vpush v61, $0xF;
	v8, _, _ =	vpop (xrf0)  }
0xe2: {  	s30 =	spop (v2sf);
	(v2sf) =	vpush v8, $0xF;
	_ =	sdelay $0x1  }
0xe3: {  	v8, _, _ =	vpop (xrf0)  }
0xe4: {  	v6 =	vperm.xlane v6, v4;
	(v2sf) =	vpush v8, $0xF  }
0xe5: {  	s0 =	sadd.s32 s0, s28  }
0xe6: {  	s29 =	simm.s32 $0x80;
	v9 =	vperm.xlane v59, v4;
	v6 =	vadd.s32 s0, v6  }
0xe7: {  	v62 =	vld [tilespmem:s29+$0x9000];
	vm0 =	vgt.s32 v6, $0x3F  }
0xe8: {  	(xrf0) =	vadd.scan.msk.s32 $0xffff, v9;
	v6 =	vperm.xlane v7, v4;
	v7 =	vsel vm0, $0x1, v1  }
0xe9: {  	(xrf0) =	vadd.scan.msk.s32 $0xffff, v7  }
0xea: {  	s1 =	sadd.s32 s0, s30  }
0xeb: {  	s31 =	simm.s32 $0x70;
	v63 =	vadd.s32 s1, v6  }
0xec: {  	s2 =	simm.s32 $0x180;
	v5 =	vperm.xlane v5, v4;
	s0 =	spop (v2sf);
	v7 =	vperm.xlane v62, v4;
	v6 =	vld [tilespmem:s31+$0x9000];
	(xrf0) =	vadd.scan.msk.s32 $0xffff, v62;
	vm0 =	vgt.s32 v63, $0x3F  }
.LBB2_8:
0xed: {  	p0 =	sne.s32 s2, $0x0  }
0xee: {  	(xrf0) =	vadd.scan.msk.s32 $0xffff, v5;
	v8, _, _ =	vpop (xrf0);
	v9 =	vsel vm0, $0x1, v1;
	s20 =	sadd.s32 s20, s0;
	v5 =	vmov v7;
	s0 =	smov.u32 s2;
	s2 =	sadd.s32 $0xFFFFFFC0, s2  }
.Ltmp3:
0xef: {  	(xrf0) =	vadd.scan.msk.s32 $0xffff, v9;
	v7, _, _ =	vpop (xrf0);
	(pc) =	sbr.rel @p0 .LBB2_8-.Ltmp3, $4  }
0xf0: {  	v8 =	vperm.xlane v8, v4;
	s3 =	spop (v2sf);
	(v2sf) =	vpush v7, $0xF  }
0xf1: {  	s1 =	sadd.s32 s1, s3  }
0xf2: {  	s0 =	sshra.s32 s0, $0x2;
	v7 =	vperm.xlane v6, v4;
	(xrf0) =	vadd.scan.msk.s32 $0xffff, v6;
	v9, _, _ =	vpop (xrf0);
	v8 =	vadd.s32 s1, v8  }
0xf3: {  	v6 =	vld [tilespmem:s0+$0x9000];
	(v2sf) =	vpush v9, $0xF;
	vm0 =	vgt.s32 v8, $0x3F;
	s0 =	spop (v2sf)  }
0xf4: {  	_ =	sdelay $0x1  }
0xf5: {  	v8, _, _ =	vpop (xrf0)  }
0xf6: {  	v9, _, _ =	vpop (xrf0)  }
0xf7: {  	(v2sf) =	vpush v9, $0xF;
	v60, _, _ =	vpop (xrf0)  }
0xf8: {  	(v2sf) =	vpush v60, $0xF;
	_ =	sdelay $0x1  }
0xf9: {  	s2 =	spop (v2sf);
	v8 =	vperm.xlane v8, v4  }
0xfa: {  	(xrf0) =	vadd.scan.msk.s32 $0xffff, v5;
	v5 =	vsel vm0, $0x1, v1;
	s1 =	sadd.s32 s1, s2  }
0xfb: {  	(xrf0) =	vadd.scan.msk.s32 $0xffff, v5;
	v5 =	vadd.s32 s1, v8  }
0xfc: {  	(xrf0) =	vadd.scan.msk.s32 $0xffff, v6;
	vm8 =	vgt.s32 v5, $0x3F;
	v5 =	vperm.xlane v6, v4  }
0xfd: {  	(xrf0) =	vadd.scan.msk.s32 $0xffff, v7;
	v6 =	vsel vm8, $0x1, v1  }
0xfe: {  	(xrf0) =	vadd.scan.msk.s32 $0xffff, v6  }
0xff: {  	(xrf0) =	vadd.scan.msk.s32 $0xffff, v5  }
0x100: {  	v5, _, _ =	vpop (xrf0)  }
0x101: {  	s4 =	spop (v2sf);
	v6, _, _ =	vpop (xrf0)  }
0x102: {  	s3 =	spop (v2sf);
	v7, _, _ =	vpop (xrf0)  }
0x103: {  	s18 =	spop (v2sf);
	v8, _, _ =	vpop (xrf0)  }
0x104: {  	v5 =	vperm.xlane v5, v4;
	v61, _, _ =	vpop (xrf0);
	s21 =	spop (v2sf)  }
0x105: {  	s1 =	sadd.s32 s1, s3;
	v8 =	vperm.xlane v8, v4;
	v10, _, _ =	vpop (xrf0);
	s5 =	spop (v2sf)  }
0x106: {  	v5 =	vadd.s32 s1, v5;
	v10 =	vperm.xlane v10, v4;
	s1 =	sadd.s32 s1, s21;
	s6 =	spop (v2sf)  }
0x107: {  	vm9 =	vgt.s32 v5, $0x3F;
	v8 =	vadd.s32 s1, v8;
	s1 =	sadd.s32 s1, s6  }
0x108: {  	v62 =	vsel vm9, $0x1, v1;
	vm10 =	vgt.s32 v8, $0x3F;
	v5 =	vadd.s32 s1, v10  }
0x109: {  	(xrf0) =	vadd.scan.msk.s32 $0xffff, v62;
	v8 =	vsel vm10, $0x1, v1;
	vm11 =	vgt.s32 v5, $0x3F  }
0x10a: {  	(xrf0) =	vadd.scan.msk.s32 $0xffff, v8;
	v5 =	vsel vm11, $0x1, v1  }
0x10b: {  	(xrf0) =	vadd.scan.msk.s32 $0xffff, v5;
	_ =	sdelay $0x1  }
0x10c: {  	(v2sf) =	vpush v6, $0xF  }
0x10d: {  	(v2sf) =	vpush v7, $0xF  }
0x10e: {  	(v2sf) =	vpush v61, $0xF;
	v5, _, _ =	vpop (xrf0)  }
0x10f: {  	(v2sf) =	vpush v5, $0xF;
	v5, _, _ =	vpop (xrf0)  }
0x110: {  	(v2sf) =	vpush v5, $0xF;
	v5, _, _ =	vpop (xrf0)  }
0x111: {  	(v2sf) =	vpush v5, $0xF;
	_ =	sdelay $0x7  }
0x112: {  	s0 =	sadd.s32 s20, s0  }
0x113: {  	s0 =	sadd.s32 s0, s4  }
0x114: {  	s0 =	sadd.s32 s0, s18;
	s18 =	spop (v2sf)  }
0x115: {  	s0 =	sadd.s32 s0, s5;
	s20 =	spop (v2sf)  }
0x116: {  	s0 =	sadd.s32 s0, s18;
	s21 =	spop (v2sf)  }
0x117: {  	s0 =	sadd.s32 s0, s21;
	s22 =	spop (v2sf)  }
0x118: {  	s2 =	simm.s32 $0x9000;
	s0 =	sadd.s32 s0, s22;
	s23 =	spop (v2sf)  }
0x119: {  	s25 =	simm.s32 $0x9010;
	v6 =	vld [tilespmem:s2+$0x0];
	s0 =	sadd.s32 s0, s23;
	s24 =	spop (v2sf)  }
0x11a: {  	v7 =	vld [tilespmem:s25+$0x0];
	s0 =	sadd.s32 s0, s24  }
0x11b: {  	s20 =	sadd.s32 $0xFFFFFFFF, s0;
	s0 =	simm.s32 $0x0  }
0x11c: {  	s26 =	simm.s32 $0x10;
	v5 =	vmov s20;
	v8 =	vor.u32 s0, v0  }
0x11d: {  	vm12 =	vgt.s32 v8, v5;
	v8 =	vor.u32 s26, v0  }
0x11e: {  	v6 =	vnsel vm12, $0x0, v6;
	vm13 =	vgt.s32 v8, v5  }
0x11f: {  	(xrf0) =	vadd.scan.msk.s32 $0xffff, v6;
	v6 =	vnsel vm13, $0x0, v7  }
0x120: {  	(xrf0) =	vadd.scan.msk.s32 $0xffff, v6  }
0x121: {  	s30 =	simm.s32 $0x20  }
0x122: {  	s31 =	simm.s32 $0x30;
	v8 =	vor.u32 s30, v0  }
0x123: {  	vm14 =	vgt.s32 v8, v5;
	v8 =	vor.u32 s31, v0  }
0x124: {  	s28 =	simm.s32 $0x9020  }
0x125: {  	v6 =	vld [tilespmem:s28+$0x0];
	v63, _, _ =	vpop (xrf0)  }
0x126: {  	vm15 =	vgt.s32 v8, v5;
	(v2sf) =	vpush v63, $0xF;
	v8, _, _ =	vpop (xrf0)  }
0x127: {  	(v2sf) =	vpush v8, $0xF;
	_ =	sdelay $0x2  }
0x128: {  	s29 =	simm.s32 $0x9030;
	v6 =	vnsel vm14, $0x0, v6  }
0x129: {  	v7 =	vld [tilespmem:s29+$0x0];
	(xrf0) =	vadd.scan.msk.s32 $0xffff, v6;
	_ =	sdelay $0x4  }
0x12a: {  	s2 =	simm.s32 $0x9040;
	s1 =	simm.s32 $0x40;
	v6 =	vnsel vm15, $0x0, v7  }
.LBB2_10:
0x12b: {  	v7 =	vld [tilespmem:s2+$0x0];
	p0 =	sne.s32 s1, $0xF0;
	(xrf0) =	vadd.scan.msk.s32 $0xffff, v6;
	v6, _, _ =	vpop (xrf0);
	s3 =	smov.u32 s1;
	s1 =	sadd.s32 $0x10, s1  }
.Ltmp4:
0x12c: {  	(v2sf) =	vpush v6, $0xF;
	(pc) =	sbr.rel @p0 .LBB2_10-.Ltmp4, $4  }
0x12d: {  	_ = 	snop  }
0x12e: {  	v6 =	vor.u32 s3, v0  }
0x12f: {  	vm0 =	vgt.s32 v6, v5;
	s3 =	spop (v2sf)  }
0x130: {  	s2 =	sadd.s32 $0x10, s2;
	v6 =	vnsel vm0, $0x0, v7;
	s0 =	sadd.s32 s0, s3  }
0x131: {  	s1 =	simm.s32 $0x80  }
0x132: {  	(xrf0) =	vadd.scan.msk.s32 $0xffff, v6;
	v6 =	vld [tilespmem:s1+$0x50]  }
0x133: {  	v8 =	vld [tilespmem:s1+$0x60]  }
0x134: {  	v10 =	vld [tilespmem:s1+$0x40]  }
0x135: {  	v7 =	vld [tilespmem:s1+$0x10]  }
0x136: {  	v16 =	vld [tilespmem:s1+$0xFFFFFFF0]  }
0x137: {  	v21 =	vld [tilespmem:s1+$0xFFFFFFB0]  }
0x138: {  	v11, _, _ =	vpop (xrf0)  }
0x139: {  	v9 =	vld [tilespmem:s1+$0xFFFFFFE0];
	(v2sf) =	vpush v11, $0xF;
	v12 =	vshrl.u32 v6, $0x10  }
0x13a: {  	v15 =	vshrl.u32 v8, $0x18;
	v8 =	vshrl.u32 v8, $0x10;
	v17 =	vshrl.u32 v10, $0x18  }
0x13b: {  	v13 =	vld [tilespmem:s1+$0x30];
	v10 =	vshrl.u32 v10, $0x10;
	v19 =	vshrl.u32 v7, $0x10;
	v22 =	vshrl.u32 v16, $0x18  }
0x13c: {  	v14 =	vld [tilespmem:s1+$0x0];
	v11, _, _ =	vpop (xrf0);
	v63 =	vshrl.u32 v16, $0x10;
	v26 =	vshrl.u32 v21, $0x10;
	v21 =	vshrl.u32 v21, $0x18  }
0x13d: {  	(v2sf) =	vpush v11, $0xF;
	v11 =	vshrl.u32 v6, $0x18;
	v12 =	vand.u32 $0xFF, v12  }
0x13e: {  	v6 =	vshrl.u32 v9, $0x18;
	v18 =	vand.u32 $0xFF, v8;
	v8 =	vld [tilespmem:s1+$0xFFFFFFC0];
	vm3 =	veq.s32 v17, v5  }
0x13f: {  	v10 =	vand.u32 $0xFF, v10;
	vm4 =	veq.s32 v15, v5;
	vm2 =	veq.s32 v11, v5;
	v11 =	vld [tilespmem:s1+$0xFFFFFFD0]  }
0x140: {  	v15 =	vshrl.u32 v13, $0x18;
	vm5 =	veq.s32 v22, v5;
	v17 =	vor.u32 v2, v12;
	v12 =	vld [tilespmem:s1+$0x20]  }
0x141: {  	v20 =	vor.u32 v2, v10;
	v18 =	vor.u32 v2, v18;
	v10 =	vshrl.u32 v14, $0x18  }
0x142: {  	vm7 =	veq.s32 v15, v5;
	v15 =	vld [tilespmem:s1+$0xFFFFFFA0];
	vm0 =	veq.s32 v10, v5;
	v10 =	vshrl.u32 v13, $0x10  }
0x143: {  	v9 =	vshrl.u32 v9, $0x10;
	v19 =	vand.u32 $0xFF, v19;
	v13 =	vld [tilespmem:s1+$0xFFFFFF90];
	v10 =	vand.u32 $0xFF, v10  }
0x144: {  	v14 =	vshrl.u32 v14, $0x10;
	v23 =	vor.u32 v2, v10;
	v10 =	vshrl.u32 v8, $0x18  }
0x145: {  	s22 =	simm.s32 $0x8000;
	v16 =	vshrl.u32 v11, $0x18;
	v11 =	vshrl.u32 v11, $0x10;
	v24 =	vshrl.u32 v12, $0x18  }
0x146: {  	[tilespmem:v18+s22+$0x0] =	vst.idx.add.s32.msk vm4, v3;
	vm4 =	veq.s32 v21, v5;
	v25 =	vand.u32 $0xFF, v11;
	v11 =	vshrl.u32 v12, $0x10  }
0x147: {  	vm1 =	veq.s32 v16, v5;
	vm6 =	veq.s32 v24, v5;
	v11 =	vand.u32 $0xFF, v11  }
0x148: {  	[tilespmem:v20+s22+$0x0] =	vst.idx.add.s32.msk vm3, v3;
	v12 =	vshrl.u32 v15, $0x10;
	v16 =	vshrl.u32 v13, $0x18;
	v20 =	vor.u32 v2, v11  }
0x149: {  	s2 =	spop (v2sf);
	v18 =	vld [tilespmem:s1+$0x70];
	v13 =	vshrl.u32 v13, $0x10;
	vm3 =	veq.s32 v16, v5;
	v16 =	vand.u32 $0xFF, v12  }
0x14a: {  	s0 =	sadd.s32 s0, s2;
	s29 =	spop (v2sf);
	[tilespmem:v17+s22+$0x0] =	vst.idx.add.s32.msk vm2, v3;
	v11 =	vand.u32 $0xFF, v13;
	v13 =	vshrl.u32 v15, $0x18;
	v15 =	vand.u32 $0xFF, v9  }
0x14b: {  	s0 =	sadd.s32 s0, s29;
	[tilespmem:v23+s22+$0x0] =	vst.idx.add.s32.msk vm7, v3;
	v9 =	vor.u32 v2, v16;
	s30 =	spop (v2sf);
	v12 =	vor.u32 v2, v11;
	v11 =	vand.u32 $0xFF, v14  }
0x14c: {  	v16 =	vld [tilespmem:s1+$0xFFFFFF80];
	vm2 =	veq.s32 v13, v5;
	v14 =	vand.u32 $0xFF, v26;
	s0 =	sadd.s32 s0, s30;
	v13 =	vor.u32 v2, v11;
	s31 =	spop (v2sf)  }
0x14d: {  	s23 =	simm.s32 $0x180;
	v17 =	vand.u32 $0xFF, v63;
	v11 =	vor.u32 v2, v14;
	v14 =	vor.u32 v2, v25;
	[tilespmem:v20+s22+$0x0] =	vst.idx.add.s32.msk vm6, v3;
	s21 =	sadd.s32 s0, s31;
	s0 =	simm.s32 $0x0  }
.LBB2_12:
0x14e: {  	v20 =	vld [tilespmem:s23+$0x40];
	s0 =	sadd.s32 $0x10, s0;
	v8 =	vshrl.u32 v8, $0x10;
	v17 =	vor.u32 v2, v17;
	v19 =	vor.u32 v2, v19  }
0x14f: {  	v15 =	vor.u32 v2, v15;
	v22 =	vshrl.u32 v7, $0x18;
	v21 =	vld [tilespmem:s23+$0xFFFFFF90];
	p0 =	slt.u32 s0, $0x1F0;
	v8 =	vand.u32 $0xFF, v8  }
0x150: {  	vm6 =	vmmov vm5;
	v23 =	vld [tilespmem:s23+$0xFFFFFFB0]  }
0x151: {  	v24 =	vor.u32 v2, v8;
	v7 =	vld [tilespmem:s23+$0x50];
	v8 =	vshrl.u32 v18, $0x18;
	v18 =	vshrl.u32 v18, $0x10  }
0x152: {  	v26 =	vshrl.u32 v16, $0x18;
	v16 =	vshrl.u32 v16, $0x10;
	v25 =	vld [tilespmem:s23+$0xFFFFFFA0];
	vm8 =	veq.s32 v8, v5  }
0x153: {  	vm7 =	veq.s32 v26, v5;
	v16 =	vand.u32 $0xFF, v16;
	v18 =	vand.u32 $0xFF, v18;
	v27 =	vld [tilespmem:s23+$0xFFFFFFE0]  }
0x154: {  	v16 =	vor.u32 v2, v16;
	v18 =	vor.u32 v2, v18;
	v8 =	vld [tilespmem:s23+$0xFFFFFFC0]  }
0x155: {  	v26 =	vld [tilespmem:s23+$0xFFFFFFD0]  }
0x156: {  	v28 =	vshrl.u32 v7, $0x18;
	v29 =	vshrl.u32 v7, $0x10;
	v30 =	vld [tilespmem:s23+$0x60]  }
0x157: {  	v7 =	vld [tilespmem:s23+$0x10];
	v29 =	vand.u32 $0xFF, v29  }
0x158: {  	v31 =	vshrl.u32 v27, $0x18;
	v32 =	vld [tilespmem:s23+$0x0]  }
0x159: {  	v33 =	vld [tilespmem:s23+$0xFFFFFFF0]  }
0x15a: {  	vm5 =	veq.s32 v6, v5;
	vm12 =	veq.s32 v22, v5;
	v6 =	vmov v31;
	v34 =	vld [tilespmem:s23+$0x30]  }
0x15b: {  	vm10 =	veq.s32 v10, v5;
	v22 =	vshrl.u32 v30, $0x18;
	v30 =	vshrl.u32 v30, $0x10;
	[tilespmem:v18+s22+$0x0] =	vst.idx.add.s32.msk vm8, v3  }
0x15c: {  	v10 =	vshrl.u32 v20, $0x18;
	v18 =	vshrl.u32 v20, $0x10;
	v20 =	vand.u32 $0xFF, v30;
	[tilespmem:v16+s22+$0x0] =	vst.idx.add.s32.msk vm7, v3  }
0x15d: {  	vm8 =	veq.s32 v10, v5;
	v30 =	vshrl.u32 v7, $0x10;
	vm7 =	veq.s32 v28, v5;
	v16 =	vld [tilespmem:s23+$0x20]  }
0x15e: {  	v10 =	vand.u32 $0xFF, v18;
	v18 =	vor.u32 v2, v29;
	vm9 =	veq.s32 v22, v5;
	[tilespmem:v12+s22+$0x0] =	vst.idx.add.s32.msk vm3, v3  }
0x15f: {  	v22 =	vor.u32 v2, v10;
	v20 =	vor.u32 v2, v20;
	v12 =	vshrl.u32 v34, $0x18;
	[tilespmem:v13+s22+$0x0] =	vst.idx.add.s32.msk vm0, v3  }
0x160: {  	v10 =	vshrl.u32 v32, $0x18;
	v13 =	vshrl.u32 v32, $0x10;
	vm11 =	veq.s32 v12, v5;
	[tilespmem:v19+s22+$0x0] =	vst.idx.add.s32.msk vm12, v3  }
0x161: {  	vm0 =	veq.s32 v10, v5;
	v10 =	vshrl.u32 v34, $0x10;
	v12 =	vshrl.u32 v33, $0x18;
	[tilespmem:v15+s22+$0x0] =	vst.idx.add.s32.msk vm5, v3  }
0x162: {  	v19 =	vshrl.u32 v33, $0x10;
	v10 =	vand.u32 $0xFF, v10;
	vm5 =	veq.s32 v12, v5;
	[tilespmem:v14+s22+$0x0] =	vst.idx.add.s32.msk vm1, v3  }
0x163: {  	v12 =	vshrl.u32 v26, $0x18;
	v14 =	vshrl.u32 v26, $0x10;
	v26 =	vor.u32 v2, v10;
	[tilespmem:v17+s22+$0x0] =	vst.idx.add.s32.msk vm6, v3  }
0x164: {  	v15 =	vshrl.u32 v27, $0x10;
	v10 =	vshrl.u32 v8, $0x18;
	v17 =	vshrl.u32 v16, $0x18;
	[tilespmem:v24+s22+$0x0] =	vst.idx.add.s32.msk vm10, v3  }
0x165: {  	vm1 =	veq.s32 v12, v5;
	v12 =	vshrl.u32 v16, $0x10;
	v14 =	vand.u32 $0xFF, v14;
	[tilespmem:v9+s22+$0x0] =	vst.idx.add.s32.msk vm2, v3  }
0x166: {  	v24 =	vshrl.u32 v23, $0x10;
	vm6 =	veq.s32 v17, v5;
	v9 =	vshrl.u32 v25, $0x10;
	[tilespmem:v11+s22+$0x0] =	vst.idx.add.s32.msk vm4, v3  }
0x167: {  	v16 =	vshrl.u32 v21, $0x10;
	v12 =	vand.u32 $0xFF, v12;
	v11 =	vshrl.u32 v21, $0x18;
	[tilespmem:v22+s22+$0x0] =	vst.idx.add.s32.msk vm8, v3  }
0x168: {  	v9 =	vand.u32 $0xFF, v9;
	v21 =	vor.u32 v2, v12;
	vm3 =	veq.s32 v11, v5;
	[tilespmem:v20+s22+$0x0] =	vst.idx.add.s32.msk vm9, v3  }
.Ltmp5:
0x169: {  	v15 =	vand.u32 $0xFF, v15;
	v17 =	vshrl.u32 v25, $0x18;
	v11 =	vand.u32 $0xFF, v16;
	[tilespmem:v26+s22+$0x0] =	vst.idx.add.s32.msk vm11, v3;
	(pc) =	sbr.rel @p0 .LBB2_12-.Ltmp5, $4  }
0x16a: {  	v9 =	vor.u32 v2, v9;
	v12 =	vor.u32 v2, v11;
	v11 =	vand.u32 $0xFF, v13;
	[tilespmem:v18+s22+$0x0] =	vst.idx.add.s32.msk vm7, v3  }
0x16b: {  	vm2 =	veq.s32 v17, v5;
	v17 =	vand.u32 $0xFF, v24;
	v13 =	vor.u32 v2, v11;
	v16 =	vld [tilespmem:s23+$0xFFFFFF80]  }
0x16c: {  	v20 =	vshrl.u32 v23, $0x18;
	v11 =	vor.u32 v2, v17;
	v17 =	vand.u32 $0xFF, v19;
	v18 =	vld [tilespmem:s23+$0x70]  }
0x16d: {  	v14 =	vor.u32 v2, v14;
	vm4 =	veq.s32 v20, v5;
	v19 =	vand.u32 $0xFF, v30;
	s23 =	sadd.s32 $0x100, s23;
	[tilespmem:v21+s22+$0x0] =	vst.idx.add.s32.msk vm6, v3  }
0x16e: {  	_ =	sdelay $0x2  }
0x16f: {  	v7 =	vshrl.u32 v7, $0x18;
	vm9 =	veq.s32 v6, v5  }
0x170: {  	v6 =	vor.u32 v2, v15;
	v8 =	vshrl.u32 v8, $0x10;
	v55 =	vor.u32 v2, v17  }
0x171: {  	vm5 =	vmmov vm5;
	vm15 =	veq.s32 v10, v5;
	[tilespmem:v12+s22+$0x0] =	vst.idx.add.s32.msk vm3, v3;
	vm8 =	veq.s32 v7, v5  }
0x172: {  	[tilespmem:v13+s22+$0x0] =	vst.idx.add.s32.msk vm0, v3;
	v7 =	vor.u32 v2, v19;
	v21 =	vshrl.u32 v16, $0x18;
	v54 =	vshrl.u32 v16, $0x10  }
0x173: {  	[tilespmem:v14+s22+$0x0] =	vst.idx.add.s32.msk vm1, v3;
	v8 =	vand.u32 $0xFF, v8;
	vm7 =	veq.s32 v21, v5;
	v16 =	vand.u32 $0xFF, v54  }
0x174: {  	[tilespmem:v9+s22+$0x0] =	vst.idx.add.s32.msk vm2, v3;
	v20 =	vshrl.u32 v18, $0x18;
	v53 =	vshrl.u32 v18, $0x10;
	v16 =	vor.u32 v2, v16  }
0x175: {  	[tilespmem:v11+s22+$0x0] =	vst.idx.add.s32.msk vm4, v3;
	vm6 =	veq.s32 v20, v5;
	v18 =	vand.u32 $0xFF, v53;
	v5 =	vor.u32 v2, v8  }
0x176: {  	v18 =	vor.u32 v2, v18;
	[tilespmem:v6+s22+$0x0] =	vst.idx.add.s32.msk vm9, v3  }
0x177: {  	[tilespmem:v55+s22+$0x0] =	vst.idx.add.s32.msk vm5, v3  }
0x178: {  	[tilespmem:v7+s22+$0x0] =	vst.idx.add.s32.msk vm8, v3  }
0x179: {  	[tilespmem:v16+s22+$0x0] =	vst.idx.add.s32.msk vm7, v3  }
0x17a: {  	[tilespmem:v5+s22+$0x0] =	vst.idx.add.s32.msk vm15, v3  }
0x17b: {  	[tilespmem:v18+s22+$0x0] =	vst.idx.add.s32.msk vm6, v3  }
0x17c: {  	s0 =	simm.s32 $0x0;
	s30 =	simm.s32 $0x8010;
	v5 =	vld [tilespmem:s22+$0x0]  }
0x17d: {  	s1 =	sand.u32 $0xF0, s0;
	[tilespmem:s22+$0x0] =	vst v1;
	v15 =	vld [tilespmem:s30+$0x0]  }
0x17e: {  	v6 =	vld [tilespmem:s1+$0x8100]  }
0x17f: {  	v7 =	vld [tilespmem:s1+$0x8200]  }
0x180: {  	v8 =	vld [tilespmem:s1+$0x8300]  }
0x181: {  	[tilespmem:s30+$0x0] =	vst v1;
	v9 =	vld [tilespmem:s1+$0x8400]  }
0x182: {  	v10 =	vld [tilespmem:s1+$0x8500];
	[tilespmem:s1+$0x8500] =	vst v1  }
0x183: {  	v11 =	vld [tilespmem:s1+$0x8600];
	[tilespmem:s1+$0x8600] =	vst v1  }
0x184: {  	v12 =	vld [tilespmem:s1+$0x8700];
	[tilespmem:s1+$0x8700] =	vst v1  }
0x185: {  	v13 =	vld [tilespmem:s1+$0x8800];
	[tilespmem:s1+$0x8800] =	vst v1  }
0x186: {  	s2 =	simm.s32 $0x10;
	v14 =	vld [tilespmem:s1+$0x8900];
	[tilespmem:s1+$0x8900] =	vst v1  }
0x187: {  	s0 =	sand.u32 $0xF0, s2;
	v16 =	vld [tilespmem:s1+$0x8A00];
	[tilespmem:s1+$0x8A00] =	vst v1  }
0x188: {  	v59 =	vld [tilespmem:s0+$0x8500];
	[tilespmem:s0+$0x8500] =	vst v1  }
0x189: {  	v22 =	vld [tilespmem:s1+$0x8B00];
	[tilespmem:s1+$0x8B00] =	vst v1  }
0x18a: {  	v23 =	vld [tilespmem:s0+$0x8600];
	[tilespmem:s0+$0x8600] =	vst v1  }
0x18b: {  	v24 =	vld [tilespmem:s1+$0x8C00];
	[tilespmem:s1+$0x8C00] =	vst v1  }
0x18c: {  	v25 =	vld [tilespmem:s0+$0x8700];
	[tilespmem:s0+$0x8700] =	vst v1  }
0x18d: {  	v56 =	vld [tilespmem:s0+$0x8100];
	[tilespmem:s1+$0x8400] =	vst v1  }
0x18e: {  	v18 =	vld [tilespmem:s0+$0x8200];
	[tilespmem:s1+$0x8300] =	vst v1;
	v5 =	vadd.s32 v5, v6  }
0x18f: {  	v57 =	vld [tilespmem:s0+$0x8300];
	[tilespmem:s1+$0x8200] =	vst v1;
	v5 =	vadd.s32 v7, v5  }
0x190: {  	v58 =	vld [tilespmem:s0+$0x8400];
	[tilespmem:s1+$0x8100] =	vst v1;
	v5 =	vadd.s32 v8, v5  }
0x191: {  	v61 =	vld [tilespmem:s0+$0x8C00];
	[tilespmem:s0+$0x8C00] =	vst v1;
	v5 =	vadd.s32 v9, v5  }
0x192: {  	v60 =	vld [tilespmem:s1+$0x8E00];
	[tilespmem:s0+$0x8400] =	vst v1;
	v5 =	vadd.s32 v10, v5  }
0x193: {  	v62 =	vld [tilespmem:s1+$0x8F00];
	[tilespmem:s1+$0x8E00] =	vst v1;
	v10 =	vadd.s32 v15, v56;
	v5 =	vadd.s32 v11, v5  }
0x194: {  	[tilespmem:s0+$0x8300] =	vst v1;
	v6 =	vld [tilespmem:s0+$0x8800];
	v10 =	vadd.s32 v18, v10;
	v5 =	vadd.s32 v12, v5  }
0x195: {  	[tilespmem:s1+$0x8F00] =	vst v1;
	v9 =	vld [tilespmem:s1+$0x8D00];
	v10 =	vadd.s32 v57, v10;
	v5 =	vadd.s32 v13, v5  }
0x196: {  	[tilespmem:s0+$0x8200] =	vst v1;
	v7 =	vld [tilespmem:s0+$0x8900];
	v10 =	vadd.s32 v58, v10;
	v5 =	vadd.s32 v14, v5  }
0x197: {  	[tilespmem:s0+$0x8100] =	vst v1;
	v8 =	vld [tilespmem:s0+$0x8A00];
	v10 =	vadd.s32 v59, v10;
	v5 =	vadd.s32 v16, v5  }
0x198: {  	[tilespmem:s0+$0x8800] =	vst v1;
	v11 =	vld [tilespmem:s0+$0x8B00];
	v10 =	vadd.s32 v23, v10;
	v5 =	vadd.s32 v22, v5  }
0x199: {  	[tilespmem:s0+$0x8900] =	vst v1;
	v10 =	vadd.s32 v25, v10;
	v63 =	vadd.s32 v24, v5  }
0x19a: {  	[tilespmem:s0+$0x8A00] =	vst v1;
	v5 =	vld [tilespmem:s0+$0x8D00];
	v10 =	vadd.s32 v6, v10;
	v9 =	vadd.s32 v9, v63  }
0x19b: {  	[tilespmem:s1+$0x8D00] =	vst v1;
	v6 =	vld [tilespmem:s0+$0x8E00];
	v7 =	vadd.s32 v7, v10;
	v9 =	vadd.s32 v60, v9  }
0x19c: {  	s1 =	simm.s32 $0x9000;
	[tilespmem:s0+$0x8B00] =	vst v1;
	v8 =	vadd.s32 v8, v7;
	v7 =	vld [tilespmem:s0+$0x8F00];
	v9 =	vadd.s32 v62, v9  }
0x19d: {  	s18 =	simm.s32 $0x8020;
	s31 =	simm.s32 $0x20;
	[tilespmem:s1+$0x0] =	vst v9;
	v9 =	vadd.s32 v11, v8  }
0x19e: {  	s23 =	simm.s32 $0x30;
	s22 =	sand.u32 $0xF0, s31;
	v8 =	vld [tilespmem:s18+$0x0];
	[tilespmem:s18+$0x0] =	vst v1;
	v9 =	vadd.s32 v61, v9  }
.LBB2_14:
0x19f: {  	p0 =	sne.s32 s23, $0xF0;
	v10 =	vld [tilespmem:s22+$0x8100];
	v5 =	vadd.s32 v5, v9;
	[tilespmem:s0+$0x8D00] =	vst v1  }
0x1a0: {  	v9 =	vld [tilespmem:s22+$0x8200];
	v5 =	vadd.s32 v6, v5;
	[tilespmem:s0+$0x8E00] =	vst v1  }
0x1a1: {  	s1 =	sadd.s32 $0x10, s1;
	v6 =	vld [tilespmem:s22+$0x8300];
	v5 =	vadd.s32 v7, v5;
	[tilespmem:s0+$0x8F00] =	vst v1;
	s0 =	smov.u32 s22  }
0x1a2: {  	v7 =	vld [tilespmem:s0+$0x8400];
	[tilespmem:s1+$0x0] =	vst v5  }
0x1a3: {  	v5 =	vld [tilespmem:s0+$0x8500];
	[tilespmem:s0+$0x8500] =	vst v1  }
0x1a4: {  	v8 =	vadd.s32 v8, v10;
	v10 =	vld [tilespmem:s0+$0x8600];
	[tilespmem:s0+$0x8600] =	vst v1  }
0x1a5: {  	v8 =	vadd.s32 v9, v8;
	v9 =	vld [tilespmem:s0+$0x8700];
	[tilespmem:s0+$0x8700] =	vst v1  }
0x1a6: {  	v6 =	vadd.s32 v6, v8;
	v8 =	vld [tilespmem:s0+$0x8800];
	[tilespmem:s0+$0x8800] =	vst v1  }
0x1a7: {  	v6 =	vadd.s32 v7, v6;
	v7 =	vld [tilespmem:s0+$0x8900];
	[tilespmem:s0+$0x8900] =	vst v1  }
0x1a8: {  	v5 =	vadd.s32 v5, v6;
	v11 =	vld [tilespmem:s0+$0x8A00];
	[tilespmem:s0+$0x8A00] =	vst v1  }
0x1a9: {  	v5 =	vadd.s32 v10, v5;
	v10 =	vld [tilespmem:s0+$0x8B00];
	[tilespmem:s0+$0x8B00] =	vst v1  }
0x1aa: {  	v5 =	vadd.s32 v9, v5;
	v9 =	vld [tilespmem:s0+$0x8C00];
	[tilespmem:s0+$0x8C00] =	vst v1  }
.Ltmp6:
0x1ab: {  	[tilespmem:s0+$0x8400] =	vst v1;
	v6 =	vadd.s32 v8, v5;
	v5 =	vld [tilespmem:s0+$0x8D00];
	(pc) =	sbr.rel @p0 .LBB2_14-.Ltmp6, $4  }
0x1ac: {  	[tilespmem:s0+$0x8300] =	vst v1;
	v7 =	vadd.s32 v7, v6;
	v6 =	vld [tilespmem:s0+$0x8E00]  }
0x1ad: {  	[tilespmem:s0+$0x8200] =	vst v1;
	v8 =	vadd.s32 v11, v7;
	v7 =	vld [tilespmem:s0+$0x8F00]  }
0x1ae: {  	s18 =	sadd.s32 $0x10, s18;
	[tilespmem:s0+$0x8100] =	vst v1;
	v10 =	vadd.s32 v10, v8  }
0x1af: {  	s22 =	sand.u32 $0xF0, s23;
	s23 =	sadd.s32 $0x10, s23;
	v8 =	vld [tilespmem:s18+$0x0];
	[tilespmem:s18+$0x0] =	vst v1;
	v9 =	vadd.s32 v9, v10  }
0x1b0: {  	v10 =	vld [tilespmem:s22+$0x8100]  }
0x1b1: {  	v11 =	vld [tilespmem:s22+$0x8200]  }
0x1b2: {  	v12 =	vld [tilespmem:s22+$0x8300]  }
0x1b3: {  	v13 =	vld [tilespmem:s22+$0x8400]  }
0x1b4: {  	v14 =	vld [tilespmem:s22+$0x8500];
	[tilespmem:s22+$0x8500] =	vst v1  }
0x1b5: {  	v15 =	vld [tilespmem:s22+$0x8600];
	[tilespmem:s22+$0x8600] =	vst v1  }
0x1b6: {  	v16 =	vld [tilespmem:s22+$0x8700];
	[tilespmem:s22+$0x8700] =	vst v1  }
0x1b7: {  	v17 =	vld [tilespmem:s22+$0x8800];
	[tilespmem:s22+$0x8800] =	vst v1  }
0x1b8: {  	v18 =	vld [tilespmem:s22+$0x8900];
	[tilespmem:s22+$0x8900] =	vst v1;
	v8 =	vadd.s32 v8, v10  }
0x1b9: {  	v19 =	vld [tilespmem:s22+$0x8A00];
	[tilespmem:s22+$0x8A00] =	vst v1;
	v8 =	vadd.s32 v11, v8  }
0x1ba: {  	[tilespmem:s22+$0x8400] =	vst v1;
	v8 =	vadd.s32 v12, v8  }
0x1bb: {  	[tilespmem:s0+$0x8D00] =	vst v1;
	v8 =	vadd.s32 v13, v8  }
0x1bc: {  	[tilespmem:s22+$0x8300] =	vst v1;
	v8 =	vadd.s32 v14, v8  }
0x1bd: {  	[tilespmem:s0+$0x8E00] =	vst v1;
	v10 =	vld [tilespmem:s22+$0x8B00];
	v8 =	vadd.s32 v15, v8  }
0x1be: {  	[tilespmem:s22+$0x8200] =	vst v1;
	v11 =	vld [tilespmem:s22+$0x8C00];
	v8 =	vadd.s32 v16, v8  }
0x1bf: {  	v62 =	vld [tilespmem:s22+$0x8D00];
	v5 =	vadd.s32 v5, v9;
	[tilespmem:s0+$0x8F00] =	vst v1;
	v8 =	vadd.s32 v17, v8  }
0x1c0: {  	v9 =	vld [tilespmem:s22+$0x8E00];
	[tilespmem:s22+$0x8100] =	vst v1;
	v5 =	vadd.s32 v6, v5;
	v6 =	vadd.s32 v18, v8  }
0x1c1: {  	s4 =	sadd.s32 $0x10, s1;
	[tilespmem:s22+$0x8D00] =	vst v1;
	v5 =	vadd.s32 v7, v5;
	v7 =	vld [tilespmem:s22+$0x8F00];
	v6 =	vadd.s32 v19, v6  }
0x1c2: {  	[tilespmem:s4+$0x0] =	vst v5;
	v5 =	vadd.s32 v10, v6  }
0x1c3: {  	[tilespmem:s22+$0x8E00] =	vst v1;
	v5 =	vadd.s32 v11, v5  }
0x1c4: {  	[tilespmem:s22+$0x8F00] =	vst v1;
	v5 =	vadd.s32 v62, v5  }
0x1c5: {  	[tilespmem:s22+$0x8B00] =	vst v1;
	v5 =	vadd.s32 v9, v5  }
0x1c6: {  	s0 =	sadd.s32 $0x10, s4;
	[tilespmem:s22+$0x8C00] =	vst v1;
	v5 =	vadd.s32 v7, v5  }
0x1c7: {  	s5 =	simm.s32 $0xF0;
	[tilespmem:s0+$0x0] =	vst v5  }
0x1c8: {  	v5 =	vld [tilespmem:s5+$0x9000];
	_ =	sdelay $0x1  }
0x1c9: {  	s6 =	simm.s32 $0xE0  }
0x1ca: {  	v6 =	vld [tilespmem:s6+$0x9000];
	_ =	sdelay $0x1  }
0x1cb: {  	(xrf0) =	vadd.scan.msk.s32 $0xffff, v5;
	_ =	sdelay $0x1  }
0x1cc: {  	v5 =	vperm.xlane v5, v4  }
0x1cd: {  	(xrf0) =	vadd.scan.msk.s32 $0xffff, v6;
	_ =	sdelay $0x2  }
0x1ce: {  	s18 =	simm.s32 $0xD0;
	(xrf0) =	vadd.scan.msk.s32 $0xffff, v5;
	v5, _, _ =	vpop (xrf0)  }
0x1cf: {  	v7 =	vld [tilespmem:s18+$0x9000];
	(v2sf) =	vpush v5, $0xF;
	_ =	sdelay $0x1  }
0x1d0: {  	s22 =	simm.s32 $0xC0;
	v5, _, _ =	vpop (xrf0)  }
0x1d1: {  	v8 =	vld [tilespmem:s22+$0x9000];
	(v2sf) =	vpush v5, $0xF;
	_ =	sdelay $0x1  }
0x1d2: {  	v6 =	vperm.xlane v6, v4;
	(xrf0) =	vadd.scan.msk.s32 $0xffff, v7;
	v5, _, _ =	vpop (xrf0)  }
0x1d3: {  	v9 =	vperm.xlane v5, v4  }
0x1d4: {  	s23 =	ssub.s32 $0x40, s21;
	s0 =	simm.s32 $0x0;
	(xrf0) =	vadd.scan.msk.s32 $0xffff, v6  }
0x1d5: {  	v6 =	vperm.xlane v7, v4;
	(xrf0) =	vadd.scan.msk.s32 $0xffff, v8;
	v5 =	vmov s23;
	v7 =	vadd.s32 s0, v9  }
0x1d6: {  	vm0 =	vge.s32 v7, v5  }
0x1d7: {  	(xrf0) =	vadd.scan.msk.s32 $0xffff, v6;
	v6 =	vsel vm0, $0x1, v1  }
0x1d8: {  	s24 =	simm.s32 $0xB0;
	v7, _, _ =	vpop (xrf0)  }
0x1d9: {  	(v2sf) =	vpush v7, $0xF;
	v7 =	vld [tilespmem:s24+$0x9000]  }
0x1da: {  	(xrf0) =	vadd.scan.msk.s32 $0xffff, v6;
	v6, _, _ =	vpop (xrf0)  }
0x1db: {  	v9, _, _ =	vpop (xrf0)  }
0x1dc: {  	s2 =	simm.s32 $0xA0;
	v6 =	vperm.xlane v6, v4;
	(v2sf) =	vpush v9, $0xF;
	s25 =	spop (v2sf)  }
0x1dd: {  	v10 =	vld [tilespmem:s2+$0x9000];
	v8 =	vperm.xlane v8, v4;
	s1 =	sadd.s32 $0x0, s25  }
0x1de: {  	v9, _, _ =	vpop (xrf0);
	(xrf0) =	vadd.scan.msk.s32 $0xffff, v7;
	v6 =	vadd.s32 s1, v6  }
0x1df: {  	(xrf0) =	vadd.scan.msk.s32 $0xffff, v8;
	v8 =	vperm.xlane v9, v4;
	s26 =	spop (v2sf);
	vm0 =	vge.s32 v6, v5  }
0x1e0: {  	s1 =	sadd.s32 s1, s26;
	v6 =	vsel vm0, $0x1, v1  }
0x1e1: {  	s3 =	simm.s32 $0x90;
	v7 =	vperm.xlane v7, v4;
	v8 =	vadd.s32 s1, v8;
	(xrf0) =	vadd.scan.msk.s32 $0xffff, v6  }
0x1e2: {  	vm0 =	vge.s32 v8, v5;
	v6 =	vld [tilespmem:s3+$0x9000];
	(xrf0) =	vadd.scan.msk.s32 $0xffff, v10  }
0x1e3: {  	v11, _, _ =	vpop (xrf0);
	(xrf0) =	vadd.scan.msk.s32 $0xffff, v7;
	v7 =	vsel vm0, $0x1, v1  }
0x1e4: {  	v8, _, _ =	vpop (xrf0);
	(xrf0) =	vadd.scan.msk.s32 $0xffff, v7;
	_ =	sdelay $0x1  }
0x1e5: {  	v7, _, _ =	vpop (xrf0)  }
0x1e6: {  	(v2sf) =	vpush v11, $0xF;
	(xrf0) =	vadd.scan.msk.s32 $0xffff, v6;
	v9, _, _ =	vpop (xrf0)  }
0x1e7: {  	s28 =	spop (v2sf);
	(v2sf) =	vpush v8, $0xF;
	v11, _, _ =	vpop (xrf0)  }
0x1e8: {  	(v2sf) =	vpush v9, $0xF;
	v8, _, _ =	vpop (xrf0)  }
0x1e9: {  	(v2sf) =	vpush v11, $0xF;
	v9, _, _ =	vpop (xrf0)  }
0x1ea: {  	s30 =	spop (v2sf);
	(v2sf) =	vpush v9, $0xF;
	_ =	sdelay $0x1  }
0x1eb: {  	v9, _, _ =	vpop (xrf0)  }
0x1ec: {  	v7 =	vperm.xlane v7, v4;
	(v2sf) =	vpush v9, $0xF  }
0x1ed: {  	s1 =	sadd.s32 s1, s28  }
0x1ee: {  	s29 =	simm.s32 $0x80;
	v10 =	vperm.xlane v10, v4;
	v7 =	vadd.s32 s1, v7  }
0x1ef: {  	v63 =	vld [tilespmem:s29+$0x9000];
	vm0 =	vge.s32 v7, v5  }
0x1f0: {  	(xrf0) =	vadd.scan.msk.s32 $0xffff, v10;
	v7 =	vperm.xlane v8, v4;
	v8 =	vsel vm0, $0x1, v1  }
0x1f1: {  	(xrf0) =	vadd.scan.msk.s32 $0xffff, v8  }
0x1f2: {  	s2 =	sadd.s32 s1, s30  }
0x1f3: {  	s31 =	simm.s32 $0x70;
	v10 =	vadd.s32 s2, v7  }
0x1f4: {  	s3 =	simm.s32 $0x180;
	v6 =	vperm.xlane v6, v4;
	s1 =	spop (v2sf);
	v8 =	vperm.xlane v63, v4;
	v7 =	vld [tilespmem:s31+$0x9000];
	(xrf0) =	vadd.scan.msk.s32 $0xffff, v63;
	vm0 =	vge.s32 v10, v5  }
.LBB2_16:
0x1f5: {  	p0 =	sne.s32 s3, $0x0  }
0x1f6: {  	(xrf0) =	vadd.scan.msk.s32 $0xffff, v6;
	v9, _, _ =	vpop (xrf0);
	v10 =	vsel vm0, $0x1, v1;
	s0 =	sadd.s32 s0, s1;
	v6 =	vmov v8;
	s1 =	smov.u32 s3;
	s3 =	sadd.s32 $0xFFFFFFC0, s3  }
.Ltmp7:
0x1f7: {  	(xrf0) =	vadd.scan.msk.s32 $0xffff, v10;
	v8, _, _ =	vpop (xrf0);
	(pc) =	sbr.rel @p0 .LBB2_16-.Ltmp7, $4  }
0x1f8: {  	v9 =	vperm.xlane v9, v4;
	s18 =	spop (v2sf);
	(v2sf) =	vpush v8, $0xF  }
0x1f9: {  	s2 =	sadd.s32 s2, s18  }
0x1fa: {  	s1 =	sshra.s32 s1, $0x2;
	v8 =	vperm.xlane v7, v4;
	(xrf0) =	vadd.scan.msk.s32 $0xffff, v7;
	v10, _, _ =	vpop (xrf0);
	v9 =	vadd.s32 s2, v9  }
0x1fb: {  	v7 =	vld [tilespmem:s1+$0x9000];
	(v2sf) =	vpush v10, $0xF;
	vm0 =	vge.s32 v9, v5;
	s1 =	spop (v2sf)  }
0x1fc: {  	_ =	sdelay $0x1  }
0x1fd: {  	v9, _, _ =	vpop (xrf0)  }
0x1fe: {  	v10, _, _ =	vpop (xrf0)  }
0x1ff: {  	(v2sf) =	vpush v10, $0xF;
	v58, _, _ =	vpop (xrf0)  }
0x200: {  	(v2sf) =	vpush v58, $0xF;
	_ =	sdelay $0x1  }
0x201: {  	s3 =	spop (v2sf);
	v9 =	vperm.xlane v9, v4  }
0x202: {  	(xrf0) =	vadd.scan.msk.s32 $0xffff, v6;
	v6 =	vsel vm0, $0x1, v1;
	s2 =	sadd.s32 s2, s3  }
0x203: {  	(xrf0) =	vadd.scan.msk.s32 $0xffff, v6;
	v6 =	vadd.s32 s2, v9  }
0x204: {  	(xrf0) =	vadd.scan.msk.s32 $0xffff, v7;
	vm8 =	vge.s32 v6, v5;
	v6 =	vperm.xlane v7, v4  }
0x205: {  	(xrf0) =	vadd.scan.msk.s32 $0xffff, v8;
	v7 =	vsel vm8, $0x1, v1  }
0x206: {  	(xrf0) =	vadd.scan.msk.s32 $0xffff, v7  }
0x207: {  	(xrf0) =	vadd.scan.msk.s32 $0xffff, v6  }
0x208: {  	v6, _, _ =	vpop (xrf0)  }
0x209: {  	s30 =	spop (v2sf);
	v7, _, _ =	vpop (xrf0)  }
0x20a: {  	s18 =	spop (v2sf);
	v8, _, _ =	vpop (xrf0)  }
0x20b: {  	s22 =	spop (v2sf);
	v59, _, _ =	vpop (xrf0)  }
0x20c: {  	v6 =	vperm.xlane v6, v4;
	v60, _, _ =	vpop (xrf0);
	s23 =	spop (v2sf)  }
0x20d: {  	s2 =	sadd.s32 s2, s18;
	v9 =	vperm.xlane v59, v4;
	v11, _, _ =	vpop (xrf0);
	s31 =	spop (v2sf)  }
0x20e: {  	v6 =	vadd.s32 s2, v6;
	v11 =	vperm.xlane v11, v4;
	s2 =	sadd.s32 s2, s23;
	s4 =	spop (v2sf)  }
0x20f: {  	vm9 =	vge.s32 v6, v5;
	v9 =	vadd.s32 s2, v9;
	s2 =	sadd.s32 s2, s4  }
0x210: {  	v61 =	vsel vm9, $0x1, v1;
	vm10 =	vge.s32 v9, v5;
	v6 =	vadd.s32 s2, v11  }
0x211: {  	(xrf0) =	vadd.scan.msk.s32 $0xffff, v61;
	v9 =	vsel vm10, $0x1, v1;
	vm11 =	vge.s32 v6, v5  }
0x212: {  	(xrf0) =	vadd.scan.msk.s32 $0xffff, v9;
	v5 =	vsel vm11, $0x1, v1  }
0x213: {  	(xrf0) =	vadd.scan.msk.s32 $0xffff, v5;
	_ =	sdelay $0x1  }
0x214: {  	(v2sf) =	vpush v7, $0xF  }
0x215: {  	(v2sf) =	vpush v8, $0xF  }
0x216: {  	(v2sf) =	vpush v60, $0xF;
	v5, _, _ =	vpop (xrf0)  }
0x217: {  	(v2sf) =	vpush v5, $0xF;
	v5, _, _ =	vpop (xrf0)  }
0x218: {  	(v2sf) =	vpush v5, $0xF;
	v5, _, _ =	vpop (xrf0)  }
0x219: {  	(v2sf) =	vpush v5, $0xF;
	_ =	sdelay $0x7  }
0x21a: {  	s0 =	sadd.s32 s0, s1  }
0x21b: {  	s0 =	sadd.s32 s0, s30  }
0x21c: {  	s0 =	sadd.s32 s0, s22;
	s5 =	spop (v2sf)  }
0x21d: {  	s0 =	sadd.s32 s0, s31;
	s6 =	spop (v2sf)  }
0x21e: {  	s0 =	sadd.s32 s0, s5;
	s18 =	spop (v2sf)  }
0x21f: {  	s0 =	sadd.s32 s0, s18;
	s22 =	spop (v2sf)  }
0x220: {  	s2 =	simm.s32 $0x9000;
	s0 =	sadd.s32 s0, s22;
	s23 =	spop (v2sf)  }
0x221: {  	s25 =	simm.s32 $0x9010;
	v6 =	vld [tilespmem:s2+$0x0];
	s0 =	sadd.s32 s0, s23;
	s24 =	spop (v2sf)  }
0x222: {  	v7 =	vld [tilespmem:s25+$0x0];
	s0 =	sadd.s32 s0, s24  }
0x223: {  	s1 =	sadd.s32 $0xFFFFFFFF, s0;
	s0 =	simm.s32 $0x0  }
0x224: {  	s26 =	simm.s32 $0x10;
	v5 =	vmov s1;
	v8 =	vor.u32 s0, v0  }
0x225: {  	vm12 =	vgt.s32 v8, v5;
	v8 =	vor.u32 s26, v0  }
0x226: {  	v6 =	vnsel vm12, $0x0, v6;
	vm13 =	vgt.s32 v8, v5  }
0x227: {  	(xrf0) =	vadd.scan.msk.s32 $0xffff, v6;
	v6 =	vnsel vm13, $0x0, v7  }
0x228: {  	(xrf0) =	vadd.scan.msk.s32 $0xffff, v6;
	_ =	sdelay $0x3  }
0x229: {  	s28 =	simm.s32 $0x9020  }
0x22a: {  	v6 =	vld [tilespmem:s28+$0x0];
	v62, _, _ =	vpop (xrf0)  }
0x22b: {  	(v2sf) =	vpush v62, $0xF;
	v63, _, _ =	vpop (xrf0)  }
0x22c: {  	s30 =	simm.s32 $0x20;
	(v2sf) =	vpush v63, $0xF  }
0x22d: {  	v8 =	vor.u32 s30, v0  }
0x22e: {  	vm14 =	vgt.s32 v8, v5  }
0x22f: {  	s29 =	simm.s32 $0x9030;
	v6 =	vnsel vm14, $0x0, v6  }
0x230: {  	v7 =	vld [tilespmem:s29+$0x0];
	(xrf0) =	vadd.scan.msk.s32 $0xffff, v6;
	_ =	sdelay $0x1  }
0x231: {  	s31 =	simm.s32 $0x30  }
0x232: {  	v8 =	vor.u32 s31, v0  }
0x233: {  	vm15 =	vgt.s32 v8, v5  }
0x234: {  	s3 =	simm.s32 $0x9040;
	s2 =	simm.s32 $0x40;
	v7 =	vnsel vm15, $0x0, v7  }
.LBB2_18:
0x235: {  	v6 =	vld [tilespmem:s3+$0x0];
	p0 =	sne.s32 s2, $0xF0;
	(xrf0) =	vadd.scan.msk.s32 $0xffff, v7;
	v7, _, _ =	vpop (xrf0);
	s18 =	smov.u32 s2;
	s2 =	sadd.s32 $0x10, s2  }
.Ltmp8:
0x236: {  	(v2sf) =	vpush v7, $0xF;
	(pc) =	sbr.rel @p0 .LBB2_18-.Ltmp8, $4  }
0x237: {  	_ = 	snop  }
0x238: {  	v7 =	vor.u32 s18, v0  }
0x239: {  	vm0 =	vgt.s32 v7, v5;
	s18 =	spop (v2sf)  }
0x23a: {  	s3 =	sadd.s32 $0x10, s3;
	v7 =	vnsel vm0, $0x0, v6;
	s0 =	sadd.s32 s0, s18  }
0x23b: {  	s2 =	simm.s32 $0x40  }
0x23c: {  	v29 =	vld [tilespmem:s2+$0xFFFFFFC0]  }
0x23d: {  	v5 =	vld [tilespmem:s2+$0xFFFFFFD0]  }
0x23e: {  	v8 =	vld [tilespmem:s2+$0xFFFFFFE0]  }
0x23f: {  	s3 =	sshll.u32 s20, $0x8  }
0x240: {  	s20 =	sadd.s32 s3, s1;
	v9 =	vld [tilespmem:s2+$0xFFFFFFF0]  }
0x241: {  	v6 =	vld [tilespmem:s2+$0x0];
	v16 =	vmov s20;
	v10 =	vshrl.u32 v29, $0x10  }
0x242: {  	vm2 =	veq.s32 v10, v16;
	v10 =	vshrl.u32 v5, $0x10  }
0x243: {  	(xrf0) =	vadd.scan.msk.s32 $0xffff, v7;
	v12 =	vld [tilespmem:s2+$0x10];
	v7 =	vsel vm2, $0x1, v1;
	vm3 =	veq.s32 v10, v16;
	v10 =	vshrl.u32 v8, $0x10  }
0x244: {  	v11 =	vld [tilespmem:s2+$0x20];
	v13 =	vsel vm3, $0x1, v1;
	(xrf0) =	vadd.scan.msk.s32 $0xffff, v7;
	vm0 =	veq.s32 v10, v16  }
0x245: {  	v10 =	vshrl.u32 v9, $0x10;
	(xrf0) =	vadd.scan.msk.s32 $0xffff, v13;
	v7 =	vsel vm0, $0x1, v1  }
0x246: {  	vm1 =	veq.s32 v10, v16;
	v10 =	vshrl.u32 v6, $0x10;
	(xrf0) =	vadd.scan.msk.s32 $0xffff, v7  }
0x247: {  	v19 =	vld [tilespmem:s2+$0x30];
	v13 =	vsel vm1, $0x1, v1;
	vm5 =	veq.s32 v10, v16  }
0x248: {  	v10 =	vshrl.u32 v12, $0x10;
	v14 =	vsel vm5, $0x1, v1;
	v7, _, _ =	vpop (xrf0);
	(xrf0) =	vadd.scan.msk.s32 $0xffff, v13  }
0x249: {  	vm6 =	veq.s32 v10, v16;
	v10 =	vshrl.u32 v11, $0x10;
	(v2sf) =	vpush v7, $0xF;
	v7, _, _ =	vpop (xrf0);
	(xrf0) =	vadd.scan.msk.s32 $0xffff, v14  }
0x24a: {  	vm7 =	veq.s32 v10, v16;
	(v2sf) =	vpush v7, $0xF;
	v7 =	vsel vm6, $0x1, v1;
	v13, _, _ =	vpop (xrf0)  }
0x24b: {  	(xrf0) =	vadd.scan.msk.s32 $0xffff, v7;
	v18, _, _ =	vpop (xrf0);
	v7 =	vsel vm7, $0x1, v1  }
0x24c: {  	(v2sf) =	vpush v13, $0xF;
	v20, _, _ =	vpop (xrf0);
	(xrf0) =	vadd.scan.msk.s32 $0xffff, v7;
	v7 =	vshrl.u32 v19, $0x10  }
0x24d: {  	(v2sf) =	vpush v18, $0xF;
	vm8 =	veq.s32 v7, v16  }
0x24e: {  	s4 =	simm.s32 $0x0;
	v21, _, _ =	vpop (xrf0);
	v7 =	vsel vm8, $0x1, v1  }
0x24f: {  	(v2sf) =	vpush v20, $0xF;
	v14, _, _ =	vpop (xrf0);
	(xrf0) =	vadd.scan.msk.s32 $0xffff, v7;
	v7 =	vmov s4  }
0x250: {  	v7 =	vadd.s32 $0xFFFFFFFF, v7  }
0x251: {  	(v2sf) =	vpush v21, $0xF;
	v7 =	vbroadcast v7, $0x0  }
0x252: {  	vm13 =	vmmov vm2;
	vm2 =	vmmov vm5;
	(v2sf) =	vpush v14, $0xF;
	v22, _, _ =	vpop (xrf0)  }
0x253: {  	(v2sf) =	vpush v22, $0xF;
	v31 =	vadd.s32 v13, v7;
	v7 =	vimm.s32 $0x0  }
0x254: {  	s24 =	simm.s32 $0xC0;
	v23, _, _ =	vpop (xrf0);
	v7 =	vsel vm2, $0xFFFFFFFF, v7  }
0x255: {  	v17 =	vld [tilespmem:s24+$0xFFFFFFC0];
	(v2sf) =	vpush v23, $0xF;
	[tilespmem:$0x1FFF0] =	vst v7  }
0x256: {  	v15 =	vld [tilespmem:s24+$0xFFFFFFE0]  }
0x257: {  	s2 =	spop (v2sf);
	v13 =	vld [tilespmem:s24+$0xFFFFFFF0]  }
0x258: {  	s23 =	simm.s32 $0x70;
	s26 =	simm.s32 $0x0;
	s22 =	spop (v2sf);
	v7 =	vld [tilespmem:s24+$0x0]  }
0x259: {  	v26 =	vor.u32 s23, v0;
	v33 =	vor.u32 s26, v0;
	v34, _, _ =	vpop (xrf0);
	s18 =	spop (v2sf)  }
0x25a: {  	vm4 =	vmmov vm3;
	vm1 =	vmmov vm1;
	(v2sf) =	vpush v34, $0xF;
	v10 =	vld [tilespmem:s24+$0xFFFFFFD0];
	s1 =	spop (v2sf)  }
0x25b: {  	vm3 =	vmmov vm7;
	vm6 =	vmmov vm6;
	vm7 =	vmmov vm8;
	s5 =	spop (v2sf)  }
0x25c: {  	vm2 =	vmmov vm0;
	s3 =	sadd.s32 $0x0, s5;
	s25 =	spop (v2sf);
	v36 =	vshrl.u32 v15, $0x10;
	v38 =	vshrl.u32 v13, $0x10  }
0x25d: {  	v56 =	vshrl.u32 v7, $0x10;
	v24 =	vmov s3;
	s3 =	sadd.s32 s3, s25;
	vm5 =	veq.s32 v36, v16  }
0x25e: {  	s6 =	spop (v2sf);
	v25 =	vmov s3;
	v28 =	vadd.s32 $0xFFFFFFFF, v24;
	v24 =	vshrl.u32 v17, $0x10  }
0x25f: {  	s3 =	sadd.s32 s3, s6;
	v30 =	vadd.s32 $0xFFFFFFFF, v25;
	vm11 =	veq.s32 v24, v16;
	v24 =	vshrl.u32 v10, $0x10;
	v25 =	vld [tilespmem:s24+$0x10]  }
0x260: {  	v27 =	vmov s3;
	s26 =	spop (v2sf);
	v35 =	vsel vm11, $0x1, v1;
	vm10 =	veq.s32 v24, v16;
	v24 =	vld [tilespmem:s24+$0x20]  }
0x261: {  	vm8 =	veq.s32 v38, v16;
	s3 =	sadd.s32 s3, s26;
	s4 =	spop (v2sf);
	v32 =	vadd.s32 $0xFFFFFFFF, v27;
	v27 =	vld [tilespmem:s24+$0x30];
	v37 =	vsel vm10, $0x1, v1;
	(xrf0) =	vadd.scan.msk.s32 $0xffff, v35  }
0x262: {  	vm9 =	veq.s32 v56, v16;
	v36 =	vsel vm5, $0x1, v1;
	v38 =	vsel vm8, $0x1, v1;
	s25 =	sadd.s32 s3, s4;
	s5 =	spop (v2sf);
	(xrf0) =	vadd.scan.msk.s32 $0xffff, v37  }
0x263: {  	v39 =	vsel vm9, $0x1, v1;
	v35 =	vmov s3;
	v55 =	vmov s25;
	s25 =	sadd.s32 s25, s5;
	(xrf0) =	vadd.scan.msk.s32 $0xffff, v36  }
0x264: {  	s6 =	spop (v2sf);
	v63 =	vadd.s32 $0xFFFFFFFF, v55;
	v57 =	vmov s25;
	v58 =	vshrl.u32 v25, $0x10;
	(xrf0) =	vadd.scan.msk.s32 $0xffff, v38  }
0x265: {  	[tilespmem:v31+s13+$0x0] =	vst.idx.msk vm13, v29;
	s4 =	sadd.s32 s25, s6;
	v38 =	vbroadcast v63, $0x0;
	vm12 =	veq.s32 v58, v16;
	v29 =	vshrl.u32 v24, $0x10  }
0x266: {  	s0 =	sadd.s32 s0, s2;
	[tilespmem:v31+s14+$0x0] =	vst.idx.msk vm13, v33;
	v59 =	vmov s4;
	v31 =	vshrl.u32 v27, $0x10;
	v60 =	vsel vm12, $0x1, v1  }
0x267: {  	s31 =	simm.s32 $0x50;
	s28 =	simm.s32 $0x60;
	s0 =	sadd.s32 s0, s22;
	v37 =	vadd.s32 $0xFFFFFFFF, v59;
	vm13 =	veq.s32 v29, v16;
	vm14 =	veq.s32 v31, v16;
	v33, _, _ =	vpop (xrf0);
	(xrf0) =	vadd.scan.msk.s32 $0xffff, v39  }
0x268: {  	s30 =	simm.s32 $0x20;
	s29 =	simm.s32 $0x30;
	s0 =	sadd.s32 s0, s18;
	v37 =	vbroadcast v37, $0x0;
	v61 =	vsel vm13, $0x1, v1;
	(v2sf) =	vpush v33, $0xF;
	v29, _, _ =	vpop (xrf0);
	(xrf0) =	vadd.scan.msk.s32 $0xffff, v60  }
0x269: {  	s22 =	sadd.s32 s0, s1;
	s0 =	simm.s32 $0x8;
	v40 =	vadd.s32 $0xFFFFFFFF, v57;
	s18 =	spop (v2sf);
	v62 =	vsel vm14, $0x1, v1;
	(v2sf) =	vpush v29, $0xF;
	v31, _, _ =	vpop (xrf0);
	(xrf0) =	vadd.scan.msk.s32 $0xffff, v61  }
0x26a: {  	s26 =	simm.s32 $0x10;
	s25 =	simm.s32 $0x40;
	s1 =	sadd.s32 s4, s18;
	v36 =	vadd.s32 v34, v37;
	v37 =	vbroadcast v40, $0x0;
	(v2sf) =	vpush v31, $0xF;
	v34, _, _ =	vpop (xrf0);
	(xrf0) =	vadd.scan.msk.s32 $0xffff, v62  }
.LBB2_20:
0x26b: {  	_ = 	snop  }
0x26c: {  	(v2sf) =	vpush v34, $0xF  }
0x26d: {  	v30 =	vbroadcast v30, $0x0;
	v32 =	vbroadcast v32, $0x0;
	v38 =	vadd.s32 v22, v38  }
0x26e: {  	v40 =	vmov s1;
	v28 =	vbroadcast v28, $0x0;
	s24 =	sadd.s32 $0x80, s24;
	v37 =	vadd.s32 v23, v37  }
0x26f: {  	[tilespmem:v36+s13+$0x0] =	vst.idx.msk vm7, v19;
	v19 =	vmovc v27;
	vm15 =	vmmov vm11;
	vm11 =	vmmov vm4;
	vm4 =	vmmov vm10;
	v61 =	vld [tilespmem:s24+$0xFFFFFFD0]  }
0x270: {  	v62 =	vor.u32 s25, v0;
	[tilespmem:v36+s14+$0x0] =	vst.idx.msk vm7, v26;
	v26 =	vadd.s32 $0xFFFFFFFF, v40;
	v45 =	vld [tilespmem:s24+$0x0];
	v39, _, _ =	vpop (xrf0);
	v32 =	vadd.s32 v21, v32  }
0x271: {  	v30 =	vadd.s32 v20, v30;
	v20 =	vmov v31;
	v31 =	vld [tilespmem:s24+$0xFFFFFFC0];
	(v2sf) =	vpush v39, $0xF;
	v22, _, _ =	vpop (xrf0)  }
0x272: {  	vm7 =	vmmov vm14;
	v21 =	vmovc v34;
	v26 =	vbroadcast v26, $0x0;
	(v2sf) =	vpush v22, $0xF;
	[tilespmem:v38+s13+$0x0] =	vst.idx.msk vm6, v12;
	v12 =	vmovc v25;
	v25 =	vld [tilespmem:$0x1FFF0]  }
0x273: {  	s23 =	sadd.s32 $0x80, s23;
	v27 =	vadd.s32 v18, v28;
	v18 =	vmov v29;
	v28 =	vor.u32 s31, v0;
	v23, _, _ =	vpop (xrf0);
	[tilespmem:v37+s13+$0x0] =	vst.idx.msk vm3, v11  }
0x274: {  	v29 =	vadd.s32 v33, v26;
	v26 =	vor.u32 s23, v0;
	(v2sf) =	vpush v23, $0xF;
	v34, _, _ =	vpop (xrf0);
	[tilespmem:v38+s14+$0x0] =	vst.idx.msk vm6, v28  }
0x275: {  	(v2sf) =	vpush v34, $0xF;
	v11 =	vmovc v24;
	v24 =	vimm.s32 $0x0;
	v47 =	vshrl.u32 v61, $0x10;
	[tilespmem:v32+s13+$0x0] =	vst.idx.msk vm1, v9  }
0x276: {  	v63 =	vld [tilespmem:s24+$0xFFFFFFE0];
	v51 =	vshrl.u32 v45, $0x10;
	[tilespmem:v30+s13+$0x0] =	vst.idx.msk vm2, v8;
	v28 =	vor.u32 s30, v0;
	v41 =	vshrl.u32 v31, $0x10  }
0x277: {  	vm10 =	veq.s32 v47, v16;
	[tilespmem:v30+s14+$0x0] =	vst.idx.msk vm2, v28;
	vm2 =	vmmov vm5;
	vm6 =	vnez.u8 v25  }
0x278: {  	s3 =	sadd.s32 $0xFFFFFFE0, s23;
	[tilespmem:v27+s13+$0x0] =	vst.idx.msk vm11, v5;
	v48 =	vsel vm10, $0x1, v1;
	v25 =	vor.u32 s28, v0;
	vm0 =	vmmov vm6  }
0x279: {  	s4 =	sadd.s32 $0xFFFFFFF0, s23;
	s5 =	sadd.s32 $0xFFFFFFC0, s23;
	s31 =	smov.u32 s3;
	vm6 =	vmmov vm9;
	[tilespmem:v37+s14+$0x0] =	vst.idx.msk vm3, v25;
	vm3 =	vmmov vm13;
	v25 =	vor.u32 s29, v0  }
0x27a: {  	s28 =	smov.u32 s4;
	s29 =	smov.u32 s5;
	s5 =	spop (v2sf);
	vm9 =	veq.s32 v51, v16;
	v24 =	vsel vm6, $0xFFFFFFFF, v24;
	vm6 =	vmmov vm12;
	[tilespmem:v32+s14+$0x0] =	vst.idx.msk vm1, v25  }
0x27b: {  	v9 =	vmovc v13;
	vm1 =	vmmov vm8;
	s3 =	sadd.s32 s1, s5;
	s4 =	spop (v2sf);
	v25 =	vor.u32 s26, v0;
	s5 =	sadd.s32 $0xFFFFFF90, s23;
	[tilespmem:$0x1FFF0] =	vst v24;
	v24 =	vadd.s32 $0xFFFFFFFF, v35;
	v13 =	vld [tilespmem:s24+$0xFFFFFFF0]  }
0x27c: {  	s6 =	sadd.s32 $0xFFFFFFD0, s23;
	s1 =	sadd.s32 s3, s4;
	v46 =	vor.u32 s5, v0;
	[tilespmem:v27+s14+$0x0] =	vst.idx.msk vm11, v25;
	vm11 =	veq.s32 v41, v16;
	v27 =	vshrl.u32 v63, $0x10  }
0x27d: {  	s25 =	smov.u32 s6;
	v8 =	vmovc v15;
	[tilespmem:v29+s13+$0x0] =	vst.idx.msk vm15, v17;
	v17 =	vmovc v31;
	s6 =	spop (v2sf);
	v25 =	vld [tilespmem:s24+$0x10];
	v24 =	vbroadcast v24, $0x0;
	v15 =	vmov s1;
	v31 =	vsel vm11, $0x1, v1  }
0x27e: {  	s18 =	sadd.s32 $0xFFFFFFB0, s23;
	s1 =	sadd.s32 s1, s6;
	vm5 =	veq.s32 v27, v16;
	v27 =	vld [tilespmem:s24+$0x30];
	[tilespmem:v29+s14+$0x0] =	vst.idx.msk vm15, v46;
	v29 =	vsel vm9, $0x1, v1;
	v30 =	vadd.s32 $0xFFFFFFFF, v15  }
0x27f: {  	s30 =	smov.u32 s18;
	s18 =	spop (v2sf);
	v15 =	vmov s1;
	v44 =	vadd.s32 v14, v24;
	v24 =	vmov s3  }
0x280: {  	s18 =	sadd.s32 s1, s18;
	(xrf0) =	vadd.scan.msk.s32 $0xffff, v31;
	v31 =	vsel vm5, $0x1, v1;
	v28 =	vadd.s32 $0xFFFFFFFF, v24;
	s3 =	spop (v2sf);
	v24 =	vld [tilespmem:s24+$0x20];
	v50 =	vshrl.u32 v13, $0x10  }
0x281: {  	v32 =	vadd.s32 $0xFFFFFFFF, v15;
	(xrf0) =	vadd.scan.msk.s32 $0xffff, v48;
	v35 =	vmov s18;
	s1 =	sadd.s32 s18, s3;
	s4 =	spop (v2sf);
	vm8 =	veq.s32 v50, v16  }
0x282: {  	v5 =	vmovc v10;
	(xrf0) =	vadd.scan.msk.s32 $0xffff, v31;
	v53 =	vshrl.u32 v25, $0x10;
	v49 =	vmov s1;
	s1 =	sadd.s32 s1, s4;
	v52 =	vsel vm8, $0x1, v1  }
0x283: {  	s0 =	sadd.s32 $0x8, s0;
	v10 =	vmovc v61;
	s5 =	spop (v2sf);
	vm12 =	veq.s32 v53, v16;
	v58 =	vshrl.u32 v27, $0x10;
	v31 =	vmov s1;
	(xrf0) =	vadd.scan.msk.s32 $0xffff, v52  }
0x284: {  	p0 =	slt.u32 s0, $0x1F8;
	v14 =	vmovc v39;
	v15 =	vmovc v63;
	s1 =	sadd.s32 s1, s5;
	v55 =	vsel vm12, $0x1, v1;
	vm14 =	veq.s32 v58, v16;
	v63 =	vadd.s32 $0xFFFFFFFF, v49  }
.Ltmp9:
0x285: {  	[tilespmem:v44+s13+$0x0] =	vst.idx.msk vm0, v6;
	v6 =	vmovc v7;
	v7 =	vmovc v45;
	v54 =	vmov s1;
	v61 =	vadd.s32 $0xFFFFFFFF, v31;
	v56 =	vshrl.u32 v24, $0x10;
	(pc) =	sbr.rel @p0 .LBB2_20-.Ltmp9, $4  }
0x286: {  	v33, _, _ =	vpop (xrf0);
	v38 =	vbroadcast v63, $0x0;
	(xrf0) =	vadd.scan.msk.s32 $0xffff, v29;
	v57 =	vadd.s32 $0xFFFFFFFF, v54;
	vm13 =	veq.s32 v56, v16  }
0x287: {  	s6 =	spop (v2sf);
	(v2sf) =	vpush v33, $0xF;
	v29, _, _ =	vpop (xrf0);
	(xrf0) =	vadd.scan.msk.s32 $0xffff, v55;
	v59 =	vbroadcast v57, $0x0;
	v60 =	vsel vm13, $0x1, v1  }
0x288: {  	s2 =	sadd.s32 $0xFFFFFFA0, s23;
	[tilespmem:v44+s14+$0x0] =	vst.idx.msk vm0, v62;
	v62 =	vsel vm14, $0x1, v1;
	(v2sf) =	vpush v29, $0xF;
	v31, _, _ =	vpop (xrf0);
	(xrf0) =	vadd.scan.msk.s32 $0xffff, v60  }
0x289: {  	s26 =	smov.u32 s2;
	s1 =	sadd.s32 s1, s6;
	v37 =	vbroadcast v61, $0x0;
	(v2sf) =	vpush v31, $0xF;
	v36 =	vadd.s32 v34, v59;
	v34, _, _ =	vpop (xrf0);
	(xrf0) =	vadd.scan.msk.s32 $0xffff, v62  }
0x28a: {  	_ =	sdelay $0x1  }
0x28b: {  	(v2sf) =	vpush v34, $0xF;
	v22 =	vadd.s32 v22, v38;
	v16, _, _ =	vpop (xrf0)  }
0x28c: {  	(v2sf) =	vpush v16, $0xF  }
0x28d: {  	v32 =	vbroadcast v32, $0x0;
	v23 =	vadd.s32 v23, v37;
	v39, _, _ =	vpop (xrf0)  }
0x28e: {  	[tilespmem:v36+s13+$0x0] =	vst.idx.msk vm7, v19;
	(v2sf) =	vpush v39, $0xF;
	v40, _, _ =	vpop (xrf0)  }
0x28f: {  	[tilespmem:v36+s14+$0x0] =	vst.idx.msk vm7, v26;
	v21 =	vadd.s32 v21, v32;
	(v2sf) =	vpush v40, $0xF  }
0x290: {  	v37 =	vor.u32 s31, v0;
	[tilespmem:v22+s13+$0x0] =	vst.idx.msk vm6, v12  }
0x291: {  	[tilespmem:v22+s14+$0x0] =	vst.idx.msk vm6, v37  }
0x292: {  	v43 =	vor.u32 s28, v0;
	[tilespmem:v23+s13+$0x0] =	vst.idx.msk vm3, v11  }
0x293: {  	[tilespmem:v23+s14+$0x0] =	vst.idx.msk vm3, v43  }
0x294: {  	[tilespmem:v21+s13+$0x0] =	vst.idx.msk vm1, v9  }
0x295: {  	v47 =	vld [tilespmem:$0x1FFF0];
	_ =	sdelay $0x1  }
0x296: {  	v38 =	vbroadcast v28, $0x0;
	s0 =	spop (v2sf)  }
0x297: {  	vm4 =	vmmov vm4;
	s0 =	sadd.s32 s1, s0;
	s2 =	spop (v2sf)  }
0x298: {  	v30 =	vbroadcast v30, $0x0;
	v44 =	vadd.s32 $0xFFFFFFFF, v35;
	v18 =	vadd.s32 v18, v38;
	s2 =	sadd.s32 s0, s2;
	s3 =	spop (v2sf)  }
0x299: {  	v46 =	vbroadcast v44, $0x0;
	vm0 =	vnez.u8 v47;
	s4 =	sadd.s32 s2, s3;
	s6 =	spop (v2sf)  }
0x29a: {  	v36 =	vmov s1;
	v19 =	vadd.s32 v20, v30;
	vm15 =	vmmov vm0;
	s1 =	sadd.s32 s4, s6;
	s18 =	spop (v2sf)  }
0x29b: {  	v26 =	vadd.s32 $0xFFFFFFFF, v36;
	v42, _, _ =	vpop (xrf0);
	v11 =	vadd.s32 v14, v46;
	s5 =	sadd.s32 s1, s18  }
0x29c: {  	v41 =	vbroadcast v26, $0x0;
	(v2sf) =	vpush v42, $0xF;
	s24 =	spop (v2sf);
	v50 =	vmov s5  }
0x29d: {  	[tilespmem:v18+s13+$0x0] =	vst.idx.msk vm4, v5;
	s6 =	sadd.s32 s5, s24;
	s28 =	spop (v2sf);
	v5 =	vadd.s32 $0xFFFFFFFF, v50  }
0x29e: {  	v12 =	vadd.s32 v33, v41;
	s3 =	sadd.s32 s6, s28;
	v52 =	vmov s6;
	v5 =	vbroadcast v5, $0x0  }
0x29f: {  	v45 =	vor.u32 s29, v0;
	[tilespmem:v19+s13+$0x0] =	vst.idx.msk vm2, v8;
	v48 =	vmov s3;
	v8 =	vadd.s32 $0xFFFFFFFF, v52  }
0x2a0: {  	[tilespmem:v11+s13+$0x0] =	vst.idx.msk vm15, v6;
	v9 =	vadd.s32 $0xFFFFFFFF, v48;
	v6 =	vbroadcast v8, $0x0;
	v5 =	vadd.s32 v39, v5  }
0x2a1: {  	v51 =	vor.u32 s26, v0;
	[tilespmem:v21+s14+$0x0] =	vst.idx.msk vm1, v45;
	v9 =	vbroadcast v9, $0x0  }
0x2a2: {  	[tilespmem:v18+s14+$0x0] =	vst.idx.msk vm4, v51;
	v6 =	vadd.s32 v40, v6  }
0x2a3: {  	v53 =	vor.u32 s25, v0;
	[tilespmem:v12+s13+$0x0] =	vst.idx.msk vm11, v17;
	v54 =	vmov s4;
	s5 =	sadd.s32 $0x80, s23;
	v9 =	vadd.s32 v42, v9  }
0x2a4: {  	v56 =	vmov s2;
	v17 =	vadd.s32 $0xFFFFFFFF, v54;
	[tilespmem:v11+s14+$0x0] =	vst.idx.msk vm15, v53;
	s6 =	sadd.s32 $0xFFFFFFE0, s5  }
0x2a5: {  	v57 =	vbroadcast v17, $0x0;
	v11 =	vadd.s32 $0xFFFFFFFF, v56;
	v61 =	vor.u32 s6, v0;
	[tilespmem:v5+s13+$0x0] =	vst.idx.msk vm12, v25  }
0x2a6: {  	v49 =	vor.u32 s30, v0;
	v11 =	vbroadcast v11, $0x0;
	[tilespmem:v5+s14+$0x0] =	vst.idx.msk vm12, v61  }
0x2a7: {  	v59 =	vmov s0;
	v62 =	vmov s1;
	s18 =	sadd.s32 $0xFFFFFFF0, s5;
	v8 =	vadd.s32 v34, v57;
	[tilespmem:v6+s13+$0x0] =	vst.idx.msk vm13, v24  }
0x2a8: {  	v63 =	vadd.s32 $0xFFFFFFFF, v62;
	v11 =	vadd.s32 v31, v11;
	v5 =	vor.u32 s18, v0;
	[tilespmem:v9+s13+$0x0] =	vst.idx.msk vm14, v27  }
0x2a9: {  	v60 =	vadd.s32 $0xFFFFFFFF, v59;
	v58 =	vor.u32 s5, v0;
	[tilespmem:v6+s14+$0x0] =	vst.idx.msk vm13, v5;
	v5 =	vbroadcast v63, $0x0  }
0x2aa: {  	vm4 =	vmmov vm9;
	vm0 =	vmmov vm10;
	[tilespmem:v9+s14+$0x0] =	vst.idx.msk vm14, v58;
	v9 =	vbroadcast v60, $0x0  }
0x2ab: {  	[tilespmem:v19+s14+$0x0] =	vst.idx.msk vm2, v49;
	vm0 =	vmmov vm0;
	s23 =	spop (v2sf);
	v5 =	vadd.s32 v16, v5  }
0x2ac: {  	s22 =	sadd.s32 s21, s22;
	s24 =	sadd.s32 $0xFFFFFFC0, s5;
	[tilespmem:v8+s13+$0x0] =	vst.idx.msk vm8, v13;
	s1 =	sadd.s32 s3, s23;
	v9 =	vadd.s32 v29, v9  }
0x2ad: {  	s2 =	simm.s32 $0x1;
	s28 =	sadd.s32 $0xFFFFFFB0, s5;
	[tilespmem:v11+s13+$0x0] =	vst.idx.msk vm5, v15;
	v6 =	vor.u32 s24, v0;
	s25 =	sadd.s32 $0xF, s1  }
0x2ae: {  	s31 =	sadd.s32 $0xFFFFFF90, s5;
	s26 =	sadd.s32 $0xFFFFFFA0, s5;
	[tilespmem:v8+s14+$0x0] =	vst.idx.msk vm8, v6;
	s29 =	sand.u32 $0xF, s25;
	v6 =	vor.u32 s28, v0  }
0x2af: {  	v55 =	vor.u32 s31, v0;
	s31 =	sadd.s32 $0xFFFFFFD0, s5;
	p0 =	slt.s32 s25, $0x1;
	p1 =	sne.s32 s29, $0x0;
	[tilespmem:v11+s14+$0x0] =	vst.idx.msk vm5, v6  }
0x2b0: {  	s23 =	ssub.s32 $0x40, s22;
	s30 =	sshra.s32 s25, $0x1F;
	p0 =	por !p0, !p1;
	[tilespmem:v5+s13+$0x0] =	vst.idx.msk vm4, v7  }
.Ltmp10:
0x2b1: {  	s3 =	sshrl.u32 s30, $0x1C;
	v6 =	vor.u32 s26, v0;
	p0 =	por !p0, !p0;
	[tilespmem:v9+s13+$0x0] =	vst.idx.msk vm0, v10;
	(pc) =	sbr.rel .LBB2_22-.Ltmp10, $4  }
0x2b2: {  	s0 =	sadd.s32 s3, s25;
	s2 =	simm.s32 @!p0 $0x0;
	p0 =	sgt.s32 s23, $0x0;
	[tilespmem:v9+s14+$0x0] =	vst.idx.msk vm0, v6;
	v6 =	vor.u32 s31, v0  }
0x2b3: {  	vm7 =	vmmov vm11;
	s0 =	sshra.s32 s0, $0x4;
	[tilespmem:v5+s14+$0x0] =	vst.idx.msk vm4, v6;
	v5 =	vmov s1;
	s1 =	simm.s32 @!p0 $0x0  }
0x2b4: {  	s21 =	simm.s32 $0x0;
	vm3 =	vmmov vm5;
	vm1 =	vmmov vm14;
	vm2 =	vmmov vm12;
	[tilespmem:v12+s14+$0x0] =	vst.idx.msk vm11, v55;
	s0 =	ssub.s32 s0, s2;
	s1 =	simm.s32 @p0 $0x1  }
0x2b5: {  	vm1 =	vmmov vm4;
	vm10 =	vmmov vm13;
	vm15 =	vmmov vm8;
	s25 =	simm.s32 $0x0;
	p1 =	slt.s32 s0, $0x1;
	[smem:$0x7FD] =	sst s1  }
.LBB2_37:
0x2b6: {  	s25 =	sadd.s32 $0x1, s25  }
0x2b7: {  	p0 =	seq.s32 s25, $0x10  }
.Ltmp11:
0x2b8: {  	s1 =	sld [smem:$0x7FD];
	(pc) =	sbr.rel @p0 .LBB2_38-.Ltmp11, $3  }
0x2b9: {  	_ =	sdelay $0x1  }
0x2ba: {  	p2 =	seq.s32 s1, $0x1  }
0x2bb: {  	s21 =	smov.u32 @p2 s26  }
.LBB2_22:
.Ltmp12:
0x2bc: {  	(pc) =	sbr.rel @p1 .LBB2_37-.Ltmp12, $3  }
0x2bd: {  	_ =	sdelay $0x1  }
0x2be: {  	s1 =	sshrl.u32 s16, s25  }
0x2bf: {  	s26 =	smov.u32 s21;
	s21 =	sor.u32 s1, s21  }
0x2c0: {  	s1 =	simm.s32 $0x4000  }
0x2c1: {  	p0 =	sne.s32 s0, $0x1;
	v7 =	vld [tilespmem:s1+$0x0]  }
.Ltmp13:
0x2c2: {  	_ = 	snop;
	(pc) =	sbr.rel @!p0 .LBB2_24-.Ltmp13, $4  }
0x2c3: {  	_ = 	snop  }
0x2c4: {  	s28 =	simm.s32 $0x0  }
0x2c5: {  	s24 =	sadd.s32 $0xFFFFFFFF, s0;
	p3 =	por $0x0, $0x0;
	p4 =	por $0x0, $0x0  }
0x2c6: {  	v6 =	vmov s21;
	p5 =	por $0x0, $0x0;
	p6 =	por $0x0, $0x0;
	s1 =	simm.s32 $0x4010;
	v8 =	vor.u32 s28, v0;
	v7 =	vand.u32 $0xFFFF, v7  }
0x2c7: {  	v9 =	vld [tilespmem:s1+$0x0];
	p2 =	sne.s32 s24, $0x1  }
.Ltmp14:
0x2c8: {  	_ = 	snop;
	(pc) =	sbr.rel @!p2 .LBB2_26-.Ltmp14, $4  }
0x2c9: {  	vm0 =	vlt.s32 v8, v5;
	vm1 =	vge.s32 v7, v6  }
0x2ca: {  	vm0 =	vmand vm0, vm1  }
0x2cb: {  	s2 =	simm.s32 $0x10;
	v7 =	vsel vm0, $0x1, v1  }
0x2cc: {  	s1 =	sadd.s32 $0xFFFFFFFF, s24;
	p3 =	por $0x1, $0x1;
	v8 =	vor.u32 s2, v0;
	s2 =	simm.s32 $0x4020;
	(xrf0) =	vadd.scan.msk.s32 $0xffff, v7;
	v7 =	vand.u32 $0xFFFF, v9  }
0x2cd: {  	_ =	sdelay $0x4  }
0x2ce: {  	vm0 =	vlt.s32 v8, v5;
	v8, _, _ =	vpop (xrf0)  }
0x2cf: {  	(v2sf) =	vpush v8, $0xF;
	_ =	sdelay $0x7  }
0x2d0: {  	v9 =	vld [tilespmem:s2+$0x0];
	p2 =	sne.s32 s1, $0x1  }
.Ltmp15:
0x2d1: {  	_ = 	snop;
	(pc) =	sbr.rel @!p2 .LBB2_28-.Ltmp15, $4  }
0x2d2: {  	vm1 =	vge.s32 v7, v6  }
0x2d3: {  	vm0 =	vmand vm0, vm1  }
0x2d4: {  	s31 =	simm.s32 $0x20;
	v7 =	vsel vm0, $0x1, v1  }
0x2d5: {  	s1 =	sadd.s32 $0xFFFFFFFF, s1;
	s2 =	simm.s32 $0x4030;
	p4 =	por $0x1, $0x1;
	(xrf0) =	vadd.scan.msk.s32 $0xffff, v7;
	v7 =	vand.u32 $0xFFFF, v9;
	v8 =	vor.u32 s31, v0  }
0x2d6: {  	_ =	sdelay $0x4  }
0x2d7: {  	vm0 =	vlt.s32 v8, v5;
	v8, _, _ =	vpop (xrf0)  }
0x2d8: {  	(v2sf) =	vpush v8, $0xF;
	_ =	sdelay $0x3  }
0x2d9: {  	v9 =	vld [tilespmem:s2+$0x0];
	p2 =	sne.s32 s1, $0x1  }
.Ltmp16:
0x2da: {  	_ = 	snop;
	(pc) =	sbr.rel @!p2 .LBB2_30-.Ltmp16, $4  }
0x2db: {  	vm1 =	vge.s32 v7, v6  }
0x2dc: {  	vm0 =	vmand vm0, vm1  }
0x2dd: {  	s31 =	simm.s32 $0x30;
	v7 =	vsel vm0, $0x1, v1  }
0x2de: {  	s1 =	sadd.s32 $0xFFFFFFFF, s1;
	s2 =	simm.s32 $0x4040;
	p5 =	por $0x1, $0x1;
	(xrf0) =	vadd.scan.msk.s32 $0xffff, v7;
	v7 =	vand.u32 $0xFFFF, v9;
	v8 =	vor.u32 s31, v0  }
0x2df: {  	_ =	sdelay $0x4  }
0x2e0: {  	vm0 =	vlt.s32 v8, v5;
	v8, _, _ =	vpop (xrf0)  }
0x2e1: {  	(v2sf) =	vpush v8, $0xF;
	_ =	sdelay $0x3  }
0x2e2: {  	v9 =	vld [tilespmem:s2+$0x0];
	vm1 =	vge.s32 v7, v6;
	p2 =	sne.s32 s1, $0x1  }
.Ltmp17:
0x2e3: {  	vm0 =	vmand vm0, vm1;
	(pc) =	sbr.rel @!p2 .LBB2_32-.Ltmp17, $4  }
0x2e4: {  	v7 =	vsel vm0, $0x1, v1  }
0x2e5: {  	(xrf0) =	vadd.scan.msk.s32 $0xffff, v7  }
0x2e6: {  	s2 =	sadd.s32 $0xFFFFFFFF, s1;
	s3 =	simm.s32 $0x40  }
0x2e7: {  	s18 =	simm.s32 $0x4050;
	p6 =	por $0x1, $0x1;
	s1 =	simm.s32 $0x0;
	v7 =	vand.u32 $0xFFFF, v9;
	v8 =	vor.u32 s3, v0  }
.LBB2_33:
0x2e8: {  	v9 =	vld [tilespmem:s18+$0x0];
	p2 =	sne.s32 s2, $0x1;
	s2 =	sadd.s32 $0xFFFFFFFF, s2;
	vm0 =	vlt.s32 v8, v5;
	vm1 =	vge.s32 v7, v6  }
.Ltmp18:
0x2e9: {  	vm0 =	vmand vm0, vm1;
	s4 =	spop (v2sf);
	(pc) =	sbr.rel @p2 .LBB2_33-.Ltmp18, $4  }
0x2ea: {  	v8 =	vsel vm0, $0x1, v1;
	s1 =	sadd.s32 s1, s4  }
0x2eb: {  	(xrf0) =	vadd.scan.msk.s32 $0xffff, v8;
	v7, _, _ =	vpop (xrf0)  }
0x2ec: {  	s3 =	sadd.s32 $0x10, s3;
	(v2sf) =	vpush v7, $0xF  }
0x2ed: {  	s18 =	sadd.s32 $0x10, s18;
	v8 =	vor.u32 s3, v0;
	v7 =	vand.u32 $0xFFFF, v9  }
.LBB2_34:
0x2ee: {  	vm0 =	vlt.s32 v8, v5;
	vm1 =	vge.s32 v7, v6  }
0x2ef: {  	vm0 =	vmand vm0, vm1  }
0x2f0: {  	v6 =	vsel vm0, $0x1, v1  }
0x2f1: {  	(xrf0) =	vadd.scan.msk.s32 $0xffff, v6;
	_ =	sdelay $0x1  }
0x2f2: {  	v6, _, _ =	vpop @p3 (xrf0)  }
0x2f3: {  	(v2sf) =	vpush @p3 v6, $0xF;
	_ =	sdelay $0x2  }
0x2f4: {  	v6, _, _ =	vpop (xrf0)  }
0x2f5: {  	(v2sf) =	vpush v6, $0xF;
	_ =	sdelay $0x4  }
0x2f6: {  	s2 =	spop @p6 (v2sf)  }
0x2f7: {  	s1 =	sadd.s32 @p6 s1, s2;
	s2 =	simm.s32 $0x0  }
0x2f8: {  	s2 =	smov.u32 @p6 s1;
	s1 =	spop @p5 (v2sf)  }
0x2f9: {  	s1 =	sadd.s32 @p5 s2, s1;
	s2 =	simm.s32 $0x0  }
0x2fa: {  	s2 =	smov.u32 @p5 s1;
	s1 =	spop @p4 (v2sf)  }
0x2fb: {  	s1 =	sadd.s32 @p4 s2, s1;
	s2 =	simm.s32 $0x0  }
0x2fc: {  	s2 =	smov.u32 @p4 s1;
	s1 =	spop @p3 (v2sf)  }
0x2fd: {  	s25 =	sadd.s32 $0x1, s25;
	s1 =	sadd.s32 @p3 s2, s1  }
0x2fe: {  	s28 =	smov.u32 @p3 s1;
	p3 =	seq.s32 s25, $0x10  }
.Ltmp19:
0x2ff: {  	_ = 	snop;
	(pc) =	sbr.rel @!p3 .LBB2_22-.Ltmp19, $4  }
.Ltmp20:
0x300: {  	s31 =	spop (v2sf);
	(pc) =	sbr.rel @p3 .LBB2_35-.Ltmp20, $4  }
0x301: {  	s1 =	sadd.s32 s28, s31  }
0x302: {  	p2 =	slt.s32 s1, s23  }
0x303: {  	s21 =	smov.u32 @p2 s26  }
0x304: {  	_ = 	snop  }
.LBB2_24:
.Ltmp21:
0x305: {  	(pc) =	sbr.rel .LBB2_34-.Ltmp21, $2  }
0x306: {  	_ =	sdelay $0x2  }
0x307: {  	s1 =	simm.s32 $0x0  }
.LBB2_26:
.Ltmp22:
0x308: {  	(pc) =	sbr.rel .LBB2_34-.Ltmp22, $2  }
0x309: {  	_ =	sdelay $0x2  }
0x30a: {  	s1 =	simm.s32 $0x0  }
.LBB2_28:
.Ltmp23:
0x30b: {  	(pc) =	sbr.rel .LBB2_34-.Ltmp23, $2  }
0x30c: {  	_ =	sdelay $0x2  }
0x30d: {  	s1 =	simm.s32 $0x0  }
.LBB2_30:
.Ltmp24:
0x30e: {  	(pc) =	sbr.rel .LBB2_34-.Ltmp24, $2  }
0x30f: {  	_ =	sdelay $0x3  }
0x310: {  	s1 =	simm.s32 $0x0  }
.LBB2_32:
.Ltmp25:
0x311: {  	(pc) =	sbr.rel .LBB2_34-.Ltmp25, $2  }
0x312: {  	_ =	sdelay $0x2  }
0x313: {  	s1 =	simm.s32 $0x0  }
.LBB2_35:
0x314: {  	s1 =	simm.s32 $0x4000  }
0x315: {  	v7 =	vld [tilespmem:s1+$0x0]  }
.Ltmp26:
0x316: {  	_ = 	snop;
	(pc) =	sbr.rel @!p0 .LBB2_36-.Ltmp26, $3  }
0x317: {  	_ =	sdelay $0x1  }
0x318: {  	s0 =	simm.s32 $0x0;
	p1 =	por $0x0, $0x0  }
0x319: {  	v6 =	vmov s21;
	p2 =	por $0x0, $0x0;
	p3 =	por $0x0, $0x0;
	s1 =	simm.s32 $0x4010;
	v8 =	vor.u32 s0, v0;
	v7 =	vand.u32 $0xFFFF, v7  }
0x31a: {  	v9 =	vld [tilespmem:s1+$0x0];
	p4 =	sne.s32 s24, $0x1  }
.Ltmp27:
0x31b: {  	_ = 	snop;
	(pc) =	sbr.rel @!p4 .LBB2_40-.Ltmp27, $4  }
0x31c: {  	vm0 =	vlt.s32 v8, v5;
	vm1 =	vgt.s32 v7, v6  }
0x31d: {  	vm0 =	vmand vm0, vm1  }
0x31e: {  	s2 =	simm.s32 $0x10;
	v7 =	vsel vm0, $0x1, v1  }
0x31f: {  	s1 =	sadd.s32 $0xFFFFFFFF, s24;
	p1 =	por $0x1, $0x1;
	v8 =	vor.u32 s2, v0;
	s2 =	simm.s32 $0x4020;
	(xrf0) =	vadd.scan.msk.s32 $0xffff, v7;
	v7 =	vand.u32 $0xFFFF, v9  }
0x320: {  	_ =	sdelay $0x4  }
0x321: {  	vm0 =	vlt.s32 v8, v5;
	v8, _, _ =	vpop (xrf0)  }
0x322: {  	(v2sf) =	vpush v8, $0xF;
	_ =	sdelay $0x7  }
0x323: {  	v9 =	vld [tilespmem:s2+$0x0];
	p4 =	sne.s32 s1, $0x1  }
.Ltmp28:
0x324: {  	_ = 	snop;
	(pc) =	sbr.rel @!p4 .LBB2_42-.Ltmp28, $4  }
0x325: {  	vm1 =	vgt.s32 v7, v6  }
0x326: {  	vm0 =	vmand vm0, vm1  }
0x327: {  	s31 =	simm.s32 $0x20;
	v7 =	vsel vm0, $0x1, v1  }
0x328: {  	s1 =	sadd.s32 $0xFFFFFFFF, s1;
	s2 =	simm.s32 $0x4030;
	p2 =	por $0x1, $0x1;
	(xrf0) =	vadd.scan.msk.s32 $0xffff, v7;
	v7 =	vand.u32 $0xFFFF, v9;
	v8 =	vor.u32 s31, v0  }
0x329: {  	_ =	sdelay $0x4  }
0x32a: {  	vm0 =	vlt.s32 v8, v5;
	v8, _, _ =	vpop (xrf0)  }
0x32b: {  	(v2sf) =	vpush v8, $0xF;
	_ =	sdelay $0x3  }
0x32c: {  	v9 =	vld [tilespmem:s2+$0x0];
	p4 =	sne.s32 s1, $0x1  }
.Ltmp29:
0x32d: {  	_ = 	snop;
	(pc) =	sbr.rel @!p4 .LBB2_44-.Ltmp29, $4  }
0x32e: {  	vm1 =	vgt.s32 v7, v6  }
0x32f: {  	vm0 =	vmand vm0, vm1  }
0x330: {  	s31 =	simm.s32 $0x30;
	v7 =	vsel vm0, $0x1, v1  }
0x331: {  	s1 =	sadd.s32 $0xFFFFFFFF, s1;
	s2 =	simm.s32 $0x4040;
	p3 =	por $0x1, $0x1;
	(xrf0) =	vadd.scan.msk.s32 $0xffff, v7;
	v7 =	vand.u32 $0xFFFF, v9;
	v8 =	vor.u32 s31, v0  }
0x332: {  	_ =	sdelay $0x4  }
0x333: {  	vm0 =	vlt.s32 v8, v5;
	v8, _, _ =	vpop (xrf0)  }
0x334: {  	(v2sf) =	vpush v8, $0xF;
	_ =	sdelay $0x3  }
0x335: {  	v9 =	vld [tilespmem:s2+$0x0];
	vm1 =	vgt.s32 v7, v6;
	p5 =	sne.s32 s1, $0x1  }
.Ltmp30:
0x336: {  	vm0 =	vmand vm0, vm1;
	(pc) =	sbr.rel @!p5 .LBB2_46-.Ltmp30, $4  }
0x337: {  	v7 =	vsel vm0, $0x1, v1  }
0x338: {  	(xrf0) =	vadd.scan.msk.s32 $0xffff, v7  }
0x339: {  	s2 =	sadd.s32 $0xFFFFFFFF, s1;
	s3 =	simm.s32 $0x40  }
0x33a: {  	s18 =	simm.s32 $0x4050;
	p4 =	por $0x1, $0x1;
	s1 =	simm.s32 $0x0;
	v7 =	vand.u32 $0xFFFF, v9;
	v8 =	vor.u32 s3, v0  }
.LBB2_47:
0x33b: {  	v9 =	vld [tilespmem:s18+$0x0];
	p5 =	sne.s32 s2, $0x1;
	s2 =	sadd.s32 $0xFFFFFFFF, s2;
	vm0 =	vlt.s32 v8, v5;
	vm1 =	vgt.s32 v7, v6  }
.Ltmp31:
0x33c: {  	vm0 =	vmand vm0, vm1;
	s4 =	spop (v2sf);
	(pc) =	sbr.rel @p5 .LBB2_47-.Ltmp31, $4  }
0x33d: {  	v8 =	vsel vm0, $0x1, v1;
	s1 =	sadd.s32 s1, s4  }
0x33e: {  	(xrf0) =	vadd.scan.msk.s32 $0xffff, v8;
	v7, _, _ =	vpop (xrf0)  }
0x33f: {  	s3 =	sadd.s32 $0x10, s3;
	(v2sf) =	vpush v7, $0xF  }
0x340: {  	s18 =	sadd.s32 $0x10, s18;
	v8 =	vor.u32 s3, v0;
	v7 =	vand.u32 $0xFFFF, v9  }
.LBB2_48:
0x341: {  	vm0 =	vlt.s32 v8, v5;
	vm1 =	vgt.s32 v7, v6  }
0x342: {  	vm0 =	vmand vm0, vm1  }
0x343: {  	v7 =	vsel vm0, $0x1, v1  }
0x344: {  	(xrf0) =	vadd.scan.msk.s32 $0xffff, v7;
	_ =	sdelay $0x3  }
0x345: {  	v7, _, _ =	vpop @p1 (xrf0)  }
0x346: {  	(v2sf) =	vpush @p1 v7, $0xF  }
0x347: {  	v7, _, _ =	vpop (xrf0)  }
0x348: {  	(v2sf) =	vpush v7, $0xF;
	_ =	sdelay $0x6  }
0x349: {  	s2 =	spop @p4 (v2sf)  }
0x34a: {  	s1 =	sadd.s32 @p4 s1, s2;
	s2 =	simm.s32 $0x0  }
0x34b: {  	s2 =	smov.u32 @p4 s1;
	s1 =	spop @p3 (v2sf)  }
0x34c: {  	s1 =	sadd.s32 @p3 s2, s1;
	s2 =	simm.s32 $0x0  }
0x34d: {  	s2 =	smov.u32 @p3 s1;
	s1 =	spop @p2 (v2sf)  }
0x34e: {  	s1 =	sadd.s32 @p2 s2, s1;
	s2 =	simm.s32 $0x0  }
0x34f: {  	s2 =	smov.u32 @p2 s1;
	s1 =	spop @p1 (v2sf)  }
0x350: {  	s1 =	sadd.s32 @p1 s2, s1  }
.Ltmp32:
0x351: {  	s0 =	smov.u32 @p1 s1;
	s31 =	spop (v2sf);
	(pc) =	sbr.rel @!p0 .LBB2_49-.Ltmp32, $4  }
0x352: {  	s0 =	sadd.s32 s0, s31  }
0x353: {  	s0 =	sadd.s32 s0, s22  }
0x354: {  	s0 =	ssub.s32 $0x40, s0  }
0x355: {  	s29 =	simm.s32 $0x4000;
	s23 =	simm.s32 $0x6000;
	s22 =	simm.s32 $0x0;
	v7 =	vmov s0  }
0x356: {  	v8 =	vld [tilespmem:s29+$0x0];
	p0 =	sne.s32 s24, $0x1  }
.Ltmp33:
0x357: {  	_ = 	snop;
	(pc) =	sbr.rel @!p0 .LBB2_51-.Ltmp33, $2  }
0x358: {  	_ =	sdelay $0x2  }
0x359: {  	s0 =	sadd.s32 $0xFFFFFFFF, s24;
	v11 =	vor.u32 s22, v0;
	s29 =	simm.s32 $0x4010;
	p1 =	por $0x1, $0x1;
	v9 =	vand.u32 $0xFFFF, v8  }
0x35a: {  	v8 =	vld [tilespmem:s29+$0x0];
	p0 =	sne.s32 s0, $0x1  }
.Ltmp34:
0x35b: {  	_ = 	snop;
	(pc) =	sbr.rel @!p0 .LBB2_53-.Ltmp34, $4  }
0x35c: {  	vm0 =	vlt.s32 v11, v5;
	vm1 =	veq.s32 v9, v6  }
0x35d: {  	vm0 =	vmand vm0, vm1  }
0x35e: {  	s26 =	simm.s32 $0x10;
	v9 =	vsel vm0, $0x1, v1  }
0x35f: {  	s0 =	sadd.s32 $0xFFFFFFFF, s0;
	s29 =	simm.s32 $0x4020;
	p2 =	por $0x1, $0x1;
	v11 =	vor.u32 s26, v0;
	vm0 =	vmmov vm0;
	(xrf0) =	vadd.scan.msk.s32 $0xffff, v9;
	v9 =	vand.u32 $0xFFFF, v8  }
0x360: {  	_ = 	snop  }
0x361: {  	v8 =	vld [tilespmem:s29+$0x0];
	p0 =	sne.s32 s0, $0x1  }
.Ltmp35:
0x362: {  	_ = 	snop;
	(pc) =	sbr.rel @!p0 .LBB2_55-.Ltmp35, $4  }
0x363: {  	vm1 =	vlt.s32 v11, v5;
	vm2 =	veq.s32 v9, v6  }
0x364: {  	s26 =	simm.s32 $0x20;
	vm2 =	vmand vm1, vm2  }
0x365: {  	vm1 =	vmmov vm0;
	v11 =	vor.u32 s26, v0;
	v9 =	vsel vm2, $0x1, v1;
	v12, _, _ =	vpop (xrf0)  }
0x366: {  	s0 =	sadd.s32 $0xFFFFFFFF, s0;
	s29 =	simm.s32 $0x4030;
	p3 =	por $0x1, $0x1;
	vm0 =	vmmov vm2;
	(xrf0) =	vadd.scan.msk.s32 $0xffff, v9;
	v9 =	vand.u32 $0xFFFF, v8;
	(v2sf) =	vpush v12, $0xF  }
0x367: {  	_ = 	snop  }
0x368: {  	v8 =	vld [tilespmem:s29+$0x0];
	p0 =	sne.s32 s0, $0x1  }
.Ltmp36:
0x369: {  	_ = 	snop;
	(pc) =	sbr.rel @!p0 .LBB2_57-.Ltmp36, $4  }
0x36a: {  	vm2 =	vlt.s32 v11, v5;
	vm4 =	veq.s32 v9, v6  }
0x36b: {  	vm3 =	vmmov vm1;
	s26 =	simm.s32 $0x30;
	vm2 =	vmand vm2, vm4  }
0x36c: {  	vm1 =	vmmov vm0;
	v11 =	vor.u32 s26, v0;
	v9 =	vsel vm2, $0x1, v1;
	v13, _, _ =	vpop (xrf0)  }
0x36d: {  	s0 =	sadd.s32 $0xFFFFFFFF, s0;
	s29 =	simm.s32 $0x4040;
	p4 =	por $0x1, $0x1;
	vm0 =	vmmov vm2;
	(xrf0) =	vadd.scan.msk.s32 $0xffff, v9;
	v9 =	vand.u32 $0xFFFF, v8;
	(v2sf) =	vpush v13, $0xF  }
0x36e: {  	p0 =	por $0x0, $0x0  }
0x36f: {  	s1 =	simm.s32 @!p0 $0x0  }
0x370: {  	v14 =	vld [tilespmem:s29+$0x0];
	s1 =	simm.s32 @p0 $0x1;
	p0 =	sne.s32 s0, $0x1  }
.Ltmp37:
0x371: {  	vm2 =	vlt.s32 v11, v5;
	vm4 =	veq.s32 v9, v6;
	(pc) =	sbr.rel @!p0 .LBB2_59-.Ltmp37, $4  }
0x372: {  	vm5 =	vmmov vm3;
	vm3 =	vmmov vm1;
	vm1 =	vmmov vm0;
	s26 =	simm.s32 $0x40  }
0x373: {  	v8 =	vadd.s32 s22, v12;
	vm2 =	vmand vm2, vm4;
	v11 =	vor.u32 s26, v0  }
0x374: {  	s29 =	simm.s32 $0x4050;
	v9 =	vsel vm2, $0x1, v1;
	vm0 =	vmmov vm2;
	vm2 =	veq.s32 v8, v7;
	v10, _, _ =	vpop (xrf0)  }
0x375: {  	p5 =	por $0x1, $0x1;
	s0 =	sadd.s32 $0xFFFFFFFF, s0;
	v8 =	vld [tilespmem:s23+$0x0];
	[smem:$0x7FA] =	sst s1;
	vm2 =	vmand vm5, vm2;
	(xrf0) =	vadd.scan.msk.s32 $0xffff, v9;
	v9 =	vand.u32 $0xFFFF, v14;
	(v2sf) =	vpush v10, $0xF  }
0x376: {  	_ = 	snop  }
0x377: {  	v12 =	vld [tilespmem:s29+$0x0];
	vm4 =	vlt.s32 v11, v5;
	vm5 =	veq.s32 v9, v6;
	s1 =	spop (v2sf);
	p0 =	sne.s32 s0, $0x1  }
.Ltmp38:
0x378: {  	vm3 =	vmmov vm3;
	vm4 =	vmand vm4, vm5;
	vm5 =	vmmov vm1;
	s24 =	sadd.s32 $0x0, s1;
	(pc) =	sbr.rel @!p0 .LBB2_61-.Ltmp38, $4  }
0x379: {  	vm1 =	vmmov vm0;
	v11 =	vsel vm4, $0x1, v1;
	v13 =	vadd.s32 s24, v13  }
0x37a: {  	vm0 =	vmmov vm4;
	vm4 =	veq.s32 v13, v7;
	v9 =	vnsel vm2, $0x0, v8  }
0x37b: {  	s28 =	simm.s32 $0x6010;
	s26 =	simm.s32 $0x50;
	vm4 =	vmand vm3, vm4;
	v15, _, _ =	vpop (xrf0);
	(xrf0) =	vadd.scan.msk.s32 $0xffff, v9  }
0x37c: {  	s0 =	sadd.s32 $0xFFFFFFFF, s0;
	s29 =	simm.s32 $0x4060;
	p6 =	por $0x1, $0x1;
	v13 =	vld [tilespmem:s28+$0x0];
	v9 =	vand.u32 $0xFFFF, v12;
	(v2sf) =	vpush v15, $0xF;
	(xrf0) =	vadd.scan.msk.s32 $0xffff, v11;
	v11 =	vor.u32 s26, v0  }
0x37d: {  	_ =	sdelay $0x3  }
0x37e: {  	vm3 =	vlt.s32 v11, v5;
	v11, _, _ =	vpop (xrf0)  }
0x37f: {  	(v2sf) =	vpush v11, $0xF;
	v14, _, _ =	vpop (xrf0)  }
0x380: {  	(v2sf) =	vpush v14, $0xF;
	_ =	sdelay $0x7  }
0x381: {  	v12 =	vld [tilespmem:s29+$0x0];
	p0 =	sne.s32 s0, $0x1  }
.Ltmp39:
0x382: {  	vm6 =	veq.s32 v9, v6;
	s1 =	spop (v2sf);
	(pc) =	sbr.rel @!p0 .LBB2_63-.Ltmp39, $4  }
0x383: {  	vm8 =	vmmov vm5;
	vm7 =	vmmov vm0;
	p6 =	por $0x1, $0x1;
	vm3 =	vmand vm3, vm6;
	s24 =	sadd.s32 s24, s1  }
0x384: {  	vm6 =	vmmov vm1;
	s1 =	simm.s32 @!p6 $0x0;
	v9 =	vnsel vm4, $0x0, v13;
	v11 =	vadd.s32 s24, v10  }
0x385: {  	s28 =	simm.s32 $0x6020;
	s26 =	simm.s32 $0x60;
	v17 =	vsel vm3, $0x1, v1;
	vm0 =	vmmov vm3;
	s1 =	simm.s32 @p6 $0x1;
	(xrf0) =	vadd.scan.msk.s32 $0xffff, v9;
	vm1 =	veq.s32 v11, v7  }
0x386: {  	s0 =	sadd.s32 $0xFFFFFFFF, s0;
	s29 =	simm.s32 $0x4070;
	v16 =	vld [tilespmem:s28+$0x0];
	[smem:$0x7FB] =	sst s1;
	v9 =	vand.u32 $0xFFFF, v12;
	(xrf0) =	vadd.scan.msk.s32 $0xffff, v17;
	v11 =	vor.u32 s26, v0;
	vm8 =	vmand vm8, vm1  }
0x387: {  	_ =	sdelay $0x3  }
0x388: {  	vm1 =	vlt.s32 v11, v5;
	v11, _, _ =	vpop (xrf0)  }
0x389: {  	s1 =	spop (v2sf);
	(v2sf) =	vpush v11, $0xF;
	v20, _, _ =	vpop (xrf0)  }
0x38a: {  	(v2sf) =	vpush v20, $0xF;
	_ =	sdelay $0x2  }
0x38b: {  	v12 =	vld [tilespmem:s29+$0x0];
	p0 =	sne.s32 s0, $0x1  }
.Ltmp40:
0x38c: {  	vm3 =	veq.s32 v9, v6;
	(pc) =	sbr.rel @!p0 .LBB2_65-.Ltmp40, $4  }
0x38d: {  	vm9 =	vmmov vm7;
	vm11 =	vmmov vm0;
	p6 =	por $0x1, $0x1;
	vm1 =	vmand vm1, vm3;
	s24 =	sadd.s32 s24, s1  }
0x38e: {  	vm3 =	vmmov vm6;
	s1 =	simm.s32 @!p6 $0x0;
	v9 =	vnsel vm8, $0x0, v16;
	v11 =	vadd.s32 s24, v15  }
0x38f: {  	s28 =	simm.s32 $0x6030;
	s26 =	simm.s32 $0x70;
	v17 =	vsel vm1, $0x1, v1;
	vm13 =	vmmov vm1;
	s1 =	simm.s32 @p6 $0x1;
	(xrf0) =	vadd.scan.msk.s32 $0xffff, v9;
	vm0 =	veq.s32 v11, v7  }
0x390: {  	s0 =	sadd.s32 $0xFFFFFFFF, s0;
	s29 =	simm.s32 $0x4080;
	v18 =	vld [tilespmem:s28+$0x0];
	[smem:$0x7FC] =	sst s1;
	v9 =	vand.u32 $0xFFFF, v12;
	(xrf0) =	vadd.scan.msk.s32 $0xffff, v17;
	v11 =	vor.u32 s26, v0;
	vm10 =	vmand vm3, vm0  }
0x391: {  	_ =	sdelay $0x3  }
0x392: {  	vm0 =	vlt.s32 v11, v5;
	v11, _, _ =	vpop (xrf0)  }
0x393: {  	(v2sf) =	vpush v11, $0xF;
	v12, _, _ =	vpop (xrf0)  }
0x394: {  	(v2sf) =	vpush v12, $0xF;
	_ =	sdelay $0x2  }
0x395: {  	v19 =	vld [tilespmem:s29+$0x0];
	vm1 =	veq.s32 v9, v6;
	p0 =	sne.s32 s0, $0x1;
	s28 =	simm.s32 $0x6040;
	v9 =	vnsel vm10, $0x0, v18  }
.Ltmp41:
0x396: {  	s1 =	spop (v2sf);
	vm0 =	vmand vm0, vm1;
	v17 =	vld [tilespmem:s28+$0x0];
	(xrf0) =	vadd.scan.msk.s32 $0xffff, v9;
	(pc) =	sbr.rel @!p0 .LBB2_67-.Ltmp41, $4  }
0x397: {  	p6 =	por $0x1, $0x1;
	s24 =	sadd.s32 s24, s1;
	v21 =	vsel vm0, $0x1, v1  }
0x398: {  	vm12 =	vmmov vm9;
	vm3 =	vmmov vm11;
	s0 =	sadd.s32 $0xFFFFFFFF, s0;
	s1 =	simm.s32 @!p6 $0x0;
	v11 =	vadd.s32 s24, v14;
	(xrf0) =	vadd.scan.msk.s32 $0xffff, v21  }
0x399: {  	s26 =	simm.s32 $0x80;
	s29 =	simm.s32 $0x4090;
	vm1 =	vmmov vm13;
	vm0 =	vmmov vm0;
	s1 =	simm.s32 @p6 $0x1;
	vm14 =	veq.s32 v11, v7  }
0x39a: {  	s25 =	simm.s32 $0x0;
	s30 =	spop (v2sf);
	[smem:$0x7FA] =	sst s1;
	v9 =	vand.u32 $0xFFFF, v19;
	v19 =	vmovc v20;
	v11 =	vor.u32 s26, v0;
	vm12 =	vmand vm12, vm14  }
.LBB2_68:
0x39b: {  	p0 =	sne.s32 s0, $0x1;
	v21 =	vld [tilespmem:s29+$0x0];
	vm14 =	vlt.s32 v11, v5;
	vm15 =	veq.s32 v9, v6;
	v11 =	vnsel vm12, $0x0, v17;
	s28 =	sadd.s32 $0x10, s28;
	s25 =	sadd.s32 s25, s30  }
.Ltmp42:
0x39c: {  	s0 =	sadd.s32 $0xFFFFFFFF, s0;
	vm12 =	vmand vm14, vm15;
	v17 =	vld [tilespmem:s28+$0x0];
	(xrf0) =	vadd.scan.msk.s32 $0xffff, v11;
	s1 =	spop (v2sf);
	v9, _, _ =	vpop (xrf0);
	vm14 =	vmmov vm3;
	vm3 =	vmmov vm1;
	(pc) =	sbr.rel @p0 .LBB2_68-.Ltmp42, $4  }
0x39d: {  	vm1 =	vmmov vm0;
	v11 =	vsel vm12, $0x1, v1;
	s24 =	sadd.s32 s24, s1;
	(v2sf) =	vpush v9, $0xF  }
0x39e: {  	vm0 =	vmmov vm12;
	(xrf0) =	vadd.scan.msk.s32 $0xffff, v11;
	v9 =	vadd.s32 s24, v19;
	v19 =	vmov v12;
	v12, _, _ =	vpop (xrf0)  }
0x39f: {  	s26 =	sadd.s32 $0x10, s26;
	(v2sf) =	vpush v12, $0xF;
	vm12 =	veq.s32 v9, v7;
	_ =	sdelay $0x1  }
0x3a0: {  	s29 =	sadd.s32 $0x10, s29;
	v11 =	vor.u32 s26, v0;
	v9 =	vand.u32 $0xFFFF, v21;
	vm12 =	vmand vm14, vm12;
	s30 =	spop (v2sf)  }
0x3a1: {  	p6 =	por $0x1, $0x1  }
.LBB2_70:
0x3a2: {  	vm14 =	vlt.s32 @p1 v11, v5;
	vm15 =	veq.s32 @p1 v9, v6  }
0x3a3: {  	v9 =	vnsel @p5 vm12, $0x0, v17;
	vm12 =	vmand @p1 vm14, vm15  }
0x3a4: {  	(xrf0) =	vadd.scan.msk.s32 @p5 $0xffff, v9;
	v9 =	vsel @p1 vm12, $0x1, v1  }
0x3a5: {  	(xrf0) =	vadd.scan.msk.s32 @p1 $0xffff, v9;
	_ =	sdelay $0x1  }
0x3a6: {  	v9, _, _ =	vpop @p6 (xrf0)  }
0x3a7: {  	s0 =	sadd.s32 @p5 $0x10, s28;
	s1 =	simm.s32 $0x6000;
	s2 =	spop @p5 (v2sf);
	(v2sf) =	vpush @p6 v9, $0xF;
	v9, _, _ =	vpop @p2 (xrf0)  }
0x3a8: {  	s1 =	smov.u32 @p5 s0;
	s0 =	sadd.s32 @p5 s24, s2;
	s24 =	sld [smem:$0x7FC];
	(v2sf) =	vpush @p2 v9, $0xF  }
0x3a9: {  	v17, _, _ =	vpop @p5 (xrf0)  }
0x3aa: {  	(v2sf) =	vpush @p5 v17, $0xF;
	v17, _, _ =	vpop @p1 (xrf0)  }
0x3ab: {  	s3 =	sadd.s32 @p1 $0x10, s26;
	s2 =	simm.s32 $0x0;
	p0 =	seq.s32 s24, $0x1;
	(v2sf) =	vpush @p1 v17, $0xF  }
0x3ac: {  	v60 =	vld [tilespmem:s29+$0x0];
	vm3 =	vmmov @p4 vm3;
	vm1 =	vmmov @p3 vm1;
	s4 =	simm.s32 $0x0;
	vm0 =	vmmov @p2 vm0;
	s2 =	smov.u32 @p5 s0;
	s0 =	simm.s32 @!p0 $0x0  }
0x3ad: {  	v12 =	vpsel p3, v12, v14;
	s4 =	smov.u32 @p1 s3;
	vm9 =	vmmov @p3 vm1;
	vm11 =	vmmov @p2 vm0;
	v21 =	vld @p4 [tilespmem:s1+$0x0];
	s1 =	sadd.s32 @p4 $0x10, s1;
	s0 =	simm.s32 @p0 $0x1  }
0x3ae: {  	vm12 =	vmmov @p1 vm12;
	v61 =	vor.u32 s4, v0;
	s4 =	simm.s32 $0x6000;
	vm1 =	vmmov @p2 vm11;
	[smem:$0x7FC] =	sst s0;
	s0 =	spop @p0 (v2sf)  }
0x3af: {  	s26 =	sld [smem:$0x7FB];
	v19 =	vadd.s32 @p4 s2, v19;
	s4 =	smov.u32 @p4 s1;
	vm13 =	vmmov @p1 vm12;
	vm12 =	vlt.s32 v61, v5;
	s3 =	spop @p4 (v2sf)  }
0x3b0: {  	s5 =	simm.s32 $0x6000;
	vm6 =	vmmov @p2 vm1;
	vm14 =	veq.s32 @p4 v19, v7;
	v9 =	vpsel p2, v9, v20;
	v20 =	vld @p3 [tilespmem:s4+$0x0];
	s1 =	sadd.s32 @p4 s2, s3;
	s2 =	simm.s32 $0x0  }
0x3b1: {  	vm1 =	vmmov @p2 vm6;
	vm3 =	vmand @p4 vm3, vm14;
	v11 =	vand.u32 $0xFFFF, v60;
	p0 =	por p5, p5;
	s2 =	smov.u32 @p4 s1;
	s1 =	simm.s32 @!p5 $0x0  }
0x3b2: {  	vm10 =	vmmov @p4 vm3;
	vm14 =	veq.s32 v11, v6;
	vm3 =	vmmov @p3 vm9;
	s1 =	simm.s32 @p5 $0x1;
	p5 =	por p6, p6;
	p6 =	seq.s32 s26, $0x1  }
0x3b3: {  	v18 =	vpsel p4, v21, v18;
	vm0 =	vmand vm12, vm14;
	s3 =	sadd.s32 @p3 $0x10, s4;
	v5 =	vadd.s32 @p3 s2, v12;
	[smem:$0x7F9] =	sst s1;
	s1 =	spop @p6 (v2sf)  }
0x3b4: {  	v6 =	vnsel @p4 vm10, $0x0, v18;
	v9 =	vpsel p2, v9, v15;
	s5 =	smov.u32 @p3 s3;
	vm9 =	veq.s32 @p3 v5, v7;
	s4 =	spop @p3 (v2sf)  }
0x3b5: {  	(xrf0) =	vadd.scan.msk.s32 @p4 $0xffff, v6;
	s3 =	simm.s32 $0x6000;
	v11 =	vld @p2 [tilespmem:s5+$0x0];
	v5 =	vsel vm0, $0x1, v1;
	v6 =	vpsel p3, v20, v16;
	vm0 =	vmmov vm0;
	s2 =	sadd.s32 @p3 s2, s4;
	s4 =	simm.s32 $0x0  }
0x3b6: {  	vm3 =	vmand @p3 vm3, vm9;
	vm9 =	vmmov @p1 vm13;
	(xrf0) =	vadd.scan.msk.s32 $0xffff, v5;
	v5 =	vpsel p1, v17, v14;
	s4 =	smov.u32 @p3 s2;
	s2 =	sadd.s32 @p2 $0x10, s5;
	s18 =	spop @p5 (v2sf)  }
0x3b7: {  	vm0 =	vmmov vm0;
	vm7 =	vmmov @p1 vm9;
	v9 =	vadd.s32 @p2 s4, v9;
	s3 =	smov.u32 @p2 s2;
	s2 =	spop @p2 (v2sf)  }
0x3b8: {  	vm8 =	vmmov @p3 vm3;
	vm6 =	vmmov @p1 vm7;
	vm3 =	veq.s32 @p2 v9, v7;
	v9 =	vld @p1 [tilespmem:s3+$0x0];
	s2 =	sadd.s32 @p2 s4, s2;
	s4 =	simm.s32 $0x0  }
0x3b9: {  	v5 =	vpsel p1, v5, v10;
	v6 =	vnsel @p3 vm8, $0x0, v6;
	vm5 =	vmmov @p1 vm6;
	s3 =	sadd.s32 @p1 $0x10, s3;
	s4 =	smov.u32 @p2 s2;
	s2 =	spop @p0 (v2sf)  }
0x3ba: {  	(xrf0) =	vadd.scan.msk.s32 @p3 $0xffff, v6;
	v6 =	vpsel p2, v11, v13;
	vm1 =	vmand @p2 vm1, vm3;
	s23 =	smov.u32 @p1 s3;
	v5 =	vadd.s32 @p1 s4, v5;
	s3 =	spop @p1 (v2sf)  }
0x3bb: {  	v10, _, _ =	vpop @p4 (xrf0);
	vm4 =	vmmov @p2 vm1;
	vm1 =	vmmov @p1 vm5;
	vm3 =	veq.s32 @p1 v5, v7;
	v5 =	vld [tilespmem:s23+$0x0];
	s3 =	sadd.s32 @p1 s4, s3;
	s4 =	simm.s32 $0x0  }
0x3bc: {  	vm0 =	vmmov vm0;
	v62, _, _ =	vpop (xrf0);
	v6 =	vnsel @p2 vm4, $0x0, v6;
	vm1 =	vmand @p1 vm1, vm3;
	s4 =	smov.u32 @p1 s3  }
0x3bd: {  	s28 =	sld [smem:$0x7FA];
	(xrf0) =	vadd.scan.msk.s32 @p2 $0xffff, v6;
	v6 =	vpsel p1, v9, v8;
	vm2 =	vmmov @p1 vm1;
	v63 =	vadd.s32 s4, v62  }
0x3be: {  	vm0 =	vmmov vm0;
	v6 =	vnsel @p1 vm2, $0x0, v6;
	vm15 =	veq.s32 v63, v7  }
0x3bf: {  	s29 =	sld [smem:$0x7FC];
	vm0 =	vmand vm0, vm15  }
0x3c0: {  	p0 =	seq.s32 s28, $0x1;
	(v2sf) =	vpush @p4 v10, $0xF;
	(xrf0) =	vadd.scan.msk.s32 @p1 $0xffff, v6;
	v5 =	vnsel vm0, $0x0, v5  }
0x3c1: {  	(v2sf) =	vpush v62, $0xF;
	s3 =	sadd.s32 @p0 s25, s30;
	s4 =	simm.s32 $0x0;
	v6, _, _ =	vpop @p3 (xrf0)  }
0x3c2: {  	s4 =	smov.u32 @p0 s3;
	p0 =	seq.s32 s29, $0x1;
	(v2sf) =	vpush @p3 v6, $0xF  }
0x3c3: {  	s0 =	smov.u32 @p0 s0;
	(xrf0) =	vadd.scan.msk.s32 $0xffff, v5;
	v5, _, _ =	vpop @p2 (xrf0)  }
0x3c4: {  	s3 =	simm.s32 $0x0;
	s0 =	sadd.s32 @p0 s4, s0;
	(v2sf) =	vpush @p2 v5, $0xF  }
0x3c5: {  	s3 =	smov.u32 @p0 s0;
	s0 =	smov.u32 @p6 s1  }
0x3c6: {  	s1 =	simm.s32 $0x0;
	s0 =	sadd.s32 @p6 s3, s0;
	v5, _, _ =	vpop @p1 (xrf0)  }
0x3c7: {  	s1 =	smov.u32 @p6 s0;
	s0 =	smov.u32 @p5 s18;
	(v2sf) =	vpush @p1 v5, $0xF  }
0x3c8: {  	s0 =	sadd.s32 @p5 s1, s0;
	s1 =	simm.s32 $0x0  }
0x3c9: {  	s1 =	smov.u32 @p5 s0;
	s0 =	sld [smem:$0x7F9];
	v5, _, _ =	vpop (xrf0)  }
0x3ca: {  	(v2sf) =	vpush v5, $0xF;
	_ =	sdelay $0x1  }
0x3cb: {  	p0 =	seq.s32 s0, $0x1  }
0x3cc: {  	s0 =	smov.u32 @p0 s2  }
0x3cd: {  	s0 =	sadd.s32 @p0 s1, s0;
	s1 =	simm.s32 $0x0  }
0x3ce: {  	s1 =	smov.u32 @p0 s0;
	s0 =	spop @p4 (v2sf)  }
0x3cf: {  	s0 =	smov.u32 @p4 s0;
	s30 =	spop (v2sf)  }
0x3d0: {  	s2 =	simm.s32 $0x0;
	s0 =	sadd.s32 @p4 s1, s0;
	s1 =	spop @p3 (v2sf)  }
0x3d1: {  	s2 =	smov.u32 @p4 s0;
	s0 =	smov.u32 @p3 s1  }
0x3d2: {  	s0 =	sadd.s32 @p3 s2, s0;
	s1 =	spop @p2 (v2sf);
	s2 =	simm.s32 $0x0  }
0x3d3: {  	s2 =	smov.u32 @p3 s0;
	s0 =	smov.u32 @p2 s1  }
0x3d4: {  	s0 =	sadd.s32 @p2 s2, s0  }
.Ltmp43:
0x3d5: {  	s1 =	spop @p1 (v2sf);
	s2 =	simm.s32 $0x0;
	(pc) =	sbr.rel .LBB2_71-.Ltmp43, $4  }
0x3d6: {  	s2 =	smov.u32 @p2 s0;
	s0 =	smov.u32 @p1 s1  }
0x3d7: {  	s0 =	sadd.s32 @p1 s2, s0  }
0x3d8: {  	s31 =	spop (v2sf);
	s22 =	smov.u32 @p1 s0  }
0x3d9: {  	s1 =	sadd.s32 s22, s31  }
.LBB2_38:
0x3da: {  	s1 =	simm.s32 $0x0  }
.LBB2_71:
0x3db: {  	_ =	swait.ge [sflag:s15], $0x2000  }
0x3dc: {  	[sflag:s15] =	ssyncset.done $0x0  }
0x3dd: {  	s2 =	simm.s32 $0x40;
	[sflag:s15] =	ssyncadd.s32 $0xFFFFE000  }
0x3de: {  	v7 =	vld [tilespmem:s2+$0x30]  }
0x3df: {  	v14 =	vld [tilespmem:s2+$0xFFFFFFE0]  }
0x3e0: {  	s3 =	sshll.u32 s20, $0x10;
	s20 =	simm.s32 $0x70;
	s26 =	simm.s32 $0x10;
	v15 =	vld [tilespmem:s2+$0xFFFFFFF0]  }
0x3e1: {  	v6 =	vmov s1;
	s29 =	simm.s32 $0x30;
	s30 =	simm.s32 $0x40;
	s5 =	simm.s32 $0x50;
	v9 =	vor.u32 s20, v0;
	v10 =	vor.u32 s26, v0;
	v16 =	vld [tilespmem:s2+$0x0]  }
0x3e2: {  	s31 =	simm.s32 $0x60;
	s3 =	sor.u32 s3, s21;
	v11 =	vor.u32 s29, v0;
	v18 =	vor.u32 s30, v0;
	v19 =	vor.u32 s5, v0;
	v17 =	vld [tilespmem:s2+$0x10]  }
0x3e3: {  	s28 =	simm.s32 $0x20;
	v22 =	vor.u32 s31, v0;
	v5 =	vmov s3;
	vm1 =	vle.s32 v9, v6;
	v20 =	vld [tilespmem:s2+$0x20]  }
0x3e4: {  	v9 =	vor.u32 s28, v0;
	vm4 =	vle.s32 v10, v6;
	vm8 =	vle.s32 v11, v6;
	v13 =	vld [tilespmem:s2+$0xFFFFFFD0]  }
0x3e5: {  	vm9 =	vle.s32 v18, v6;
	vm11 =	vle.s32 v19, v6;
	vm13 =	vle.s32 v22, v6  }
0x3e6: {  	s0 =	simm.s32 $0x2040;
	s4 =	simm.s32 $0x0;
	v12 =	vld [tilespmem:s2+$0xFFFFFFC0];
	vm6 =	vle.s32 v9, v6;
	vm0 =	veq.s32 v7, v5;
	vm2 =	vgt.u32 v7, v5  }
0x3e7: {  	v8 =	vld [tilespmem:s0+$0x30];
	v7 =	vor.u32 s4, v0;
	vm3 =	veq.s32 v14, v5;
	vm5 =	veq.s32 v15, v5  }
0x3e8: {  	vm7 =	veq.s32 v16, v5;
	vm10 =	veq.s32 v17, v5;
	vm12 =	veq.s32 v20, v5  }
0x3e9: {  	v9 =	vld [tilespmem:s0+$0xFFFFFFE0];
	vm0 =	vmand vm1, vm0;
	vm1 =	veq.s32 v13, v5;
	vm3 =	vmand vm6, vm3  }
0x3ea: {  	v10 =	vld [tilespmem:s0+$0xFFFFFFF0];
	vm5 =	vmand vm8, vm5;
	vm8 =	vgt.u32 v13, v5;
	vm6 =	vgt.u32 v16, v5  }
0x3eb: {  	v11 =	vld [tilespmem:s0+$0x0];
	vm0 =	vmor vm2, vm0;
	vm2 =	vle.s32 v7, v6;
	vm4 =	vmand vm4, vm1  }
0x3ec: {  	v7 =	vld [tilespmem:s0+$0xFFFFFFC0];
	vm1 =	vmand vm9, vm7;
	v21 =	vnsel vm0, $0x0, v8;
	vm0 =	veq.s32 v12, v5  }
0x3ed: {  	vm7 =	vgt.u32 v12, v5;
	vm9 =	vgt.u32 v17, v5;
	v8 =	vld [tilespmem:s0+$0xFFFFFFD0];
	vm14 =	vmand vm2, vm0  }
0x3ee: {  	v12 =	vld [tilespmem:s0+$0x10];
	vm0 =	vmand vm11, vm10;
	vm2 =	vmand vm13, vm12;
	vm11 =	vgt.u32 v14, v5  }
0x3ef: {  	s22 =	simm.s32 $0xC0;
	s1 =	simm.s32 $0x2040;
	s21 =	simm.s32 $0x0;
	v13 =	vld [tilespmem:s0+$0x20];
	vm10 =	vgt.u32 v15, v5;
	[tilespmem:s0+$0x30] =	vst v21;
	vm12 =	vmor vm7, vm14;
	vm7 =	vgt.u32 v20, v5  }
.LBB2_72:
0x3f0: {  	v14 =	vld [tilespmem:s22+$0x30];
	s21 =	sadd.s32 $0x8, s21;
	vm4 =	vmor vm8, vm4;
	vm3 =	vmor vm11, vm3;
	vm5 =	vmor vm10, vm5  }
0x3f1: {  	vm1 =	vmor vm6, vm1;
	vm0 =	vmor vm9, vm0;
	vm2 =	vmor vm7, vm2;
	v15 =	vld [tilespmem:s22+$0xFFFFFFC0];
	p0 =	slt.u32 s21, $0x1F8  }
0x3f2: {  	v7 =	vnsel vm12, $0x0, v7;
	s0 =	sadd.s32 $0x80, s0;
	v8 =	vnsel vm4, $0x0, v8;
	v9 =	vnsel vm3, $0x0, v9;
	v16 =	vld [tilespmem:s22+$0xFFFFFFD0]  }
0x3f3: {  	s20 =	sadd.s32 $0x80, s20;
	v17 =	vld [tilespmem:s0+$0x30];
	[tilespmem:s1+$0xFFFFFFC0] =	vst v7;
	v7 =	vnsel vm5, $0x0, v10;
	v10 =	vnsel vm1, $0x0, v11;
	v11 =	vnsel vm0, $0x0, v12  }
0x3f4: {  	s2 =	sadd.s32 $0xFFFFFFA0, s20;
	s3 =	sadd.s32 $0xFFFFFFB0, s20;
	s4 =	sadd.s32 $0xFFFFFFC0, s20;
	v13 =	vnsel vm2, $0x0, v13;
	v12 =	vor.u32 s20, v0;
	v18 =	vld [tilespmem:s22+$0xFFFFFFE0];
	[tilespmem:s1+$0xFFFFFFD0] =	vst v8  }
0x3f5: {  	s5 =	sadd.s32 $0xFFFFFFE0, s20;
	s6 =	sadd.s32 $0xFFFFFFF0, s20;
	v19 =	vor.u32 s2, v0;
	s2 =	sadd.s32 $0xFFFFFFD0, s20;
	vm1 =	vle.s32 v12, v6;
	v20 =	vld [tilespmem:s22+$0xFFFFFFF0];
	vm0 =	veq.s32 v14, v5;
	[tilespmem:s1+$0xFFFFFFE0] =	vst v9  }
0x3f6: {  	s18 =	sadd.s32 $0xFFFFFF90, s20;
	v12 =	vor.u32 s3, v0;
	vm2 =	vgt.u32 v14, v5;
	v21 =	vld [tilespmem:s22+$0x0];
	vm0 =	vmand vm1, vm0;
	[tilespmem:s1+$0xFFFFFFF0] =	vst v7  }
0x3f7: {  	v8 =	vor.u32 s18, v0;
	v14 =	vor.u32 s4, v0;
	v22 =	vld [tilespmem:s22+$0x10];
	vm0 =	vmor vm2, vm0;
	[tilespmem:s1+$0x0] =	vst v10  }
0x3f8: {  	v24 =	vor.u32 s5, v0;
	v23 =	vor.u32 s2, v0;
	v25 =	vld [tilespmem:s22+$0x20];
	v9 =	vnsel vm0, $0x0, v17;
	[tilespmem:s1+$0x10] =	vst v11  }
0x3f9: {  	vm1 =	veq.s32 v16, v5;
	vm0 =	veq.s32 v15, v5;
	v17 =	vor.u32 s6, v0;
	v7 =	vld [tilespmem:s0+$0xFFFFFFC0];
	[tilespmem:s0+$0x30] =	vst v9  }
0x3fa: {  	vm2 =	vle.s32 v8, v6;
	vm3 =	veq.s32 v18, v5;
	v8 =	vld [tilespmem:s0+$0xFFFFFFD0];
	vm5 =	veq.s32 v20, v5;
	[tilespmem:s1+$0x20] =	vst v13;
	s1 =	smov.u32 s0  }
0x3fb: {  	vm4 =	vle.s32 v19, v6;
	vm6 =	vle.s32 v12, v6;
	v9 =	vld [tilespmem:s0+$0xFFFFFFE0];
	vm7 =	veq.s32 v21, v5  }
0x3fc: {  	vm9 =	vle.s32 v23, v6;
	vm8 =	vle.s32 v14, v6;
	v10 =	vld [tilespmem:s0+$0xFFFFFFF0];
	vm10 =	veq.s32 v22, v5  }
0x3fd: {  	vm11 =	vle.s32 v24, v6;
	vm13 =	vle.s32 v17, v6;
	v11 =	vld [tilespmem:s0+$0x0];
	vm12 =	veq.s32 v25, v5  }
.Ltmp44:
0x3fe: {  	vm4 =	vmand vm4, vm1;
	vm14 =	vmand vm2, vm0;
	vm3 =	vmand vm6, vm3;
	v12 =	vld [tilespmem:s0+$0x10];
	(pc) =	sbr.rel @p0 .LBB2_72-.Ltmp44, $4  }
0x3ff: {  	vm5 =	vmand vm8, vm5;
	vm1 =	vmand vm9, vm7;
	vm0 =	vmand vm11, vm10;
	v13 =	vld [tilespmem:s0+$0x20]  }
0x400: {  	vm8 =	vgt.u32 v16, v5;
	vm7 =	vgt.u32 v15, v5;
	vm2 =	vmand vm13, vm12  }
0x401: {  	vm6 =	vgt.u32 v21, v5;
	vm11 =	vgt.u32 v18, v5;
	vm10 =	vgt.u32 v20, v5  }
0x402: {  	s22 =	sadd.s32 $0x80, s22;
	vm9 =	vgt.u32 v22, v5;
	vm12 =	vmor vm7, vm14;
	vm7 =	vgt.u32 v25, v5  }
0x403: {  	vm4 =	vmor vm8, vm4;
	v5 =	vnsel vm12, $0x0, v7  }
0x404: {  	vm3 =	vmor vm11, vm3;
	v6 =	vnsel vm4, $0x0, v8;
	[tilespmem:s1+$0xFFFFFFC0] =	vst v5  }
0x405: {  	vm14 =	vmor vm10, vm5;
	v5 =	vnsel vm3, $0x0, v9;
	[tilespmem:s1+$0xFFFFFFD0] =	vst v6  }
0x406: {  	vm1 =	vmor vm6, vm1;
	v6 =	vnsel vm14, $0x0, v10;
	[tilespmem:s1+$0xFFFFFFE0] =	vst v5  }
0x407: {  	vm0 =	vmor vm9, vm0;
	v5 =	vnsel vm1, $0x0, v11;
	[tilespmem:s1+$0xFFFFFFF0] =	vst v6  }
0x408: {  	vm15 =	vmor vm7, vm2;
	v6 =	vnsel vm0, $0x0, v12;
	[tilespmem:s1+$0x0] =	vst v5  }
0x409: {  	v5 =	vnsel vm15, $0x0, v13;
	[tilespmem:s1+$0x10] =	vst v6  }
0x40a: {  	[tilespmem:s1+$0x20] =	vst v5  }
0x40b: {  	s30 =	simm.s32 $0x80;
	s0 =	rddreg [dreg:$0x5]  }
0x40c: {  	[hbm4b:s0+s30] =	stream.strided.scatter [tilespmem:s12], [sflag:$0x2], $0x2000, s10, s30, $0x38;
	[tilespmem:$0x9100] =	vst v63  }
0x40d: {  	s31 =	simm.s32 $0x0;
	s2 =	rddreg [dreg:$0x6]  }
0x40e: {  	[tilespmem:s31], [sflag:$0x3] =	stream.strided.gather [hbm4b:s2+s30], $0x2000, s10, s30, $0x38;
	[tilespmem:$0x9100] =	vst v63  }
0x40f: {  	_ =	swait.ge [sflag:s11], $0x2000  }
0x410: {  	[sflag:s11] =	ssyncset.done $0x0  }
0x411: {  	[sflag:s11] =	ssyncadd.s32 $0xFFFFE000  }
0x412: {  	_ =	swait.ge [sflag:s17], $0x2000  }
0x413: {  	[sflag:s17] =	ssyncset.done $0x0  }
0x414: {  	[sflag:s17] =	ssyncadd.s32 $0xFFFFE000  }
0x415: {  	[tilespmem:s12], [sflag:$0x1] =	stream.strided.gather [hbm4b:s7+s30], $0x2000, s10, s30, $0x38;
	[tilespmem:$0x9100] =	vst v63  }
0x416: {  	v5 =	vld [tilespmem:s30+$0x0]  }
0x417: {  	v7 =	vld [tilespmem:s30+$0x70]  }
0x418: {  	v8 =	vld [tilespmem:s30+$0x20]  }
0x419: {  	v10 =	vld [tilespmem:s30+$0xFFFFFFB0]  }
0x41a: {  	v11 =	vld [tilespmem:s30+$0xFFFFFFD0]  }
0x41b: {  	v15 =	vld [tilespmem:s30+$0x30]  }
0x41c: {  	v17 =	vld [tilespmem:s30+$0xFFFFFFA0]  }
0x41d: {  	v18 =	vld [tilespmem:s30+$0xFFFFFF90]  }
0x41e: {  	v24 =	vld [tilespmem:s30+$0x10]  }
0x41f: {  	v6 =	vld [tilespmem:s30+$0xFFFFFFE0]  }
0x420: {  	v9 =	vld [tilespmem:s30+$0xFFFFFFF0]  }
0x421: {  	v7 =	vshrl.u32 v7, $0x18;
	v5 =	vshrl.u32 v5, $0x18;
	v11 =	vshrl.u32 v11, $0x18  }
0x422: {  	v8 =	vshrl.u32 v8, $0x18;
	v10 =	vshrl.u32 v10, $0x18;
	v15 =	vshrl.u32 v15, $0x18  }
0x423: {  	v20 =	vshrl.u32 v17, $0x18;
	v18 =	vshrl.u32 v18, $0x18;
	v24 =	vshrl.u32 v24, $0x18  }
0x424: {  	v16 =	vand.u32 $0x7F, v7;
	v7 =	vand.u32 $0x80, v7;
	v14 =	vand.u32 $0x80, v5  }
0x425: {  	v13 =	vld [tilespmem:s30+$0xFFFFFFC0];
	v12 =	vand.u32 $0x7F, v5;
	v5 =	vshrl.u32 v6, $0x18;
	v6 =	vshrl.u32 v9, $0x18  }
0x426: {  	v17 =	vand.u32 $0x80, v8;
	v21 =	vand.u32 $0x80, v10;
	v25 =	vand.u32 $0x7F, v8  }
0x427: {  	v8 =	vand.u32 $0x80, v18;
	v10 =	vand.u32 $0x7F, v10;
	v22 =	vand.u32 $0x80, v20  }
0x428: {  	v18 =	vand.u32 $0x7F, v18;
	v23 =	vand.u32 $0x80, v15;
	v28 =	vand.u32 $0x7F, v20  }
0x429: {  	v19 =	vor.u32 v2, v7;
	v9 =	vand.u32 $0x7F, v6;
	v14 =	vor.u32 v2, v14  }
0x42a: {  	v7 =	vshrl.u32 v13, $0x18;
	v13 =	vand.u32 $0x80, v11;
	v11 =	vand.u32 $0x7F, v11  }
0x42b: {  	v26 =	vor.u32 v2, v17;
	v8 =	vor.u32 v2, v8;
	v17 =	vand.u32 $0x7F, v15  }
0x42c: {  	v20 =	vld [tilespmem:s30+$0xFFFFFF80];
	v27 =	vor.u32 v2, v22;
	v21 =	vor.u32 v2, v21;
	v19 =	vor.u32 v16, v19  }
0x42d: {  	v15 =	vld [tilespmem:s30+$0x60];
	v22 =	vand.u32 $0x80, v6;
	v23 =	vor.u32 v2, v23;
	v13 =	vor.u32 v2, v13  }
0x42e: {  	s22 =	simm.s32 $0x0;
	v8 =	vor.u32 v18, v8;
	v6 =	vor.u32 v10, v21;
	v18 =	vld [tilespmem:s30+$0x50];
	v10 =	vor.u32 v28, v27  }
0x42f: {  	s23 =	simm.s32 $0x180;
	s20 =	simm.s32 $0x8000;
	s0 =	simm.s32 $0x8000;
	v16 =	vor.u32 v25, v26;
	v21 =	vld [tilespmem:s30+$0x40];
	v11 =	vor.u32 v11, v13;
	v13 =	vand.u32 $0x80, v7  }
.LBB2_74:
0x430: {  	v25 =	vld [tilespmem:s23+$0x0];
	s22 =	sadd.s32 $0x10, s22;
	v12 =	vor.u32 v12, v14;
	v14 =	vand.u32 $0x80, v24;
	v17 =	vor.u32 v17, v23  }
0x431: {  	v22 =	vor.u32 v2, v22;
	v23 =	vand.u32 $0x7F, v24;
	p0 =	slt.u32 s22, $0x1F0;
	v14 =	vor.u32 v2, v14;
	[tilespmem:v19+s20+$0x0] =	vst.idx.add.s32.msk $0xffff, v3  }
0x432: {  	v24 =	vand.u32 $0x80, v5;
	v19 =	vld [tilespmem:s23+$0xFFFFFFE0];
	v20 =	vshrl.u32 v20, $0x18;
	v14 =	vor.u32 v23, v14  }
0x433: {  	v15 =	vshrl.u32 v15, $0x18;
	v23 =	vld [tilespmem:s23+$0xFFFFFF90];
	v26 =	vand.u32 $0x80, v20;
	v20 =	vand.u32 $0x7F, v20  }
0x434: {  	v28 =	vand.u32 $0x7F, v15;
	v27 =	vld [tilespmem:s23+$0x20];
	v26 =	vor.u32 v2, v26;
	v21 =	vshrl.u32 v21, $0x18  }
0x435: {  	v15 =	vand.u32 $0x80, v15;
	v18 =	vshrl.u32 v18, $0x18;
	[tilespmem:v17+s20+$0x0] =	vst.idx.add.s32.msk $0xffff, v3;
	v17 =	vand.u32 $0x80, v21  }
0x436: {  	v20 =	vor.u32 v20, v26;
	[tilespmem:v16+s20+$0x0] =	vst.idx.add.s32.msk $0xffff, v3;
	v16 =	vor.u32 v2, v17;
	v17 =	vand.u32 $0x80, v18  }
0x437: {  	v15 =	vor.u32 v2, v15;
	v21 =	vand.u32 $0x7F, v21;
	v26 =	vld [tilespmem:s23+$0xFFFFFFA0];
	v17 =	vor.u32 v2, v17  }
0x438: {  	v15 =	vor.u32 v28, v15;
	v18 =	vand.u32 $0x7F, v18;
	v16 =	vor.u32 v21, v16;
	v29 =	vld [tilespmem:s23+$0xFFFFFFB0]  }
0x439: {  	v5 =	vand.u32 $0x7F, v5;
	v24 =	vor.u32 v2, v24;
	v17 =	vor.u32 v18, v17;
	v21 =	vld [tilespmem:s23+$0x70]  }
0x43a: {  	v24 =	vor.u32 v5, v24;
	v5 =	vor.u32 v9, v22;
	v18 =	vld [tilespmem:s23+$0xFFFFFFC0]  }
0x43b: {  	v7 =	vand.u32 $0x7F, v7;
	v9 =	vor.u32 v2, v13;
	[tilespmem:v14+s20+$0x0] =	vst.idx.add.s32.msk $0xffff, v3  }
0x43c: {  	v22 =	vor.u32 v7, v9;
	v13 =	vld [tilespmem:s23+$0xFFFFFFD0]  }
0x43d: {  	v28 =	vld [tilespmem:s23+$0x10]  }
0x43e: {  	v7 =	vld [tilespmem:s23+$0xFFFFFFF0]  }
0x43f: {  	v9 =	vshrl.u32 v21, $0x18;
	[tilespmem:v12+s20+$0x0] =	vst.idx.add.s32.msk $0xffff, v3  }
0x440: {  	v21 =	vand.u32 $0x7F, v9;
	[tilespmem:v20+s20+$0x0] =	vst.idx.add.s32.msk $0xffff, v3  }
0x441: {  	v12 =	vshrl.u32 v25, $0x18;
	v9 =	vand.u32 $0x80, v9;
	v20 =	vld [tilespmem:s23+$0x30]  }
0x442: {  	v14 =	vand.u32 $0x80, v12;
	v12 =	vand.u32 $0x7F, v12;
	[tilespmem:v5+s20+$0x0] =	vst.idx.add.s32.msk $0xffff, v3  }
0x443: {  	v5 =	vshrl.u32 v19, $0x18;
	v19 =	vor.u32 v2, v9;
	v25 =	vshrl.u32 v7, $0x18;
	[tilespmem:v15+s20+$0x0] =	vst.idx.add.s32.msk $0xffff, v3  }
0x444: {  	v13 =	vshrl.u32 v13, $0x18;
	v14 =	vor.u32 v2, v14;
	v9 =	vand.u32 $0x7F, v25;
	[tilespmem:v17+s20+$0x0] =	vst.idx.add.s32.msk $0xffff, v3  }
0x445: {  	v7 =	vshrl.u32 v18, $0x18;
	v15 =	vand.u32 $0x80, v13;
	v17 =	vshrl.u32 v27, $0x18;
	[tilespmem:v11+s20+$0x0] =	vst.idx.add.s32.msk $0xffff, v3  }
0x446: {  	v18 =	vor.u32 v2, v15;
	v11 =	vshrl.u32 v29, $0x18;
	v15 =	vshrl.u32 v20, $0x18;
	[tilespmem:v16+s20+$0x0] =	vst.idx.add.s32.msk $0xffff, v3  }
0x447: {  	v13 =	vand.u32 $0x7F, v13;
	v16 =	vshrl.u32 v26, $0x18;
	v20 =	vand.u32 $0x80, v17;
	[tilespmem:v24+s20+$0x0] =	vst.idx.add.s32.msk $0xffff, v3  }
0x448: {  	v23 =	vshrl.u32 v23, $0x18;
	v26 =	vand.u32 $0x7F, v17;
	v24 =	vand.u32 $0x80, v11;
	[tilespmem:v10+s20+$0x0] =	vst.idx.add.s32.msk $0xffff, v3  }
0x449: {  	v11 =	vand.u32 $0x7F, v11;
	v27 =	vor.u32 v2, v20;
	v10 =	vand.u32 $0x80, v23;
	[tilespmem:v8+s20+$0x0] =	vst.idx.add.s32.msk $0xffff, v3  }
0x44a: {  	v17 =	vand.u32 $0x7F, v15;
	v8 =	vor.u32 v2, v10;
	v10 =	vand.u32 $0x80, v16;
	[tilespmem:v22+s20+$0x0] =	vst.idx.add.s32.msk $0xffff, v3  }
.Ltmp45:
0x44b: {  	v22 =	vand.u32 $0x7F, v23;
	v10 =	vor.u32 v2, v10;
	v23 =	vand.u32 $0x80, v15;
	[tilespmem:v6+s20+$0x0] =	vst.idx.add.s32.msk $0xffff, v3;
	s20 =	smov.u32 s0;
	(pc) =	sbr.rel @p0 .LBB2_74-.Ltmp45, $4  }
0x44c: {  	v19 =	vor.u32 v21, v19;
	v16 =	vand.u32 $0x7F, v16;
	v6 =	vor.u32 v2, v24;
	v15 =	vld [tilespmem:s23+$0x60]  }
0x44d: {  	v8 =	vor.u32 v22, v8;
	v22 =	vand.u32 $0x80, v25;
	v23 =	vor.u32 v2, v23;
	v20 =	vld [tilespmem:s23+$0xFFFFFF80]  }
0x44e: {  	v24 =	vshrl.u32 v28, $0x18;
	v6 =	vor.u32 v11, v6;
	v11 =	vor.u32 v13, v18;
	v18 =	vld [tilespmem:s23+$0x50]  }
0x44f: {  	s21 =	simm.s32 $0x9000;
	v10 =	vor.u32 v16, v10;
	v16 =	vor.u32 v26, v27;
	v13 =	vand.u32 $0x80, v7;
	v21 =	vld [tilespmem:s23+$0x40];
	s23 =	sadd.s32 $0x100, s23  }
0x450: {  	_ =	sdelay $0x1  }
0x451: {  	v12 =	vor.u32 v12, v14  }
0x452: {  	v38 =	vand.u32 $0x80, v24;
	v17 =	vor.u32 v17, v23;
	v39 =	vand.u32 $0x7F, v24  }
0x453: {  	v22 =	vor.u32 v2, v22;
	[tilespmem:v19+s20+$0x0] =	vst.idx.add.s32.msk $0xffff, v3;
	v47 =	vand.u32 $0x80, v5;
	v14 =	vor.u32 v2, v38  }
0x454: {  	[tilespmem:v16+s20+$0x0] =	vst.idx.add.s32.msk $0xffff, v3;
	v15 =	vshrl.u32 v15, $0x18;
	v9 =	vor.u32 v9, v22;
	v20 =	vshrl.u32 v20, $0x18  }
0x455: {  	[tilespmem:v11+s20+$0x0] =	vst.idx.add.s32.msk $0xffff, v3;
	v14 =	vor.u32 v39, v14;
	v41 =	vand.u32 $0x7F, v15;
	v15 =	vand.u32 $0x80, v15  }
0x456: {  	[tilespmem:v10+s20+$0x0] =	vst.idx.add.s32.msk $0xffff, v3;
	v40 =	vand.u32 $0x80, v20;
	v20 =	vand.u32 $0x7F, v20;
	v18 =	vshrl.u32 v18, $0x18  }
0x457: {  	[tilespmem:v8+s20+$0x0] =	vst.idx.add.s32.msk $0xffff, v3;
	v15 =	vor.u32 v2, v15;
	v23 =	vor.u32 v2, v40;
	v21 =	vshrl.u32 v21, $0x18  }
0x458: {  	[tilespmem:v6+s20+$0x0] =	vst.idx.add.s32.msk $0xffff, v3;
	v43 =	vand.u32 $0x80, v18;
	v45 =	vand.u32 $0x7F, v18;
	v15 =	vor.u32 v41, v15  }
0x459: {  	v42 =	vor.u32 v20, v23;
	[tilespmem:v17+s20+$0x0] =	vst.idx.add.s32.msk $0xffff, v3;
	v44 =	vor.u32 v2, v43;
	v46 =	vand.u32 $0x80, v21  }
0x45a: {  	v49 =	vand.u32 $0x7F, v21;
	[tilespmem:v12+s20+$0x0] =	vst.idx.add.s32.msk $0xffff, v3;
	v16 =	vor.u32 v45, v44;
	v48 =	vor.u32 v2, v46  }
0x45b: {  	v7 =	vand.u32 $0x7F, v7;
	[tilespmem:v9+s20+$0x0] =	vst.idx.add.s32.msk $0xffff, v3;
	v9 =	vor.u32 v2, v13;
	v50 =	vor.u32 v49, v48  }
0x45c: {  	v5 =	vand.u32 $0x7F, v5;
	[tilespmem:v14+s20+$0x0] =	vst.idx.add.s32.msk $0xffff, v3;
	v14 =	vor.u32 v2, v47;
	v7 =	vor.u32 v7, v9  }
0x45d: {  	v5 =	vor.u32 v5, v14;
	[tilespmem:v15+s20+$0x0] =	vst.idx.add.s32.msk $0xffff, v3  }
0x45e: {  	[tilespmem:v42+s20+$0x0] =	vst.idx.add.s32.msk $0xffff, v3  }
0x45f: {  	[tilespmem:v16+s20+$0x0] =	vst.idx.add.s32.msk $0xffff, v3  }
0x460: {  	[tilespmem:v50+s20+$0x0] =	vst.idx.add.s32.msk $0xffff, v3  }
0x461: {  	[tilespmem:v7+s20+$0x0] =	vst.idx.add.s32.msk $0xffff, v3  }
0x462: {  	[tilespmem:v5+s20+$0x0] =	vst.idx.add.s32.msk $0xffff, v3  }
0x463: {  	s30 =	simm.s32 $0x8010;
	s20 =	simm.s32 $0x0;
	v5 =	vld [tilespmem:s0+$0x0]  }
0x464: {  	[tilespmem:s0+$0x0] =	vst v1;
	s1 =	sand.u32 $0xF0, s20;
	v15 =	vld [tilespmem:s30+$0x0]  }
0x465: {  	v6 =	vld [tilespmem:s1+$0x8100]  }
0x466: {  	v7 =	vld [tilespmem:s1+$0x8200]  }
0x467: {  	v8 =	vld [tilespmem:s1+$0x8300]  }
0x468: {  	[tilespmem:s30+$0x0] =	vst v1;
	v9 =	vld [tilespmem:s1+$0x8400]  }
0x469: {  	v10 =	vld [tilespmem:s1+$0x8500];
	[tilespmem:s1+$0x8500] =	vst v1  }
0x46a: {  	v11 =	vld [tilespmem:s1+$0x8600];
	[tilespmem:s1+$0x8600] =	vst v1  }
0x46b: {  	v12 =	vld [tilespmem:s1+$0x8700];
	[tilespmem:s1+$0x8700] =	vst v1  }
0x46c: {  	v51 =	vld [tilespmem:s1+$0x8800];
	[tilespmem:s1+$0x8800] =	vst v1  }
0x46d: {  	s2 =	simm.s32 $0x10;
	v52 =	vld [tilespmem:s1+$0x8900];
	[tilespmem:s1+$0x8900] =	vst v1  }
0x46e: {  	s0 =	sand.u32 $0xF0, s2;
	v16 =	vld [tilespmem:s1+$0x8A00];
	[tilespmem:s1+$0x8A00] =	vst v1  }
0x46f: {  	v56 =	vld [tilespmem:s0+$0x8500];
	[tilespmem:s0+$0x8500] =	vst v1  }
0x470: {  	v57 =	vld [tilespmem:s1+$0x8B00];
	[tilespmem:s1+$0x8B00] =	vst v1  }
0x471: {  	v58 =	vld [tilespmem:s0+$0x8600];
	[tilespmem:s0+$0x8600] =	vst v1  }
0x472: {  	v59 =	vld [tilespmem:s1+$0x8C00];
	[tilespmem:s1+$0x8C00] =	vst v1  }
0x473: {  	v25 =	vld [tilespmem:s0+$0x8700];
	[tilespmem:s0+$0x8700] =	vst v1  }
0x474: {  	v53 =	vld [tilespmem:s0+$0x8100];
	[tilespmem:s1+$0x8400] =	vst v1  }
0x475: {  	v54 =	vld [tilespmem:s0+$0x8200];
	[tilespmem:s1+$0x8300] =	vst v1;
	v5 =	vadd.s32 v5, v6  }
0x476: {  	v19 =	vld [tilespmem:s0+$0x8300];
	[tilespmem:s1+$0x8200] =	vst v1;
	v5 =	vadd.s32 v7, v5  }
0x477: {  	v55 =	vld [tilespmem:s0+$0x8400];
	[tilespmem:s1+$0x8100] =	vst v1;
	v5 =	vadd.s32 v8, v5  }
0x478: {  	v61 =	vld [tilespmem:s0+$0x8C00];
	[tilespmem:s0+$0x8C00] =	vst v1;
	v5 =	vadd.s32 v9, v5  }
0x479: {  	v60 =	vld [tilespmem:s1+$0x8E00];
	[tilespmem:s0+$0x8400] =	vst v1;
	v5 =	vadd.s32 v10, v5  }
0x47a: {  	v62 =	vld [tilespmem:s1+$0x8F00];
	[tilespmem:s1+$0x8E00] =	vst v1;
	v10 =	vadd.s32 v15, v53;
	v5 =	vadd.s32 v11, v5  }
0x47b: {  	[tilespmem:s0+$0x8300] =	vst v1;
	v6 =	vld [tilespmem:s0+$0x8800];
	v10 =	vadd.s32 v54, v10;
	v5 =	vadd.s32 v12, v5  }
0x47c: {  	[tilespmem:s1+$0x8F00] =	vst v1;
	v9 =	vld [tilespmem:s1+$0x8D00];
	v10 =	vadd.s32 v19, v10;
	v5 =	vadd.s32 v51, v5  }
0x47d: {  	[tilespmem:s0+$0x8200] =	vst v1;
	v7 =	vld [tilespmem:s0+$0x8900];
	v10 =	vadd.s32 v55, v10;
	v5 =	vadd.s32 v52, v5  }
0x47e: {  	[tilespmem:s0+$0x8100] =	vst v1;
	v8 =	vld [tilespmem:s0+$0x8A00];
	v10 =	vadd.s32 v56, v10;
	v5 =	vadd.s32 v16, v5  }
0x47f: {  	[tilespmem:s0+$0x8800] =	vst v1;
	v11 =	vld [tilespmem:s0+$0x8B00];
	v10 =	vadd.s32 v58, v10;
	v5 =	vadd.s32 v57, v5  }
0x480: {  	[tilespmem:s0+$0x8900] =	vst v1;
	v10 =	vadd.s32 v25, v10;
	v63 =	vadd.s32 v59, v5  }
0x481: {  	[tilespmem:s0+$0x8A00] =	vst v1;
	v5 =	vld [tilespmem:s0+$0x8D00];
	v10 =	vadd.s32 v6, v10;
	v9 =	vadd.s32 v9, v63  }
0x482: {  	[tilespmem:s1+$0x8D00] =	vst v1;
	v6 =	vld [tilespmem:s0+$0x8E00];
	v7 =	vadd.s32 v7, v10;
	v9 =	vadd.s32 v60, v9  }
0x483: {  	[tilespmem:s0+$0x8B00] =	vst v1;
	v8 =	vadd.s32 v8, v7;
	v7 =	vld [tilespmem:s0+$0x8F00];
	v9 =	vadd.s32 v62, v9  }
0x484: {  	s31 =	simm.s32 $0x20;
	s1 =	simm.s32 $0x8020;
	[tilespmem:s21+$0x0] =	vst v9;
	v9 =	vadd.s32 v11, v8  }
0x485: {  	s22 =	simm.s32 $0x30;
	s18 =	sand.u32 $0xF0, s31;
	v8 =	vld [tilespmem:s1+$0x0];
	[tilespmem:s1+$0x0] =	vst v1;
	v9 =	vadd.s32 v61, v9  }
.LBB2_76:
0x486: {  	p0 =	sne.s32 s22, $0xF0;
	v10 =	vld [tilespmem:s18+$0x8100];
	v5 =	vadd.s32 v5, v9;
	[tilespmem:s0+$0x8D00] =	vst v1  }
0x487: {  	v9 =	vld [tilespmem:s18+$0x8200];
	v5 =	vadd.s32 v6, v5;
	[tilespmem:s0+$0x8E00] =	vst v1  }
0x488: {  	s21 =	sadd.s32 $0x10, s21;
	v6 =	vld [tilespmem:s18+$0x8300];
	v5 =	vadd.s32 v7, v5;
	[tilespmem:s0+$0x8F00] =	vst v1;
	s0 =	smov.u32 s18  }
0x489: {  	v7 =	vld [tilespmem:s0+$0x8400];
	[tilespmem:s21+$0x0] =	vst v5  }
0x48a: {  	v5 =	vld [tilespmem:s0+$0x8500];
	[tilespmem:s0+$0x8500] =	vst v1  }
0x48b: {  	v8 =	vadd.s32 v8, v10;
	v10 =	vld [tilespmem:s0+$0x8600];
	[tilespmem:s0+$0x8600] =	vst v1  }
0x48c: {  	v8 =	vadd.s32 v9, v8;
	v9 =	vld [tilespmem:s0+$0x8700];
	[tilespmem:s0+$0x8700] =	vst v1  }
0x48d: {  	v6 =	vadd.s32 v6, v8;
	v8 =	vld [tilespmem:s0+$0x8800];
	[tilespmem:s0+$0x8800] =	vst v1  }
0x48e: {  	v6 =	vadd.s32 v7, v6;
	v7 =	vld [tilespmem:s0+$0x8900];
	[tilespmem:s0+$0x8900] =	vst v1  }
0x48f: {  	v5 =	vadd.s32 v5, v6;
	v11 =	vld [tilespmem:s0+$0x8A00];
	[tilespmem:s0+$0x8A00] =	vst v1  }
0x490: {  	v5 =	vadd.s32 v10, v5;
	v10 =	vld [tilespmem:s0+$0x8B00];
	[tilespmem:s0+$0x8B00] =	vst v1  }
0x491: {  	v5 =	vadd.s32 v9, v5;
	v9 =	vld [tilespmem:s0+$0x8C00];
	[tilespmem:s0+$0x8C00] =	vst v1  }
.Ltmp46:
0x492: {  	[tilespmem:s0+$0x8400] =	vst v1;
	v6 =	vadd.s32 v8, v5;
	v5 =	vld [tilespmem:s0+$0x8D00];
	(pc) =	sbr.rel @p0 .LBB2_76-.Ltmp46, $4  }
0x493: {  	[tilespmem:s0+$0x8300] =	vst v1;
	v7 =	vadd.s32 v7, v6;
	v6 =	vld [tilespmem:s0+$0x8E00]  }
0x494: {  	[tilespmem:s0+$0x8200] =	vst v1;
	v8 =	vadd.s32 v11, v7;
	v7 =	vld [tilespmem:s0+$0x8F00]  }
0x495: {  	s1 =	sadd.s32 $0x10, s1;
	[tilespmem:s0+$0x8100] =	vst v1;
	v10 =	vadd.s32 v10, v8  }
0x496: {  	s18 =	sand.u32 $0xF0, s22;
	s22 =	sadd.s32 $0x10, s22;
	v8 =	vld [tilespmem:s1+$0x0];
	[tilespmem:s1+$0x0] =	vst v1;
	v9 =	vadd.s32 v9, v10  }
0x497: {  	v10 =	vld [tilespmem:s18+$0x8100]  }
0x498: {  	v11 =	vld [tilespmem:s18+$0x8200]  }
0x499: {  	v12 =	vld [tilespmem:s18+$0x8300]  }
0x49a: {  	v13 =	vld [tilespmem:s18+$0x8400]  }
0x49b: {  	v14 =	vld [tilespmem:s18+$0x8500];
	[tilespmem:s18+$0x8500] =	vst v1  }
0x49c: {  	v15 =	vld [tilespmem:s18+$0x8600];
	[tilespmem:s18+$0x8600] =	vst v1  }
0x49d: {  	v16 =	vld [tilespmem:s18+$0x8700];
	[tilespmem:s18+$0x8700] =	vst v1  }
0x49e: {  	v17 =	vld [tilespmem:s18+$0x8800];
	[tilespmem:s18+$0x8800] =	vst v1  }
0x49f: {  	v18 =	vld [tilespmem:s18+$0x8900];
	[tilespmem:s18+$0x8900] =	vst v1;
	v8 =	vadd.s32 v8, v10  }
0x4a0: {  	v19 =	vld [tilespmem:s18+$0x8A00];
	[tilespmem:s18+$0x8A00] =	vst v1;
	v8 =	vadd.s32 v11, v8  }
0x4a1: {  	v55 =	vld [tilespmem:s18+$0x8B00];
	[tilespmem:s18+$0x8B00] =	vst v1;
	v8 =	vadd.s32 v12, v8  }
0x4a2: {  	v56 =	vld [tilespmem:s18+$0x8C00];
	[tilespmem:s18+$0x8C00] =	vst v1;
	v8 =	vadd.s32 v13, v8  }
0x4a3: {  	[tilespmem:s18+$0x8400] =	vst v1;
	v8 =	vadd.s32 v14, v8  }
0x4a4: {  	[tilespmem:s0+$0x8D00] =	vst v1;
	v8 =	vadd.s32 v15, v8  }
0x4a5: {  	[tilespmem:s18+$0x8300] =	vst v1;
	v8 =	vadd.s32 v16, v8  }
0x4a6: {  	v57 =	vld [tilespmem:s18+$0x8D00];
	v5 =	vadd.s32 v5, v9;
	[tilespmem:s0+$0x8E00] =	vst v1;
	v8 =	vadd.s32 v17, v8  }
0x4a7: {  	v58 =	vld [tilespmem:s18+$0x8E00];
	[tilespmem:s18+$0x8200] =	vst v1;
	v5 =	vadd.s32 v6, v5;
	v6 =	vadd.s32 v18, v8  }
0x4a8: {  	[tilespmem:s0+$0x8F00] =	vst v1;
	s6 =	sadd.s32 $0x10, s21;
	v5 =	vadd.s32 v7, v5;
	v7 =	vld [tilespmem:s18+$0x8F00];
	v6 =	vadd.s32 v19, v6  }
0x4a9: {  	[tilespmem:s6+$0x0] =	vst v5;
	v5 =	vadd.s32 v55, v6  }
0x4aa: {  	[tilespmem:s18+$0x8100] =	vst v1;
	v5 =	vadd.s32 v56, v5  }
0x4ab: {  	[tilespmem:s18+$0x8D00] =	vst v1;
	v5 =	vadd.s32 v57, v5  }
0x4ac: {  	[tilespmem:s18+$0x8E00] =	vst v1;
	v5 =	vadd.s32 v58, v5  }
0x4ad: {  	s0 =	sadd.s32 $0x10, s6;
	[tilespmem:s18+$0x8F00] =	vst v1;
	v5 =	vadd.s32 v7, v5  }
0x4ae: {  	s18 =	simm.s32 $0xF0;
	[tilespmem:s0+$0x0] =	vst v5  }
0x4af: {  	v5 =	vld [tilespmem:s18+$0x9000];
	_ =	sdelay $0x1  }
0x4b0: {  	s21 =	simm.s32 $0xE0  }
0x4b1: {  	v6 =	vld [tilespmem:s21+$0x9000];
	_ =	sdelay $0x1  }
0x4b2: {  	(xrf0) =	vadd.scan.msk.s32 $0xffff, v5;
	_ =	sdelay $0x1  }
0x4b3: {  	v5 =	vperm.xlane v5, v4  }
0x4b4: {  	(xrf0) =	vadd.scan.msk.s32 $0xffff, v6;
	_ =	sdelay $0x2  }
0x4b5: {  	s22 =	simm.s32 $0xD0;
	(xrf0) =	vadd.scan.msk.s32 $0xffff, v5;
	v5, _, _ =	vpop (xrf0)  }
0x4b6: {  	v7 =	vld [tilespmem:s22+$0x9000];
	(v2sf) =	vpush v5, $0xF;
	_ =	sdelay $0x1  }
0x4b7: {  	s23 =	simm.s32 $0xC0;
	v8, _, _ =	vpop (xrf0)  }
0x4b8: {  	v5 =	vld [tilespmem:s23+$0x9000];
	(v2sf) =	vpush v8, $0xF;
	_ =	sdelay $0x1  }
0x4b9: {  	v6 =	vperm.xlane v6, v4;
	(xrf0) =	vadd.scan.msk.s32 $0xffff, v7;
	v8, _, _ =	vpop (xrf0)  }
0x4ba: {  	v8 =	vperm.xlane v8, v4  }
0x4bb: {  	(xrf0) =	vadd.scan.msk.s32 $0xffff, v6  }
0x4bc: {  	v6 =	vperm.xlane v7, v4;
	v7 =	vadd.s32 s20, v8;
	(xrf0) =	vadd.scan.msk.s32 $0xffff, v5  }
0x4bd: {  	vm0 =	vgt.s32 v7, $0x3F  }
0x4be: {  	(xrf0) =	vadd.scan.msk.s32 $0xffff, v6;
	v6 =	vsel vm0, $0x1, v1  }
0x4bf: {  	s24 =	simm.s32 $0xB0;
	v7, _, _ =	vpop (xrf0)  }
0x4c0: {  	(v2sf) =	vpush v7, $0xF;
	v7 =	vld [tilespmem:s24+$0x9000]  }
0x4c1: {  	(xrf0) =	vadd.scan.msk.s32 $0xffff, v6;
	v6, _, _ =	vpop (xrf0)  }
0x4c2: {  	v8, _, _ =	vpop (xrf0)  }
0x4c3: {  	s1 =	simm.s32 $0xA0;
	v6 =	vperm.xlane v6, v4;
	(v2sf) =	vpush v8, $0xF;
	s25 =	spop (v2sf)  }
0x4c4: {  	v59 =	vld [tilespmem:s1+$0x9000];
	s0 =	sadd.s32 $0x0, s25  }
0x4c5: {  	v5 =	vperm.xlane v5, v4;
	v8, _, _ =	vpop (xrf0);
	(xrf0) =	vadd.scan.msk.s32 $0xffff, v7;
	v6 =	vadd.s32 s0, v6  }
0x4c6: {  	s26 =	spop (v2sf);
	vm0 =	vgt.s32 v6, $0x3F;
	v6 =	vperm.xlane v8, v4  }
0x4c7: {  	v7 =	vperm.xlane v7, v4;
	(xrf0) =	vadd.scan.msk.s32 $0xffff, v5;
	s0 =	sadd.s32 s0, s26;
	v5 =	vsel vm0, $0x1, v1  }
0x4c8: {  	s2 =	simm.s32 $0x90;
	(xrf0) =	vadd.scan.msk.s32 $0xffff, v5;
	v6 =	vadd.s32 s0, v6  }
0x4c9: {  	v5 =	vld [tilespmem:s2+$0x9000];
	(xrf0) =	vadd.scan.msk.s32 $0xffff, v59;
	vm0 =	vgt.s32 v6, $0x3F  }
0x4ca: {  	v60, _, _ =	vpop (xrf0);
	(xrf0) =	vadd.scan.msk.s32 $0xffff, v7;
	v6 =	vsel vm0, $0x1, v1  }
0x4cb: {  	v7, _, _ =	vpop (xrf0);
	(xrf0) =	vadd.scan.msk.s32 $0xffff, v6;
	_ =	sdelay $0x1  }
0x4cc: {  	v6, _, _ =	vpop (xrf0)  }
0x4cd: {  	(v2sf) =	vpush v60, $0xF;
	(xrf0) =	vadd.scan.msk.s32 $0xffff, v5;
	v8, _, _ =	vpop (xrf0)  }
0x4ce: {  	s28 =	spop (v2sf);
	(v2sf) =	vpush v7, $0xF;
	v61, _, _ =	vpop (xrf0)  }
0x4cf: {  	(v2sf) =	vpush v8, $0xF;
	v7, _, _ =	vpop (xrf0)  }
0x4d0: {  	(v2sf) =	vpush v61, $0xF;
	v8, _, _ =	vpop (xrf0)  }
0x4d1: {  	s30 =	spop (v2sf);
	(v2sf) =	vpush v8, $0xF;
	_ =	sdelay $0x1  }
0x4d2: {  	v8, _, _ =	vpop (xrf0)  }
0x4d3: {  	v6 =	vperm.xlane v6, v4;
	(v2sf) =	vpush v8, $0xF  }
0x4d4: {  	s0 =	sadd.s32 s0, s28  }
0x4d5: {  	s29 =	simm.s32 $0x80;
	v9 =	vperm.xlane v59, v4;
	v6 =	vadd.s32 s0, v6  }
0x4d6: {  	v62 =	vld [tilespmem:s29+$0x9000];
	vm0 =	vgt.s32 v6, $0x3F  }
0x4d7: {  	(xrf0) =	vadd.scan.msk.s32 $0xffff, v9;
	v6 =	vperm.xlane v7, v4;
	v7 =	vsel vm0, $0x1, v1  }
0x4d8: {  	(xrf0) =	vadd.scan.msk.s32 $0xffff, v7  }
0x4d9: {  	s1 =	sadd.s32 s0, s30  }
0x4da: {  	s31 =	simm.s32 $0x70;
	v63 =	vadd.s32 s1, v6  }
0x4db: {  	s2 =	simm.s32 $0x180;
	v5 =	vperm.xlane v5, v4;
	s0 =	spop (v2sf);
	v7 =	vperm.xlane v62, v4;
	v6 =	vld [tilespmem:s31+$0x9000];
	(xrf0) =	vadd.scan.msk.s32 $0xffff, v62;
	vm0 =	vgt.s32 v63, $0x3F  }
.LBB2_78:
0x4dc: {  	p0 =	sne.s32 s2, $0x0  }
0x4dd: {  	(xrf0) =	vadd.scan.msk.s32 $0xffff, v5;
	v8, _, _ =	vpop (xrf0);
	v9 =	vsel vm0, $0x1, v1;
	s20 =	sadd.s32 s20, s0;
	v5 =	vmov v7;
	s0 =	smov.u32 s2;
	s2 =	sadd.s32 $0xFFFFFFC0, s2  }
.Ltmp47:
0x4de: {  	(xrf0) =	vadd.scan.msk.s32 $0xffff, v9;
	v7, _, _ =	vpop (xrf0);
	(pc) =	sbr.rel @p0 .LBB2_78-.Ltmp47, $4  }
0x4df: {  	v8 =	vperm.xlane v8, v4;
	s3 =	spop (v2sf);
	(v2sf) =	vpush v7, $0xF  }
0x4e0: {  	s1 =	sadd.s32 s1, s3  }
0x4e1: {  	s0 =	sshra.s32 s0, $0x2;
	v7 =	vperm.xlane v6, v4;
	(xrf0) =	vadd.scan.msk.s32 $0xffff, v6;
	v9, _, _ =	vpop (xrf0);
	v8 =	vadd.s32 s1, v8  }
0x4e2: {  	v6 =	vld [tilespmem:s0+$0x9000];
	(v2sf) =	vpush v9, $0xF;
	vm0 =	vgt.s32 v8, $0x3F;
	s0 =	spop (v2sf)  }
0x4e3: {  	_ =	sdelay $0x1  }
0x4e4: {  	v8, _, _ =	vpop (xrf0)  }
0x4e5: {  	v9, _, _ =	vpop (xrf0)  }
0x4e6: {  	(v2sf) =	vpush v9, $0xF;
	v60, _, _ =	vpop (xrf0)  }
0x4e7: {  	(v2sf) =	vpush v60, $0xF;
	_ =	sdelay $0x1  }
0x4e8: {  	s2 =	spop (v2sf);
	v8 =	vperm.xlane v8, v4  }
0x4e9: {  	(xrf0) =	vadd.scan.msk.s32 $0xffff, v5;
	v5 =	vsel vm0, $0x1, v1;
	s1 =	sadd.s32 s1, s2  }
0x4ea: {  	(xrf0) =	vadd.scan.msk.s32 $0xffff, v5;
	v5 =	vadd.s32 s1, v8  }
0x4eb: {  	(xrf0) =	vadd.scan.msk.s32 $0xffff, v6;
	vm8 =	vgt.s32 v5, $0x3F;
	v5 =	vperm.xlane v6, v4  }
0x4ec: {  	(xrf0) =	vadd.scan.msk.s32 $0xffff, v7;
	v6 =	vsel vm8, $0x1, v1  }
0x4ed: {  	(xrf0) =	vadd.scan.msk.s32 $0xffff, v6  }
0x4ee: {  	(xrf0) =	vadd.scan.msk.s32 $0xffff, v5  }
0x4ef: {  	v5, _, _ =	vpop (xrf0)  }
0x4f0: {  	s30 =	spop (v2sf);
	v6, _, _ =	vpop (xrf0)  }
0x4f1: {  	s3 =	spop (v2sf);
	v7, _, _ =	vpop (xrf0)  }
0x4f2: {  	s4 =	spop (v2sf);
	v8, _, _ =	vpop (xrf0)  }
0x4f3: {  	v5 =	vperm.xlane v5, v4;
	v61, _, _ =	vpop (xrf0);
	s5 =	spop (v2sf)  }
0x4f4: {  	s1 =	sadd.s32 s1, s3;
	v8 =	vperm.xlane v8, v4;
	v10, _, _ =	vpop (xrf0);
	s31 =	spop (v2sf)  }
0x4f5: {  	v5 =	vadd.s32 s1, v5;
	v10 =	vperm.xlane v10, v4;
	s1 =	sadd.s32 s1, s5;
	s6 =	spop (v2sf)  }
0x4f6: {  	vm9 =	vgt.s32 v5, $0x3F;
	v8 =	vadd.s32 s1, v8;
	s1 =	sadd.s32 s1, s6  }
0x4f7: {  	v62 =	vsel vm9, $0x1, v1;
	vm10 =	vgt.s32 v8, $0x3F;
	v5 =	vadd.s32 s1, v10  }
0x4f8: {  	(xrf0) =	vadd.scan.msk.s32 $0xffff, v62;
	v8 =	vsel vm10, $0x1, v1;
	vm11 =	vgt.s32 v5, $0x3F  }
0x4f9: {  	(xrf0) =	vadd.scan.msk.s32 $0xffff, v8;
	v5 =	vsel vm11, $0x1, v1  }
0x4fa: {  	(xrf0) =	vadd.scan.msk.s32 $0xffff, v5;
	_ =	sdelay $0x1  }
0x4fb: {  	(v2sf) =	vpush v6, $0xF  }
0x4fc: {  	(v2sf) =	vpush v7, $0xF  }
0x4fd: {  	(v2sf) =	vpush v61, $0xF;
	v5, _, _ =	vpop (xrf0)  }
0x4fe: {  	(v2sf) =	vpush v5, $0xF;
	v5, _, _ =	vpop (xrf0)  }
0x4ff: {  	(v2sf) =	vpush v5, $0xF;
	v5, _, _ =	vpop (xrf0)  }
0x500: {  	(v2sf) =	vpush v5, $0xF;
	_ =	sdelay $0x7  }
0x501: {  	s0 =	sadd.s32 s20, s0  }
0x502: {  	s0 =	sadd.s32 s0, s30  }
0x503: {  	s0 =	sadd.s32 s0, s4;
	s18 =	spop (v2sf)  }
0x504: {  	s0 =	sadd.s32 s0, s31;
	s20 =	spop (v2sf)  }
0x505: {  	s0 =	sadd.s32 s0, s18;
	s21 =	spop (v2sf)  }
0x506: {  	s0 =	sadd.s32 s0, s21;
	s22 =	spop (v2sf)  }
0x507: {  	s2 =	simm.s32 $0x9000;
	s0 =	sadd.s32 s0, s22;
	s23 =	spop (v2sf)  }
0x508: {  	s25 =	simm.s32 $0x9010;
	v6 =	vld [tilespmem:s2+$0x0];
	s0 =	sadd.s32 s0, s23;
	s24 =	spop (v2sf)  }
0x509: {  	v7 =	vld [tilespmem:s25+$0x0];
	s0 =	sadd.s32 s0, s24  }
0x50a: {  	s20 =	sadd.s32 $0xFFFFFFFF, s0;
	s0 =	simm.s32 $0x0  }
0x50b: {  	s26 =	simm.s32 $0x10;
	v5 =	vmov s20;
	v8 =	vor.u32 s0, v0  }
0x50c: {  	vm12 =	vgt.s32 v8, v5;
	v8 =	vor.u32 s26, v0  }
0x50d: {  	v6 =	vnsel vm12, $0x0, v6;
	vm13 =	vgt.s32 v8, v5  }
0x50e: {  	(xrf0) =	vadd.scan.msk.s32 $0xffff, v6;
	v6 =	vnsel vm13, $0x0, v7  }
0x50f: {  	(xrf0) =	vadd.scan.msk.s32 $0xffff, v6  }
0x510: {  	s30 =	simm.s32 $0x20  }
0x511: {  	s31 =	simm.s32 $0x30;
	v8 =	vor.u32 s30, v0  }
0x512: {  	vm14 =	vgt.s32 v8, v5;
	v8 =	vor.u32 s31, v0  }
0x513: {  	s28 =	simm.s32 $0x9020  }
0x514: {  	v6 =	vld [tilespmem:s28+$0x0];
	v63, _, _ =	vpop (xrf0)  }
0x515: {  	vm15 =	vgt.s32 v8, v5;
	(v2sf) =	vpush v63, $0xF;
	v8, _, _ =	vpop (xrf0)  }
0x516: {  	(v2sf) =	vpush v8, $0xF;
	_ =	sdelay $0x2  }
0x517: {  	s29 =	simm.s32 $0x9030;
	v6 =	vnsel vm14, $0x0, v6  }
0x518: {  	v7 =	vld [tilespmem:s29+$0x0];
	(xrf0) =	vadd.scan.msk.s32 $0xffff, v6;
	_ =	sdelay $0x4  }
0x519: {  	s2 =	simm.s32 $0x9040;
	s1 =	simm.s32 $0x40;
	v6 =	vnsel vm15, $0x0, v7  }
.LBB2_80:
0x51a: {  	v7 =	vld [tilespmem:s2+$0x0];
	p0 =	sne.s32 s1, $0xF0;
	(xrf0) =	vadd.scan.msk.s32 $0xffff, v6;
	v6, _, _ =	vpop (xrf0);
	s3 =	smov.u32 s1;
	s1 =	sadd.s32 $0x10, s1  }
.Ltmp48:
0x51b: {  	(v2sf) =	vpush v6, $0xF;
	(pc) =	sbr.rel @p0 .LBB2_80-.Ltmp48, $4  }
0x51c: {  	_ = 	snop  }
0x51d: {  	v6 =	vor.u32 s3, v0  }
0x51e: {  	vm0 =	vgt.s32 v6, v5;
	s3 =	spop (v2sf)  }
0x51f: {  	s2 =	sadd.s32 $0x10, s2;
	v6 =	vnsel vm0, $0x0, v7;
	s0 =	sadd.s32 s0, s3  }
0x520: {  	s1 =	simm.s32 $0x80  }
0x521: {  	(xrf0) =	vadd.scan.msk.s32 $0xffff, v6;
	v6 =	vld [tilespmem:s1+$0x50]  }
0x522: {  	v8 =	vld [tilespmem:s1+$0x60]  }
0x523: {  	v10 =	vld [tilespmem:s1+$0x40]  }
0x524: {  	v7 =	vld [tilespmem:s1+$0x10]  }
0x525: {  	v16 =	vld [tilespmem:s1+$0xFFFFFFF0]  }
0x526: {  	v21 =	vld [tilespmem:s1+$0xFFFFFFB0]  }
0x527: {  	v11, _, _ =	vpop (xrf0)  }
0x528: {  	v9 =	vld [tilespmem:s1+$0xFFFFFFE0];
	(v2sf) =	vpush v11, $0xF;
	v12 =	vshrl.u32 v6, $0x10  }
0x529: {  	v15 =	vshrl.u32 v8, $0x18;
	v8 =	vshrl.u32 v8, $0x10;
	v17 =	vshrl.u32 v10, $0x18  }
0x52a: {  	v13 =	vld [tilespmem:s1+$0x30];
	v10 =	vshrl.u32 v10, $0x10;
	v19 =	vshrl.u32 v7, $0x10;
	v22 =	vshrl.u32 v16, $0x18  }
0x52b: {  	v14 =	vld [tilespmem:s1+$0x0];
	v11, _, _ =	vpop (xrf0);
	v63 =	vshrl.u32 v16, $0x10;
	v26 =	vshrl.u32 v21, $0x10;
	v21 =	vshrl.u32 v21, $0x18  }
0x52c: {  	(v2sf) =	vpush v11, $0xF;
	v11 =	vshrl.u32 v6, $0x18;
	v12 =	vand.u32 $0xFF, v12  }
0x52d: {  	v6 =	vshrl.u32 v9, $0x18;
	v18 =	vand.u32 $0xFF, v8;
	v8 =	vld [tilespmem:s1+$0xFFFFFFC0];
	vm3 =	veq.s32 v17, v5  }
0x52e: {  	v10 =	vand.u32 $0xFF, v10;
	vm4 =	veq.s32 v15, v5;
	vm2 =	veq.s32 v11, v5;
	v11 =	vld [tilespmem:s1+$0xFFFFFFD0]  }
0x52f: {  	v15 =	vshrl.u32 v13, $0x18;
	vm5 =	veq.s32 v22, v5;
	v17 =	vor.u32 v2, v12;
	v12 =	vld [tilespmem:s1+$0x20]  }
0x530: {  	v20 =	vor.u32 v2, v10;
	v18 =	vor.u32 v2, v18;
	v10 =	vshrl.u32 v14, $0x18  }
0x531: {  	vm7 =	veq.s32 v15, v5;
	v15 =	vld [tilespmem:s1+$0xFFFFFFA0];
	vm0 =	veq.s32 v10, v5;
	v10 =	vshrl.u32 v13, $0x10  }
0x532: {  	v9 =	vshrl.u32 v9, $0x10;
	v19 =	vand.u32 $0xFF, v19;
	v13 =	vld [tilespmem:s1+$0xFFFFFF90];
	v10 =	vand.u32 $0xFF, v10  }
0x533: {  	v14 =	vshrl.u32 v14, $0x10;
	v23 =	vor.u32 v2, v10;
	v10 =	vshrl.u32 v8, $0x18  }
0x534: {  	s22 =	simm.s32 $0x8000;
	v16 =	vshrl.u32 v11, $0x18;
	v11 =	vshrl.u32 v11, $0x10;
	v24 =	vshrl.u32 v12, $0x18  }
0x535: {  	[tilespmem:v18+s22+$0x0] =	vst.idx.add.s32.msk vm4, v3;
	vm4 =	veq.s32 v21, v5;
	v25 =	vand.u32 $0xFF, v11;
	v11 =	vshrl.u32 v12, $0x10  }
0x536: {  	vm1 =	veq.s32 v16, v5;
	vm6 =	veq.s32 v24, v5;
	v11 =	vand.u32 $0xFF, v11  }
0x537: {  	[tilespmem:v20+s22+$0x0] =	vst.idx.add.s32.msk vm3, v3;
	v12 =	vshrl.u32 v15, $0x10;
	v16 =	vshrl.u32 v13, $0x18;
	v20 =	vor.u32 v2, v11  }
0x538: {  	s2 =	spop (v2sf);
	v18 =	vld [tilespmem:s1+$0x70];
	v13 =	vshrl.u32 v13, $0x10;
	vm3 =	veq.s32 v16, v5;
	v16 =	vand.u32 $0xFF, v12  }
0x539: {  	s0 =	sadd.s32 s0, s2;
	s29 =	spop (v2sf);
	[tilespmem:v17+s22+$0x0] =	vst.idx.add.s32.msk vm2, v3;
	v11 =	vand.u32 $0xFF, v13;
	v13 =	vshrl.u32 v15, $0x18;
	v15 =	vand.u32 $0xFF, v9  }
0x53a: {  	s0 =	sadd.s32 s0, s29;
	[tilespmem:v23+s22+$0x0] =	vst.idx.add.s32.msk vm7, v3;
	v9 =	vor.u32 v2, v16;
	s30 =	spop (v2sf);
	v12 =	vor.u32 v2, v11;
	v11 =	vand.u32 $0xFF, v14  }
0x53b: {  	v16 =	vld [tilespmem:s1+$0xFFFFFF80];
	vm2 =	veq.s32 v13, v5;
	v14 =	vand.u32 $0xFF, v26;
	s0 =	sadd.s32 s0, s30;
	v13 =	vor.u32 v2, v11;
	s31 =	spop (v2sf)  }
0x53c: {  	s23 =	simm.s32 $0x180;
	v17 =	vand.u32 $0xFF, v63;
	v11 =	vor.u32 v2, v14;
	v14 =	vor.u32 v2, v25;
	[tilespmem:v20+s22+$0x0] =	vst.idx.add.s32.msk vm6, v3;
	s21 =	sadd.s32 s0, s31;
	s0 =	simm.s32 $0x0  }
.LBB2_82:
0x53d: {  	v20 =	vld [tilespmem:s23+$0x40];
	s0 =	sadd.s32 $0x10, s0;
	v8 =	vshrl.u32 v8, $0x10;
	v17 =	vor.u32 v2, v17;
	v19 =	vor.u32 v2, v19  }
0x53e: {  	v15 =	vor.u32 v2, v15;
	v22 =	vshrl.u32 v7, $0x18;
	v21 =	vld [tilespmem:s23+$0xFFFFFF90];
	p0 =	slt.u32 s0, $0x1F0;
	v8 =	vand.u32 $0xFF, v8  }
0x53f: {  	vm6 =	vmmov vm5;
	v23 =	vld [tilespmem:s23+$0xFFFFFFB0]  }
0x540: {  	v24 =	vor.u32 v2, v8;
	v7 =	vld [tilespmem:s23+$0x50];
	v8 =	vshrl.u32 v18, $0x18;
	v18 =	vshrl.u32 v18, $0x10  }
0x541: {  	v26 =	vshrl.u32 v16, $0x18;
	v16 =	vshrl.u32 v16, $0x10;
	v25 =	vld [tilespmem:s23+$0xFFFFFFA0];
	vm8 =	veq.s32 v8, v5  }
0x542: {  	vm7 =	veq.s32 v26, v5;
	v16 =	vand.u32 $0xFF, v16;
	v18 =	vand.u32 $0xFF, v18;
	v27 =	vld [tilespmem:s23+$0xFFFFFFE0]  }
0x543: {  	v16 =	vor.u32 v2, v16;
	v18 =	vor.u32 v2, v18;
	v8 =	vld [tilespmem:s23+$0xFFFFFFC0]  }
0x544: {  	v26 =	vld [tilespmem:s23+$0xFFFFFFD0]  }
0x545: {  	v28 =	vshrl.u32 v7, $0x18;
	v29 =	vshrl.u32 v7, $0x10;
	v30 =	vld [tilespmem:s23+$0x60]  }
0x546: {  	v7 =	vld [tilespmem:s23+$0x10];
	v29 =	vand.u32 $0xFF, v29  }
0x547: {  	v31 =	vshrl.u32 v27, $0x18;
	v32 =	vld [tilespmem:s23+$0x0]  }
0x548: {  	v33 =	vld [tilespmem:s23+$0xFFFFFFF0]  }
0x549: {  	vm5 =	veq.s32 v6, v5;
	vm12 =	veq.s32 v22, v5;
	v6 =	vmov v31;
	v34 =	vld [tilespmem:s23+$0x30]  }
0x54a: {  	vm10 =	veq.s32 v10, v5;
	v22 =	vshrl.u32 v30, $0x18;
	v30 =	vshrl.u32 v30, $0x10;
	[tilespmem:v18+s22+$0x0] =	vst.idx.add.s32.msk vm8, v3  }
0x54b: {  	v10 =	vshrl.u32 v20, $0x18;
	v18 =	vshrl.u32 v20, $0x10;
	v20 =	vand.u32 $0xFF, v30;
	[tilespmem:v16+s22+$0x0] =	vst.idx.add.s32.msk vm7, v3  }
0x54c: {  	vm8 =	veq.s32 v10, v5;
	v30 =	vshrl.u32 v7, $0x10;
	vm7 =	veq.s32 v28, v5;
	v16 =	vld [tilespmem:s23+$0x20]  }
0x54d: {  	v10 =	vand.u32 $0xFF, v18;
	v18 =	vor.u32 v2, v29;
	vm9 =	veq.s32 v22, v5;
	[tilespmem:v12+s22+$0x0] =	vst.idx.add.s32.msk vm3, v3  }
0x54e: {  	v22 =	vor.u32 v2, v10;
	v20 =	vor.u32 v2, v20;
	v12 =	vshrl.u32 v34, $0x18;
	[tilespmem:v13+s22+$0x0] =	vst.idx.add.s32.msk vm0, v3  }
0x54f: {  	v10 =	vshrl.u32 v32, $0x18;
	v13 =	vshrl.u32 v32, $0x10;
	vm11 =	veq.s32 v12, v5;
	[tilespmem:v19+s22+$0x0] =	vst.idx.add.s32.msk vm12, v3  }
0x550: {  	vm0 =	veq.s32 v10, v5;
	v10 =	vshrl.u32 v34, $0x10;
	v12 =	vshrl.u32 v33, $0x18;
	[tilespmem:v15+s22+$0x0] =	vst.idx.add.s32.msk vm5, v3  }
0x551: {  	v19 =	vshrl.u32 v33, $0x10;
	v10 =	vand.u32 $0xFF, v10;
	vm5 =	veq.s32 v12, v5;
	[tilespmem:v14+s22+$0x0] =	vst.idx.add.s32.msk vm1, v3  }
0x552: {  	v12 =	vshrl.u32 v26, $0x18;
	v14 =	vshrl.u32 v26, $0x10;
	v26 =	vor.u32 v2, v10;
	[tilespmem:v17+s22+$0x0] =	vst.idx.add.s32.msk vm6, v3  }
0x553: {  	v15 =	vshrl.u32 v27, $0x10;
	v10 =	vshrl.u32 v8, $0x18;
	v17 =	vshrl.u32 v16, $0x18;
	[tilespmem:v24+s22+$0x0] =	vst.idx.add.s32.msk vm10, v3  }
0x554: {  	vm1 =	veq.s32 v12, v5;
	v12 =	vshrl.u32 v16, $0x10;
	v14 =	vand.u32 $0xFF, v14;
	[tilespmem:v9+s22+$0x0] =	vst.idx.add.s32.msk vm2, v3  }
0x555: {  	v24 =	vshrl.u32 v23, $0x10;
	vm6 =	veq.s32 v17, v5;
	v9 =	vshrl.u32 v25, $0x10;
	[tilespmem:v11+s22+$0x0] =	vst.idx.add.s32.msk vm4, v3  }
0x556: {  	v16 =	vshrl.u32 v21, $0x10;
	v12 =	vand.u32 $0xFF, v12;
	v11 =	vshrl.u32 v21, $0x18;
	[tilespmem:v22+s22+$0x0] =	vst.idx.add.s32.msk vm8, v3  }
0x557: {  	v9 =	vand.u32 $0xFF, v9;
	v21 =	vor.u32 v2, v12;
	vm3 =	veq.s32 v11, v5;
	[tilespmem:v20+s22+$0x0] =	vst.idx.add.s32.msk vm9, v3  }
.Ltmp49:
0x558: {  	v15 =	vand.u32 $0xFF, v15;
	v17 =	vshrl.u32 v25, $0x18;
	v11 =	vand.u32 $0xFF, v16;
	[tilespmem:v26+s22+$0x0] =	vst.idx.add.s32.msk vm11, v3;
	(pc) =	sbr.rel @p0 .LBB2_82-.Ltmp49, $4  }
0x559: {  	v9 =	vor.u32 v2, v9;
	v12 =	vor.u32 v2, v11;
	v11 =	vand.u32 $0xFF, v13;
	[tilespmem:v18+s22+$0x0] =	vst.idx.add.s32.msk vm7, v3  }
0x55a: {  	vm2 =	veq.s32 v17, v5;
	v17 =	vand.u32 $0xFF, v24;
	v13 =	vor.u32 v2, v11;
	v16 =	vld [tilespmem:s23+$0xFFFFFF80]  }
0x55b: {  	v20 =	vshrl.u32 v23, $0x18;
	v11 =	vor.u32 v2, v17;
	v17 =	vand.u32 $0xFF, v19;
	v18 =	vld [tilespmem:s23+$0x70]  }
0x55c: {  	v14 =	vor.u32 v2, v14;
	vm4 =	veq.s32 v20, v5;
	v19 =	vand.u32 $0xFF, v30;
	s23 =	sadd.s32 $0x100, s23;
	[tilespmem:v21+s22+$0x0] =	vst.idx.add.s32.msk vm6, v3  }
0x55d: {  	_ =	sdelay $0x2  }
0x55e: {  	v7 =	vshrl.u32 v7, $0x18;
	vm9 =	veq.s32 v6, v5  }
0x55f: {  	v6 =	vor.u32 v2, v15;
	v8 =	vshrl.u32 v8, $0x10;
	v55 =	vor.u32 v2, v17  }
0x560: {  	vm5 =	vmmov vm5;
	vm15 =	veq.s32 v10, v5;
	[tilespmem:v12+s22+$0x0] =	vst.idx.add.s32.msk vm3, v3;
	vm8 =	veq.s32 v7, v5  }
0x561: {  	[tilespmem:v13+s22+$0x0] =	vst.idx.add.s32.msk vm0, v3;
	v7 =	vor.u32 v2, v19;
	v21 =	vshrl.u32 v16, $0x18;
	v54 =	vshrl.u32 v16, $0x10  }
0x562: {  	[tilespmem:v14+s22+$0x0] =	vst.idx.add.s32.msk vm1, v3;
	v8 =	vand.u32 $0xFF, v8;
	vm7 =	veq.s32 v21, v5;
	v16 =	vand.u32 $0xFF, v54  }
0x563: {  	[tilespmem:v9+s22+$0x0] =	vst.idx.add.s32.msk vm2, v3;
	v20 =	vshrl.u32 v18, $0x18;
	v53 =	vshrl.u32 v18, $0x10;
	v16 =	vor.u32 v2, v16  }
0x564: {  	[tilespmem:v11+s22+$0x0] =	vst.idx.add.s32.msk vm4, v3;
	vm6 =	veq.s32 v20, v5;
	v18 =	vand.u32 $0xFF, v53;
	v5 =	vor.u32 v2, v8  }
0x565: {  	v18 =	vor.u32 v2, v18;
	[tilespmem:v6+s22+$0x0] =	vst.idx.add.s32.msk vm9, v3  }
0x566: {  	[tilespmem:v55+s22+$0x0] =	vst.idx.add.s32.msk vm5, v3  }
0x567: {  	[tilespmem:v7+s22+$0x0] =	vst.idx.add.s32.msk vm8, v3  }
0x568: {  	[tilespmem:v16+s22+$0x0] =	vst.idx.add.s32.msk vm7, v3  }
0x569: {  	[tilespmem:v5+s22+$0x0] =	vst.idx.add.s32.msk vm15, v3  }
0x56a: {  	[tilespmem:v18+s22+$0x0] =	vst.idx.add.s32.msk vm6, v3  }
0x56b: {  	s0 =	simm.s32 $0x0;
	s30 =	simm.s32 $0x8010;
	v5 =	vld [tilespmem:s22+$0x0]  }
0x56c: {  	s1 =	sand.u32 $0xF0, s0;
	[tilespmem:s22+$0x0] =	vst v1;
	v15 =	vld [tilespmem:s30+$0x0]  }
0x56d: {  	v6 =	vld [tilespmem:s1+$0x8100]  }
0x56e: {  	v7 =	vld [tilespmem:s1+$0x8200]  }
0x56f: {  	v8 =	vld [tilespmem:s1+$0x8300]  }
0x570: {  	[tilespmem:s30+$0x0] =	vst v1;
	v9 =	vld [tilespmem:s1+$0x8400]  }
0x571: {  	v10 =	vld [tilespmem:s1+$0x8500];
	[tilespmem:s1+$0x8500] =	vst v1  }
0x572: {  	v11 =	vld [tilespmem:s1+$0x8600];
	[tilespmem:s1+$0x8600] =	vst v1  }
0x573: {  	v12 =	vld [tilespmem:s1+$0x8700];
	[tilespmem:s1+$0x8700] =	vst v1  }
0x574: {  	v13 =	vld [tilespmem:s1+$0x8800];
	[tilespmem:s1+$0x8800] =	vst v1  }
0x575: {  	s2 =	simm.s32 $0x10;
	v14 =	vld [tilespmem:s1+$0x8900];
	[tilespmem:s1+$0x8900] =	vst v1  }
0x576: {  	s0 =	sand.u32 $0xF0, s2;
	v16 =	vld [tilespmem:s1+$0x8A00];
	[tilespmem:s1+$0x8A00] =	vst v1  }
0x577: {  	v59 =	vld [tilespmem:s0+$0x8500];
	[tilespmem:s0+$0x8500] =	vst v1  }
0x578: {  	v22 =	vld [tilespmem:s1+$0x8B00];
	[tilespmem:s1+$0x8B00] =	vst v1  }
0x579: {  	v23 =	vld [tilespmem:s0+$0x8600];
	[tilespmem:s0+$0x8600] =	vst v1  }
0x57a: {  	v24 =	vld [tilespmem:s1+$0x8C00];
	[tilespmem:s1+$0x8C00] =	vst v1  }
0x57b: {  	v25 =	vld [tilespmem:s0+$0x8700];
	[tilespmem:s0+$0x8700] =	vst v1  }
0x57c: {  	v56 =	vld [tilespmem:s0+$0x8100];
	[tilespmem:s1+$0x8400] =	vst v1  }
0x57d: {  	v18 =	vld [tilespmem:s0+$0x8200];
	[tilespmem:s1+$0x8300] =	vst v1;
	v5 =	vadd.s32 v5, v6  }
0x57e: {  	v57 =	vld [tilespmem:s0+$0x8300];
	[tilespmem:s1+$0x8200] =	vst v1;
	v5 =	vadd.s32 v7, v5  }
0x57f: {  	v58 =	vld [tilespmem:s0+$0x8400];
	[tilespmem:s1+$0x8100] =	vst v1;
	v5 =	vadd.s32 v8, v5  }
0x580: {  	v61 =	vld [tilespmem:s0+$0x8C00];
	[tilespmem:s0+$0x8C00] =	vst v1;
	v5 =	vadd.s32 v9, v5  }
0x581: {  	v60 =	vld [tilespmem:s1+$0x8E00];
	[tilespmem:s0+$0x8400] =	vst v1;
	v5 =	vadd.s32 v10, v5  }
0x582: {  	v62 =	vld [tilespmem:s1+$0x8F00];
	[tilespmem:s1+$0x8E00] =	vst v1;
	v10 =	vadd.s32 v15, v56;
	v5 =	vadd.s32 v11, v5  }
0x583: {  	[tilespmem:s0+$0x8300] =	vst v1;
	v6 =	vld [tilespmem:s0+$0x8800];
	v10 =	vadd.s32 v18, v10;
	v5 =	vadd.s32 v12, v5  }
0x584: {  	[tilespmem:s1+$0x8F00] =	vst v1;
	v9 =	vld [tilespmem:s1+$0x8D00];
	v10 =	vadd.s32 v57, v10;
	v5 =	vadd.s32 v13, v5  }
0x585: {  	[tilespmem:s0+$0x8200] =	vst v1;
	v7 =	vld [tilespmem:s0+$0x8900];
	v10 =	vadd.s32 v58, v10;
	v5 =	vadd.s32 v14, v5  }
0x586: {  	[tilespmem:s0+$0x8100] =	vst v1;
	v8 =	vld [tilespmem:s0+$0x8A00];
	v10 =	vadd.s32 v59, v10;
	v5 =	vadd.s32 v16, v5  }
0x587: {  	[tilespmem:s0+$0x8800] =	vst v1;
	v11 =	vld [tilespmem:s0+$0x8B00];
	v10 =	vadd.s32 v23, v10;
	v5 =	vadd.s32 v22, v5  }
0x588: {  	[tilespmem:s0+$0x8900] =	vst v1;
	v10 =	vadd.s32 v25, v10;
	v63 =	vadd.s32 v24, v5  }
0x589: {  	[tilespmem:s0+$0x8A00] =	vst v1;
	v5 =	vld [tilespmem:s0+$0x8D00];
	v10 =	vadd.s32 v6, v10;
	v9 =	vadd.s32 v9, v63  }
0x58a: {  	[tilespmem:s1+$0x8D00] =	vst v1;
	v6 =	vld [tilespmem:s0+$0x8E00];
	v7 =	vadd.s32 v7, v10;
	v9 =	vadd.s32 v60, v9  }
0x58b: {  	s1 =	simm.s32 $0x9000;
	[tilespmem:s0+$0x8B00] =	vst v1;
	v8 =	vadd.s32 v8, v7;
	v7 =	vld [tilespmem:s0+$0x8F00];
	v9 =	vadd.s32 v62, v9  }
0x58c: {  	s18 =	simm.s32 $0x8020;
	s31 =	simm.s32 $0x20;
	[tilespmem:s1+$0x0] =	vst v9;
	v9 =	vadd.s32 v11, v8  }
0x58d: {  	s23 =	simm.s32 $0x30;
	s22 =	sand.u32 $0xF0, s31;
	v8 =	vld [tilespmem:s18+$0x0];
	[tilespmem:s18+$0x0] =	vst v1;
	v9 =	vadd.s32 v61, v9  }
.LBB2_84:
0x58e: {  	p0 =	sne.s32 s23, $0xF0;
	v10 =	vld [tilespmem:s22+$0x8100];
	v5 =	vadd.s32 v5, v9;
	[tilespmem:s0+$0x8D00] =	vst v1  }
0x58f: {  	v9 =	vld [tilespmem:s22+$0x8200];
	v5 =	vadd.s32 v6, v5;
	[tilespmem:s0+$0x8E00] =	vst v1  }
0x590: {  	s1 =	sadd.s32 $0x10, s1;
	v6 =	vld [tilespmem:s22+$0x8300];
	v5 =	vadd.s32 v7, v5;
	[tilespmem:s0+$0x8F00] =	vst v1;
	s0 =	smov.u32 s22  }
0x591: {  	v7 =	vld [tilespmem:s0+$0x8400];
	[tilespmem:s1+$0x0] =	vst v5  }
0x592: {  	v5 =	vld [tilespmem:s0+$0x8500];
	[tilespmem:s0+$0x8500] =	vst v1  }
0x593: {  	v8 =	vadd.s32 v8, v10;
	v10 =	vld [tilespmem:s0+$0x8600];
	[tilespmem:s0+$0x8600] =	vst v1  }
0x594: {  	v8 =	vadd.s32 v9, v8;
	v9 =	vld [tilespmem:s0+$0x8700];
	[tilespmem:s0+$0x8700] =	vst v1  }
0x595: {  	v6 =	vadd.s32 v6, v8;
	v8 =	vld [tilespmem:s0+$0x8800];
	[tilespmem:s0+$0x8800] =	vst v1  }
0x596: {  	v6 =	vadd.s32 v7, v6;
	v7 =	vld [tilespmem:s0+$0x8900];
	[tilespmem:s0+$0x8900] =	vst v1  }
0x597: {  	v5 =	vadd.s32 v5, v6;
	v11 =	vld [tilespmem:s0+$0x8A00];
	[tilespmem:s0+$0x8A00] =	vst v1  }
0x598: {  	v5 =	vadd.s32 v10, v5;
	v10 =	vld [tilespmem:s0+$0x8B00];
	[tilespmem:s0+$0x8B00] =	vst v1  }
0x599: {  	v5 =	vadd.s32 v9, v5;
	v9 =	vld [tilespmem:s0+$0x8C00];
	[tilespmem:s0+$0x8C00] =	vst v1  }
.Ltmp50:
0x59a: {  	[tilespmem:s0+$0x8400] =	vst v1;
	v6 =	vadd.s32 v8, v5;
	v5 =	vld [tilespmem:s0+$0x8D00];
	(pc) =	sbr.rel @p0 .LBB2_84-.Ltmp50, $4  }
0x59b: {  	[tilespmem:s0+$0x8300] =	vst v1;
	v7 =	vadd.s32 v7, v6;
	v6 =	vld [tilespmem:s0+$0x8E00]  }
0x59c: {  	[tilespmem:s0+$0x8200] =	vst v1;
	v8 =	vadd.s32 v11, v7;
	v7 =	vld [tilespmem:s0+$0x8F00]  }
0x59d: {  	s18 =	sadd.s32 $0x10, s18;
	[tilespmem:s0+$0x8100] =	vst v1;
	v10 =	vadd.s32 v10, v8  }
0x59e: {  	s22 =	sand.u32 $0xF0, s23;
	s23 =	sadd.s32 $0x10, s23;
	v8 =	vld [tilespmem:s18+$0x0];
	[tilespmem:s18+$0x0] =	vst v1;
	v9 =	vadd.s32 v9, v10  }
0x59f: {  	v10 =	vld [tilespmem:s22+$0x8100]  }
0x5a0: {  	v11 =	vld [tilespmem:s22+$0x8200]  }
0x5a1: {  	v12 =	vld [tilespmem:s22+$0x8300]  }
0x5a2: {  	v13 =	vld [tilespmem:s22+$0x8400]  }
0x5a3: {  	v14 =	vld [tilespmem:s22+$0x8500];
	[tilespmem:s22+$0x8500] =	vst v1  }
0x5a4: {  	v15 =	vld [tilespmem:s22+$0x8600];
	[tilespmem:s22+$0x8600] =	vst v1  }
0x5a5: {  	v16 =	vld [tilespmem:s22+$0x8700];
	[tilespmem:s22+$0x8700] =	vst v1  }
0x5a6: {  	v17 =	vld [tilespmem:s22+$0x8800];
	[tilespmem:s22+$0x8800] =	vst v1  }
0x5a7: {  	v18 =	vld [tilespmem:s22+$0x8900];
	[tilespmem:s22+$0x8900] =	vst v1;
	v8 =	vadd.s32 v8, v10  }
0x5a8: {  	v19 =	vld [tilespmem:s22+$0x8A00];
	[tilespmem:s22+$0x8A00] =	vst v1;
	v8 =	vadd.s32 v11, v8  }
0x5a9: {  	[tilespmem:s22+$0x8400] =	vst v1;
	v8 =	vadd.s32 v12, v8  }
0x5aa: {  	[tilespmem:s0+$0x8D00] =	vst v1;
	v8 =	vadd.s32 v13, v8  }
0x5ab: {  	[tilespmem:s22+$0x8300] =	vst v1;
	v8 =	vadd.s32 v14, v8  }
0x5ac: {  	[tilespmem:s0+$0x8E00] =	vst v1;
	v10 =	vld [tilespmem:s22+$0x8B00];
	v8 =	vadd.s32 v15, v8  }
0x5ad: {  	[tilespmem:s22+$0x8200] =	vst v1;
	v11 =	vld [tilespmem:s22+$0x8C00];
	v8 =	vadd.s32 v16, v8  }
0x5ae: {  	v62 =	vld [tilespmem:s22+$0x8D00];
	v5 =	vadd.s32 v5, v9;
	[tilespmem:s0+$0x8F00] =	vst v1;
	v8 =	vadd.s32 v17, v8  }
0x5af: {  	v9 =	vld [tilespmem:s22+$0x8E00];
	[tilespmem:s22+$0x8100] =	vst v1;
	v5 =	vadd.s32 v6, v5;
	v6 =	vadd.s32 v18, v8  }
0x5b0: {  	s4 =	sadd.s32 $0x10, s1;
	[tilespmem:s22+$0x8D00] =	vst v1;
	v5 =	vadd.s32 v7, v5;
	v7 =	vld [tilespmem:s22+$0x8F00];
	v6 =	vadd.s32 v19, v6  }
0x5b1: {  	[tilespmem:s4+$0x0] =	vst v5;
	v5 =	vadd.s32 v10, v6  }
0x5b2: {  	[tilespmem:s22+$0x8E00] =	vst v1;
	v5 =	vadd.s32 v11, v5  }
0x5b3: {  	[tilespmem:s22+$0x8F00] =	vst v1;
	v5 =	vadd.s32 v62, v5  }
0x5b4: {  	[tilespmem:s22+$0x8B00] =	vst v1;
	v5 =	vadd.s32 v9, v5  }
0x5b5: {  	s0 =	sadd.s32 $0x10, s4;
	[tilespmem:s22+$0x8C00] =	vst v1;
	v5 =	vadd.s32 v7, v5  }
0x5b6: {  	s5 =	simm.s32 $0xF0;
	[tilespmem:s0+$0x0] =	vst v5  }
0x5b7: {  	v5 =	vld [tilespmem:s5+$0x9000];
	_ =	sdelay $0x1  }
0x5b8: {  	s6 =	simm.s32 $0xE0  }
0x5b9: {  	v6 =	vld [tilespmem:s6+$0x9000];
	_ =	sdelay $0x1  }
0x5ba: {  	(xrf0) =	vadd.scan.msk.s32 $0xffff, v5;
	_ =	sdelay $0x1  }
0x5bb: {  	v5 =	vperm.xlane v5, v4  }
0x5bc: {  	(xrf0) =	vadd.scan.msk.s32 $0xffff, v6;
	_ =	sdelay $0x2  }
0x5bd: {  	s18 =	simm.s32 $0xD0;
	(xrf0) =	vadd.scan.msk.s32 $0xffff, v5;
	v5, _, _ =	vpop (xrf0)  }
0x5be: {  	v7 =	vld [tilespmem:s18+$0x9000];
	(v2sf) =	vpush v5, $0xF;
	_ =	sdelay $0x1  }
0x5bf: {  	s22 =	simm.s32 $0xC0;
	v5, _, _ =	vpop (xrf0)  }
0x5c0: {  	v8 =	vld [tilespmem:s22+$0x9000];
	(v2sf) =	vpush v5, $0xF;
	_ =	sdelay $0x1  }
0x5c1: {  	v6 =	vperm.xlane v6, v4;
	(xrf0) =	vadd.scan.msk.s32 $0xffff, v7;
	v5, _, _ =	vpop (xrf0)  }
0x5c2: {  	v9 =	vperm.xlane v5, v4  }
0x5c3: {  	s23 =	ssub.s32 $0x40, s21;
	s0 =	simm.s32 $0x0;
	(xrf0) =	vadd.scan.msk.s32 $0xffff, v6  }
0x5c4: {  	v6 =	vperm.xlane v7, v4;
	(xrf0) =	vadd.scan.msk.s32 $0xffff, v8;
	v5 =	vmov s23;
	v7 =	vadd.s32 s0, v9  }
0x5c5: {  	vm0 =	vge.s32 v7, v5  }
0x5c6: {  	(xrf0) =	vadd.scan.msk.s32 $0xffff, v6;
	v6 =	vsel vm0, $0x1, v1  }
0x5c7: {  	s24 =	simm.s32 $0xB0;
	v7, _, _ =	vpop (xrf0)  }
0x5c8: {  	(v2sf) =	vpush v7, $0xF;
	v7 =	vld [tilespmem:s24+$0x9000]  }
0x5c9: {  	(xrf0) =	vadd.scan.msk.s32 $0xffff, v6;
	v6, _, _ =	vpop (xrf0)  }
0x5ca: {  	v9, _, _ =	vpop (xrf0)  }
0x5cb: {  	s2 =	simm.s32 $0xA0;
	v6 =	vperm.xlane v6, v4;
	(v2sf) =	vpush v9, $0xF;
	s25 =	spop (v2sf)  }
0x5cc: {  	v10 =	vld [tilespmem:s2+$0x9000];
	v8 =	vperm.xlane v8, v4;
	s1 =	sadd.s32 $0x0, s25  }
0x5cd: {  	v9, _, _ =	vpop (xrf0);
	(xrf0) =	vadd.scan.msk.s32 $0xffff, v7;
	v6 =	vadd.s32 s1, v6  }
0x5ce: {  	(xrf0) =	vadd.scan.msk.s32 $0xffff, v8;
	v8 =	vperm.xlane v9, v4;
	s26 =	spop (v2sf);
	vm0 =	vge.s32 v6, v5  }
0x5cf: {  	s1 =	sadd.s32 s1, s26;
	v6 =	vsel vm0, $0x1, v1  }
0x5d0: {  	s3 =	simm.s32 $0x90;
	v7 =	vperm.xlane v7, v4;
	v8 =	vadd.s32 s1, v8;
	(xrf0) =	vadd.scan.msk.s32 $0xffff, v6  }
0x5d1: {  	vm0 =	vge.s32 v8, v5;
	v6 =	vld [tilespmem:s3+$0x9000];
	(xrf0) =	vadd.scan.msk.s32 $0xffff, v10  }
0x5d2: {  	v11, _, _ =	vpop (xrf0);
	(xrf0) =	vadd.scan.msk.s32 $0xffff, v7;
	v7 =	vsel vm0, $0x1, v1  }
0x5d3: {  	v8, _, _ =	vpop (xrf0);
	(xrf0) =	vadd.scan.msk.s32 $0xffff, v7;
	_ =	sdelay $0x1  }
0x5d4: {  	v7, _, _ =	vpop (xrf0)  }
0x5d5: {  	(v2sf) =	vpush v11, $0xF;
	(xrf0) =	vadd.scan.msk.s32 $0xffff, v6;
	v9, _, _ =	vpop (xrf0)  }
0x5d6: {  	s28 =	spop (v2sf);
	(v2sf) =	vpush v8, $0xF;
	v11, _, _ =	vpop (xrf0)  }
0x5d7: {  	(v2sf) =	vpush v9, $0xF;
	v8, _, _ =	vpop (xrf0)  }
0x5d8: {  	(v2sf) =	vpush v11, $0xF;
	v9, _, _ =	vpop (xrf0)  }
0x5d9: {  	s30 =	spop (v2sf);
	(v2sf) =	vpush v9, $0xF;
	_ =	sdelay $0x1  }
0x5da: {  	v9, _, _ =	vpop (xrf0)  }
0x5db: {  	v7 =	vperm.xlane v7, v4;
	(v2sf) =	vpush v9, $0xF  }
0x5dc: {  	s1 =	sadd.s32 s1, s28  }
0x5dd: {  	s29 =	simm.s32 $0x80;
	v10 =	vperm.xlane v10, v4;
	v7 =	vadd.s32 s1, v7  }
0x5de: {  	v63 =	vld [tilespmem:s29+$0x9000];
	vm0 =	vge.s32 v7, v5  }
0x5df: {  	(xrf0) =	vadd.scan.msk.s32 $0xffff, v10;
	v7 =	vperm.xlane v8, v4;
	v8 =	vsel vm0, $0x1, v1  }
0x5e0: {  	(xrf0) =	vadd.scan.msk.s32 $0xffff, v8  }
0x5e1: {  	s2 =	sadd.s32 s1, s30  }
0x5e2: {  	s31 =	simm.s32 $0x70;
	v10 =	vadd.s32 s2, v7  }
0x5e3: {  	s3 =	simm.s32 $0x180;
	v6 =	vperm.xlane v6, v4;
	s1 =	spop (v2sf);
	v8 =	vperm.xlane v63, v4;
	v7 =	vld [tilespmem:s31+$0x9000];
	(xrf0) =	vadd.scan.msk.s32 $0xffff, v63;
	vm0 =	vge.s32 v10, v5  }
.LBB2_86:
0x5e4: {  	p0 =	sne.s32 s3, $0x0  }
0x5e5: {  	(xrf0) =	vadd.scan.msk.s32 $0xffff, v6;
	v9, _, _ =	vpop (xrf0);
	v10 =	vsel vm0, $0x1, v1;
	s0 =	sadd.s32 s0, s1;
	v6 =	vmov v8;
	s1 =	smov.u32 s3;
	s3 =	sadd.s32 $0xFFFFFFC0, s3  }
.Ltmp51:
0x5e6: {  	(xrf0) =	vadd.scan.msk.s32 $0xffff, v10;
	v8, _, _ =	vpop (xrf0);
	(pc) =	sbr.rel @p0 .LBB2_86-.Ltmp51, $4  }
0x5e7: {  	v9 =	vperm.xlane v9, v4;
	s4 =	spop (v2sf);
	(v2sf) =	vpush v8, $0xF  }
0x5e8: {  	s2 =	sadd.s32 s2, s4  }
0x5e9: {  	s1 =	sshra.s32 s1, $0x2;
	v8 =	vperm.xlane v7, v4;
	(xrf0) =	vadd.scan.msk.s32 $0xffff, v7;
	v10, _, _ =	vpop (xrf0);
	v9 =	vadd.s32 s2, v9  }
0x5ea: {  	v7 =	vld [tilespmem:s1+$0x9000];
	(v2sf) =	vpush v10, $0xF;
	vm0 =	vge.s32 v9, v5;
	s1 =	spop (v2sf)  }
0x5eb: {  	_ =	sdelay $0x1  }
0x5ec: {  	v9, _, _ =	vpop (xrf0)  }
0x5ed: {  	v10, _, _ =	vpop (xrf0)  }
0x5ee: {  	(v2sf) =	vpush v10, $0xF;
	v58, _, _ =	vpop (xrf0)  }
0x5ef: {  	(v2sf) =	vpush v58, $0xF;
	_ =	sdelay $0x1  }
0x5f0: {  	s3 =	spop (v2sf);
	v9 =	vperm.xlane v9, v4  }
0x5f1: {  	(xrf0) =	vadd.scan.msk.s32 $0xffff, v6;
	v6 =	vsel vm0, $0x1, v1;
	s2 =	sadd.s32 s2, s3  }
0x5f2: {  	(xrf0) =	vadd.scan.msk.s32 $0xffff, v6;
	v6 =	vadd.s32 s2, v9  }
0x5f3: {  	(xrf0) =	vadd.scan.msk.s32 $0xffff, v7;
	vm8 =	vge.s32 v6, v5;
	v6 =	vperm.xlane v7, v4  }
0x5f4: {  	(xrf0) =	vadd.scan.msk.s32 $0xffff, v8;
	v7 =	vsel vm8, $0x1, v1  }
0x5f5: {  	(xrf0) =	vadd.scan.msk.s32 $0xffff, v7  }
0x5f6: {  	(xrf0) =	vadd.scan.msk.s32 $0xffff, v6  }
0x5f7: {  	v6, _, _ =	vpop (xrf0)  }
0x5f8: {  	s29 =	spop (v2sf);
	v7, _, _ =	vpop (xrf0)  }
0x5f9: {  	s4 =	spop (v2sf);
	v8, _, _ =	vpop (xrf0)  }
0x5fa: {  	s5 =	spop (v2sf);
	v59, _, _ =	vpop (xrf0)  }
0x5fb: {  	v6 =	vperm.xlane v6, v4;
	v60, _, _ =	vpop (xrf0);
	s6 =	spop (v2sf)  }
0x5fc: {  	s2 =	sadd.s32 s2, s4;
	v9 =	vperm.xlane v59, v4;
	v11, _, _ =	vpop (xrf0);
	s30 =	spop (v2sf)  }
0x5fd: {  	v6 =	vadd.s32 s2, v6;
	v11 =	vperm.xlane v11, v4;
	s2 =	sadd.s32 s2, s6;
	s31 =	spop (v2sf)  }
0x5fe: {  	vm9 =	vge.s32 v6, v5;
	v9 =	vadd.s32 s2, v9;
	s2 =	sadd.s32 s2, s31  }
0x5ff: {  	v61 =	vsel vm9, $0x1, v1;
	vm10 =	vge.s32 v9, v5;
	v6 =	vadd.s32 s2, v11  }
0x600: {  	(xrf0) =	vadd.scan.msk.s32 $0xffff, v61;
	v9 =	vsel vm10, $0x1, v1;
	vm11 =	vge.s32 v6, v5  }
0x601: {  	(xrf0) =	vadd.scan.msk.s32 $0xffff, v9;
	v5 =	vsel vm11, $0x1, v1  }
0x602: {  	(xrf0) =	vadd.scan.msk.s32 $0xffff, v5;
	_ =	sdelay $0x1  }
0x603: {  	(v2sf) =	vpush v7, $0xF  }
0x604: {  	(v2sf) =	vpush v8, $0xF  }
0x605: {  	(v2sf) =	vpush v60, $0xF;
	v5, _, _ =	vpop (xrf0)  }
0x606: {  	(v2sf) =	vpush v5, $0xF;
	v5, _, _ =	vpop (xrf0)  }
0x607: {  	(v2sf) =	vpush v5, $0xF;
	v5, _, _ =	vpop (xrf0)  }
0x608: {  	(v2sf) =	vpush v5, $0xF;
	_ =	sdelay $0x7  }
0x609: {  	s0 =	sadd.s32 s0, s1  }
0x60a: {  	s0 =	sadd.s32 s0, s29  }
0x60b: {  	s0 =	sadd.s32 s0, s5;
	s5 =	spop (v2sf)  }
0x60c: {  	s0 =	sadd.s32 s0, s30;
	s6 =	spop (v2sf)  }
0x60d: {  	s0 =	sadd.s32 s0, s5;
	s18 =	spop (v2sf)  }
0x60e: {  	s0 =	sadd.s32 s0, s18;
	s22 =	spop (v2sf)  }
0x60f: {  	s2 =	simm.s32 $0x9000;
	s0 =	sadd.s32 s0, s22;
	s23 =	spop (v2sf)  }
0x610: {  	s25 =	simm.s32 $0x9010;
	v6 =	vld [tilespmem:s2+$0x0];
	s0 =	sadd.s32 s0, s23;
	s24 =	spop (v2sf)  }
0x611: {  	v7 =	vld [tilespmem:s25+$0x0];
	s0 =	sadd.s32 s0, s24  }
0x612: {  	s1 =	sadd.s32 $0xFFFFFFFF, s0;
	s0 =	simm.s32 $0x0  }
0x613: {  	s26 =	simm.s32 $0x10;
	v5 =	vmov s1;
	v8 =	vor.u32 s0, v0  }
0x614: {  	vm12 =	vgt.s32 v8, v5;
	v8 =	vor.u32 s26, v0  }
0x615: {  	v6 =	vnsel vm12, $0x0, v6;
	vm13 =	vgt.s32 v8, v5  }
0x616: {  	(xrf0) =	vadd.scan.msk.s32 $0xffff, v6;
	v6 =	vnsel vm13, $0x0, v7  }
0x617: {  	(xrf0) =	vadd.scan.msk.s32 $0xffff, v6;
	_ =	sdelay $0x3  }
0x618: {  	s28 =	simm.s32 $0x9020  }
0x619: {  	v6 =	vld [tilespmem:s28+$0x0];
	v62, _, _ =	vpop (xrf0)  }
0x61a: {  	(v2sf) =	vpush v62, $0xF;
	v63, _, _ =	vpop (xrf0)  }
0x61b: {  	s30 =	simm.s32 $0x20;
	(v2sf) =	vpush v63, $0xF  }
0x61c: {  	v8 =	vor.u32 s30, v0  }
0x61d: {  	vm14 =	vgt.s32 v8, v5  }
0x61e: {  	s29 =	simm.s32 $0x9030;
	v6 =	vnsel vm14, $0x0, v6  }
0x61f: {  	v7 =	vld [tilespmem:s29+$0x0];
	(xrf0) =	vadd.scan.msk.s32 $0xffff, v6;
	_ =	sdelay $0x1  }
0x620: {  	s31 =	simm.s32 $0x30  }
0x621: {  	v8 =	vor.u32 s31, v0  }
0x622: {  	vm15 =	vgt.s32 v8, v5  }
0x623: {  	s3 =	simm.s32 $0x9040;
	s2 =	simm.s32 $0x40;
	v7 =	vnsel vm15, $0x0, v7  }
.LBB2_88:
0x624: {  	v6 =	vld [tilespmem:s3+$0x0];
	p0 =	sne.s32 s2, $0xF0;
	(xrf0) =	vadd.scan.msk.s32 $0xffff, v7;
	v7, _, _ =	vpop (xrf0);
	s4 =	smov.u32 s2;
	s2 =	sadd.s32 $0x10, s2  }
.Ltmp52:
0x625: {  	(v2sf) =	vpush v7, $0xF;
	(pc) =	sbr.rel @p0 .LBB2_88-.Ltmp52, $4  }
0x626: {  	_ = 	snop  }
0x627: {  	v7 =	vor.u32 s4, v0  }
0x628: {  	vm0 =	vgt.s32 v7, v5;
	s4 =	spop (v2sf)  }
0x629: {  	s3 =	sadd.s32 $0x10, s3;
	v7 =	vnsel vm0, $0x0, v6;
	s0 =	sadd.s32 s0, s4  }
0x62a: {  	s2 =	simm.s32 $0x40  }
0x62b: {  	v29 =	vld [tilespmem:s2+$0xFFFFFFC0]  }
0x62c: {  	v5 =	vld [tilespmem:s2+$0xFFFFFFD0]  }
0x62d: {  	v8 =	vld [tilespmem:s2+$0xFFFFFFE0]  }
0x62e: {  	s3 =	sshll.u32 s20, $0x8  }
0x62f: {  	s20 =	sadd.s32 s3, s1;
	v9 =	vld [tilespmem:s2+$0xFFFFFFF0]  }
0x630: {  	v6 =	vld [tilespmem:s2+$0x0];
	v16 =	vmov s20;
	v10 =	vshrl.u32 v29, $0x10  }
0x631: {  	vm2 =	veq.s32 v10, v16;
	v10 =	vshrl.u32 v5, $0x10  }
0x632: {  	(xrf0) =	vadd.scan.msk.s32 $0xffff, v7;
	v12 =	vld [tilespmem:s2+$0x10];
	v7 =	vsel vm2, $0x1, v1;
	vm3 =	veq.s32 v10, v16;
	v10 =	vshrl.u32 v8, $0x10  }
0x633: {  	v11 =	vld [tilespmem:s2+$0x20];
	v13 =	vsel vm3, $0x1, v1;
	(xrf0) =	vadd.scan.msk.s32 $0xffff, v7;
	vm0 =	veq.s32 v10, v16  }
0x634: {  	v10 =	vshrl.u32 v9, $0x10;
	(xrf0) =	vadd.scan.msk.s32 $0xffff, v13;
	v7 =	vsel vm0, $0x1, v1  }
0x635: {  	vm1 =	veq.s32 v10, v16;
	v10 =	vshrl.u32 v6, $0x10;
	(xrf0) =	vadd.scan.msk.s32 $0xffff, v7  }
0x636: {  	v19 =	vld [tilespmem:s2+$0x30];
	v13 =	vsel vm1, $0x1, v1;
	vm5 =	veq.s32 v10, v16  }
0x637: {  	v10 =	vshrl.u32 v12, $0x10;
	v14 =	vsel vm5, $0x1, v1;
	v7, _, _ =	vpop (xrf0);
	(xrf0) =	vadd.scan.msk.s32 $0xffff, v13  }
0x638: {  	vm6 =	veq.s32 v10, v16;
	v10 =	vshrl.u32 v11, $0x10;
	(v2sf) =	vpush v7, $0xF;
	v7, _, _ =	vpop (xrf0);
	(xrf0) =	vadd.scan.msk.s32 $0xffff, v14  }
0x639: {  	vm7 =	veq.s32 v10, v16;
	(v2sf) =	vpush v7, $0xF;
	v7 =	vsel vm6, $0x1, v1;
	v13, _, _ =	vpop (xrf0)  }
0x63a: {  	(xrf0) =	vadd.scan.msk.s32 $0xffff, v7;
	v18, _, _ =	vpop (xrf0);
	v7 =	vsel vm7, $0x1, v1  }
0x63b: {  	(v2sf) =	vpush v13, $0xF;
	v20, _, _ =	vpop (xrf0);
	(xrf0) =	vadd.scan.msk.s32 $0xffff, v7;
	v7 =	vshrl.u32 v19, $0x10  }
0x63c: {  	(v2sf) =	vpush v18, $0xF;
	vm8 =	veq.s32 v7, v16  }
0x63d: {  	s24 =	simm.s32 $0x0;
	v21, _, _ =	vpop (xrf0);
	v7 =	vsel vm8, $0x1, v1  }
0x63e: {  	(v2sf) =	vpush v20, $0xF;
	v14, _, _ =	vpop (xrf0);
	(xrf0) =	vadd.scan.msk.s32 $0xffff, v7;
	v7 =	vmov s24  }
0x63f: {  	v7 =	vadd.s32 $0xFFFFFFFF, v7  }
0x640: {  	(v2sf) =	vpush v21, $0xF;
	v7 =	vbroadcast v7, $0x0  }
0x641: {  	vm13 =	vmmov vm2;
	vm2 =	vmmov vm5;
	(v2sf) =	vpush v14, $0xF;
	v22, _, _ =	vpop (xrf0)  }
0x642: {  	(v2sf) =	vpush v22, $0xF;
	v31 =	vadd.s32 v13, v7;
	v7 =	vimm.s32 $0x0  }
0x643: {  	s24 =	simm.s32 $0xC0;
	v23, _, _ =	vpop (xrf0);
	v7 =	vsel vm2, $0xFFFFFFFF, v7  }
0x644: {  	v17 =	vld [tilespmem:s24+$0xFFFFFFC0];
	(v2sf) =	vpush v23, $0xF;
	[tilespmem:$0x1FFE0] =	vst v7  }
0x645: {  	v15 =	vld [tilespmem:s24+$0xFFFFFFE0]  }
0x646: {  	s2 =	spop (v2sf);
	v13 =	vld [tilespmem:s24+$0xFFFFFFF0]  }
0x647: {  	s23 =	simm.s32 $0x70;
	s5 =	simm.s32 $0x0;
	s22 =	spop (v2sf);
	v7 =	vld [tilespmem:s24+$0x0]  }
0x648: {  	v26 =	vor.u32 s23, v0;
	v33 =	vor.u32 s5, v0;
	v34, _, _ =	vpop (xrf0);
	s18 =	spop (v2sf)  }
0x649: {  	vm4 =	vmmov vm3;
	vm1 =	vmmov vm1;
	(v2sf) =	vpush v34, $0xF;
	v10 =	vld [tilespmem:s24+$0xFFFFFFD0];
	s1 =	spop (v2sf)  }
0x64a: {  	vm3 =	vmmov vm7;
	vm6 =	vmmov vm6;
	vm7 =	vmmov vm8;
	s25 =	spop (v2sf)  }
0x64b: {  	vm2 =	vmmov vm0;
	s3 =	sadd.s32 $0x0, s25;
	s4 =	spop (v2sf);
	v36 =	vshrl.u32 v15, $0x10;
	v38 =	vshrl.u32 v13, $0x10  }
0x64c: {  	v56 =	vshrl.u32 v7, $0x10;
	v24 =	vmov s3;
	s3 =	sadd.s32 s3, s4;
	vm5 =	veq.s32 v36, v16  }
0x64d: {  	s26 =	spop (v2sf);
	v25 =	vmov s3;
	v28 =	vadd.s32 $0xFFFFFFFF, v24;
	v24 =	vshrl.u32 v17, $0x10  }
0x64e: {  	s3 =	sadd.s32 s3, s26;
	v30 =	vadd.s32 $0xFFFFFFFF, v25;
	vm11 =	veq.s32 v24, v16;
	v24 =	vshrl.u32 v10, $0x10;
	v25 =	vld [tilespmem:s24+$0x10]  }
0x64f: {  	v27 =	vmov s3;
	s6 =	spop (v2sf);
	v35 =	vsel vm11, $0x1, v1;
	vm10 =	veq.s32 v24, v16;
	v24 =	vld [tilespmem:s24+$0x20]  }
0x650: {  	vm8 =	veq.s32 v38, v16;
	s3 =	sadd.s32 s3, s6;
	s25 =	spop (v2sf);
	v32 =	vadd.s32 $0xFFFFFFFF, v27;
	v27 =	vld [tilespmem:s24+$0x30];
	v37 =	vsel vm10, $0x1, v1;
	(xrf0) =	vadd.scan.msk.s32 $0xffff, v35  }
0x651: {  	vm9 =	veq.s32 v56, v16;
	v36 =	vsel vm5, $0x1, v1;
	v38 =	vsel vm8, $0x1, v1;
	s4 =	sadd.s32 s3, s25;
	s26 =	spop (v2sf);
	(xrf0) =	vadd.scan.msk.s32 $0xffff, v37  }
0x652: {  	v39 =	vsel vm9, $0x1, v1;
	v35 =	vmov s3;
	v55 =	vmov s4;
	s4 =	sadd.s32 s4, s26;
	(xrf0) =	vadd.scan.msk.s32 $0xffff, v36  }
0x653: {  	s6 =	spop (v2sf);
	v63 =	vadd.s32 $0xFFFFFFFF, v55;
	v57 =	vmov s4;
	v58 =	vshrl.u32 v25, $0x10;
	(xrf0) =	vadd.scan.msk.s32 $0xffff, v38  }
0x654: {  	[tilespmem:v31+s13+$0x0] =	vst.idx.msk vm13, v29;
	s4 =	sadd.s32 s4, s6;
	v38 =	vbroadcast v63, $0x0;
	vm12 =	veq.s32 v58, v16;
	v29 =	vshrl.u32 v24, $0x10  }
0x655: {  	s0 =	sadd.s32 s0, s2;
	[tilespmem:v31+s14+$0x0] =	vst.idx.msk vm13, v33;
	v59 =	vmov s4;
	v31 =	vshrl.u32 v27, $0x10;
	v60 =	vsel vm12, $0x1, v1  }
0x656: {  	s31 =	simm.s32 $0x50;
	s28 =	simm.s32 $0x60;
	s0 =	sadd.s32 s0, s22;
	v37 =	vadd.s32 $0xFFFFFFFF, v59;
	vm13 =	veq.s32 v29, v16;
	vm14 =	veq.s32 v31, v16;
	v33, _, _ =	vpop (xrf0);
	(xrf0) =	vadd.scan.msk.s32 $0xffff, v39  }
0x657: {  	s30 =	simm.s32 $0x20;
	s29 =	simm.s32 $0x30;
	s0 =	sadd.s32 s0, s18;
	v37 =	vbroadcast v37, $0x0;
	v61 =	vsel vm13, $0x1, v1;
	(v2sf) =	vpush v33, $0xF;
	v29, _, _ =	vpop (xrf0);
	(xrf0) =	vadd.scan.msk.s32 $0xffff, v60  }
0x658: {  	s22 =	sadd.s32 s0, s1;
	s0 =	simm.s32 $0x8;
	v40 =	vadd.s32 $0xFFFFFFFF, v57;
	s18 =	spop (v2sf);
	v62 =	vsel vm14, $0x1, v1;
	(v2sf) =	vpush v29, $0xF;
	v31, _, _ =	vpop (xrf0);
	(xrf0) =	vadd.scan.msk.s32 $0xffff, v61  }
0x659: {  	s25 =	simm.s32 $0x40;
	s26 =	simm.s32 $0x10;
	s1 =	sadd.s32 s4, s18;
	v36 =	vadd.s32 v34, v37;
	v37 =	vbroadcast v40, $0x0;
	(v2sf) =	vpush v31, $0xF;
	v34, _, _ =	vpop (xrf0);
	(xrf0) =	vadd.scan.msk.s32 $0xffff, v62  }
.LBB2_90:
0x65a: {  	_ = 	snop  }
0x65b: {  	(v2sf) =	vpush v34, $0xF  }
0x65c: {  	v30 =	vbroadcast v30, $0x0;
	v32 =	vbroadcast v32, $0x0;
	v38 =	vadd.s32 v22, v38  }
0x65d: {  	v40 =	vmov s1;
	v28 =	vbroadcast v28, $0x0;
	s24 =	sadd.s32 $0x80, s24;
	v37 =	vadd.s32 v23, v37  }
0x65e: {  	[tilespmem:v36+s13+$0x0] =	vst.idx.msk vm7, v19;
	v19 =	vmovc v27;
	vm15 =	vmmov vm11;
	vm11 =	vmmov vm4;
	vm4 =	vmmov vm10;
	v61 =	vld [tilespmem:s24+$0xFFFFFFD0]  }
0x65f: {  	v62 =	vor.u32 s25, v0;
	[tilespmem:v36+s14+$0x0] =	vst.idx.msk vm7, v26;
	v26 =	vadd.s32 $0xFFFFFFFF, v40;
	v45 =	vld [tilespmem:s24+$0x0];
	v39, _, _ =	vpop (xrf0);
	v32 =	vadd.s32 v21, v32  }
0x660: {  	v30 =	vadd.s32 v20, v30;
	v20 =	vmov v31;
	v31 =	vld [tilespmem:s24+$0xFFFFFFC0];
	(v2sf) =	vpush v39, $0xF;
	v22, _, _ =	vpop (xrf0)  }
0x661: {  	vm7 =	vmmov vm14;
	v21 =	vmovc v34;
	v26 =	vbroadcast v26, $0x0;
	(v2sf) =	vpush v22, $0xF;
	[tilespmem:v38+s13+$0x0] =	vst.idx.msk vm6, v12;
	v12 =	vmovc v25;
	v25 =	vld [tilespmem:$0x1FFE0]  }
0x662: {  	s23 =	sadd.s32 $0x80, s23;
	v27 =	vadd.s32 v18, v28;
	v18 =	vmov v29;
	v28 =	vor.u32 s31, v0;
	v23, _, _ =	vpop (xrf0);
	[tilespmem:v37+s13+$0x0] =	vst.idx.msk vm3, v11  }
0x663: {  	v29 =	vadd.s32 v33, v26;
	v26 =	vor.u32 s23, v0;
	(v2sf) =	vpush v23, $0xF;
	v34, _, _ =	vpop (xrf0);
	[tilespmem:v38+s14+$0x0] =	vst.idx.msk vm6, v28  }
0x664: {  	(v2sf) =	vpush v34, $0xF;
	v11 =	vmovc v24;
	v24 =	vimm.s32 $0x0;
	v47 =	vshrl.u32 v61, $0x10;
	[tilespmem:v32+s13+$0x0] =	vst.idx.msk vm1, v9  }
0x665: {  	v63 =	vld [tilespmem:s24+$0xFFFFFFE0];
	v51 =	vshrl.u32 v45, $0x10;
	[tilespmem:v30+s13+$0x0] =	vst.idx.msk vm2, v8;
	v28 =	vor.u32 s30, v0;
	v41 =	vshrl.u32 v31, $0x10  }
0x666: {  	vm10 =	veq.s32 v47, v16;
	[tilespmem:v30+s14+$0x0] =	vst.idx.msk vm2, v28;
	vm2 =	vmmov vm5;
	vm6 =	vnez.u8 v25  }
0x667: {  	s3 =	sadd.s32 $0xFFFFFFE0, s23;
	[tilespmem:v27+s13+$0x0] =	vst.idx.msk vm11, v5;
	v48 =	vsel vm10, $0x1, v1;
	v25 =	vor.u32 s28, v0;
	vm0 =	vmmov vm6  }
0x668: {  	s4 =	sadd.s32 $0xFFFFFFF0, s23;
	s5 =	sadd.s32 $0xFFFFFFC0, s23;
	s31 =	smov.u32 s3;
	vm6 =	vmmov vm9;
	[tilespmem:v37+s14+$0x0] =	vst.idx.msk vm3, v25;
	vm3 =	vmmov vm13;
	v25 =	vor.u32 s29, v0  }
0x669: {  	s28 =	smov.u32 s4;
	s29 =	smov.u32 s5;
	s5 =	spop (v2sf);
	vm9 =	veq.s32 v51, v16;
	v24 =	vsel vm6, $0xFFFFFFFF, v24;
	vm6 =	vmmov vm12;
	[tilespmem:v32+s14+$0x0] =	vst.idx.msk vm1, v25  }
0x66a: {  	v9 =	vmovc v13;
	vm1 =	vmmov vm8;
	s3 =	sadd.s32 s1, s5;
	s4 =	spop (v2sf);
	v25 =	vor.u32 s26, v0;
	s5 =	sadd.s32 $0xFFFFFF90, s23;
	[tilespmem:$0x1FFE0] =	vst v24;
	v24 =	vadd.s32 $0xFFFFFFFF, v35;
	v13 =	vld [tilespmem:s24+$0xFFFFFFF0]  }
0x66b: {  	s6 =	sadd.s32 $0xFFFFFFD0, s23;
	s1 =	sadd.s32 s3, s4;
	v46 =	vor.u32 s5, v0;
	[tilespmem:v27+s14+$0x0] =	vst.idx.msk vm11, v25;
	vm11 =	veq.s32 v41, v16;
	v27 =	vshrl.u32 v63, $0x10  }
0x66c: {  	s25 =	smov.u32 s6;
	v8 =	vmovc v15;
	[tilespmem:v29+s13+$0x0] =	vst.idx.msk vm15, v17;
	v17 =	vmovc v31;
	s6 =	spop (v2sf);
	v25 =	vld [tilespmem:s24+$0x10];
	v24 =	vbroadcast v24, $0x0;
	v15 =	vmov s1;
	v31 =	vsel vm11, $0x1, v1  }
0x66d: {  	s18 =	sadd.s32 $0xFFFFFFB0, s23;
	s1 =	sadd.s32 s1, s6;
	vm5 =	veq.s32 v27, v16;
	v27 =	vld [tilespmem:s24+$0x30];
	[tilespmem:v29+s14+$0x0] =	vst.idx.msk vm15, v46;
	v29 =	vsel vm9, $0x1, v1;
	v30 =	vadd.s32 $0xFFFFFFFF, v15  }
0x66e: {  	s30 =	smov.u32 s18;
	s18 =	spop (v2sf);
	v15 =	vmov s1;
	v44 =	vadd.s32 v14, v24;
	v24 =	vmov s3  }
0x66f: {  	s18 =	sadd.s32 s1, s18;
	(xrf0) =	vadd.scan.msk.s32 $0xffff, v31;
	v31 =	vsel vm5, $0x1, v1;
	v28 =	vadd.s32 $0xFFFFFFFF, v24;
	s3 =	spop (v2sf);
	v24 =	vld [tilespmem:s24+$0x20];
	v50 =	vshrl.u32 v13, $0x10  }
0x670: {  	v32 =	vadd.s32 $0xFFFFFFFF, v15;
	(xrf0) =	vadd.scan.msk.s32 $0xffff, v48;
	v35 =	vmov s18;
	s1 =	sadd.s32 s18, s3;
	s4 =	spop (v2sf);
	vm8 =	veq.s32 v50, v16  }
0x671: {  	v5 =	vmovc v10;
	(xrf0) =	vadd.scan.msk.s32 $0xffff, v31;
	v53 =	vshrl.u32 v25, $0x10;
	v49 =	vmov s1;
	s1 =	sadd.s32 s1, s4;
	v52 =	vsel vm8, $0x1, v1  }
0x672: {  	s0 =	sadd.s32 $0x8, s0;
	v10 =	vmovc v61;
	s5 =	spop (v2sf);
	vm12 =	veq.s32 v53, v16;
	v58 =	vshrl.u32 v27, $0x10;
	v31 =	vmov s1;
	(xrf0) =	vadd.scan.msk.s32 $0xffff, v52  }
0x673: {  	p0 =	slt.u32 s0, $0x1F8;
	v14 =	vmovc v39;
	v15 =	vmovc v63;
	s1 =	sadd.s32 s1, s5;
	v55 =	vsel vm12, $0x1, v1;
	vm14 =	veq.s32 v58, v16;
	v63 =	vadd.s32 $0xFFFFFFFF, v49  }
.Ltmp53:
0x674: {  	[tilespmem:v44+s13+$0x0] =	vst.idx.msk vm0, v6;
	v6 =	vmovc v7;
	v7 =	vmovc v45;
	v54 =	vmov s1;
	v61 =	vadd.s32 $0xFFFFFFFF, v31;
	v56 =	vshrl.u32 v24, $0x10;
	(pc) =	sbr.rel @p0 .LBB2_90-.Ltmp53, $4  }
0x675: {  	v33, _, _ =	vpop (xrf0);
	v38 =	vbroadcast v63, $0x0;
	(xrf0) =	vadd.scan.msk.s32 $0xffff, v29;
	v57 =	vadd.s32 $0xFFFFFFFF, v54;
	vm13 =	veq.s32 v56, v16  }
0x676: {  	s6 =	spop (v2sf);
	(v2sf) =	vpush v33, $0xF;
	v29, _, _ =	vpop (xrf0);
	(xrf0) =	vadd.scan.msk.s32 $0xffff, v55;
	v59 =	vbroadcast v57, $0x0;
	v60 =	vsel vm13, $0x1, v1  }
0x677: {  	s2 =	sadd.s32 $0xFFFFFFA0, s23;
	[tilespmem:v44+s14+$0x0] =	vst.idx.msk vm0, v62;
	v62 =	vsel vm14, $0x1, v1;
	(v2sf) =	vpush v29, $0xF;
	v31, _, _ =	vpop (xrf0);
	(xrf0) =	vadd.scan.msk.s32 $0xffff, v60  }
0x678: {  	s26 =	smov.u32 s2;
	s1 =	sadd.s32 s1, s6;
	v37 =	vbroadcast v61, $0x0;
	(v2sf) =	vpush v31, $0xF;
	v36 =	vadd.s32 v34, v59;
	v34, _, _ =	vpop (xrf0);
	(xrf0) =	vadd.scan.msk.s32 $0xffff, v62  }
0x679: {  	_ =	sdelay $0x1  }
0x67a: {  	(v2sf) =	vpush v34, $0xF;
	v22 =	vadd.s32 v22, v38;
	v16, _, _ =	vpop (xrf0)  }
0x67b: {  	(v2sf) =	vpush v16, $0xF  }
0x67c: {  	v32 =	vbroadcast v32, $0x0;
	v23 =	vadd.s32 v23, v37;
	v39, _, _ =	vpop (xrf0)  }
0x67d: {  	[tilespmem:v36+s13+$0x0] =	vst.idx.msk vm7, v19;
	(v2sf) =	vpush v39, $0xF;
	v40, _, _ =	vpop (xrf0)  }
0x67e: {  	[tilespmem:v36+s14+$0x0] =	vst.idx.msk vm7, v26;
	v21 =	vadd.s32 v21, v32;
	(v2sf) =	vpush v40, $0xF  }
0x67f: {  	v37 =	vor.u32 s31, v0;
	[tilespmem:v22+s13+$0x0] =	vst.idx.msk vm6, v12  }
0x680: {  	[tilespmem:v22+s14+$0x0] =	vst.idx.msk vm6, v37  }
0x681: {  	v43 =	vor.u32 s28, v0;
	[tilespmem:v23+s13+$0x0] =	vst.idx.msk vm3, v11  }
0x682: {  	[tilespmem:v23+s14+$0x0] =	vst.idx.msk vm3, v43  }
0x683: {  	[tilespmem:v21+s13+$0x0] =	vst.idx.msk vm1, v9  }
0x684: {  	v47 =	vld [tilespmem:$0x1FFE0];
	_ =	sdelay $0x1  }
0x685: {  	v38 =	vbroadcast v28, $0x0;
	s0 =	spop (v2sf)  }
0x686: {  	vm4 =	vmmov vm4;
	s0 =	sadd.s32 s1, s0;
	s2 =	spop (v2sf)  }
0x687: {  	v30 =	vbroadcast v30, $0x0;
	v44 =	vadd.s32 $0xFFFFFFFF, v35;
	v18 =	vadd.s32 v18, v38;
	s2 =	sadd.s32 s0, s2;
	s3 =	spop (v2sf)  }
0x688: {  	v46 =	vbroadcast v44, $0x0;
	vm0 =	vnez.u8 v47;
	s4 =	sadd.s32 s2, s3;
	s6 =	spop (v2sf)  }
0x689: {  	v36 =	vmov s1;
	v19 =	vadd.s32 v20, v30;
	vm15 =	vmmov vm0;
	s1 =	sadd.s32 s4, s6;
	s18 =	spop (v2sf)  }
0x68a: {  	v26 =	vadd.s32 $0xFFFFFFFF, v36;
	v42, _, _ =	vpop (xrf0);
	v11 =	vadd.s32 v14, v46;
	s5 =	sadd.s32 s1, s18  }
0x68b: {  	v41 =	vbroadcast v26, $0x0;
	(v2sf) =	vpush v42, $0xF;
	s24 =	spop (v2sf);
	v50 =	vmov s5  }
0x68c: {  	[tilespmem:v18+s13+$0x0] =	vst.idx.msk vm4, v5;
	s6 =	sadd.s32 s5, s24;
	s28 =	spop (v2sf);
	v5 =	vadd.s32 $0xFFFFFFFF, v50  }
0x68d: {  	v12 =	vadd.s32 v33, v41;
	s3 =	sadd.s32 s6, s28;
	v52 =	vmov s6;
	v5 =	vbroadcast v5, $0x0  }
0x68e: {  	v45 =	vor.u32 s29, v0;
	[tilespmem:v19+s13+$0x0] =	vst.idx.msk vm2, v8;
	v48 =	vmov s3;
	v8 =	vadd.s32 $0xFFFFFFFF, v52  }
0x68f: {  	[tilespmem:v11+s13+$0x0] =	vst.idx.msk vm15, v6;
	v9 =	vadd.s32 $0xFFFFFFFF, v48;
	v6 =	vbroadcast v8, $0x0;
	v5 =	vadd.s32 v39, v5  }
0x690: {  	v51 =	vor.u32 s26, v0;
	[tilespmem:v21+s14+$0x0] =	vst.idx.msk vm1, v45;
	v9 =	vbroadcast v9, $0x0  }
0x691: {  	[tilespmem:v18+s14+$0x0] =	vst.idx.msk vm4, v51;
	v6 =	vadd.s32 v40, v6  }
0x692: {  	v53 =	vor.u32 s25, v0;
	[tilespmem:v12+s13+$0x0] =	vst.idx.msk vm11, v17;
	v54 =	vmov s4;
	s5 =	sadd.s32 $0x80, s23;
	v9 =	vadd.s32 v42, v9  }
0x693: {  	v56 =	vmov s2;
	v17 =	vadd.s32 $0xFFFFFFFF, v54;
	[tilespmem:v11+s14+$0x0] =	vst.idx.msk vm15, v53;
	s6 =	sadd.s32 $0xFFFFFFE0, s5  }
0x694: {  	v57 =	vbroadcast v17, $0x0;
	v11 =	vadd.s32 $0xFFFFFFFF, v56;
	v61 =	vor.u32 s6, v0;
	[tilespmem:v5+s13+$0x0] =	vst.idx.msk vm12, v25  }
0x695: {  	v49 =	vor.u32 s30, v0;
	v11 =	vbroadcast v11, $0x0;
	[tilespmem:v5+s14+$0x0] =	vst.idx.msk vm12, v61  }
0x696: {  	v59 =	vmov s0;
	v62 =	vmov s1;
	s18 =	sadd.s32 $0xFFFFFFF0, s5;
	v8 =	vadd.s32 v34, v57;
	[tilespmem:v6+s13+$0x0] =	vst.idx.msk vm13, v24  }
0x697: {  	v63 =	vadd.s32 $0xFFFFFFFF, v62;
	v11 =	vadd.s32 v31, v11;
	v5 =	vor.u32 s18, v0;
	[tilespmem:v9+s13+$0x0] =	vst.idx.msk vm14, v27  }
0x698: {  	v60 =	vadd.s32 $0xFFFFFFFF, v59;
	v58 =	vor.u32 s5, v0;
	[tilespmem:v6+s14+$0x0] =	vst.idx.msk vm13, v5;
	v5 =	vbroadcast v63, $0x0  }
0x699: {  	vm4 =	vmmov vm9;
	vm0 =	vmmov vm10;
	[tilespmem:v9+s14+$0x0] =	vst.idx.msk vm14, v58;
	v9 =	vbroadcast v60, $0x0  }
0x69a: {  	[tilespmem:v19+s14+$0x0] =	vst.idx.msk vm2, v49;
	vm0 =	vmmov vm0;
	s23 =	spop (v2sf);
	v5 =	vadd.s32 v16, v5  }
0x69b: {  	s22 =	sadd.s32 s21, s22;
	s24 =	sadd.s32 $0xFFFFFFC0, s5;
	[tilespmem:v8+s13+$0x0] =	vst.idx.msk vm8, v13;
	s1 =	sadd.s32 s3, s23;
	v9 =	vadd.s32 v29, v9  }
0x69c: {  	s2 =	simm.s32 $0x1;
	s28 =	sadd.s32 $0xFFFFFFB0, s5;
	[tilespmem:v11+s13+$0x0] =	vst.idx.msk vm5, v15;
	v6 =	vor.u32 s24, v0;
	s25 =	sadd.s32 $0xF, s1  }
0x69d: {  	s31 =	sadd.s32 $0xFFFFFF90, s5;
	s26 =	sadd.s32 $0xFFFFFFA0, s5;
	[tilespmem:v8+s14+$0x0] =	vst.idx.msk vm8, v6;
	s29 =	sand.u32 $0xF, s25;
	v6 =	vor.u32 s28, v0  }
0x69e: {  	v55 =	vor.u32 s31, v0;
	s31 =	sadd.s32 $0xFFFFFFD0, s5;
	p0 =	slt.s32 s25, $0x1;
	p1 =	sne.s32 s29, $0x0;
	[tilespmem:v11+s14+$0x0] =	vst.idx.msk vm5, v6  }
0x69f: {  	s23 =	ssub.s32 $0x40, s22;
	s30 =	sshra.s32 s25, $0x1F;
	p0 =	por !p0, !p1;
	[tilespmem:v5+s13+$0x0] =	vst.idx.msk vm4, v7  }
.Ltmp54:
0x6a0: {  	s3 =	sshrl.u32 s30, $0x1C;
	v6 =	vor.u32 s26, v0;
	p0 =	por !p0, !p0;
	[tilespmem:v9+s13+$0x0] =	vst.idx.msk vm0, v10;
	(pc) =	sbr.rel .LBB2_92-.Ltmp54, $4  }
0x6a1: {  	s0 =	sadd.s32 s3, s25;
	s2 =	simm.s32 @!p0 $0x0;
	p0 =	sgt.s32 s23, $0x0;
	[tilespmem:v9+s14+$0x0] =	vst.idx.msk vm0, v6;
	v6 =	vor.u32 s31, v0  }
0x6a2: {  	vm7 =	vmmov vm11;
	s0 =	sshra.s32 s0, $0x4;
	[tilespmem:v5+s14+$0x0] =	vst.idx.msk vm4, v6;
	v5 =	vmov s1;
	s1 =	simm.s32 @!p0 $0x0  }
0x6a3: {  	s21 =	simm.s32 $0x0;
	vm3 =	vmmov vm5;
	vm1 =	vmmov vm14;
	vm2 =	vmmov vm12;
	[tilespmem:v12+s14+$0x0] =	vst.idx.msk vm11, v55;
	s0 =	ssub.s32 s0, s2;
	s1 =	simm.s32 @p0 $0x1  }
0x6a4: {  	vm1 =	vmmov vm4;
	vm10 =	vmmov vm13;
	vm15 =	vmmov vm8;
	s25 =	simm.s32 $0x0;
	p1 =	slt.s32 s0, $0x1;
	[smem:$0x7F8] =	sst s1  }
.LBB2_107:
0x6a5: {  	s25 =	sadd.s32 $0x1, s25  }
0x6a6: {  	p0 =	seq.s32 s25, $0x10  }
.Ltmp55:
0x6a7: {  	s1 =	sld [smem:$0x7F8];
	(pc) =	sbr.rel @p0 .LBB2_108-.Ltmp55, $3  }
0x6a8: {  	_ =	sdelay $0x1  }
0x6a9: {  	p2 =	seq.s32 s1, $0x1  }
0x6aa: {  	s21 =	smov.u32 @p2 s26  }
.LBB2_92:
.Ltmp56:
0x6ab: {  	(pc) =	sbr.rel @p1 .LBB2_107-.Ltmp56, $3  }
0x6ac: {  	_ =	sdelay $0x1  }
0x6ad: {  	s1 =	sshrl.u32 s16, s25  }
0x6ae: {  	s26 =	smov.u32 s21;
	s21 =	sor.u32 s1, s21  }
0x6af: {  	s1 =	simm.s32 $0x4000  }
0x6b0: {  	p0 =	sne.s32 s0, $0x1;
	v7 =	vld [tilespmem:s1+$0x0]  }
.Ltmp57:
0x6b1: {  	_ = 	snop;
	(pc) =	sbr.rel @!p0 .LBB2_94-.Ltmp57, $4  }
0x6b2: {  	_ = 	snop  }
0x6b3: {  	s28 =	simm.s32 $0x0  }
0x6b4: {  	s24 =	sadd.s32 $0xFFFFFFFF, s0;
	p3 =	por $0x0, $0x0;
	p4 =	por $0x0, $0x0  }
0x6b5: {  	v6 =	vmov s21;
	p5 =	por $0x0, $0x0;
	p6 =	por $0x0, $0x0;
	s1 =	simm.s32 $0x4010;
	v8 =	vor.u32 s28, v0;
	v7 =	vand.u32 $0xFFFF, v7  }
0x6b6: {  	v9 =	vld [tilespmem:s1+$0x0];
	p2 =	sne.s32 s24, $0x1  }
.Ltmp58:
0x6b7: {  	_ = 	snop;
	(pc) =	sbr.rel @!p2 .LBB2_96-.Ltmp58, $4  }
0x6b8: {  	vm0 =	vlt.s32 v8, v5;
	vm1 =	vge.s32 v7, v6  }
0x6b9: {  	vm0 =	vmand vm0, vm1  }
0x6ba: {  	s2 =	simm.s32 $0x10;
	v7 =	vsel vm0, $0x1, v1  }
0x6bb: {  	s1 =	sadd.s32 $0xFFFFFFFF, s24;
	p3 =	por $0x1, $0x1;
	v8 =	vor.u32 s2, v0;
	s2 =	simm.s32 $0x4020;
	(xrf0) =	vadd.scan.msk.s32 $0xffff, v7;
	v7 =	vand.u32 $0xFFFF, v9  }
0x6bc: {  	_ =	sdelay $0x4  }
0x6bd: {  	vm0 =	vlt.s32 v8, v5;
	v8, _, _ =	vpop (xrf0)  }
0x6be: {  	(v2sf) =	vpush v8, $0xF;
	_ =	sdelay $0x7  }
0x6bf: {  	v9 =	vld [tilespmem:s2+$0x0];
	p2 =	sne.s32 s1, $0x1  }
.Ltmp59:
0x6c0: {  	_ = 	snop;
	(pc) =	sbr.rel @!p2 .LBB2_98-.Ltmp59, $4  }
0x6c1: {  	vm1 =	vge.s32 v7, v6  }
0x6c2: {  	vm0 =	vmand vm0, vm1  }
0x6c3: {  	s31 =	simm.s32 $0x20;
	v7 =	vsel vm0, $0x1, v1  }
0x6c4: {  	s1 =	sadd.s32 $0xFFFFFFFF, s1;
	s2 =	simm.s32 $0x4030;
	p4 =	por $0x1, $0x1;
	(xrf0) =	vadd.scan.msk.s32 $0xffff, v7;
	v7 =	vand.u32 $0xFFFF, v9;
	v8 =	vor.u32 s31, v0  }
0x6c5: {  	_ =	sdelay $0x4  }
0x6c6: {  	vm0 =	vlt.s32 v8, v5;
	v8, _, _ =	vpop (xrf0)  }
0x6c7: {  	(v2sf) =	vpush v8, $0xF;
	_ =	sdelay $0x3  }
0x6c8: {  	v9 =	vld [tilespmem:s2+$0x0];
	p2 =	sne.s32 s1, $0x1  }
.Ltmp60:
0x6c9: {  	_ = 	snop;
	(pc) =	sbr.rel @!p2 .LBB2_100-.Ltmp60, $4  }
0x6ca: {  	vm1 =	vge.s32 v7, v6  }
0x6cb: {  	vm0 =	vmand vm0, vm1  }
0x6cc: {  	s31 =	simm.s32 $0x30;
	v7 =	vsel vm0, $0x1, v1  }
0x6cd: {  	s1 =	sadd.s32 $0xFFFFFFFF, s1;
	s2 =	simm.s32 $0x4040;
	p5 =	por $0x1, $0x1;
	(xrf0) =	vadd.scan.msk.s32 $0xffff, v7;
	v7 =	vand.u32 $0xFFFF, v9;
	v8 =	vor.u32 s31, v0  }
0x6ce: {  	_ =	sdelay $0x4  }
0x6cf: {  	vm0 =	vlt.s32 v8, v5;
	v8, _, _ =	vpop (xrf0)  }
0x6d0: {  	(v2sf) =	vpush v8, $0xF;
	_ =	sdelay $0x3  }
0x6d1: {  	v9 =	vld [tilespmem:s2+$0x0];
	vm1 =	vge.s32 v7, v6;
	p2 =	sne.s32 s1, $0x1  }
.Ltmp61:
0x6d2: {  	vm0 =	vmand vm0, vm1;
	(pc) =	sbr.rel @!p2 .LBB2_102-.Ltmp61, $4  }
0x6d3: {  	v7 =	vsel vm0, $0x1, v1  }
0x6d4: {  	(xrf0) =	vadd.scan.msk.s32 $0xffff, v7  }
0x6d5: {  	s2 =	sadd.s32 $0xFFFFFFFF, s1;
	s3 =	simm.s32 $0x40  }
0x6d6: {  	s18 =	simm.s32 $0x4050;
	p6 =	por $0x1, $0x1;
	s1 =	simm.s32 $0x0;
	v7 =	vand.u32 $0xFFFF, v9;
	v8 =	vor.u32 s3, v0  }
.LBB2_103:
0x6d7: {  	v9 =	vld [tilespmem:s18+$0x0];
	p2 =	sne.s32 s2, $0x1;
	s2 =	sadd.s32 $0xFFFFFFFF, s2;
	vm0 =	vlt.s32 v8, v5;
	vm1 =	vge.s32 v7, v6  }
.Ltmp62:
0x6d8: {  	vm0 =	vmand vm0, vm1;
	s4 =	spop (v2sf);
	(pc) =	sbr.rel @p2 .LBB2_103-.Ltmp62, $4  }
0x6d9: {  	v8 =	vsel vm0, $0x1, v1;
	s1 =	sadd.s32 s1, s4  }
0x6da: {  	(xrf0) =	vadd.scan.msk.s32 $0xffff, v8;
	v7, _, _ =	vpop (xrf0)  }
0x6db: {  	s3 =	sadd.s32 $0x10, s3;
	(v2sf) =	vpush v7, $0xF  }
0x6dc: {  	s18 =	sadd.s32 $0x10, s18;
	v8 =	vor.u32 s3, v0;
	v7 =	vand.u32 $0xFFFF, v9  }
.LBB2_104:
0x6dd: {  	vm0 =	vlt.s32 v8, v5;
	vm1 =	vge.s32 v7, v6  }
0x6de: {  	vm0 =	vmand vm0, vm1  }
0x6df: {  	v6 =	vsel vm0, $0x1, v1  }
0x6e0: {  	(xrf0) =	vadd.scan.msk.s32 $0xffff, v6;
	_ =	sdelay $0x1  }
0x6e1: {  	v6, _, _ =	vpop @p3 (xrf0)  }
0x6e2: {  	(v2sf) =	vpush @p3 v6, $0xF;
	_ =	sdelay $0x2  }
0x6e3: {  	v6, _, _ =	vpop (xrf0)  }
0x6e4: {  	(v2sf) =	vpush v6, $0xF;
	_ =	sdelay $0x4  }
0x6e5: {  	s2 =	spop @p6 (v2sf)  }
0x6e6: {  	s1 =	sadd.s32 @p6 s1, s2;
	s2 =	simm.s32 $0x0  }
0x6e7: {  	s2 =	smov.u32 @p6 s1;
	s1 =	spop @p5 (v2sf)  }
0x6e8: {  	s1 =	sadd.s32 @p5 s2, s1;
	s2 =	simm.s32 $0x0  }
0x6e9: {  	s2 =	smov.u32 @p5 s1;
	s1 =	spop @p4 (v2sf)  }
0x6ea: {  	s1 =	sadd.s32 @p4 s2, s1;
	s2 =	simm.s32 $0x0  }
0x6eb: {  	s2 =	smov.u32 @p4 s1;
	s1 =	spop @p3 (v2sf)  }
0x6ec: {  	s25 =	sadd.s32 $0x1, s25;
	s1 =	sadd.s32 @p3 s2, s1  }
0x6ed: {  	s28 =	smov.u32 @p3 s1;
	p3 =	seq.s32 s25, $0x10  }
.Ltmp63:
0x6ee: {  	_ = 	snop;
	(pc) =	sbr.rel @!p3 .LBB2_92-.Ltmp63, $4  }
.Ltmp64:
0x6ef: {  	s31 =	spop (v2sf);
	(pc) =	sbr.rel @p3 .LBB2_105-.Ltmp64, $4  }
0x6f0: {  	s1 =	sadd.s32 s28, s31  }
0x6f1: {  	p2 =	slt.s32 s1, s23  }
0x6f2: {  	s21 =	smov.u32 @p2 s26  }
0x6f3: {  	_ = 	snop  }
.LBB2_94:
.Ltmp65:
0x6f4: {  	(pc) =	sbr.rel .LBB2_104-.Ltmp65, $2  }
0x6f5: {  	_ =	sdelay $0x2  }
0x6f6: {  	s1 =	simm.s32 $0x0  }
.LBB2_96:
.Ltmp66:
0x6f7: {  	(pc) =	sbr.rel .LBB2_104-.Ltmp66, $2  }
0x6f8: {  	_ =	sdelay $0x2  }
0x6f9: {  	s1 =	simm.s32 $0x0  }
.LBB2_98:
.Ltmp67:
0x6fa: {  	(pc) =	sbr.rel .LBB2_104-.Ltmp67, $2  }
0x6fb: {  	_ =	sdelay $0x2  }
0x6fc: {  	s1 =	simm.s32 $0x0  }
.LBB2_100:
.Ltmp68:
0x6fd: {  	(pc) =	sbr.rel .LBB2_104-.Ltmp68, $2  }
0x6fe: {  	_ =	sdelay $0x3  }
0x6ff: {  	s1 =	simm.s32 $0x0  }
.LBB2_102:
.Ltmp69:
0x700: {  	(pc) =	sbr.rel .LBB2_104-.Ltmp69, $2  }
0x701: {  	_ =	sdelay $0x2  }
0x702: {  	s1 =	simm.s32 $0x0  }
.LBB2_105:
0x703: {  	s1 =	simm.s32 $0x4000  }
0x704: {  	v7 =	vld [tilespmem:s1+$0x0]  }
.Ltmp70:
0x705: {  	_ = 	snop;
	(pc) =	sbr.rel @!p0 .LBB2_106-.Ltmp70, $3  }
0x706: {  	_ =	sdelay $0x1  }
0x707: {  	s0 =	simm.s32 $0x0;
	p1 =	por $0x0, $0x0  }
0x708: {  	v6 =	vmov s21;
	p2 =	por $0x0, $0x0;
	p3 =	por $0x0, $0x0;
	s1 =	simm.s32 $0x4010;
	v8 =	vor.u32 s0, v0;
	v7 =	vand.u32 $0xFFFF, v7  }
0x709: {  	v9 =	vld [tilespmem:s1+$0x0];
	p4 =	sne.s32 s24, $0x1  }
.Ltmp71:
0x70a: {  	_ = 	snop;
	(pc) =	sbr.rel @!p4 .LBB2_110-.Ltmp71, $4  }
0x70b: {  	vm0 =	vlt.s32 v8, v5;
	vm1 =	vgt.s32 v7, v6  }
0x70c: {  	vm0 =	vmand vm0, vm1  }
0x70d: {  	s2 =	simm.s32 $0x10;
	v7 =	vsel vm0, $0x1, v1  }
0x70e: {  	s1 =	sadd.s32 $0xFFFFFFFF, s24;
	p1 =	por $0x1, $0x1;
	v8 =	vor.u32 s2, v0;
	s2 =	simm.s32 $0x4020;
	(xrf0) =	vadd.scan.msk.s32 $0xffff, v7;
	v7 =	vand.u32 $0xFFFF, v9  }
0x70f: {  	_ =	sdelay $0x4  }
0x710: {  	vm0 =	vlt.s32 v8, v5;
	v8, _, _ =	vpop (xrf0)  }
0x711: {  	(v2sf) =	vpush v8, $0xF;
	_ =	sdelay $0x7  }
0x712: {  	v9 =	vld [tilespmem:s2+$0x0];
	p4 =	sne.s32 s1, $0x1  }
.Ltmp72:
0x713: {  	_ = 	snop;
	(pc) =	sbr.rel @!p4 .LBB2_112-.Ltmp72, $4  }
0x714: {  	vm1 =	vgt.s32 v7, v6  }
0x715: {  	vm0 =	vmand vm0, vm1  }
0x716: {  	s31 =	simm.s32 $0x20;
	v7 =	vsel vm0, $0x1, v1  }
0x717: {  	s1 =	sadd.s32 $0xFFFFFFFF, s1;
	s2 =	simm.s32 $0x4030;
	p2 =	por $0x1, $0x1;
	(xrf0) =	vadd.scan.msk.s32 $0xffff, v7;
	v7 =	vand.u32 $0xFFFF, v9;
	v8 =	vor.u32 s31, v0  }
0x718: {  	_ =	sdelay $0x4  }
0x719: {  	vm0 =	vlt.s32 v8, v5;
	v8, _, _ =	vpop (xrf0)  }
0x71a: {  	(v2sf) =	vpush v8, $0xF;
	_ =	sdelay $0x3  }
0x71b: {  	v9 =	vld [tilespmem:s2+$0x0];
	p4 =	sne.s32 s1, $0x1  }
.Ltmp73:
0x71c: {  	_ = 	snop;
	(pc) =	sbr.rel @!p4 .LBB2_114-.Ltmp73, $4  }
0x71d: {  	vm1 =	vgt.s32 v7, v6  }
0x71e: {  	vm0 =	vmand vm0, vm1  }
0x71f: {  	s31 =	simm.s32 $0x30;
	v7 =	vsel vm0, $0x1, v1  }
0x720: {  	s1 =	sadd.s32 $0xFFFFFFFF, s1;
	s2 =	simm.s32 $0x4040;
	p3 =	por $0x1, $0x1;
	(xrf0) =	vadd.scan.msk.s32 $0xffff, v7;
	v7 =	vand.u32 $0xFFFF, v9;
	v8 =	vor.u32 s31, v0  }
0x721: {  	_ =	sdelay $0x4  }
0x722: {  	vm0 =	vlt.s32 v8, v5;
	v8, _, _ =	vpop (xrf0)  }
0x723: {  	(v2sf) =	vpush v8, $0xF;
	_ =	sdelay $0x3  }
0x724: {  	v9 =	vld [tilespmem:s2+$0x0];
	vm1 =	vgt.s32 v7, v6;
	p5 =	sne.s32 s1, $0x1  }
.Ltmp74:
0x725: {  	vm0 =	vmand vm0, vm1;
	(pc) =	sbr.rel @!p5 .LBB2_116-.Ltmp74, $4  }
0x726: {  	v7 =	vsel vm0, $0x1, v1  }
0x727: {  	(xrf0) =	vadd.scan.msk.s32 $0xffff, v7  }
0x728: {  	s2 =	sadd.s32 $0xFFFFFFFF, s1;
	s3 =	simm.s32 $0x40  }
0x729: {  	s18 =	simm.s32 $0x4050;
	p4 =	por $0x1, $0x1;
	s1 =	simm.s32 $0x0;
	v7 =	vand.u32 $0xFFFF, v9;
	v8 =	vor.u32 s3, v0  }
.LBB2_117:
0x72a: {  	v9 =	vld [tilespmem:s18+$0x0];
	p5 =	sne.s32 s2, $0x1;
	s2 =	sadd.s32 $0xFFFFFFFF, s2;
	vm0 =	vlt.s32 v8, v5;
	vm1 =	vgt.s32 v7, v6  }
.Ltmp75:
0x72b: {  	vm0 =	vmand vm0, vm1;
	s4 =	spop (v2sf);
	(pc) =	sbr.rel @p5 .LBB2_117-.Ltmp75, $4  }
0x72c: {  	v8 =	vsel vm0, $0x1, v1;
	s1 =	sadd.s32 s1, s4  }
0x72d: {  	(xrf0) =	vadd.scan.msk.s32 $0xffff, v8;
	v7, _, _ =	vpop (xrf0)  }
0x72e: {  	s3 =	sadd.s32 $0x10, s3;
	(v2sf) =	vpush v7, $0xF  }
0x72f: {  	s18 =	sadd.s32 $0x10, s18;
	v8 =	vor.u32 s3, v0;
	v7 =	vand.u32 $0xFFFF, v9  }
.LBB2_118:
0x730: {  	vm0 =	vlt.s32 v8, v5;
	vm1 =	vgt.s32 v7, v6  }
0x731: {  	vm0 =	vmand vm0, vm1  }
0x732: {  	v7 =	vsel vm0, $0x1, v1  }
0x733: {  	(xrf0) =	vadd.scan.msk.s32 $0xffff, v7;
	_ =	sdelay $0x3  }
0x734: {  	v7, _, _ =	vpop @p1 (xrf0)  }
0x735: {  	(v2sf) =	vpush @p1 v7, $0xF  }
0x736: {  	v7, _, _ =	vpop (xrf0)  }
0x737: {  	(v2sf) =	vpush v7, $0xF;
	_ =	sdelay $0x6  }
0x738: {  	s2 =	spop @p4 (v2sf)  }
0x739: {  	s1 =	sadd.s32 @p4 s1, s2;
	s2 =	simm.s32 $0x0  }
0x73a: {  	s2 =	smov.u32 @p4 s1;
	s1 =	spop @p3 (v2sf)  }
0x73b: {  	s1 =	sadd.s32 @p3 s2, s1;
	s2 =	simm.s32 $0x0  }
0x73c: {  	s2 =	smov.u32 @p3 s1;
	s1 =	spop @p2 (v2sf)  }
0x73d: {  	s1 =	sadd.s32 @p2 s2, s1;
	s2 =	simm.s32 $0x0  }
0x73e: {  	s2 =	smov.u32 @p2 s1;
	s1 =	spop @p1 (v2sf)  }
0x73f: {  	s1 =	sadd.s32 @p1 s2, s1  }
.Ltmp76:
0x740: {  	s0 =	smov.u32 @p1 s1;
	s31 =	spop (v2sf);
	(pc) =	sbr.rel @!p0 .LBB2_119-.Ltmp76, $4  }
0x741: {  	s0 =	sadd.s32 s0, s31  }
0x742: {  	s0 =	sadd.s32 s0, s22  }
0x743: {  	s0 =	ssub.s32 $0x40, s0  }
0x744: {  	s29 =	simm.s32 $0x4000;
	s23 =	simm.s32 $0x6000;
	s22 =	simm.s32 $0x0;
	v7 =	vmov s0  }
0x745: {  	v8 =	vld [tilespmem:s29+$0x0];
	p0 =	sne.s32 s24, $0x1  }
.Ltmp77:
0x746: {  	_ = 	snop;
	(pc) =	sbr.rel @!p0 .LBB2_121-.Ltmp77, $2  }
0x747: {  	_ =	sdelay $0x2  }
0x748: {  	s0 =	sadd.s32 $0xFFFFFFFF, s24;
	v11 =	vor.u32 s22, v0;
	s29 =	simm.s32 $0x4010;
	p1 =	por $0x1, $0x1;
	v9 =	vand.u32 $0xFFFF, v8  }
0x749: {  	v8 =	vld [tilespmem:s29+$0x0];
	p0 =	sne.s32 s0, $0x1  }
.Ltmp78:
0x74a: {  	_ = 	snop;
	(pc) =	sbr.rel @!p0 .LBB2_123-.Ltmp78, $4  }
0x74b: {  	vm0 =	vlt.s32 v11, v5;
	vm1 =	veq.s32 v9, v6  }
0x74c: {  	vm0 =	vmand vm0, vm1  }
0x74d: {  	s26 =	simm.s32 $0x10;
	v9 =	vsel vm0, $0x1, v1  }
0x74e: {  	s0 =	sadd.s32 $0xFFFFFFFF, s0;
	s29 =	simm.s32 $0x4020;
	p2 =	por $0x1, $0x1;
	v11 =	vor.u32 s26, v0;
	vm0 =	vmmov vm0;
	(xrf0) =	vadd.scan.msk.s32 $0xffff, v9;
	v9 =	vand.u32 $0xFFFF, v8  }
0x74f: {  	_ = 	snop  }
0x750: {  	v8 =	vld [tilespmem:s29+$0x0];
	p0 =	sne.s32 s0, $0x1  }
.Ltmp79:
0x751: {  	_ = 	snop;
	(pc) =	sbr.rel @!p0 .LBB2_125-.Ltmp79, $4  }
0x752: {  	vm1 =	vlt.s32 v11, v5;
	vm2 =	veq.s32 v9, v6  }
0x753: {  	s26 =	simm.s32 $0x20;
	vm2 =	vmand vm1, vm2  }
0x754: {  	vm1 =	vmmov vm0;
	v11 =	vor.u32 s26, v0;
	v9 =	vsel vm2, $0x1, v1;
	v12, _, _ =	vpop (xrf0)  }
0x755: {  	s0 =	sadd.s32 $0xFFFFFFFF, s0;
	s29 =	simm.s32 $0x4030;
	p3 =	por $0x1, $0x1;
	vm0 =	vmmov vm2;
	(xrf0) =	vadd.scan.msk.s32 $0xffff, v9;
	v9 =	vand.u32 $0xFFFF, v8;
	(v2sf) =	vpush v12, $0xF  }
0x756: {  	_ = 	snop  }
0x757: {  	v8 =	vld [tilespmem:s29+$0x0];
	p0 =	sne.s32 s0, $0x1  }
.Ltmp80:
0x758: {  	_ = 	snop;
	(pc) =	sbr.rel @!p0 .LBB2_127-.Ltmp80, $4  }
0x759: {  	vm2 =	vlt.s32 v11, v5;
	vm4 =	veq.s32 v9, v6  }
0x75a: {  	vm3 =	vmmov vm1;
	s26 =	simm.s32 $0x30;
	vm2 =	vmand vm2, vm4  }
0x75b: {  	vm1 =	vmmov vm0;
	v11 =	vor.u32 s26, v0;
	v9 =	vsel vm2, $0x1, v1;
	v13, _, _ =	vpop (xrf0)  }
0x75c: {  	s0 =	sadd.s32 $0xFFFFFFFF, s0;
	s29 =	simm.s32 $0x4040;
	p4 =	por $0x1, $0x1;
	vm0 =	vmmov vm2;
	(xrf0) =	vadd.scan.msk.s32 $0xffff, v9;
	v9 =	vand.u32 $0xFFFF, v8;
	(v2sf) =	vpush v13, $0xF  }
0x75d: {  	p0 =	por $0x0, $0x0  }
0x75e: {  	s1 =	simm.s32 @!p0 $0x0  }
0x75f: {  	v14 =	vld [tilespmem:s29+$0x0];
	s1 =	simm.s32 @p0 $0x1;
	p0 =	sne.s32 s0, $0x1  }
.Ltmp81:
0x760: {  	vm2 =	vlt.s32 v11, v5;
	vm4 =	veq.s32 v9, v6;
	(pc) =	sbr.rel @!p0 .LBB2_129-.Ltmp81, $4  }
0x761: {  	vm5 =	vmmov vm3;
	vm3 =	vmmov vm1;
	vm1 =	vmmov vm0;
	s26 =	simm.s32 $0x40  }
0x762: {  	v8 =	vadd.s32 s22, v12;
	vm2 =	vmand vm2, vm4;
	v11 =	vor.u32 s26, v0  }
0x763: {  	s29 =	simm.s32 $0x4050;
	v9 =	vsel vm2, $0x1, v1;
	vm0 =	vmmov vm2;
	vm2 =	veq.s32 v8, v7;
	v10, _, _ =	vpop (xrf0)  }
0x764: {  	p5 =	por $0x1, $0x1;
	s0 =	sadd.s32 $0xFFFFFFFF, s0;
	v8 =	vld [tilespmem:s23+$0x0];
	[smem:$0x7F5] =	sst s1;
	vm2 =	vmand vm5, vm2;
	(xrf0) =	vadd.scan.msk.s32 $0xffff, v9;
	v9 =	vand.u32 $0xFFFF, v14;
	(v2sf) =	vpush v10, $0xF  }
0x765: {  	_ = 	snop  }
0x766: {  	v12 =	vld [tilespmem:s29+$0x0];
	vm4 =	vlt.s32 v11, v5;
	vm5 =	veq.s32 v9, v6;
	s1 =	spop (v2sf);
	p0 =	sne.s32 s0, $0x1  }
.Ltmp82:
0x767: {  	vm3 =	vmmov vm3;
	vm4 =	vmand vm4, vm5;
	vm5 =	vmmov vm1;
	s24 =	sadd.s32 $0x0, s1;
	(pc) =	sbr.rel @!p0 .LBB2_131-.Ltmp82, $4  }
0x768: {  	vm1 =	vmmov vm0;
	v11 =	vsel vm4, $0x1, v1;
	v13 =	vadd.s32 s24, v13  }
0x769: {  	vm0 =	vmmov vm4;
	vm4 =	veq.s32 v13, v7;
	v9 =	vnsel vm2, $0x0, v8  }
0x76a: {  	s28 =	simm.s32 $0x6010;
	s26 =	simm.s32 $0x50;
	vm4 =	vmand vm3, vm4;
	v15, _, _ =	vpop (xrf0);
	(xrf0) =	vadd.scan.msk.s32 $0xffff, v9  }
0x76b: {  	s0 =	sadd.s32 $0xFFFFFFFF, s0;
	s29 =	simm.s32 $0x4060;
	p6 =	por $0x1, $0x1;
	v13 =	vld [tilespmem:s28+$0x0];
	v9 =	vand.u32 $0xFFFF, v12;
	(v2sf) =	vpush v15, $0xF;
	(xrf0) =	vadd.scan.msk.s32 $0xffff, v11;
	v11 =	vor.u32 s26, v0  }
0x76c: {  	_ =	sdelay $0x3  }
0x76d: {  	vm3 =	vlt.s32 v11, v5;
	v11, _, _ =	vpop (xrf0)  }
0x76e: {  	(v2sf) =	vpush v11, $0xF;
	v14, _, _ =	vpop (xrf0)  }
0x76f: {  	(v2sf) =	vpush v14, $0xF;
	_ =	sdelay $0x7  }
0x770: {  	v12 =	vld [tilespmem:s29+$0x0];
	p0 =	sne.s32 s0, $0x1  }
.Ltmp83:
0x771: {  	vm6 =	veq.s32 v9, v6;
	s1 =	spop (v2sf);
	(pc) =	sbr.rel @!p0 .LBB2_133-.Ltmp83, $4  }
0x772: {  	vm8 =	vmmov vm5;
	vm7 =	vmmov vm0;
	p6 =	por $0x1, $0x1;
	vm3 =	vmand vm3, vm6;
	s24 =	sadd.s32 s24, s1  }
0x773: {  	vm6 =	vmmov vm1;
	s1 =	simm.s32 @!p6 $0x0;
	v9 =	vnsel vm4, $0x0, v13;
	v11 =	vadd.s32 s24, v10  }
0x774: {  	s28 =	simm.s32 $0x6020;
	s26 =	simm.s32 $0x60;
	v17 =	vsel vm3, $0x1, v1;
	vm0 =	vmmov vm3;
	s1 =	simm.s32 @p6 $0x1;
	(xrf0) =	vadd.scan.msk.s32 $0xffff, v9;
	vm1 =	veq.s32 v11, v7  }
0x775: {  	s0 =	sadd.s32 $0xFFFFFFFF, s0;
	s29 =	simm.s32 $0x4070;
	v16 =	vld [tilespmem:s28+$0x0];
	[smem:$0x7F6] =	sst s1;
	v9 =	vand.u32 $0xFFFF, v12;
	(xrf0) =	vadd.scan.msk.s32 $0xffff, v17;
	v11 =	vor.u32 s26, v0;
	vm8 =	vmand vm8, vm1  }
0x776: {  	_ =	sdelay $0x3  }
0x777: {  	vm1 =	vlt.s32 v11, v5;
	v11, _, _ =	vpop (xrf0)  }
0x778: {  	s1 =	spop (v2sf);
	(v2sf) =	vpush v11, $0xF;
	v20, _, _ =	vpop (xrf0)  }
0x779: {  	(v2sf) =	vpush v20, $0xF;
	_ =	sdelay $0x2  }
0x77a: {  	v12 =	vld [tilespmem:s29+$0x0];
	p0 =	sne.s32 s0, $0x1  }
.Ltmp84:
0x77b: {  	vm3 =	veq.s32 v9, v6;
	(pc) =	sbr.rel @!p0 .LBB2_135-.Ltmp84, $4  }
0x77c: {  	vm9 =	vmmov vm7;
	vm11 =	vmmov vm0;
	p6 =	por $0x1, $0x1;
	vm1 =	vmand vm1, vm3;
	s24 =	sadd.s32 s24, s1  }
0x77d: {  	vm3 =	vmmov vm6;
	s1 =	simm.s32 @!p6 $0x0;
	v9 =	vnsel vm8, $0x0, v16;
	v11 =	vadd.s32 s24, v15  }
0x77e: {  	s28 =	simm.s32 $0x6030;
	s26 =	simm.s32 $0x70;
	v17 =	vsel vm1, $0x1, v1;
	vm13 =	vmmov vm1;
	s1 =	simm.s32 @p6 $0x1;
	(xrf0) =	vadd.scan.msk.s32 $0xffff, v9;
	vm0 =	veq.s32 v11, v7  }
0x77f: {  	s0 =	sadd.s32 $0xFFFFFFFF, s0;
	s29 =	simm.s32 $0x4080;
	v18 =	vld [tilespmem:s28+$0x0];
	[smem:$0x7F7] =	sst s1;
	v9 =	vand.u32 $0xFFFF, v12;
	(xrf0) =	vadd.scan.msk.s32 $0xffff, v17;
	v11 =	vor.u32 s26, v0;
	vm10 =	vmand vm3, vm0  }
0x780: {  	_ =	sdelay $0x3  }
0x781: {  	vm0 =	vlt.s32 v11, v5;
	v11, _, _ =	vpop (xrf0)  }
0x782: {  	(v2sf) =	vpush v11, $0xF;
	v12, _, _ =	vpop (xrf0)  }
0x783: {  	(v2sf) =	vpush v12, $0xF;
	_ =	sdelay $0x2  }
0x784: {  	v19 =	vld [tilespmem:s29+$0x0];
	vm1 =	veq.s32 v9, v6;
	p0 =	sne.s32 s0, $0x1;
	s28 =	simm.s32 $0x6040;
	v9 =	vnsel vm10, $0x0, v18  }
.Ltmp85:
0x785: {  	s1 =	spop (v2sf);
	vm0 =	vmand vm0, vm1;
	v17 =	vld [tilespmem:s28+$0x0];
	(xrf0) =	vadd.scan.msk.s32 $0xffff, v9;
	(pc) =	sbr.rel @!p0 .LBB2_137-.Ltmp85, $4  }
0x786: {  	p6 =	por $0x1, $0x1;
	s24 =	sadd.s32 s24, s1;
	v21 =	vsel vm0, $0x1, v1  }
0x787: {  	vm12 =	vmmov vm9;
	vm3 =	vmmov vm11;
	s0 =	sadd.s32 $0xFFFFFFFF, s0;
	s1 =	simm.s32 @!p6 $0x0;
	v11 =	vadd.s32 s24, v14;
	(xrf0) =	vadd.scan.msk.s32 $0xffff, v21  }
0x788: {  	s26 =	simm.s32 $0x80;
	s29 =	simm.s32 $0x4090;
	vm1 =	vmmov vm13;
	vm0 =	vmmov vm0;
	s1 =	simm.s32 @p6 $0x1;
	vm14 =	veq.s32 v11, v7  }
0x789: {  	s25 =	simm.s32 $0x0;
	s30 =	spop (v2sf);
	[smem:$0x7F5] =	sst s1;
	v9 =	vand.u32 $0xFFFF, v19;
	v19 =	vmovc v20;
	v11 =	vor.u32 s26, v0;
	vm12 =	vmand vm12, vm14  }
.LBB2_138:
0x78a: {  	p0 =	sne.s32 s0, $0x1;
	v21 =	vld [tilespmem:s29+$0x0];
	vm14 =	vlt.s32 v11, v5;
	vm15 =	veq.s32 v9, v6;
	v11 =	vnsel vm12, $0x0, v17;
	s28 =	sadd.s32 $0x10, s28;
	s25 =	sadd.s32 s25, s30  }
.Ltmp86:
0x78b: {  	s0 =	sadd.s32 $0xFFFFFFFF, s0;
	vm12 =	vmand vm14, vm15;
	v17 =	vld [tilespmem:s28+$0x0];
	(xrf0) =	vadd.scan.msk.s32 $0xffff, v11;
	s1 =	spop (v2sf);
	v9, _, _ =	vpop (xrf0);
	vm14 =	vmmov vm3;
	vm3 =	vmmov vm1;
	(pc) =	sbr.rel @p0 .LBB2_138-.Ltmp86, $4  }
0x78c: {  	vm1 =	vmmov vm0;
	v11 =	vsel vm12, $0x1, v1;
	s24 =	sadd.s32 s24, s1;
	(v2sf) =	vpush v9, $0xF  }
0x78d: {  	vm0 =	vmmov vm12;
	(xrf0) =	vadd.scan.msk.s32 $0xffff, v11;
	v9 =	vadd.s32 s24, v19;
	v19 =	vmov v12;
	v12, _, _ =	vpop (xrf0)  }
0x78e: {  	s26 =	sadd.s32 $0x10, s26;
	(v2sf) =	vpush v12, $0xF;
	vm12 =	veq.s32 v9, v7;
	_ =	sdelay $0x1  }
0x78f: {  	s29 =	sadd.s32 $0x10, s29;
	v11 =	vor.u32 s26, v0;
	v9 =	vand.u32 $0xFFFF, v21;
	vm12 =	vmand vm14, vm12;
	s30 =	spop (v2sf)  }
0x790: {  	p6 =	por $0x1, $0x1  }
.LBB2_140:
0x791: {  	vm14 =	vlt.s32 @p1 v11, v5;
	vm15 =	veq.s32 @p1 v9, v6  }
0x792: {  	v9 =	vnsel @p5 vm12, $0x0, v17;
	vm12 =	vmand @p1 vm14, vm15  }
0x793: {  	(xrf0) =	vadd.scan.msk.s32 @p5 $0xffff, v9;
	v9 =	vsel @p1 vm12, $0x1, v1  }
0x794: {  	(xrf0) =	vadd.scan.msk.s32 @p1 $0xffff, v9;
	_ =	sdelay $0x1  }
0x795: {  	v9, _, _ =	vpop @p6 (xrf0)  }
0x796: {  	s0 =	sadd.s32 @p5 $0x10, s28;
	s1 =	simm.s32 $0x6000;
	s2 =	spop @p5 (v2sf);
	(v2sf) =	vpush @p6 v9, $0xF;
	v9, _, _ =	vpop @p2 (xrf0)  }
0x797: {  	s1 =	smov.u32 @p5 s0;
	s0 =	sadd.s32 @p5 s24, s2;
	s24 =	sld [smem:$0x7F7];
	(v2sf) =	vpush @p2 v9, $0xF  }
0x798: {  	v17, _, _ =	vpop @p5 (xrf0)  }
0x799: {  	(v2sf) =	vpush @p5 v17, $0xF;
	v17, _, _ =	vpop @p1 (xrf0)  }
0x79a: {  	s3 =	sadd.s32 @p1 $0x10, s26;
	s2 =	simm.s32 $0x0;
	p0 =	seq.s32 s24, $0x1;
	(v2sf) =	vpush @p1 v17, $0xF  }
0x79b: {  	v60 =	vld [tilespmem:s29+$0x0];
	vm3 =	vmmov @p4 vm3;
	vm1 =	vmmov @p3 vm1;
	s4 =	simm.s32 $0x0;
	vm0 =	vmmov @p2 vm0;
	s2 =	smov.u32 @p5 s0;
	s0 =	simm.s32 @!p0 $0x0  }
0x79c: {  	v12 =	vpsel p3, v12, v14;
	s4 =	smov.u32 @p1 s3;
	vm9 =	vmmov @p3 vm1;
	vm11 =	vmmov @p2 vm0;
	v21 =	vld @p4 [tilespmem:s1+$0x0];
	s1 =	sadd.s32 @p4 $0x10, s1;
	s0 =	simm.s32 @p0 $0x1  }
0x79d: {  	vm12 =	vmmov @p1 vm12;
	v61 =	vor.u32 s4, v0;
	s4 =	simm.s32 $0x6000;
	vm1 =	vmmov @p2 vm11;
	[smem:$0x7F7] =	sst s0;
	s0 =	spop @p0 (v2sf)  }
0x79e: {  	s26 =	sld [smem:$0x7F6];
	v19 =	vadd.s32 @p4 s2, v19;
	s4 =	smov.u32 @p4 s1;
	vm13 =	vmmov @p1 vm12;
	vm12 =	vlt.s32 v61, v5;
	s3 =	spop @p4 (v2sf)  }
0x79f: {  	s5 =	simm.s32 $0x6000;
	vm6 =	vmmov @p2 vm1;
	vm14 =	veq.s32 @p4 v19, v7;
	v9 =	vpsel p2, v9, v20;
	v20 =	vld @p3 [tilespmem:s4+$0x0];
	s1 =	sadd.s32 @p4 s2, s3;
	s2 =	simm.s32 $0x0  }
0x7a0: {  	vm1 =	vmmov @p2 vm6;
	vm3 =	vmand @p4 vm3, vm14;
	v11 =	vand.u32 $0xFFFF, v60;
	p0 =	por p5, p5;
	s2 =	smov.u32 @p4 s1;
	s1 =	simm.s32 @!p5 $0x0  }
0x7a1: {  	vm10 =	vmmov @p4 vm3;
	vm14 =	veq.s32 v11, v6;
	vm3 =	vmmov @p3 vm9;
	s1 =	simm.s32 @p5 $0x1;
	p5 =	por p6, p6;
	p6 =	seq.s32 s26, $0x1  }
0x7a2: {  	v18 =	vpsel p4, v21, v18;
	vm0 =	vmand vm12, vm14;
	s3 =	sadd.s32 @p3 $0x10, s4;
	v5 =	vadd.s32 @p3 s2, v12;
	[smem:$0x7F4] =	sst s1;
	s1 =	spop @p6 (v2sf)  }
0x7a3: {  	v6 =	vnsel @p4 vm10, $0x0, v18;
	v9 =	vpsel p2, v9, v15;
	s5 =	smov.u32 @p3 s3;
	vm9 =	veq.s32 @p3 v5, v7;
	s4 =	spop @p3 (v2sf)  }
0x7a4: {  	(xrf0) =	vadd.scan.msk.s32 @p4 $0xffff, v6;
	s3 =	simm.s32 $0x6000;
	v11 =	vld @p2 [tilespmem:s5+$0x0];
	v5 =	vsel vm0, $0x1, v1;
	v6 =	vpsel p3, v20, v16;
	vm0 =	vmmov vm0;
	s2 =	sadd.s32 @p3 s2, s4;
	s4 =	simm.s32 $0x0  }
0x7a5: {  	vm3 =	vmand @p3 vm3, vm9;
	vm9 =	vmmov @p1 vm13;
	(xrf0) =	vadd.scan.msk.s32 $0xffff, v5;
	v5 =	vpsel p1, v17, v14;
	s4 =	smov.u32 @p3 s2;
	s2 =	sadd.s32 @p2 $0x10, s5;
	s18 =	spop @p5 (v2sf)  }
0x7a6: {  	vm0 =	vmmov vm0;
	vm7 =	vmmov @p1 vm9;
	v9 =	vadd.s32 @p2 s4, v9;
	s3 =	smov.u32 @p2 s2;
	s2 =	spop @p2 (v2sf)  }
0x7a7: {  	vm8 =	vmmov @p3 vm3;
	vm6 =	vmmov @p1 vm7;
	vm3 =	veq.s32 @p2 v9, v7;
	v9 =	vld @p1 [tilespmem:s3+$0x0];
	s2 =	sadd.s32 @p2 s4, s2;
	s4 =	simm.s32 $0x0  }
0x7a8: {  	v5 =	vpsel p1, v5, v10;
	v6 =	vnsel @p3 vm8, $0x0, v6;
	vm5 =	vmmov @p1 vm6;
	s3 =	sadd.s32 @p1 $0x10, s3;
	s4 =	smov.u32 @p2 s2;
	s2 =	spop @p0 (v2sf)  }
0x7a9: {  	(xrf0) =	vadd.scan.msk.s32 @p3 $0xffff, v6;
	v6 =	vpsel p2, v11, v13;
	vm1 =	vmand @p2 vm1, vm3;
	s23 =	smov.u32 @p1 s3;
	v5 =	vadd.s32 @p1 s4, v5;
	s3 =	spop @p1 (v2sf)  }
0x7aa: {  	v10, _, _ =	vpop @p4 (xrf0);
	vm4 =	vmmov @p2 vm1;
	vm1 =	vmmov @p1 vm5;
	vm3 =	veq.s32 @p1 v5, v7;
	v5 =	vld [tilespmem:s23+$0x0];
	s3 =	sadd.s32 @p1 s4, s3;
	s4 =	simm.s32 $0x0  }
0x7ab: {  	vm0 =	vmmov vm0;
	v62, _, _ =	vpop (xrf0);
	v6 =	vnsel @p2 vm4, $0x0, v6;
	vm1 =	vmand @p1 vm1, vm3;
	s4 =	smov.u32 @p1 s3  }
0x7ac: {  	s28 =	sld [smem:$0x7F5];
	(xrf0) =	vadd.scan.msk.s32 @p2 $0xffff, v6;
	v6 =	vpsel p1, v9, v8;
	vm2 =	vmmov @p1 vm1;
	v63 =	vadd.s32 s4, v62  }
0x7ad: {  	vm0 =	vmmov vm0;
	v6 =	vnsel @p1 vm2, $0x0, v6;
	vm15 =	veq.s32 v63, v7  }
0x7ae: {  	s29 =	sld [smem:$0x7F7];
	vm0 =	vmand vm0, vm15  }
0x7af: {  	p0 =	seq.s32 s28, $0x1;
	(v2sf) =	vpush @p4 v10, $0xF;
	(xrf0) =	vadd.scan.msk.s32 @p1 $0xffff, v6;
	v5 =	vnsel vm0, $0x0, v5  }
0x7b0: {  	(v2sf) =	vpush v62, $0xF;
	s3 =	sadd.s32 @p0 s25, s30;
	s4 =	simm.s32 $0x0;
	v6, _, _ =	vpop @p3 (xrf0)  }
0x7b1: {  	s4 =	smov.u32 @p0 s3;
	p0 =	seq.s32 s29, $0x1;
	(v2sf) =	vpush @p3 v6, $0xF  }
0x7b2: {  	s0 =	smov.u32 @p0 s0;
	(xrf0) =	vadd.scan.msk.s32 $0xffff, v5;
	v5, _, _ =	vpop @p2 (xrf0)  }
0x7b3: {  	s3 =	simm.s32 $0x0;
	s0 =	sadd.s32 @p0 s4, s0;
	(v2sf) =	vpush @p2 v5, $0xF  }
0x7b4: {  	s3 =	smov.u32 @p0 s0;
	s0 =	smov.u32 @p6 s1  }
0x7b5: {  	s1 =	simm.s32 $0x0;
	s0 =	sadd.s32 @p6 s3, s0;
	v5, _, _ =	vpop @p1 (xrf0)  }
0x7b6: {  	s1 =	smov.u32 @p6 s0;
	s0 =	smov.u32 @p5 s18;
	(v2sf) =	vpush @p1 v5, $0xF  }
0x7b7: {  	s0 =	sadd.s32 @p5 s1, s0;
	s1 =	simm.s32 $0x0  }
0x7b8: {  	s1 =	smov.u32 @p5 s0;
	s0 =	sld [smem:$0x7F4];
	v5, _, _ =	vpop (xrf0)  }
0x7b9: {  	(v2sf) =	vpush v5, $0xF;
	_ =	sdelay $0x1  }
0x7ba: {  	p0 =	seq.s32 s0, $0x1  }
0x7bb: {  	s0 =	smov.u32 @p0 s2  }
0x7bc: {  	s0 =	sadd.s32 @p0 s1, s0;
	s1 =	simm.s32 $0x0  }
0x7bd: {  	s1 =	smov.u32 @p0 s0;
	s0 =	spop @p4 (v2sf)  }
0x7be: {  	s0 =	smov.u32 @p4 s0;
	s30 =	spop (v2sf)  }
0x7bf: {  	s2 =	simm.s32 $0x0;
	s0 =	sadd.s32 @p4 s1, s0;
	s1 =	spop @p3 (v2sf)  }
0x7c0: {  	s2 =	smov.u32 @p4 s0;
	s0 =	smov.u32 @p3 s1  }
0x7c1: {  	s0 =	sadd.s32 @p3 s2, s0;
	s1 =	spop @p2 (v2sf);
	s2 =	simm.s32 $0x0  }
0x7c2: {  	s2 =	smov.u32 @p3 s0;
	s0 =	smov.u32 @p2 s1  }
0x7c3: {  	s0 =	sadd.s32 @p2 s2, s0  }
.Ltmp87:
0x7c4: {  	s1 =	spop @p1 (v2sf);
	s2 =	simm.s32 $0x0;
	(pc) =	sbr.rel .LBB2_141-.Ltmp87, $4  }
0x7c5: {  	s2 =	smov.u32 @p2 s0;
	s0 =	smov.u32 @p1 s1  }
0x7c6: {  	s0 =	sadd.s32 @p1 s2, s0  }
0x7c7: {  	s31 =	spop (v2sf);
	s22 =	smov.u32 @p1 s0  }
0x7c8: {  	s1 =	sadd.s32 s22, s31  }
.LBB2_108:
0x7c9: {  	s1 =	simm.s32 $0x0  }
.LBB2_141:
0x7ca: {  	_ =	swait.ge [sflag:s15], $0x2000  }
0x7cb: {  	[sflag:s15] =	ssyncset.done $0x0  }
0x7cc: {  	s2 =	simm.s32 $0x40;
	[sflag:s15] =	ssyncadd.s32 $0xFFFFE000  }
0x7cd: {  	v7 =	vld [tilespmem:s2+$0x30]  }
0x7ce: {  	v14 =	vld [tilespmem:s2+$0xFFFFFFE0]  }
0x7cf: {  	s3 =	sshll.u32 s20, $0x10;
	s20 =	simm.s32 $0x70;
	s26 =	simm.s32 $0x10;
	v15 =	vld [tilespmem:s2+$0xFFFFFFF0]  }
0x7d0: {  	v6 =	vmov s1;
	s29 =	simm.s32 $0x30;
	s30 =	simm.s32 $0x40;
	s5 =	simm.s32 $0x50;
	v9 =	vor.u32 s20, v0;
	v10 =	vor.u32 s26, v0;
	v16 =	vld [tilespmem:s2+$0x0]  }
0x7d1: {  	s31 =	simm.s32 $0x60;
	s3 =	sor.u32 s3, s21;
	v11 =	vor.u32 s29, v0;
	v18 =	vor.u32 s30, v0;
	v19 =	vor.u32 s5, v0;
	v17 =	vld [tilespmem:s2+$0x10]  }
0x7d2: {  	s28 =	simm.s32 $0x20;
	v22 =	vor.u32 s31, v0;
	v5 =	vmov s3;
	vm1 =	vle.s32 v9, v6;
	v20 =	vld [tilespmem:s2+$0x20]  }
0x7d3: {  	v9 =	vor.u32 s28, v0;
	vm4 =	vle.s32 v10, v6;
	vm8 =	vle.s32 v11, v6;
	v13 =	vld [tilespmem:s2+$0xFFFFFFD0]  }
0x7d4: {  	vm9 =	vle.s32 v18, v6;
	vm11 =	vle.s32 v19, v6;
	vm13 =	vle.s32 v22, v6  }
0x7d5: {  	s0 =	simm.s32 $0x2040;
	s4 =	simm.s32 $0x0;
	v12 =	vld [tilespmem:s2+$0xFFFFFFC0];
	vm6 =	vle.s32 v9, v6;
	vm0 =	veq.s32 v7, v5;
	vm2 =	vgt.u32 v7, v5  }
0x7d6: {  	v8 =	vld [tilespmem:s0+$0x30];
	v7 =	vor.u32 s4, v0;
	vm3 =	veq.s32 v14, v5;
	vm5 =	veq.s32 v15, v5  }
0x7d7: {  	vm7 =	veq.s32 v16, v5;
	vm10 =	veq.s32 v17, v5;
	vm12 =	veq.s32 v20, v5  }
0x7d8: {  	v9 =	vld [tilespmem:s0+$0xFFFFFFE0];
	vm0 =	vmand vm1, vm0;
	vm1 =	veq.s32 v13, v5;
	vm3 =	vmand vm6, vm3  }
0x7d9: {  	v10 =	vld [tilespmem:s0+$0xFFFFFFF0];
	vm5 =	vmand vm8, vm5;
	vm8 =	vgt.u32 v13, v5;
	vm6 =	vgt.u32 v16, v5  }
0x7da: {  	v11 =	vld [tilespmem:s0+$0x0];
	vm0 =	vmor vm2, vm0;
	vm2 =	vle.s32 v7, v6;
	vm4 =	vmand vm4, vm1  }
0x7db: {  	v7 =	vld [tilespmem:s0+$0xFFFFFFC0];
	vm1 =	vmand vm9, vm7;
	v21 =	vnsel vm0, $0x0, v8;
	vm0 =	veq.s32 v12, v5  }
0x7dc: {  	vm7 =	vgt.u32 v12, v5;
	vm9 =	vgt.u32 v17, v5;
	v8 =	vld [tilespmem:s0+$0xFFFFFFD0];
	vm14 =	vmand vm2, vm0  }
0x7dd: {  	v12 =	vld [tilespmem:s0+$0x10];
	vm0 =	vmand vm11, vm10;
	vm2 =	vmand vm13, vm12;
	vm11 =	vgt.u32 v14, v5  }
0x7de: {  	s22 =	simm.s32 $0xC0;
	s1 =	simm.s32 $0x2040;
	s21 =	simm.s32 $0x0;
	v13 =	vld [tilespmem:s0+$0x20];
	vm10 =	vgt.u32 v15, v5;
	[tilespmem:s0+$0x30] =	vst v21;
	vm12 =	vmor vm7, vm14;
	vm7 =	vgt.u32 v20, v5  }
.LBB2_142:
0x7df: {  	v14 =	vld [tilespmem:s22+$0x30];
	s21 =	sadd.s32 $0x8, s21;
	vm4 =	vmor vm8, vm4;
	vm3 =	vmor vm11, vm3;
	vm5 =	vmor vm10, vm5  }
0x7e0: {  	vm1 =	vmor vm6, vm1;
	vm0 =	vmor vm9, vm0;
	vm2 =	vmor vm7, vm2;
	v15 =	vld [tilespmem:s22+$0xFFFFFFC0];
	p0 =	slt.u32 s21, $0x1F8  }
0x7e1: {  	v7 =	vnsel vm12, $0x0, v7;
	s0 =	sadd.s32 $0x80, s0;
	v8 =	vnsel vm4, $0x0, v8;
	v9 =	vnsel vm3, $0x0, v9;
	v16 =	vld [tilespmem:s22+$0xFFFFFFD0]  }
0x7e2: {  	s20 =	sadd.s32 $0x80, s20;
	v17 =	vld [tilespmem:s0+$0x30];
	[tilespmem:s1+$0xFFFFFFC0] =	vst v7;
	v7 =	vnsel vm5, $0x0, v10;
	v10 =	vnsel vm1, $0x0, v11;
	v11 =	vnsel vm0, $0x0, v12  }
0x7e3: {  	s2 =	sadd.s32 $0xFFFFFFA0, s20;
	s3 =	sadd.s32 $0xFFFFFFB0, s20;
	s4 =	sadd.s32 $0xFFFFFFC0, s20;
	v13 =	vnsel vm2, $0x0, v13;
	v12 =	vor.u32 s20, v0;
	v18 =	vld [tilespmem:s22+$0xFFFFFFE0];
	[tilespmem:s1+$0xFFFFFFD0] =	vst v8  }
0x7e4: {  	s5 =	sadd.s32 $0xFFFFFFE0, s20;
	s6 =	sadd.s32 $0xFFFFFFF0, s20;
	v19 =	vor.u32 s2, v0;
	s2 =	sadd.s32 $0xFFFFFFD0, s20;
	vm1 =	vle.s32 v12, v6;
	v20 =	vld [tilespmem:s22+$0xFFFFFFF0];
	vm0 =	veq.s32 v14, v5;
	[tilespmem:s1+$0xFFFFFFE0] =	vst v9  }
0x7e5: {  	s18 =	sadd.s32 $0xFFFFFF90, s20;
	v12 =	vor.u32 s3, v0;
	vm2 =	vgt.u32 v14, v5;
	v21 =	vld [tilespmem:s22+$0x0];
	vm0 =	vmand vm1, vm0;
	[tilespmem:s1+$0xFFFFFFF0] =	vst v7  }
0x7e6: {  	v8 =	vor.u32 s18, v0;
	v14 =	vor.u32 s4, v0;
	v22 =	vld [tilespmem:s22+$0x10];
	vm0 =	vmor vm2, vm0;
	[tilespmem:s1+$0x0] =	vst v10  }
0x7e7: {  	v24 =	vor.u32 s5, v0;
	v23 =	vor.u32 s2, v0;
	v25 =	vld [tilespmem:s22+$0x20];
	v9 =	vnsel vm0, $0x0, v17;
	[tilespmem:s1+$0x10] =	vst v11  }
0x7e8: {  	vm1 =	veq.s32 v16, v5;
	vm0 =	veq.s32 v15, v5;
	v17 =	vor.u32 s6, v0;
	v7 =	vld [tilespmem:s0+$0xFFFFFFC0];
	[tilespmem:s0+$0x30] =	vst v9  }
0x7e9: {  	vm2 =	vle.s32 v8, v6;
	vm3 =	veq.s32 v18, v5;
	v8 =	vld [tilespmem:s0+$0xFFFFFFD0];
	vm5 =	veq.s32 v20, v5;
	[tilespmem:s1+$0x20] =	vst v13;
	s1 =	smov.u32 s0  }
0x7ea: {  	vm4 =	vle.s32 v19, v6;
	vm6 =	vle.s32 v12, v6;
	v9 =	vld [tilespmem:s0+$0xFFFFFFE0];
	vm7 =	veq.s32 v21, v5  }
0x7eb: {  	vm9 =	vle.s32 v23, v6;
	vm8 =	vle.s32 v14, v6;
	v10 =	vld [tilespmem:s0+$0xFFFFFFF0];
	vm10 =	veq.s32 v22, v5  }
0x7ec: {  	vm11 =	vle.s32 v24, v6;
	vm13 =	vle.s32 v17, v6;
	v11 =	vld [tilespmem:s0+$0x0];
	vm12 =	veq.s32 v25, v5  }
.Ltmp88:
0x7ed: {  	vm4 =	vmand vm4, vm1;
	vm14 =	vmand vm2, vm0;
	vm3 =	vmand vm6, vm3;
	v12 =	vld [tilespmem:s0+$0x10];
	(pc) =	sbr.rel @p0 .LBB2_142-.Ltmp88, $4  }
0x7ee: {  	vm5 =	vmand vm8, vm5;
	vm1 =	vmand vm9, vm7;
	vm0 =	vmand vm11, vm10;
	v13 =	vld [tilespmem:s0+$0x20]  }
0x7ef: {  	vm8 =	vgt.u32 v16, v5;
	vm7 =	vgt.u32 v15, v5;
	vm2 =	vmand vm13, vm12  }
0x7f0: {  	vm6 =	vgt.u32 v21, v5;
	vm11 =	vgt.u32 v18, v5;
	vm10 =	vgt.u32 v20, v5  }
0x7f1: {  	s22 =	sadd.s32 $0x80, s22;
	vm9 =	vgt.u32 v22, v5;
	vm12 =	vmor vm7, vm14;
	vm7 =	vgt.u32 v25, v5  }
0x7f2: {  	vm4 =	vmor vm8, vm4;
	v5 =	vnsel vm12, $0x0, v7  }
0x7f3: {  	vm3 =	vmor vm11, vm3;
	v6 =	vnsel vm4, $0x0, v8;
	[tilespmem:s1+$0xFFFFFFC0] =	vst v5  }
0x7f4: {  	vm14 =	vmor vm10, vm5;
	v5 =	vnsel vm3, $0x0, v9;
	[tilespmem:s1+$0xFFFFFFD0] =	vst v6  }
0x7f5: {  	vm1 =	vmor vm6, vm1;
	v6 =	vnsel vm14, $0x0, v10;
	[tilespmem:s1+$0xFFFFFFE0] =	vst v5  }
0x7f6: {  	vm0 =	vmor vm9, vm0;
	v5 =	vnsel vm1, $0x0, v11;
	[tilespmem:s1+$0xFFFFFFF0] =	vst v6  }
0x7f7: {  	vm15 =	vmor vm7, vm2;
	v6 =	vnsel vm0, $0x0, v12;
	[tilespmem:s1+$0x0] =	vst v5  }
0x7f8: {  	s19 =	sadd.s32 $0x1, s19;
	v5 =	vnsel vm15, $0x0, v13;
	[tilespmem:s1+$0x10] =	vst v6  }
0x7f9: {  	s0 =	simm.s32 $0x80;
	p0 =	sne.s32 s19, s9;
	[tilespmem:s1+$0x20] =	vst v5  }
0x7fa: {  	[hbm4b:s8+s0] =	stream.strided.scatter [tilespmem:s12], [sflag:$0x2], $0x2000, s10, s0, $0x38;
	[tilespmem:$0x9100] =	vst v63  }
.Ltmp89:
0x7fb: {  	_ = 	snop;
	(pc) =	sbr.rel @p0 .LBB2_1-.Ltmp89, $4  }
.Ltmp90:
0x7fc: {  	_ = 	snop;
	(pc) =	sbr.rel @!p0 .LBB2_144-.Ltmp90, $4  }
0x7fd: {  	_ =	swait.ge [sflag:s17], $0x2000  }
0x7fe: {  	[sflag:s17] =	ssyncset.done $0x0  }
0x7ff: {  	[sflag:s17] =	ssyncadd.s32 $0xFFFFE000  }
0x800: {  	_ = 	snop  }
.LBB2_36:
.Ltmp91:
0x801: {  	(pc) =	sbr.rel .LBB2_48-.Ltmp91, $2  }
0x802: {  	_ =	sdelay $0x2  }
0x803: {  	s1 =	simm.s32 $0x0;
	p4 =	por $0x0, $0x0  }
.LBB2_49:
0x804: {  	p0 =	por $0x0, $0x0;
	s28 =	simm.s32 $0x6000  }
0x805: {  	s25 =	simm.s32 $0x0;
	s24 =	simm.s32 $0x0;
	s0 =	simm.s32 @!p0 $0x0  }
0x806: {  	s26 =	simm.s32 $0x0;
	s0 =	simm.s32 @p0 $0x1;
	p0 =	por $0x0, $0x0  }
.Ltmp92:
0x807: {  	[smem:$0x7FA] =	sst s0;
	s0 =	simm.s32 @!p0 $0x0;
	(pc) =	sbr.rel .LBB2_70-.Ltmp92, $4  }
0x808: {  	p1 =	por $0x0, $0x0;
	s0 =	simm.s32 @p0 $0x1;
	p0 =	por $0x0, $0x0  }
0x809: {  	p2 =	por $0x0, $0x0;
	[smem:$0x7FB] =	sst s0;
	s0 =	simm.s32 @!p0 $0x0  }
0x80a: {  	p3 =	por $0x0, $0x0;
	p4 =	por $0x0, $0x0;
	s0 =	simm.s32 @p0 $0x1  }
0x80b: {  	p5 =	por $0x0, $0x0;
	p6 =	por $0x0, $0x0;
	[smem:$0x7FC] =	sst s0  }
.LBB2_106:
.Ltmp93:
0x80c: {  	(pc) =	sbr.rel .LBB2_118-.Ltmp93, $2  }
0x80d: {  	_ =	sdelay $0x2  }
0x80e: {  	s1 =	simm.s32 $0x0;
	p4 =	por $0x0, $0x0  }
.LBB2_119:
0x80f: {  	p0 =	por $0x0, $0x0;
	s28 =	simm.s32 $0x6000  }
0x810: {  	s25 =	simm.s32 $0x0;
	s24 =	simm.s32 $0x0;
	s0 =	simm.s32 @!p0 $0x0  }
0x811: {  	s26 =	simm.s32 $0x0;
	s0 =	simm.s32 @p0 $0x1;
	p0 =	por $0x0, $0x0  }
.Ltmp94:
0x812: {  	[smem:$0x7F5] =	sst s0;
	s0 =	simm.s32 @!p0 $0x0;
	(pc) =	sbr.rel .LBB2_140-.Ltmp94, $4  }
0x813: {  	p1 =	por $0x0, $0x0;
	s0 =	simm.s32 @p0 $0x1;
	p0 =	por $0x0, $0x0  }
0x814: {  	p2 =	por $0x0, $0x0;
	[smem:$0x7F6] =	sst s0;
	s0 =	simm.s32 @!p0 $0x0  }
0x815: {  	p3 =	por $0x0, $0x0;
	p4 =	por $0x0, $0x0;
	s0 =	simm.s32 @p0 $0x1  }
0x816: {  	p5 =	por $0x0, $0x0;
	p6 =	por $0x0, $0x0;
	[smem:$0x7F7] =	sst s0  }
.LBB2_40:
.Ltmp95:
0x817: {  	(pc) =	sbr.rel .LBB2_48-.Ltmp95, $2  }
0x818: {  	_ =	sdelay $0x2  }
0x819: {  	s1 =	simm.s32 $0x0;
	p4 =	por $0x0, $0x0  }
.LBB2_51:
0x81a: {  	p0 =	por $0x0, $0x0  }
0x81b: {  	s28 =	simm.s32 $0x6000;
	s25 =	simm.s32 $0x0;
	s0 =	simm.s32 @!p0 $0x0  }
0x81c: {  	s24 =	simm.s32 $0x0;
	s0 =	simm.s32 @p0 $0x1;
	p0 =	por $0x0, $0x0  }
.Ltmp96:
0x81d: {  	[smem:$0x7FA] =	sst s0;
	s0 =	simm.s32 @!p0 $0x0;
	(pc) =	sbr.rel .LBB2_70-.Ltmp96, $4  }
0x81e: {  	s26 =	simm.s32 $0x0;
	s0 =	simm.s32 @p0 $0x1;
	p0 =	por $0x0, $0x0  }
0x81f: {  	p2 =	por $0x0, $0x0;
	[smem:$0x7FB] =	sst s0;
	s0 =	simm.s32 @!p0 $0x0  }
0x820: {  	p3 =	por $0x0, $0x0;
	p4 =	por $0x0, $0x0;
	s0 =	simm.s32 @p0 $0x1  }
0x821: {  	p5 =	por $0x0, $0x0;
	p6 =	por $0x0, $0x0;
	[smem:$0x7FC] =	sst s0  }
.LBB2_110:
.Ltmp97:
0x822: {  	(pc) =	sbr.rel .LBB2_118-.Ltmp97, $2  }
0x823: {  	_ =	sdelay $0x2  }
0x824: {  	s1 =	simm.s32 $0x0;
	p4 =	por $0x0, $0x0  }
.LBB2_121:
0x825: {  	p0 =	por $0x0, $0x0  }
0x826: {  	s28 =	simm.s32 $0x6000;
	s25 =	simm.s32 $0x0;
	s0 =	simm.s32 @!p0 $0x0  }
0x827: {  	s24 =	simm.s32 $0x0;
	s0 =	simm.s32 @p0 $0x1;
	p0 =	por $0x0, $0x0  }
.Ltmp98:
0x828: {  	[smem:$0x7F5] =	sst s0;
	s0 =	simm.s32 @!p0 $0x0;
	(pc) =	sbr.rel .LBB2_140-.Ltmp98, $4  }
0x829: {  	s26 =	simm.s32 $0x0;
	s0 =	simm.s32 @p0 $0x1;
	p0 =	por $0x0, $0x0  }
0x82a: {  	p2 =	por $0x0, $0x0;
	[smem:$0x7F6] =	sst s0;
	s0 =	simm.s32 @!p0 $0x0  }
0x82b: {  	p3 =	por $0x0, $0x0;
	p4 =	por $0x0, $0x0;
	s0 =	simm.s32 @p0 $0x1  }
0x82c: {  	p5 =	por $0x0, $0x0;
	p6 =	por $0x0, $0x0;
	[smem:$0x7F7] =	sst s0  }
.LBB2_42:
.Ltmp99:
0x82d: {  	(pc) =	sbr.rel .LBB2_48-.Ltmp99, $2  }
0x82e: {  	_ =	sdelay $0x2  }
0x82f: {  	s1 =	simm.s32 $0x0;
	p4 =	por $0x0, $0x0  }
.LBB2_53:
0x830: {  	p0 =	por $0x0, $0x0  }
0x831: {  	s0 =	simm.s32 @!p0 $0x0  }
0x832: {  	s28 =	simm.s32 $0x6000;
	s0 =	simm.s32 @p0 $0x1;
	p0 =	por $0x0, $0x0  }
.Ltmp100:
0x833: {  	[smem:$0x7FA] =	sst s0;
	s0 =	simm.s32 @!p0 $0x0;
	(pc) =	sbr.rel .LBB2_70-.Ltmp100, $4  }
0x834: {  	s25 =	simm.s32 $0x0;
	s0 =	simm.s32 @p0 $0x1;
	p0 =	por $0x0, $0x0  }
0x835: {  	s24 =	simm.s32 $0x0;
	[smem:$0x7FB] =	sst s0;
	s0 =	simm.s32 @!p0 $0x0  }
0x836: {  	p3 =	por $0x0, $0x0;
	p4 =	por $0x0, $0x0;
	s0 =	simm.s32 @p0 $0x1  }
0x837: {  	p5 =	por $0x0, $0x0;
	p6 =	por $0x0, $0x0;
	[smem:$0x7FC] =	sst s0  }
.LBB2_112:
.Ltmp101:
0x838: {  	(pc) =	sbr.rel .LBB2_118-.Ltmp101, $2  }
0x839: {  	_ =	sdelay $0x2  }
0x83a: {  	s1 =	simm.s32 $0x0;
	p4 =	por $0x0, $0x0  }
.LBB2_123:
0x83b: {  	p0 =	por $0x0, $0x0  }
0x83c: {  	s0 =	simm.s32 @!p0 $0x0  }
0x83d: {  	s28 =	simm.s32 $0x6000;
	s0 =	simm.s32 @p0 $0x1;
	p0 =	por $0x0, $0x0  }
.Ltmp102:
0x83e: {  	[smem:$0x7F5] =	sst s0;
	s0 =	simm.s32 @!p0 $0x0;
	(pc) =	sbr.rel .LBB2_140-.Ltmp102, $4  }
0x83f: {  	s25 =	simm.s32 $0x0;
	s0 =	simm.s32 @p0 $0x1;
	p0 =	por $0x0, $0x0  }
0x840: {  	s24 =	simm.s32 $0x0;
	[smem:$0x7F6] =	sst s0;
	s0 =	simm.s32 @!p0 $0x0  }
0x841: {  	p3 =	por $0x0, $0x0;
	p4 =	por $0x0, $0x0;
	s0 =	simm.s32 @p0 $0x1  }
0x842: {  	p5 =	por $0x0, $0x0;
	p6 =	por $0x0, $0x0;
	[smem:$0x7F7] =	sst s0  }
.LBB2_44:
.Ltmp103:
0x843: {  	(pc) =	sbr.rel .LBB2_48-.Ltmp103, $2  }
0x844: {  	_ =	sdelay $0x3  }
0x845: {  	s1 =	simm.s32 $0x0;
	p4 =	por $0x0, $0x0  }
.LBB2_55:
0x846: {  	p0 =	por $0x0, $0x0  }
0x847: {  	s0 =	simm.s32 @!p0 $0x0  }
0x848: {  	s0 =	simm.s32 @p0 $0x1;
	p0 =	por $0x0, $0x0  }
.Ltmp104:
0x849: {  	[smem:$0x7FA] =	sst s0;
	s0 =	simm.s32 @!p0 $0x0;
	(pc) =	sbr.rel .LBB2_70-.Ltmp104, $4  }
0x84a: {  	s28 =	simm.s32 $0x6000;
	s0 =	simm.s32 @p0 $0x1;
	p0 =	por $0x0, $0x0  }
0x84b: {  	s25 =	simm.s32 $0x0;
	[smem:$0x7FB] =	sst s0;
	s0 =	simm.s32 @!p0 $0x0  }
0x84c: {  	s24 =	simm.s32 $0x0;
	p4 =	por $0x0, $0x0;
	s0 =	simm.s32 @p0 $0x1  }
0x84d: {  	p5 =	por $0x0, $0x0;
	p6 =	por $0x0, $0x0;
	[smem:$0x7FC] =	sst s0  }
.LBB2_114:
.Ltmp105:
0x84e: {  	(pc) =	sbr.rel .LBB2_118-.Ltmp105, $2  }
0x84f: {  	_ =	sdelay $0x3  }
0x850: {  	s1 =	simm.s32 $0x0;
	p4 =	por $0x0, $0x0  }
.LBB2_125:
0x851: {  	p0 =	por $0x0, $0x0  }
0x852: {  	s0 =	simm.s32 @!p0 $0x0  }
0x853: {  	s0 =	simm.s32 @p0 $0x1;
	p0 =	por $0x0, $0x0  }
.Ltmp106:
0x854: {  	[smem:$0x7F5] =	sst s0;
	s0 =	simm.s32 @!p0 $0x0;
	(pc) =	sbr.rel .LBB2_140-.Ltmp106, $4  }
0x855: {  	s28 =	simm.s32 $0x6000;
	s0 =	simm.s32 @p0 $0x1;
	p0 =	por $0x0, $0x0  }
0x856: {  	s25 =	simm.s32 $0x0;
	[smem:$0x7F6] =	sst s0;
	s0 =	simm.s32 @!p0 $0x0  }
0x857: {  	s24 =	simm.s32 $0x0;
	p4 =	por $0x0, $0x0;
	s0 =	simm.s32 @p0 $0x1  }
0x858: {  	p5 =	por $0x0, $0x0;
	p6 =	por $0x0, $0x0;
	[smem:$0x7F7] =	sst s0  }
.LBB2_46:
.Ltmp107:
0x859: {  	(pc) =	sbr.rel .LBB2_48-.Ltmp107, $2  }
0x85a: {  	_ =	sdelay $0x2  }
0x85b: {  	s1 =	simm.s32 $0x0  }
.LBB2_57:
0x85c: {  	p0 =	por $0x0, $0x0  }
0x85d: {  	s0 =	simm.s32 @!p0 $0x0  }
0x85e: {  	s0 =	simm.s32 @p0 $0x1;
	p0 =	por $0x0, $0x0  }
.Ltmp108:
0x85f: {  	[smem:$0x7FA] =	sst s0;
	s0 =	simm.s32 @!p0 $0x0;
	(pc) =	sbr.rel .LBB2_70-.Ltmp108, $4  }
0x860: {  	s0 =	simm.s32 @p0 $0x1;
	p0 =	por $0x0, $0x0  }
0x861: {  	s28 =	simm.s32 $0x6000;
	[smem:$0x7FB] =	sst s0;
	s0 =	simm.s32 @!p0 $0x0  }
0x862: {  	s25 =	simm.s32 $0x0;
	s24 =	simm.s32 $0x0;
	s0 =	simm.s32 @p0 $0x1  }
0x863: {  	v19 =	vmov v12;
	p5 =	por $0x0, $0x0;
	v12 =	vmov v13;
	p6 =	por $0x0, $0x0;
	[smem:$0x7FC] =	sst s0  }
.LBB2_116:
.Ltmp109:
0x864: {  	(pc) =	sbr.rel .LBB2_118-.Ltmp109, $2  }
0x865: {  	_ =	sdelay $0x2  }
0x866: {  	s1 =	simm.s32 $0x0  }
.LBB2_127:
0x867: {  	p0 =	por $0x0, $0x0  }
0x868: {  	s0 =	simm.s32 @!p0 $0x0  }
0x869: {  	s0 =	simm.s32 @p0 $0x1;
	p0 =	por $0x0, $0x0  }
.Ltmp110:
0x86a: {  	[smem:$0x7F5] =	sst s0;
	s0 =	simm.s32 @!p0 $0x0;
	(pc) =	sbr.rel .LBB2_140-.Ltmp110, $4  }
0x86b: {  	s0 =	simm.s32 @p0 $0x1;
	p0 =	por $0x0, $0x0  }
0x86c: {  	s28 =	simm.s32 $0x6000;
	[smem:$0x7F6] =	sst s0;
	s0 =	simm.s32 @!p0 $0x0  }
0x86d: {  	s25 =	simm.s32 $0x0;
	s24 =	simm.s32 $0x0;
	s0 =	simm.s32 @p0 $0x1  }
0x86e: {  	v19 =	vmov v12;
	p5 =	por $0x0, $0x0;
	v12 =	vmov v13;
	p6 =	por $0x0, $0x0;
	[smem:$0x7F7] =	sst s0  }
.LBB2_59:
0x86f: {  	p0 =	por $0x0, $0x0  }
.Ltmp111:
0x870: {  	s0 =	simm.s32 @!p0 $0x0;
	(pc) =	sbr.rel .LBB2_70-.Ltmp111, $4  }
0x871: {  	s0 =	simm.s32 @p0 $0x1;
	p0 =	por $0x0, $0x0  }
0x872: {  	[smem:$0x7FB] =	sst s0;
	s0 =	simm.s32 @!p0 $0x0  }
0x873: {  	s28 =	simm.s32 $0x6000;
	s25 =	simm.s32 $0x0;
	s0 =	simm.s32 @p0 $0x1  }
0x874: {  	s24 =	simm.s32 $0x0;
	v12 =	vmovc v10;
	vm12 =	vmmov vm2;
	v19 =	vmov v13;
	p6 =	por $0x0, $0x0;
	v17 =	vmov v8;
	[smem:$0x7FC] =	sst s0  }
.LBB2_129:
0x875: {  	p0 =	por $0x0, $0x0  }
.Ltmp112:
0x876: {  	s0 =	simm.s32 @!p0 $0x0;
	(pc) =	sbr.rel .LBB2_140-.Ltmp112, $4  }
0x877: {  	s0 =	simm.s32 @p0 $0x1;
	p0 =	por $0x0, $0x0  }
0x878: {  	[smem:$0x7F6] =	sst s0;
	s0 =	simm.s32 @!p0 $0x0  }
0x879: {  	s28 =	simm.s32 $0x6000;
	s25 =	simm.s32 $0x0;
	s0 =	simm.s32 @p0 $0x1  }
0x87a: {  	s24 =	simm.s32 $0x0;
	v12 =	vmovc v10;
	vm12 =	vmmov vm2;
	v19 =	vmov v13;
	p6 =	por $0x0, $0x0;
	v17 =	vmov v8;
	[smem:$0x7F7] =	sst s0  }
.LBB2_61:
0x87b: {  	p0 =	por $0x0, $0x0  }
.Ltmp113:
0x87c: {  	s0 =	simm.s32 @!p0 $0x0;
	(pc) =	sbr.rel .LBB2_70-.Ltmp113, $4  }
0x87d: {  	s0 =	simm.s32 @p0 $0x1;
	p0 =	por $0x0, $0x0  }
0x87e: {  	[smem:$0x7FB] =	sst s0;
	s0 =	simm.s32 @!p0 $0x0  }
0x87f: {  	s0 =	simm.s32 @p0 $0x1;
	_ =	sdelay $0x1  }
0x880: {  	v12 =	vmovc v15;
	vm12 =	vmmov vm4;
	s25 =	simm.s32 $0x0;
	vm3 =	vmmov vm5;
	v19 =	vmovc v10;
	v17 =	vmov v13;
	[smem:$0x7FC] =	sst s0  }
.LBB2_131:
0x881: {  	p0 =	por $0x0, $0x0  }
.Ltmp114:
0x882: {  	s0 =	simm.s32 @!p0 $0x0;
	(pc) =	sbr.rel .LBB2_140-.Ltmp114, $4  }
0x883: {  	s0 =	simm.s32 @p0 $0x1;
	p0 =	por $0x0, $0x0  }
0x884: {  	[smem:$0x7F6] =	sst s0;
	s0 =	simm.s32 @!p0 $0x0  }
0x885: {  	s0 =	simm.s32 @p0 $0x1;
	_ =	sdelay $0x1  }
0x886: {  	v12 =	vmovc v15;
	vm12 =	vmmov vm4;
	s25 =	simm.s32 $0x0;
	vm3 =	vmmov vm5;
	v19 =	vmovc v10;
	v17 =	vmov v13;
	[smem:$0x7F7] =	sst s0  }
.LBB2_63:
.Ltmp115:
0x887: {  	_ = 	snop;
	(pc) =	sbr.rel .LBB2_70-.Ltmp115, $4  }
0x888: {  	p0 =	por $0x0, $0x0  }
0x889: {  	s0 =	simm.s32 @!p0 $0x0  }
0x88a: {  	vm12 =	vmmov vm8;
	s0 =	simm.s32 @p0 $0x1  }
0x88b: {  	s25 =	simm.s32 $0x0;
	vm3 =	vmmov vm6;
	vm1 =	vmmov vm7;
	v19 =	vmovc v15;
	v12 =	vmovc v14;
	p6 =	por $0x1, $0x1;
	[smem:$0x7FC] =	sst s0;
	v17 =	vmov v16  }
.LBB2_133:
.Ltmp116:
0x88c: {  	_ = 	snop;
	(pc) =	sbr.rel .LBB2_140-.Ltmp116, $4  }
0x88d: {  	p0 =	por $0x0, $0x0  }
0x88e: {  	s0 =	simm.s32 @!p0 $0x0  }
0x88f: {  	vm12 =	vmmov vm8;
	s0 =	simm.s32 @p0 $0x1  }
0x890: {  	s25 =	simm.s32 $0x0;
	vm3 =	vmmov vm6;
	vm1 =	vmmov vm7;
	v19 =	vmovc v15;
	v12 =	vmovc v14;
	p6 =	por $0x1, $0x1;
	[smem:$0x7F7] =	sst s0;
	v17 =	vmov v16  }
.LBB2_65:
.Ltmp117:
0x891: {  	_ = 	snop;
	(pc) =	sbr.rel .LBB2_70-.Ltmp117, $3  }
0x892: {  	_ =	sdelay $0x1  }
0x893: {  	vm12 =	vmmov vm10;
	vm3 =	vmmov vm9;
	_ =	sdelay $0x1  }
0x894: {  	s25 =	simm.s32 $0x0;
	vm1 =	vmmov vm11;
	vm0 =	vmmov vm13;
	v19 =	vmovc v14;
	v12 =	vmovc v20;
	p6 =	por $0x1, $0x1;
	v17 =	vmov v18  }
.LBB2_135:
.Ltmp118:
0x895: {  	_ = 	snop;
	(pc) =	sbr.rel .LBB2_140-.Ltmp118, $3  }
0x896: {  	_ =	sdelay $0x1  }
0x897: {  	vm12 =	vmmov vm10;
	vm3 =	vmmov vm9;
	_ =	sdelay $0x1  }
0x898: {  	s25 =	simm.s32 $0x0;
	vm1 =	vmmov vm11;
	vm0 =	vmmov vm13;
	v19 =	vmovc v14;
	v12 =	vmovc v20;
	p6 =	por $0x1, $0x1;
	v17 =	vmov v18  }
.LBB2_67:
.Ltmp119:
0x899: {  	(pc) =	sbr.rel .LBB2_70-.Ltmp119, $2  }
0x89a: {  	_ =	sdelay $0x2  }
0x89b: {  	s25 =	simm.s32 $0x0;
	v19 =	vmov v20;
	p6 =	por $0x1, $0x1  }
.LBB2_137:
.Ltmp120:
0x89c: {  	(pc) =	sbr.rel .LBB2_140-.Ltmp120, $2  }
0x89d: {  	_ =	sdelay $0x2  }
0x89e: {  	s25 =	simm.s32 $0x0;
	v19 =	vmov v20;
	p6 =	por $0x1, $0x1  }
.LBB2_144:
0x89f: {  	_ =	sfence.sel $0x180000  }
0x8a0: {  	[bflag:$0x0] =	sbarrier.arrive $0xFFFF  }
0x8a1: {  	_ =	strace $0x90000047  }
0x8a2: {  	s0 =	stileid.u32;
	[bflag:$0x2] =	sbarrier.arrive $0xFFFF  }
0x8a3: {  	p0 =	sne.s32 s0, $0x0;
	s0 =	rddreg [dreg:$0x2]  }
0x8a4: {  	s0 =	sadd.s32 @!p0 $0x100000, s0  }
0x8a5: {  	[sflag:s0] =	ssyncadd.tile.s32 @!p0 $0x1;
	_ =	shalt  }
.Lfunc_end2:
_tile_overlayer_lowered:
.L_overlay_start_2:
0x8a6: {  	(tag) =	ssettag $0x2  }
0x8a7: {  	s0 =	rddreg [dreg:$0x0];
	s2 =	stileid.u32  }
0x8a8: {  	s1 =	rddreg [dreg:$0x1];
	p0 =	sne.s32 s2, $0x0  }
0x8a9: {  	s3 =	rddreg [dreg:$0x2];
	[bflag:$0x3] =	sbarrier.arrive $0xFFFF;
	s2 =	simm.s32 @!p0 $0x1C03  }
0x8aa: {  	[timem:s3], [sflag:s2] =	dma.local @!p0 [hbm:s0], s1  }
0x8ab: {  	s0 =	simm.s32 @!p0 $0x3  }
0x8ac: {  	_ =	swait.ge @!p0 [sflag:s0], s1  }
0x8ad: {  	s1 =	ssub.s32 @!p0 $0x0, s1;
	[sflag:s0] =	ssyncset.done @!p0 $0x0  }
0x8ae: {  	[sflag:s0] =	ssyncadd.s32 @!p0 s1  }
0x8af: {  	[bflag:$0x3] =	sbarrier.arrive $0xFFFF  }
0x8b0: {  	_ =	shalt  }

</sc_bundles>
